<compile_context>
chip_gen: v7x
topology: tpu7x:2x2x1
jax: 0.10.2.dev20260603
libtpu: 0.0.44.dev20260713+nightly
codegen_flags: <defaults>
</compile_context>

<pallas_src>
import functools

import jax
import jax.numpy as jnp
from jax import lax
from jax.experimental import pallas as pl
from jax.experimental.pallas import tpu as pltpu
from jax.experimental.pallas import tpu_sc as plsc

NC = 2
NS = 16
NW = NC * NS
L = 16
B = 16384
D = 64
BPW = B // NW
CHUNK = 128
HPW = 256
NPASS = BPW // HPW
NCHUNK = HPW // CHUNK
GROUPS = HPW // L

_mesh = plsc.VectorSubcoreMesh(core_axis_name="c", subcore_axis_name="s")


@functools.partial(
    pl.kernel,
    out_type=jax.ShapeDtypeStruct((B,), jnp.float32),
    mesh=_mesh,
    compiler_params=pltpu.CompilerParams(needs_layout_passes=False),
    scratch_types=[
        pltpu.VMEM((3, BPW // CHUNK, CHUNK), jnp.int32),
        pltpu.VMEM((3, BPW), jnp.int32),
        pltpu.VMEM((HPW, 2 * D), jnp.float32),
        pltpu.VMEM((HPW, 2 * D), jnp.float32),
        pltpu.VMEM((HPW, 2 * D), jnp.float32),
        pltpu.VMEM((BPW,), jnp.float32),
        pltpu.SemaphoreType.DMA,
    ],
)
def _sc_dots(xr_hbm, xh_hbm, user_hbm, item_hbm, out_hbm,
             idx_v, off_v, gu, gi, gj, xout, sem):
    wid = lax.axis_index("s") * NC + lax.axis_index("c")
    base = wid * BPW

    pltpu.sync_copy(xr_hbm.at[wid], idx_v)
    pltpu.sync_copy(xh_hbm.at[wid], off_v)

    for p in range(NPASS):
        handles = []
        for c in range(NCHUNK):
            cg = p * NCHUNK + c
            dst = pl.ds(c * CHUNK, CHUNK)
            handles.append(
                pltpu.async_copy(user_hbm.at[idx_v.at[0, cg]], gu.at[dst], sem))
            handles.append(
                pltpu.async_copy(item_hbm.at[idx_v.at[1, cg]], gi.at[dst], sem))
            handles.append(
                pltpu.async_copy(item_hbm.at[idx_v.at[2, cg]], gj.at[dst], sem))
        for h in handles:
            h.wait()

        def group_body(g, carry):
            rows = g * L + lax.iota(jnp.int32, L)
            grow = p * HPW + g * L
            hu = off_v[0, pl.ds(grow, L)]
            hi = off_v[1, pl.ds(grow, L)]
            hj = off_v[2, pl.ds(grow, L)]
            acc = jnp.zeros((L,), jnp.float32)
            for f in range(D):
                cu = plsc.load_gather(gu, [rows, hu + f])
                ci = plsc.load_gather(gi, [rows, hi + f])
                cj = plsc.load_gather(gj, [rows, hj + f])
                acc = acc + cu * (ci - cj)
            xout[pl.ds(grow, L)] = acc
            return carry

        lax.fori_loop(0, GROUPS, group_body, 0)

    pltpu.sync_copy(xout, out_hbm.at[pl.ds(base, BPW)])


def _loss_body(x_ref, o_ref):
    x = x_ref[...]
    sp = jnp.maximum(-x, 0.0) + jnp.log(1.0 + jnp.exp(-jnp.abs(x)))
    o_ref[...] = jnp.sum(sp, keepdims=True)


def kernel(x, user_embeddings, item_embeddings):
    x = x.astype(jnp.int32)
    xr = (x >> 1).reshape(3, NW, BPW // CHUNK, CHUNK).transpose(1, 0, 2, 3)
    xh = ((x & 1) * D).reshape(3, NW, BPW).transpose(1, 0, 2)
    ue2 = user_embeddings.reshape(user_embeddings.shape[0] // 2, 2 * D)
    ie2 = item_embeddings.reshape(item_embeddings.shape[0] // 2, 2 * D)
    x_uij = _sc_dots(xr, xh, ue2, ie2)
    loss = pl.pallas_call(
        _loss_body,
        out_shape=jax.ShapeDtypeStruct((1, 1), jnp.float32),
    )(x_uij.reshape(B // 128, 128))
    return loss[0, 0]

# --- scband reference (transcript-rebuilt; emitter-appended) ---
"""Pipeline reference for scband-mf-bp-model-68393059222201 (READ-ONLY COPY).

The authoritative reference and input builder live on the scoring server;
editing this copy changes nothing except your own understanding.
"""

import jax, jax.numpy as jnp
import numpy as np

N_USERS = 1000000
N_ITEMS = 1000000
N_FACTORS = 64
BATCH = 16384

def _xavier_normal(key, shape):
    fan_in, fan_out = shape[1], shape[0]
    std = float(np.sqrt(2.0 / (fan_in + fan_out)))
    return jax.random.normal(key, shape, dtype=jnp.float32) * std

def setup_inputs(seed: int = 0) -> dict:
    key = jax.random.key(seed)
    k_x, k_u, k_i = jax.random.split(key, 3)
    x = jax.random.randint(k_x, (3, BATCH), 0, N_USERS, dtype=jnp.int64)
    user_embeddings = _xavier_normal(k_u, (N_USERS, N_FACTORS))
    item_embeddings = _xavier_normal(k_i, (N_ITEMS, N_FACTORS))
    return {"x": x, "user_embeddings": user_embeddings, "item_embeddings": item_embeddings}

def reference(x, user_embeddings, item_embeddings):
    x_u = jnp.take(user_embeddings, x[0], axis=0)
    x_i = jnp.take(item_embeddings, x[1], axis=0)
    x_j = jnp.take(item_embeddings, x[2], axis=0)
    x_ui = jnp.einsum('nf,nf->n', x_u, x_i)
    x_uj = jnp.einsum('nf,nf->n', x_u, x_j)
    x_uij = x_ui - x_uj
    loss = -jnp.sum(jax.nn.log_sigmoid(x_uij))
    return loss

if __name__ == "__main__":
    import jax
    _d = setup_inputs()
    print(jax.jit(kernel)(*tuple(_d.values())))

</pallas_src>

<mosaic_0001>
#map = affine_map<(d0, d1) -> (0, 0, 0, 0)>
#map1 = affine_map<(d0, d1) -> (0, 0, 0)>
#map2 = affine_map<(d0, d1) -> (0, 0)>
#map3 = affine_map<(d0, d1) -> (0)>
module attributes {stable_mosaic.version = 14 : i64} {
  func.func @_sc_dots(%arg0: i32, %arg1: i32, %arg2: memref<32x3x4x128xi32, #tpu.memory_space<hbm>>, %arg3: memref<32x3x512xi32, #tpu.memory_space<hbm>>, %arg4: memref<500000x128xf32, #tpu.memory_space<hbm>>, %arg5: memref<500000x128xf32, #tpu.memory_space<hbm>>, %arg6: memref<16384xf32, #tpu.memory_space<hbm>>, %arg7: memref<3x4x128xi32, #tpu.memory_space<vmem>>, %arg8: memref<3x512xi32, #tpu.memory_space<vmem>>, %arg9: memref<256x128xf32, #tpu.memory_space<vmem>>, %arg10: memref<256x128xf32, #tpu.memory_space<vmem>>, %arg11: memref<256x128xf32, #tpu.memory_space<vmem>>, %arg12: memref<512xf32, #tpu.memory_space<vmem>>, %arg13: memref<!tpu.dma_semaphore, #tpu.memory_space<semaphore_mem>>) attributes {dimension_semantics = [#tpu.dimension_semantics<core_parallel>, #tpu.dimension_semantics<subcore_parallel>], iteration_bounds = array<i64: 2, 16>, scalar_prefetch = 0 : i64, scratch_operands = 7 : i64, tpu.core_type = #tpu.core_type<sc_vector_subcore>, window_params = [{transform_indices = #map}, {transform_indices = #map1}, {transform_indices = #map2}, {transform_indices = #map2}, {transform_indices = #map3}]} {
    %mul3A = arith.constant 2 : i32
    %mul3A_0 = arith.muli %arg1, %mul3A : i32
    %add3A = arith.addi %mul3A_0, %arg0 : i32
    %mul3A_1 = arith.constant 512 : i32
    %mul3A_2 = arith.muli %add3A, %mul3A_1 : i32
    "tpu.region"() ({
      %run_scoped3A = tpu.sem_alloc : memref<!tpu.dma_semaphore, #tpu.memory_space<semaphore_mem>>
      %dma_start3A_276 = arith.constant 0 : i32
      %dma_start3A_277 = arith.constant 0 : i32
      %dma_start3A_278 = arith.constant 0 : i32
      %dma_start3A_279 = tpu.memref_slice %arg2[%add3A, %dma_start3A_276, %dma_start3A_277, %dma_start3A_278] : memref<32x3x4x128xi32, #tpu.memory_space<hbm>> -> memref<1x3x4x128xi32, #tpu.memory_space<hbm>>
      %dma_start3A_280 = tpu.memref_squeeze %dma_start3A_279 : memref<1x3x4x128xi32, #tpu.memory_space<hbm>> -> memref<3x4x128xi32, #tpu.memory_space<hbm>>
      %dma_start3A_281 = arith.constant 0 : i32
      %dma_start3A_282 = arith.constant 0 : i32
      %dma_start3A_283 = arith.constant 0 : i32
      %dma_start3A_284 = tpu.memref_slice %arg2[%add3A, %dma_start3A_281, %dma_start3A_282, %dma_start3A_283] : memref<32x3x4x128xi32, #tpu.memory_space<hbm>> -> memref<1x3x4x128xi32, #tpu.memory_space<hbm>>
      %dma_start3A_285 = tpu.memref_squeeze %dma_start3A_284 : memref<1x3x4x128xi32, #tpu.memory_space<hbm>> -> memref<3x4x128xi32, #tpu.memory_space<hbm>>
      tpu.enqueue_dma source(%dma_start3A_285 : memref<3x4x128xi32, #tpu.memory_space<hbm>>) target(%arg7 : memref<3x4x128xi32, #tpu.memory_space<vmem>>) target_semaphore(%run_scoped3A : memref<!tpu.dma_semaphore, #tpu.memory_space<semaphore_mem>>)
      %dma_wait3A_286 = arith.constant 0 : i32
      %dma_wait3A_287 = arith.constant 0 : i32
      %dma_wait3A_288 = arith.constant 0 : i32
      %dma_wait3A_289 = tpu.memref_slice %arg2[%add3A, %dma_wait3A_286, %dma_wait3A_287, %dma_wait3A_288] : memref<32x3x4x128xi32, #tpu.memory_space<hbm>> -> memref<1x3x4x128xi32, #tpu.memory_space<hbm>>
      %dma_wait3A_290 = tpu.memref_squeeze %dma_wait3A_289 : memref<1x3x4x128xi32, #tpu.memory_space<hbm>> -> memref<3x4x128xi32, #tpu.memory_space<hbm>>
      %dma_wait3A_291 = arith.constant 0 : i32
      %dma_wait3A_292 = arith.constant 0 : i32
      %dma_wait3A_293 = arith.constant 0 : i32
      %dma_wait3A_294 = tpu.memref_slice %arg2[%add3A, %dma_wait3A_291, %dma_wait3A_292, %dma_wait3A_293] : memref<32x3x4x128xi32, #tpu.memory_space<hbm>> -> memref<1x3x4x128xi32, #tpu.memory_space<hbm>>
      %dma_wait3A_295 = tpu.memref_squeeze %dma_wait3A_294 : memref<1x3x4x128xi32, #tpu.memory_space<hbm>> -> memref<3x4x128xi32, #tpu.memory_space<hbm>>
      tpu.wait_dma2 semaphore(%run_scoped3A : memref<!tpu.dma_semaphore, #tpu.memory_space<semaphore_mem>>) src(%dma_wait3A_295 : memref<3x4x128xi32, #tpu.memory_space<hbm>>) dst(%arg7 : memref<3x4x128xi32, #tpu.memory_space<vmem>>)
      tpu.yield
    }) : () -> ()
    "tpu.region"() ({
      %run_scoped3A = tpu.sem_alloc : memref<!tpu.dma_semaphore, #tpu.memory_space<semaphore_mem>>
      %dma_start3A_276 = arith.constant 0 : i32
      %dma_start3A_277 = arith.constant 0 : i32
      %dma_start3A_278 = tpu.memref_slice %arg3[%add3A, %dma_start3A_276, %dma_start3A_277] : memref<32x3x512xi32, #tpu.memory_space<hbm>> -> memref<1x3x512xi32, #tpu.memory_space<hbm>>
      %dma_start3A_279 = tpu.memref_squeeze %dma_start3A_278 : memref<1x3x512xi32, #tpu.memory_space<hbm>> -> memref<3x512xi32, #tpu.memory_space<hbm>>
      %dma_start3A_280 = arith.constant 0 : i32
      %dma_start3A_281 = arith.constant 0 : i32
      %dma_start3A_282 = tpu.memref_slice %arg3[%add3A, %dma_start3A_280, %dma_start3A_281] : memref<32x3x512xi32, #tpu.memory_space<hbm>> -> memref<1x3x512xi32, #tpu.memory_space<hbm>>
      %dma_start3A_283 = tpu.memref_squeeze %dma_start3A_282 : memref<1x3x512xi32, #tpu.memory_space<hbm>> -> memref<3x512xi32, #tpu.memory_space<hbm>>
      tpu.enqueue_dma source(%dma_start3A_283 : memref<3x512xi32, #tpu.memory_space<hbm>>) target(%arg8 : memref<3x512xi32, #tpu.memory_space<vmem>>) target_semaphore(%run_scoped3A : memref<!tpu.dma_semaphore, #tpu.memory_space<semaphore_mem>>)
      %dma_wait3A_284 = arith.constant 0 : i32
      %dma_wait3A_285 = arith.constant 0 : i32
      %dma_wait3A_286 = tpu.memref_slice %arg3[%add3A, %dma_wait3A_284, %dma_wait3A_285] : memref<32x3x512xi32, #tpu.memory_space<hbm>> -> memref<1x3x512xi32, #tpu.memory_space<hbm>>
      %dma_wait3A_287 = tpu.memref_squeeze %dma_wait3A_286 : memref<1x3x512xi32, #tpu.memory_space<hbm>> -> memref<3x512xi32, #tpu.memory_space<hbm>>
      %dma_wait3A_288 = arith.constant 0 : i32
      %dma_wait3A_289 = arith.constant 0 : i32
      %dma_wait3A_290 = tpu.memref_slice %arg3[%add3A, %dma_wait3A_288, %dma_wait3A_289] : memref<32x3x512xi32, #tpu.memory_space<hbm>> -> memref<1x3x512xi32, #tpu.memory_space<hbm>>
      %dma_wait3A_291 = tpu.memref_squeeze %dma_wait3A_290 : memref<1x3x512xi32, #tpu.memory_space<hbm>> -> memref<3x512xi32, #tpu.memory_space<hbm>>
      tpu.wait_dma2 semaphore(%run_scoped3A : memref<!tpu.dma_semaphore, #tpu.memory_space<semaphore_mem>>) src(%dma_wait3A_291 : memref<3x512xi32, #tpu.memory_space<hbm>>) dst(%arg8 : memref<3x512xi32, #tpu.memory_space<vmem>>)
      tpu.yield
    }) : () -> ()
    %dma_start3A = arith.constant 0 : i32
    %dma_start3A_3 = arith.constant 0 : i32
    %dma_start3A_4 = arith.constant 0 : i32
    %dma_start3A_5 = arith.constant 0 : i32
    %dma_start3A_6 = tpu.memref_slice %arg9[%dma_start3A_4, %dma_start3A_5] : memref<256x128xf32, #tpu.memory_space<vmem>> -> memref<128x128xf32, #tpu.memory_space<vmem>>
    %dma_start3A_7 = arith.constant 0 : i32
    %dma_start3A_8 = tpu.memref_slice %arg7[%dma_start3A, %dma_start3A_3, %dma_start3A_7] : memref<3x4x128xi32, #tpu.memory_space<vmem>> -> memref<1x1x128xi32, #tpu.memory_space<vmem>>
    %dma_start3A_9 = tpu.memref_squeeze %dma_start3A_8 : memref<1x1x128xi32, #tpu.memory_space<vmem>> -> memref<128xi32, #tpu.memory_space<vmem>>
    %dma_start3A_10 = arith.constant 0 : i32
    %dma_start3A_11 = arith.constant 0 : i32
    %dma_start3A_12 = tpu.memref_slice %arg4[%dma_start3A_10, %dma_start3A_11] : memref<500000x128xf32, #tpu.memory_space<hbm>> -> memref<500000x128xf32, #tpu.memory_space<hbm>>
    tpu.enqueue_indirect_dma source(%dma_start3A_12 : memref<500000x128xf32, #tpu.memory_space<hbm>>) target(%dma_start3A_6 : memref<128x128xf32, #tpu.memory_space<vmem>>) offsets(%dma_start3A_9 : memref<128xi32, #tpu.memory_space<vmem>>) semaphore(%arg13 : memref<!tpu.dma_semaphore, #tpu.memory_space<semaphore_mem>>)
    %dma_start3A_13 = arith.constant 1 : i32
    %dma_start3A_14 = arith.constant 0 : i32
    %dma_start3A_15 = arith.constant 0 : i32
    %dma_start3A_16 = arith.constant 0 : i32
    %dma_start3A_17 = tpu.memref_slice %arg10[%dma_start3A_15, %dma_start3A_16] : memref<256x128xf32, #tpu.memory_space<vmem>> -> memref<128x128xf32, #tpu.memory_space<vmem>>
    %dma_start3A_18 = arith.constant 0 : i32
    %dma_start3A_19 = tpu.memref_slice %arg7[%dma_start3A_13, %dma_start3A_14, %dma_start3A_18] : memref<3x4x128xi32, #tpu.memory_space<vmem>> -> memref<1x1x128xi32, #tpu.memory_space<vmem>>
    %dma_start3A_20 = tpu.memref_squeeze %dma_start3A_19 : memref<1x1x128xi32, #tpu.memory_space<vmem>> -> memref<128xi32, #tpu.memory_space<vmem>>
    %dma_start3A_21 = arith.constant 0 : i32
    %dma_start3A_22 = arith.constant 0 : i32
    %dma_start3A_23 = tpu.memref_slice %arg5[%dma_start3A_21, %dma_start3A_22] : memref<500000x128xf32, #tpu.memory_space<hbm>> -> memref<500000x128xf32, #tpu.memory_space<hbm>>
    tpu.enqueue_indirect_dma source(%dma_start3A_23 : memref<500000x128xf32, #tpu.memory_space<hbm>>) target(%dma_start3A_17 : memref<128x128xf32, #tpu.memory_space<vmem>>) offsets(%dma_start3A_20 : memref<128xi32, #tpu.memory_space<vmem>>) semaphore(%arg13 : memref<!tpu.dma_semaphore, #tpu.memory_space<semaphore_mem>>)
    %dma_start3A_24 = arith.constant 2 : i32
    %dma_start3A_25 = arith.constant 0 : i32
    %dma_start3A_26 = arith.constant 0 : i32
    %dma_start3A_27 = arith.constant 0 : i32
    %dma_start3A_28 = tpu.memref_slice %arg11[%dma_start3A_26, %dma_start3A_27] : memref<256x128xf32, #tpu.memory_space<vmem>> -> memref<128x128xf32, #tpu.memory_space<vmem>>
    %dma_start3A_29 = arith.constant 0 : i32
    %dma_start3A_30 = tpu.memref_slice %arg7[%dma_start3A_24, %dma_start3A_25, %dma_start3A_29] : memref<3x4x128xi32, #tpu.memory_space<vmem>> -> memref<1x1x128xi32, #tpu.memory_space<vmem>>
    %dma_start3A_31 = tpu.memref_squeeze %dma_start3A_30 : memref<1x1x128xi32, #tpu.memory_space<vmem>> -> memref<128xi32, #tpu.memory_space<vmem>>
    %dma_start3A_32 = arith.constant 0 : i32
    %dma_start3A_33 = arith.constant 0 : i32
    %dma_start3A_34 = tpu.memref_slice %arg5[%dma_start3A_32, %dma_start3A_33] : memref<500000x128xf32, #tpu.memory_space<hbm>> -> memref<500000x128xf32, #tpu.memory_space<hbm>>
    tpu.enqueue_indirect_dma source(%dma_start3A_34 : memref<500000x128xf32, #tpu.memory_space<hbm>>) target(%dma_start3A_28 : memref<128x128xf32, #tpu.memory_space<vmem>>) offsets(%dma_start3A_31 : memref<128xi32, #tpu.memory_space<vmem>>) semaphore(%arg13 : memref<!tpu.dma_semaphore, #tpu.memory_space<semaphore_mem>>)
    %dma_start3A_35 = arith.constant 0 : i32
    %dma_start3A_36 = arith.constant 1 : i32
    %dma_start3A_37 = arith.constant 128 : i32
    %dma_start3A_38 = arith.constant 0 : i32
    %dma_start3A_39 = tpu.memref_slice %arg9[%dma_start3A_37, %dma_start3A_38] : memref<256x128xf32, #tpu.memory_space<vmem>> -> memref<128x128xf32, #tpu.memory_space<vmem>>
    %dma_start3A_40 = arith.constant 0 : i32
    %dma_start3A_41 = tpu.memref_slice %arg7[%dma_start3A_35, %dma_start3A_36, %dma_start3A_40] : memref<3x4x128xi32, #tpu.memory_space<vmem>> -> memref<1x1x128xi32, #tpu.memory_space<vmem>>
    %dma_start3A_42 = tpu.memref_squeeze %dma_start3A_41 : memref<1x1x128xi32, #tpu.memory_space<vmem>> -> memref<128xi32, #tpu.memory_space<vmem>>
    %dma_start3A_43 = arith.constant 0 : i32
    %dma_start3A_44 = arith.constant 0 : i32
    %dma_start3A_45 = tpu.memref_slice %arg4[%dma_start3A_43, %dma_start3A_44] : memref<500000x128xf32, #tpu.memory_space<hbm>> -> memref<500000x128xf32, #tpu.memory_space<hbm>>
    tpu.enqueue_indirect_dma source(%dma_start3A_45 : memref<500000x128xf32, #tpu.memory_space<hbm>>) target(%dma_start3A_39 : memref<128x128xf32, #tpu.memory_space<vmem>>) offsets(%dma_start3A_42 : memref<128xi32, #tpu.memory_space<vmem>>) semaphore(%arg13 : memref<!tpu.dma_semaphore, #tpu.memory_space<semaphore_mem>>)
    %dma_start3A_46 = arith.constant 1 : i32
    %dma_start3A_47 = arith.constant 1 : i32
    %dma_start3A_48 = arith.constant 128 : i32
    %dma_start3A_49 = arith.constant 0 : i32
    %dma_start3A_50 = tpu.memref_slice %arg10[%dma_start3A_48, %dma_start3A_49] : memref<256x128xf32, #tpu.memory_space<vmem>> -> memref<128x128xf32, #tpu.memory_space<vmem>>
    %dma_start3A_51 = arith.constant 0 : i32
    %dma_start3A_52 = tpu.memref_slice %arg7[%dma_start3A_46, %dma_start3A_47, %dma_start3A_51] : memref<3x4x128xi32, #tpu.memory_space<vmem>> -> memref<1x1x128xi32, #tpu.memory_space<vmem>>
    %dma_start3A_53 = tpu.memref_squeeze %dma_start3A_52 : memref<1x1x128xi32, #tpu.memory_space<vmem>> -> memref<128xi32, #tpu.memory_space<vmem>>
    %dma_start3A_54 = arith.constant 0 : i32
    %dma_start3A_55 = arith.constant 0 : i32
    %dma_start3A_56 = tpu.memref_slice %arg5[%dma_start3A_54, %dma_start3A_55] : memref<500000x128xf32, #tpu.memory_space<hbm>> -> memref<500000x128xf32, #tpu.memory_space<hbm>>
    tpu.enqueue_indirect_dma source(%dma_start3A_56 : memref<500000x128xf32, #tpu.memory_space<hbm>>) target(%dma_start3A_50 : memref<128x128xf32, #tpu.memory_space<vmem>>) offsets(%dma_start3A_53 : memref<128xi32, #tpu.memory_space<vmem>>) semaphore(%arg13 : memref<!tpu.dma_semaphore, #tpu.memory_space<semaphore_mem>>)
    %dma_start3A_57 = arith.constant 2 : i32
    %dma_start3A_58 = arith.constant 1 : i32
    %dma_start3A_59 = arith.constant 128 : i32
    %dma_start3A_60 = arith.constant 0 : i32
    %dma_start3A_61 = tpu.memref_slice %arg11[%dma_start3A_59, %dma_start3A_60] : memref<256x128xf32, #tpu.memory_space<vmem>> -> memref<128x128xf32, #tpu.memory_space<vmem>>
    %dma_start3A_62 = arith.constant 0 : i32
    %dma_start3A_63 = tpu.memref_slice %arg7[%dma_start3A_57, %dma_start3A_58, %dma_start3A_62] : memref<3x4x128xi32, #tpu.memory_space<vmem>> -> memref<1x1x128xi32, #tpu.memory_space<vmem>>
    %dma_start3A_64 = tpu.memref_squeeze %dma_start3A_63 : memref<1x1x128xi32, #tpu.memory_space<vmem>> -> memref<128xi32, #tpu.memory_space<vmem>>
    %dma_start3A_65 = arith.constant 0 : i32
    %dma_start3A_66 = arith.constant 0 : i32
    %dma_start3A_67 = tpu.memref_slice %arg5[%dma_start3A_65, %dma_start3A_66] : memref<500000x128xf32, #tpu.memory_space<hbm>> -> memref<500000x128xf32, #tpu.memory_space<hbm>>
    tpu.enqueue_indirect_dma source(%dma_start3A_67 : memref<500000x128xf32, #tpu.memory_space<hbm>>) target(%dma_start3A_61 : memref<128x128xf32, #tpu.memory_space<vmem>>) offsets(%dma_start3A_64 : memref<128xi32, #tpu.memory_space<vmem>>) semaphore(%arg13 : memref<!tpu.dma_semaphore, #tpu.memory_space<semaphore_mem>>)
    %dma_wait3A = arith.constant 0 : i32
    %dma_wait3A_68 = arith.constant 0 : i32
    %dma_wait3A_69 = arith.constant 0 : i32
    %dma_wait3A_70 = arith.constant 0 : i32
    %dma_wait3A_71 = tpu.memref_slice %arg9[%dma_wait3A_69, %dma_wait3A_70] : memref<256x128xf32, #tpu.memory_space<vmem>> -> memref<128x128xf32, #tpu.memory_space<vmem>>
    %dma_wait3A_72 = arith.constant 0 : i32
    %dma_wait3A_73 = tpu.memref_slice %arg7[%dma_wait3A, %dma_wait3A_68, %dma_wait3A_72] : memref<3x4x128xi32, #tpu.memory_space<vmem>> -> memref<1x1x128xi32, #tpu.memory_space<vmem>>
    %dma_wait3A_74 = tpu.memref_squeeze %dma_wait3A_73 : memref<1x1x128xi32, #tpu.memory_space<vmem>> -> memref<128xi32, #tpu.memory_space<vmem>>
    %dma_wait3A_75 = arith.constant 0 : i32
    %dma_wait3A_76 = arith.constant 0 : i32
    %dma_wait3A_77 = tpu.memref_slice %arg4[%dma_wait3A_75, %dma_wait3A_76] : memref<500000x128xf32, #tpu.memory_space<hbm>> -> memref<500000x128xf32, #tpu.memory_space<hbm>>
    tpu.wait_indirect_dma semaphore(%arg13 : memref<!tpu.dma_semaphore, #tpu.memory_space<semaphore_mem>>) src(%dma_wait3A_77 : memref<500000x128xf32, #tpu.memory_space<hbm>>) dst(%dma_wait3A_71 : memref<128x128xf32, #tpu.memory_space<vmem>>)
    %dma_wait3A_78 = arith.constant 1 : i32
    %dma_wait3A_79 = arith.constant 0 : i32
    %dma_wait3A_80 = arith.constant 0 : i32
    %dma_wait3A_81 = arith.constant 0 : i32
    %dma_wait3A_82 = tpu.memref_slice %arg10[%dma_wait3A_80, %dma_wait3A_81] : memref<256x128xf32, #tpu.memory_space<vmem>> -> memref<128x128xf32, #tpu.memory_space<vmem>>
    %dma_wait3A_83 = arith.constant 0 : i32
    %dma_wait3A_84 = tpu.memref_slice %arg7[%dma_wait3A_78, %dma_wait3A_79, %dma_wait3A_83] : memref<3x4x128xi32, #tpu.memory_space<vmem>> -> memref<1x1x128xi32, #tpu.memory_space<vmem>>
    %dma_wait3A_85 = tpu.memref_squeeze %dma_wait3A_84 : memref<1x1x128xi32, #tpu.memory_space<vmem>> -> memref<128xi32, #tpu.memory_space<vmem>>
    %dma_wait3A_86 = arith.constant 0 : i32
    %dma_wait3A_87 = arith.constant 0 : i32
    %dma_wait3A_88 = tpu.memref_slice %arg5[%dma_wait3A_86, %dma_wait3A_87] : memref<500000x128xf32, #tpu.memory_space<hbm>> -> memref<500000x128xf32, #tpu.memory_space<hbm>>
    tpu.wait_indirect_dma semaphore(%arg13 : memref<!tpu.dma_semaphore, #tpu.memory_space<semaphore_mem>>) src(%dma_wait3A_88 : memref<500000x128xf32, #tpu.memory_space<hbm>>) dst(%dma_wait3A_82 : memref<128x128xf32, #tpu.memory_space<vmem>>)
    %dma_wait3A_89 = arith.constant 2 : i32
    %dma_wait3A_90 = arith.constant 0 : i32
    %dma_wait3A_91 = arith.constant 0 : i32
    %dma_wait3A_92 = arith.constant 0 : i32
    %dma_wait3A_93 = tpu.memref_slice %arg11[%dma_wait3A_91, %dma_wait3A_92] : memref<256x128xf32, #tpu.memory_space<vmem>> -> memref<128x128xf32, #tpu.memory_space<vmem>>
    %dma_wait3A_94 = arith.constant 0 : i32
    %dma_wait3A_95 = tpu.memref_slice %arg7[%dma_wait3A_89, %dma_wait3A_90, %dma_wait3A_94] : memref<3x4x128xi32, #tpu.memory_space<vmem>> -> memref<1x1x128xi32, #tpu.memory_space<vmem>>
    %dma_wait3A_96 = tpu.memref_squeeze %dma_wait3A_95 : memref<1x1x128xi32, #tpu.memory_space<vmem>> -> memref<128xi32, #tpu.memory_space<vmem>>
    %dma_wait3A_97 = arith.constant 0 : i32
    %dma_wait3A_98 = arith.constant 0 : i32
    %dma_wait3A_99 = tpu.memref_slice %arg5[%dma_wait3A_97, %dma_wait3A_98] : memref<500000x128xf32, #tpu.memory_space<hbm>> -> memref<500000x128xf32, #tpu.memory_space<hbm>>
    tpu.wait_indirect_dma semaphore(%arg13 : memref<!tpu.dma_semaphore, #tpu.memory_space<semaphore_mem>>) src(%dma_wait3A_99 : memref<500000x128xf32, #tpu.memory_space<hbm>>) dst(%dma_wait3A_93 : memref<128x128xf32, #tpu.memory_space<vmem>>)
    %dma_wait3A_100 = arith.constant 0 : i32
    %dma_wait3A_101 = arith.constant 1 : i32
    %dma_wait3A_102 = arith.constant 128 : i32
    %dma_wait3A_103 = arith.constant 0 : i32
    %dma_wait3A_104 = tpu.memref_slice %arg9[%dma_wait3A_102, %dma_wait3A_103] : memref<256x128xf32, #tpu.memory_space<vmem>> -> memref<128x128xf32, #tpu.memory_space<vmem>>
    %dma_wait3A_105 = arith.constant 0 : i32
    %dma_wait3A_106 = tpu.memref_slice %arg7[%dma_wait3A_100, %dma_wait3A_101, %dma_wait3A_105] : memref<3x4x128xi32, #tpu.memory_space<vmem>> -> memref<1x1x128xi32, #tpu.memory_space<vmem>>
    %dma_wait3A_107 = tpu.memref_squeeze %dma_wait3A_106 : memref<1x1x128xi32, #tpu.memory_space<vmem>> -> memref<128xi32, #tpu.memory_space<vmem>>
    %dma_wait3A_108 = arith.constant 0 : i32
    %dma_wait3A_109 = arith.constant 0 : i32
    %dma_wait3A_110 = tpu.memref_slice %arg4[%dma_wait3A_108, %dma_wait3A_109] : memref<500000x128xf32, #tpu.memory_space<hbm>> -> memref<500000x128xf32, #tpu.memory_space<hbm>>
    tpu.wait_indirect_dma semaphore(%arg13 : memref<!tpu.dma_semaphore, #tpu.memory_space<semaphore_mem>>) src(%dma_wait3A_110 : memref<500000x128xf32, #tpu.memory_space<hbm>>) dst(%dma_wait3A_104 : memref<128x128xf32, #tpu.memory_space<vmem>>)
    %dma_wait3A_111 = arith.constant 1 : i32
    %dma_wait3A_112 = arith.constant 1 : i32
    %dma_wait3A_113 = arith.constant 128 : i32
    %dma_wait3A_114 = arith.constant 0 : i32
    %dma_wait3A_115 = tpu.memref_slice %arg10[%dma_wait3A_113, %dma_wait3A_114] : memref<256x128xf32, #tpu.memory_space<vmem>> -> memref<128x128xf32, #tpu.memory_space<vmem>>
    %dma_wait3A_116 = arith.constant 0 : i32
    %dma_wait3A_117 = tpu.memref_slice %arg7[%dma_wait3A_111, %dma_wait3A_112, %dma_wait3A_116] : memref<3x4x128xi32, #tpu.memory_space<vmem>> -> memref<1x1x128xi32, #tpu.memory_space<vmem>>
    %dma_wait3A_118 = tpu.memref_squeeze %dma_wait3A_117 : memref<1x1x128xi32, #tpu.memory_space<vmem>> -> memref<128xi32, #tpu.memory_space<vmem>>
    %dma_wait3A_119 = arith.constant 0 : i32
    %dma_wait3A_120 = arith.constant 0 : i32
    %dma_wait3A_121 = tpu.memref_slice %arg5[%dma_wait3A_119, %dma_wait3A_120] : memref<500000x128xf32, #tpu.memory_space<hbm>> -> memref<500000x128xf32, #tpu.memory_space<hbm>>
    tpu.wait_indirect_dma semaphore(%arg13 : memref<!tpu.dma_semaphore, #tpu.memory_space<semaphore_mem>>) src(%dma_wait3A_121 : memref<500000x128xf32, #tpu.memory_space<hbm>>) dst(%dma_wait3A_115 : memref<128x128xf32, #tpu.memory_space<vmem>>)
    %dma_wait3A_122 = arith.constant 2 : i32
    %dma_wait3A_123 = arith.constant 1 : i32
    %dma_wait3A_124 = arith.constant 128 : i32
    %dma_wait3A_125 = arith.constant 0 : i32
    %dma_wait3A_126 = tpu.memref_slice %arg11[%dma_wait3A_124, %dma_wait3A_125] : memref<256x128xf32, #tpu.memory_space<vmem>> -> memref<128x128xf32, #tpu.memory_space<vmem>>
    %dma_wait3A_127 = arith.constant 0 : i32
    %dma_wait3A_128 = tpu.memref_slice %arg7[%dma_wait3A_122, %dma_wait3A_123, %dma_wait3A_127] : memref<3x4x128xi32, #tpu.memory_space<vmem>> -> memref<1x1x128xi32, #tpu.memory_space<vmem>>
    %dma_wait3A_129 = tpu.memref_squeeze %dma_wait3A_128 : memref<1x1x128xi32, #tpu.memory_space<vmem>> -> memref<128xi32, #tpu.memory_space<vmem>>
    %dma_wait3A_130 = arith.constant 0 : i32
    %dma_wait3A_131 = arith.constant 0 : i32
    %dma_wait3A_132 = tpu.memref_slice %arg5[%dma_wait3A_130, %dma_wait3A_131] : memref<500000x128xf32, #tpu.memory_space<hbm>> -> memref<500000x128xf32, #tpu.memory_space<hbm>>
    tpu.wait_indirect_dma semaphore(%arg13 : memref<!tpu.dma_semaphore, #tpu.memory_space<semaphore_mem>>) src(%dma_wait3A_132 : memref<500000x128xf32, #tpu.memory_space<hbm>>) dst(%dma_wait3A_126 : memref<128x128xf32, #tpu.memory_space<vmem>>)
    %scan3A = arith.constant 0 : i32
    %scan3A_133 = arith.constant 0 : i32
    %scan3A_134 = arith.constant 16 : i32
    %scan3A_135 = arith.addi %scan3A_133, %scan3A_134 : i32
    %scan3A_136 = arith.constant 1 : i32
    scf.for %scan3A_276 = %scan3A_133 to %scan3A_135 step %scan3A_136  : i32 {
      %mul3A_277 = arith.constant 16 : i32
      %mul3A_278 = arith.muli %scan3A_276, %mul3A_277 : i32
      %iota3A = tpu.iota {dimensions = array<i32: 0>} : vector<16xi32>
      %add3A_279 = vector.broadcast %mul3A_278 : i32 to vector<16xi32>
      %add3A_280 = arith.addi %add3A_279, %iota3A : vector<16xi32>
      %mul3A_281 = arith.constant 16 : i32
      %mul3A_282 = arith.muli %scan3A_276, %mul3A_281 : i32
      %add3A_283 = arith.constant 0 : i32
      %add3A_284 = arith.addi %add3A_283, %mul3A_282 : i32
      %get3A = arith.constant 0 : i32
      %get3A_285 = arith.index_cast %get3A : i32 to index
      %get3A_286 = arith.index_cast %add3A_284 : i32 to index
      %get3A_287 = tpu.vector_load %arg8[%get3A_285, %get3A_286] {strides = array<i32>} : memref<3x512xi32, #tpu.memory_space<vmem>>, vector<16xi32>,
      %get3A_288 = arith.constant 1 : i32
      %get3A_289 = arith.index_cast %get3A_288 : i32 to index
      %get3A_290 = arith.index_cast %add3A_284 : i32 to index
      %get3A_291 = tpu.vector_load %arg8[%get3A_289, %get3A_290] {strides = array<i32>} : memref<3x512xi32, #tpu.memory_space<vmem>>, vector<16xi32>,
      %get3A_292 = arith.constant 2 : i32
      %get3A_293 = arith.index_cast %get3A_292 : i32 to index
      %get3A_294 = arith.index_cast %add3A_284 : i32 to index
      %get3A_295 = tpu.vector_load %arg8[%get3A_293, %get3A_294] {strides = array<i32>} : memref<3x512xi32, #tpu.memory_space<vmem>>, vector<16xi32>,
      %broadcast_in_dim3A = arith.constant 0.000000e+00 : f32
      %broadcast_in_dim3A_296 = vector.broadcast %broadcast_in_dim3A : f32 to vector<16xf32>
      %add3A_297 = arith.constant 0 : i32
      %add3A_298 = vector.broadcast %add3A_297 : i32 to vector<16xi32>
      %add3A_299 = arith.addi %get3A_287, %add3A_298 : vector<16xi32>
      %gather3A = tpu.vector_load_idx %arg9[%add3A_280, %add3A_299] : memref<256x128xf32, #tpu.memory_space<vmem>>[vector<16xi32>, vector<16xi32>], vector<16xf32>,
      %add3A_300 = arith.constant 0 : i32
      %add3A_301 = vector.broadcast %add3A_300 : i32 to vector<16xi32>
      %add3A_302 = arith.addi %get3A_291, %add3A_301 : vector<16xi32>
      %gather3A_303 = tpu.vector_load_idx %arg10[%add3A_280, %add3A_302] : memref<256x128xf32, #tpu.memory_space<vmem>>[vector<16xi32>, vector<16xi32>], vector<16xf32>,
      %add3A_304 = arith.constant 0 : i32
      %add3A_305 = vector.broadcast %add3A_304 : i32 to vector<16xi32>
      %add3A_306 = arith.addi %get3A_295, %add3A_305 : vector<16xi32>
      %gather3A_307 = tpu.vector_load_idx %arg11[%add3A_280, %add3A_306] : memref<256x128xf32, #tpu.memory_space<vmem>>[vector<16xi32>, vector<16xi32>], vector<16xf32>,
      %sub3A = arith.subf %gather3A_303, %gather3A_307 : vector<16xf32>
      %mul3A_308 = arith.mulf %gather3A, %sub3A : vector<16xf32>
      %add3A_309 = arith.addf %broadcast_in_dim3A_296, %mul3A_308 : vector<16xf32>
      %add3A_310 = arith.constant 1 : i32
      %add3A_311 = vector.broadcast %add3A_310 : i32 to vector<16xi32>
      %add3A_312 = arith.addi %get3A_287, %add3A_311 : vector<16xi32>
      %gather3A_313 = tpu.vector_load_idx %arg9[%add3A_280, %add3A_312] : memref<256x128xf32, #tpu.memory_space<vmem>>[vector<16xi32>, vector<16xi32>], vector<16xf32>,
      %add3A_314 = arith.constant 1 : i32
      %add3A_315 = vector.broadcast %add3A_314 : i32 to vector<16xi32>
      %add3A_316 = arith.addi %get3A_291, %add3A_315 : vector<16xi32>
      %gather3A_317 = tpu.vector_load_idx %arg10[%add3A_280, %add3A_316] : memref<256x128xf32, #tpu.memory_space<vmem>>[vector<16xi32>, vector<16xi32>], vector<16xf32>,
      %add3A_318 = arith.constant 1 : i32
      %add3A_319 = vector.broadcast %add3A_318 : i32 to vector<16xi32>
      %add3A_320 = arith.addi %get3A_295, %add3A_319 : vector<16xi32>
      %gather3A_321 = tpu.vector_load_idx %arg11[%add3A_280, %add3A_320] : memref<256x128xf32, #tpu.memory_space<vmem>>[vector<16xi32>, vector<16xi32>], vector<16xf32>,
      %sub3A_322 = arith.subf %gather3A_317, %gather3A_321 : vector<16xf32>
      %mul3A_323 = arith.mulf %gather3A_313, %sub3A_322 : vector<16xf32>
      %add3A_324 = arith.addf %add3A_309, %mul3A_323 : vector<16xf32>
      %add3A_325 = arith.constant 2 : i32
      %add3A_326 = vector.broadcast %add3A_325 : i32 to vector<16xi32>
      %add3A_327 = arith.addi %get3A_287, %add3A_326 : vector<16xi32>
      %gather3A_328 = tpu.vector_load_idx %arg9[%add3A_280, %add3A_327] : memref<256x128xf32, #tpu.memory_space<vmem>>[vector<16xi32>, vector<16xi32>], vector<16xf32>,
      %add3A_329 = arith.constant 2 : i32
      %add3A_330 = vector.broadcast %add3A_329 : i32 to vector<16xi32>
      %add3A_331 = arith.addi %get3A_291, %add3A_330 : vector<16xi32>
      %gather3A_332 = tpu.vector_load_idx %arg10[%add3A_280, %add3A_331] : memref<256x128xf32, #tpu.memory_space<vmem>>[vector<16xi32>, vector<16xi32>], vector<16xf32>,
      %add3A_333 = arith.constant 2 : i32
      %add3A_334 = vector.broadcast %add3A_333 : i32 to vector<16xi32>
      %add3A_335 = arith.addi %get3A_295, %add3A_334 : vector<16xi32>
      %gather3A_336 = tpu.vector_load_idx %arg11[%add3A_280, %add3A_335] : memref<256x128xf32, #tpu.memory_space<vmem>>[vector<16xi32>, vector<16xi32>], vector<16xf32>,
      %sub3A_337 = arith.subf %gather3A_332, %gather3A_336 : vector<16xf32>
      %mul3A_338 = arith.mulf %gather3A_328, %sub3A_337 : vector<16xf32>
      %add3A_339 = arith.addf %add3A_324, %mul3A_338 : vector<16xf32>
      %add3A_340 = arith.constant 3 : i32
      %add3A_341 = vector.broadcast %add3A_340 : i32 to vector<16xi32>
      %add3A_342 = arith.addi %get3A_287, %add3A_341 : vector<16xi32>
      %gather3A_343 = tpu.vector_load_idx %arg9[%add3A_280, %add3A_342] : memref<256x128xf32, #tpu.memory_space<vmem>>[vector<16xi32>, vector<16xi32>], vector<16xf32>,
      %add3A_344 = arith.constant 3 : i32
      %add3A_345 = vector.broadcast %add3A_344 : i32 to vector<16xi32>
      %add3A_346 = arith.addi %get3A_291, %add3A_345 : vector<16xi32>
      %gather3A_347 = tpu.vector_load_idx %arg10[%add3A_280, %add3A_346] : memref<256x128xf32, #tpu.memory_space<vmem>>[vector<16xi32>, vector<16xi32>], vector<16xf32>,
      %add3A_348 = arith.constant 3 : i32
      %add3A_349 = vector.broadcast %add3A_348 : i32 to vector<16xi32>
      %add3A_350 = arith.addi %get3A_295, %add3A_349 : vector<16xi32>
      %gather3A_351 = tpu.vector_load_idx %arg11[%add3A_280, %add3A_350] : memref<256x128xf32, #tpu.memory_space<vmem>>[vector<16xi32>, vector<16xi32>], vector<16xf32>,
      %sub3A_352 = arith.subf %gather3A_347, %gather3A_351 : vector<16xf32>
      %mul3A_353 = arith.mulf %gather3A_343, %sub3A_352 : vector<16xf32>
      %add3A_354 = arith.addf %add3A_339, %mul3A_353 : vector<16xf32>
      %add3A_355 = arith.constant 4 : i32
      %add3A_356 = vector.broadcast %add3A_355 : i32 to vector<16xi32>
      %add3A_357 = arith.addi %get3A_287, %add3A_356 : vector<16xi32>
      %gather3A_358 = tpu.vector_load_idx %arg9[%add3A_280, %add3A_357] : memref<256x128xf32, #tpu.memory_space<vmem>>[vector<16xi32>, vector<16xi32>], vector<16xf32>,
      %add3A_359 = arith.constant 4 : i32
      %add3A_360 = vector.broadcast %add3A_359 : i32 to vector<16xi32>
      %add3A_361 = arith.addi %get3A_291, %add3A_360 : vector<16xi32>
      %gather3A_362 = tpu.vector_load_idx %arg10[%add3A_280, %add3A_361] : memref<256x128xf32, #tpu.memory_space<vmem>>[vector<16xi32>, vector<16xi32>], vector<16xf32>,
      %add3A_363 = arith.constant 4 : i32
      %add3A_364 = vector.broadcast %add3A_363 : i32 to vector<16xi32>
      %add3A_365 = arith.addi %get3A_295, %add3A_364 : vector<16xi32>
      %gather3A_366 = tpu.vector_load_idx %arg11[%add3A_280, %add3A_365] : memref<256x128xf32, #tpu.memory_space<vmem>>[vector<16xi32>, vector<16xi32>], vector<16xf32>,
      %sub3A_367 = arith.subf %gather3A_362, %gather3A_366 : vector<16xf32>
      %mul3A_368 = arith.mulf %gather3A_358, %sub3A_367 : vector<16xf32>
      %add3A_369 = arith.addf %add3A_354, %mul3A_368 : vector<16xf32>
      %add3A_370 = arith.constant 5 : i32
      %add3A_371 = vector.broadcast %add3A_370 : i32 to vector<16xi32>
      %add3A_372 = arith.addi %get3A_287, %add3A_371 : vector<16xi32>
      %gather3A_373 = tpu.vector_load_idx %arg9[%add3A_280, %add3A_372] : memref<256x128xf32, #tpu.memory_space<vmem>>[vector<16xi32>, vector<16xi32>], vector<16xf32>,
      %add3A_374 = arith.constant 5 : i32
      %add3A_375 = vector.broadcast %add3A_374 : i32 to vector<16xi32>
      %add3A_376 = arith.addi %get3A_291, %add3A_375 : vector<16xi32>
      %gather3A_377 = tpu.vector_load_idx %arg10[%add3A_280, %add3A_376] : memref<256x128xf32, #tpu.memory_space<vmem>>[vector<16xi32>, vector<16xi32>], vector<16xf32>,
      %add3A_378 = arith.constant 5 : i32
      %add3A_379 = vector.broadcast %add3A_378 : i32 to vector<16xi32>
      %add3A_380 = arith.addi %get3A_295, %add3A_379 : vector<16xi32>
      %gather3A_381 = tpu.vector_load_idx %arg11[%add3A_280, %add3A_380] : memref<256x128xf32, #tpu.memory_space<vmem>>[vector<16xi32>, vector<16xi32>], vector<16xf32>,
      %sub3A_382 = arith.subf %gather3A_377, %gather3A_381 : vector<16xf32>
      %mul3A_383 = arith.mulf %gather3A_373, %sub3A_382 : vector<16xf32>
      %add3A_384 = arith.addf %add3A_369, %mul3A_383 : vector<16xf32>
      %add3A_385 = arith.constant 6 : i32
      %add3A_386 = vector.broadcast %add3A_385 : i32 to vector<16xi32>
      %add3A_387 = arith.addi %get3A_287, %add3A_386 : vector<16xi32>
      %gather3A_388 = tpu.vector_load_idx %arg9[%add3A_280, %add3A_387] : memref<256x128xf32, #tpu.memory_space<vmem>>[vector<16xi32>, vector<16xi32>], vector<16xf32>,
      %add3A_389 = arith.constant 6 : i32
      %add3A_390 = vector.broadcast %add3A_389 : i32 to vector<16xi32>
      %add3A_391 = arith.addi %get3A_291, %add3A_390 : vector<16xi32>
      %gather3A_392 = tpu.vector_load_idx %arg10[%add3A_280, %add3A_391] : memref<256x128xf32, #tpu.memory_space<vmem>>[vector<16xi32>, vector<16xi32>], vector<16xf32>,
      %add3A_393 = arith.constant 6 : i32
      %add3A_394 = vector.broadcast %add3A_393 : i32 to vector<16xi32>
      %add3A_395 = arith.addi %get3A_295, %add3A_394 : vector<16xi32>
      %gather3A_396 = tpu.vector_load_idx %arg11[%add3A_280, %add3A_395] : memref<256x128xf32, #tpu.memory_space<vmem>>[vector<16xi32>, vector<16xi32>], vector<16xf32>,
      %sub3A_397 = arith.subf %gather3A_392, %gather3A_396 : vector<16xf32>
      %mul3A_398 = arith.mulf %gather3A_388, %sub3A_397 : vector<16xf32>
      %add3A_399 = arith.addf %add3A_384, %mul3A_398 : vector<16xf32>
      %add3A_400 = arith.constant 7 : i32
      %add3A_401 = vector.broadcast %add3A_400 : i32 to vector<16xi32>
      %add3A_402 = arith.addi %get3A_287, %add3A_401 : vector<16xi32>
      %gather3A_403 = tpu.vector_load_idx %arg9[%add3A_280, %add3A_402] : memref<256x128xf32, #tpu.memory_space<vmem>>[vector<16xi32>, vector<16xi32>], vector<16xf32>,
      %add3A_404 = arith.constant 7 : i32
      %add3A_405 = vector.broadcast %add3A_404 : i32 to vector<16xi32>
      %add3A_406 = arith.addi %get3A_291, %add3A_405 : vector<16xi32>
      %gather3A_407 = tpu.vector_load_idx %arg10[%add3A_280, %add3A_406] : memref<256x128xf32, #tpu.memory_space<vmem>>[vector<16xi32>, vector<16xi32>], vector<16xf32>,
      %add3A_408 = arith.constant 7 : i32
      %add3A_409 = vector.broadcast %add3A_408 : i32 to vector<16xi32>
      %add3A_410 = arith.addi %get3A_295, %add3A_409 : vector<16xi32>
      %gather3A_411 = tpu.vector_load_idx %arg11[%add3A_280, %add3A_410] : memref<256x128xf32, #tpu.memory_space<vmem>>[vector<16xi32>, vector<16xi32>], vector<16xf32>,
      %sub3A_412 = arith.subf %gather3A_407, %gather3A_411 : vector<16xf32>
      %mul3A_413 = arith.mulf %gather3A_403, %sub3A_412 : vector<16xf32>
      %add3A_414 = arith.addf %add3A_399, %mul3A_413 : vector<16xf32>
      %add3A_415 = arith.constant 8 : i32
      %add3A_416 = vector.broadcast %add3A_415 : i32 to vector<16xi32>
      %add3A_417 = arith.addi %get3A_287, %add3A_416 : vector<16xi32>
      %gather3A_418 = tpu.vector_load_idx %arg9[%add3A_280, %add3A_417] : memref<256x128xf32, #tpu.memory_space<vmem>>[vector<16xi32>, vector<16xi32>], vector<16xf32>,
      %add3A_419 = arith.constant 8 : i32
      %add3A_420 = vector.broadcast %add3A_419 : i32 to vector<16xi32>
      %add3A_421 = arith.addi %get3A_291, %add3A_420 : vector<16xi32>
      %gather3A_422 = tpu.vector_load_idx %arg10[%add3A_280, %add3A_421] : memref<256x128xf32, #tpu.memory_space<vmem>>[vector<16xi32>, vector<16xi32>], vector<16xf32>,
      %add3A_423 = arith.constant 8 : i32
      %add3A_424 = vector.broadcast %add3A_423 : i32 to vector<16xi32>
      %add3A_425 = arith.addi %get3A_295, %add3A_424 : vector<16xi32>
      %gather3A_426 = tpu.vector_load_idx %arg11[%add3A_280, %add3A_425] : memref<256x128xf32, #tpu.memory_space<vmem>>[vector<16xi32>, vector<16xi32>], vector<16xf32>,
      %sub3A_427 = arith.subf %gather3A_422, %gather3A_426 : vector<16xf32>
      %mul3A_428 = arith.mulf %gather3A_418, %sub3A_427 : vector<16xf32>
      %add3A_429 = arith.addf %add3A_414, %mul3A_428 : vector<16xf32>
      %add3A_430 = arith.constant 9 : i32
      %add3A_431 = vector.broadcast %add3A_430 : i32 to vector<16xi32>
      %add3A_432 = arith.addi %get3A_287, %add3A_431 : vector<16xi32>
      %gather3A_433 = tpu.vector_load_idx %arg9[%add3A_280, %add3A_432] : memref<256x128xf32, #tpu.memory_space<vmem>>[vector<16xi32>, vector<16xi32>], vector<16xf32>,
      %add3A_434 = arith.constant 9 : i32
      %add3A_435 = vector.broadcast %add3A_434 : i32 to vector<16xi32>
      %add3A_436 = arith.addi %get3A_291, %add3A_435 : vector<16xi32>
      %gather3A_437 = tpu.vector_load_idx %arg10[%add3A_280, %add3A_436] : memref<256x128xf32, #tpu.memory_space<vmem>>[vector<16xi32>, vector<16xi32>], vector<16xf32>,
      %add3A_438 = arith.constant 9 : i32
      %add3A_439 = vector.broadcast %add3A_438 : i32 to vector<16xi32>
      %add3A_440 = arith.addi %get3A_295, %add3A_439 : vector<16xi32>
      %gather3A_441 = tpu.vector_load_idx %arg11[%add3A_280, %add3A_440] : memref<256x128xf32, #tpu.memory_space<vmem>>[vector<16xi32>, vector<16xi32>], vector<16xf32>,
      %sub3A_442 = arith.subf %gather3A_437, %gather3A_441 : vector<16xf32>
      %mul3A_443 = arith.mulf %gather3A_433, %sub3A_442 : vector<16xf32>
      %add3A_444 = arith.addf %add3A_429, %mul3A_443 : vector<16xf32>
      %add3A_445 = arith.constant 10 : i32
      %add3A_446 = vector.broadcast %add3A_445 : i32 to vector<16xi32>
      %add3A_447 = arith.addi %get3A_287, %add3A_446 : vector<16xi32>
      %gather3A_448 = tpu.vector_load_idx %arg9[%add3A_280, %add3A_447] : memref<256x128xf32, #tpu.memory_space<vmem>>[vector<16xi32>, vector<16xi32>], vector<16xf32>,
      %add3A_449 = arith.constant 10 : i32
      %add3A_450 = vector.broadcast %add3A_449 : i32 to vector<16xi32>
      %add3A_451 = arith.addi %get3A_291, %add3A_450 : vector<16xi32>
      %gather3A_452 = tpu.vector_load_idx %arg10[%add3A_280, %add3A_451] : memref<256x128xf32, #tpu.memory_space<vmem>>[vector<16xi32>, vector<16xi32>], vector<16xf32>,
      %add3A_453 = arith.constant 10 : i32
      %add3A_454 = vector.broadcast %add3A_453 : i32 to vector<16xi32>
      %add3A_455 = arith.addi %get3A_295, %add3A_454 : vector<16xi32>
      %gather3A_456 = tpu.vector_load_idx %arg11[%add3A_280, %add3A_455] : memref<256x128xf32, #tpu.memory_space<vmem>>[vector<16xi32>, vector<16xi32>], vector<16xf32>,
      %sub3A_457 = arith.subf %gather3A_452, %gather3A_456 : vector<16xf32>
      %mul3A_458 = arith.mulf %gather3A_448, %sub3A_457 : vector<16xf32>
      %add3A_459 = arith.addf %add3A_444, %mul3A_458 : vector<16xf32>
      %add3A_460 = arith.constant 11 : i32
      %add3A_461 = vector.broadcast %add3A_460 : i32 to vector<16xi32>
      %add3A_462 = arith.addi %get3A_287, %add3A_461 : vector<16xi32>
      %gather3A_463 = tpu.vector_load_idx %arg9[%add3A_280, %add3A_462] : memref<256x128xf32, #tpu.memory_space<vmem>>[vector<16xi32>, vector<16xi32>], vector<16xf32>,
      %add3A_464 = arith.constant 11 : i32
      %add3A_465 = vector.broadcast %add3A_464 : i32 to vector<16xi32>
      %add3A_466 = arith.addi %get3A_291, %add3A_465 : vector<16xi32>
      %gather3A_467 = tpu.vector_load_idx %arg10[%add3A_280, %add3A_466] : memref<256x128xf32, #tpu.memory_space<vmem>>[vector<16xi32>, vector<16xi32>], vector<16xf32>,
      %add3A_468 = arith.constant 11 : i32
      %add3A_469 = vector.broadcast %add3A_468 : i32 to vector<16xi32>
      %add3A_470 = arith.addi %get3A_295, %add3A_469 : vector<16xi32>
      %gather3A_471 = tpu.vector_load_idx %arg11[%add3A_280, %add3A_470] : memref<256x128xf32, #tpu.memory_space<vmem>>[vector<16xi32>, vector<16xi32>], vector<16xf32>,
      %sub3A_472 = arith.subf %gather3A_467, %gather3A_471 : vector<16xf32>
      %mul3A_473 = arith.mulf %gather3A_463, %sub3A_472 : vector<16xf32>
      %add3A_474 = arith.addf %add3A_459, %mul3A_473 : vector<16xf32>
      %add3A_475 = arith.constant 12 : i32
      %add3A_476 = vector.broadcast %add3A_475 : i32 to vector<16xi32>
      %add3A_477 = arith.addi %get3A_287, %add3A_476 : vector<16xi32>
      %gather3A_478 = tpu.vector_load_idx %arg9[%add3A_280, %add3A_477] : memref<256x128xf32, #tpu.memory_space<vmem>>[vector<16xi32>, vector<16xi32>], vector<16xf32>,
      %add3A_479 = arith.constant 12 : i32
      %add3A_480 = vector.broadcast %add3A_479 : i32 to vector<16xi32>
      %add3A_481 = arith.addi %get3A_291, %add3A_480 : vector<16xi32>
      %gather3A_482 = tpu.vector_load_idx %arg10[%add3A_280, %add3A_481] : memref<256x128xf32, #tpu.memory_space<vmem>>[vector<16xi32>, vector<16xi32>], vector<16xf32>,
      %add3A_483 = arith.constant 12 : i32
      %add3A_484 = vector.broadcast %add3A_483 : i32 to vector<16xi32>
      %add3A_485 = arith.addi %get3A_295, %add3A_484 : vector<16xi32>
      %gather3A_486 = tpu.vector_load_idx %arg11[%add3A_280, %add3A_485] : memref<256x128xf32, #tpu.memory_space<vmem>>[vector<16xi32>, vector<16xi32>], vector<16xf32>,
      %sub3A_487 = arith.subf %gather3A_482, %gather3A_486 : vector<16xf32>
      %mul3A_488 = arith.mulf %gather3A_478, %sub3A_487 : vector<16xf32>
      %add3A_489 = arith.addf %add3A_474, %mul3A_488 : vector<16xf32>
      %add3A_490 = arith.constant 13 : i32
      %add3A_491 = vector.broadcast %add3A_490 : i32 to vector<16xi32>
      %add3A_492 = arith.addi %get3A_287, %add3A_491 : vector<16xi32>
      %gather3A_493 = tpu.vector_load_idx %arg9[%add3A_280, %add3A_492] : memref<256x128xf32, #tpu.memory_space<vmem>>[vector<16xi32>, vector<16xi32>], vector<16xf32>,
      %add3A_494 = arith.constant 13 : i32
      %add3A_495 = vector.broadcast %add3A_494 : i32 to vector<16xi32>
      %add3A_496 = arith.addi %get3A_291, %add3A_495 : vector<16xi32>
      %gather3A_497 = tpu.vector_load_idx %arg10[%add3A_280, %add3A_496] : memref<256x128xf32, #tpu.memory_space<vmem>>[vector<16xi32>, vector<16xi32>], vector<16xf32>,
      %add3A_498 = arith.constant 13 : i32
      %add3A_499 = vector.broadcast %add3A_498 : i32 to vector<16xi32>
      %add3A_500 = arith.addi %get3A_295, %add3A_499 : vector<16xi32>
      %gather3A_501 = tpu.vector_load_idx %arg11[%add3A_280, %add3A_500] : memref<256x128xf32, #tpu.memory_space<vmem>>[vector<16xi32>, vector<16xi32>], vector<16xf32>,
      %sub3A_502 = arith.subf %gather3A_497, %gather3A_501 : vector<16xf32>
      %mul3A_503 = arith.mulf %gather3A_493, %sub3A_502 : vector<16xf32>
      %add3A_504 = arith.addf %add3A_489, %mul3A_503 : vector<16xf32>
      %add3A_505 = arith.constant 14 : i32
      %add3A_506 = vector.broadcast %add3A_505 : i32 to vector<16xi32>
      %add3A_507 = arith.addi %get3A_287, %add3A_506 : vector<16xi32>
      %gather3A_508 = tpu.vector_load_idx %arg9[%add3A_280, %add3A_507] : memref<256x128xf32, #tpu.memory_space<vmem>>[vector<16xi32>, vector<16xi32>], vector<16xf32>,
      %add3A_509 = arith.constant 14 : i32
      %add3A_510 = vector.broadcast %add3A_509 : i32 to vector<16xi32>
      %add3A_511 = arith.addi %get3A_291, %add3A_510 : vector<16xi32>
      %gather3A_512 = tpu.vector_load_idx %arg10[%add3A_280, %add3A_511] : memref<256x128xf32, #tpu.memory_space<vmem>>[vector<16xi32>, vector<16xi32>], vector<16xf32>,
      %add3A_513 = arith.constant 14 : i32
      %add3A_514 = vector.broadcast %add3A_513 : i32 to vector<16xi32>
      %add3A_515 = arith.addi %get3A_295, %add3A_514 : vector<16xi32>
      %gather3A_516 = tpu.vector_load_idx %arg11[%add3A_280, %add3A_515] : memref<256x128xf32, #tpu.memory_space<vmem>>[vector<16xi32>, vector<16xi32>], vector<16xf32>,
      %sub3A_517 = arith.subf %gather3A_512, %gather3A_516 : vector<16xf32>
      %mul3A_518 = arith.mulf %gather3A_508, %sub3A_517 : vector<16xf32>
      %add3A_519 = arith.addf %add3A_504, %mul3A_518 : vector<16xf32>
      %add3A_520 = arith.constant 15 : i32
      %add3A_521 = vector.broadcast %add3A_520 : i32 to vector<16xi32>
      %add3A_522 = arith.addi %get3A_287, %add3A_521 : vector<16xi32>
      %gather3A_523 = tpu.vector_load_idx %arg9[%add3A_280, %add3A_522] : memref<256x128xf32, #tpu.memory_space<vmem>>[vector<16xi32>, vector<16xi32>], vector<16xf32>,
      %add3A_524 = arith.constant 15 : i32
      %add3A_525 = vector.broadcast %add3A_524 : i32 to vector<16xi32>
      %add3A_526 = arith.addi %get3A_291, %add3A_525 : vector<16xi32>
      %gather3A_527 = tpu.vector_load_idx %arg10[%add3A_280, %add3A_526] : memref<256x128xf32, #tpu.memory_space<vmem>>[vector<16xi32>, vector<16xi32>], vector<16xf32>,
      %add3A_528 = arith.constant 15 : i32
      %add3A_529 = vector.broadcast %add3A_528 : i32 to vector<16xi32>
      %add3A_530 = arith.addi %get3A_295, %add3A_529 : vector<16xi32>
      %gather3A_531 = tpu.vector_load_idx %arg11[%add3A_280, %add3A_530] : memref<256x128xf32, #tpu.memory_space<vmem>>[vector<16xi32>, vector<16xi32>], vector<16xf32>,
      %sub3A_532 = arith.subf %gather3A_527, %gather3A_531 : vector<16xf32>
      %mul3A_533 = arith.mulf %gather3A_523, %sub3A_532 : vector<16xf32>
      %add3A_534 = arith.addf %add3A_519, %mul3A_533 : vector<16xf32>
      %add3A_535 = arith.constant 16 : i32
      %add3A_536 = vector.broadcast %add3A_535 : i32 to vector<16xi32>
      %add3A_537 = arith.addi %get3A_287, %add3A_536 : vector<16xi32>
      %gather3A_538 = tpu.vector_load_idx %arg9[%add3A_280, %add3A_537] : memref<256x128xf32, #tpu.memory_space<vmem>>[vector<16xi32>, vector<16xi32>], vector<16xf32>,
      %add3A_539 = arith.constant 16 : i32
      %add3A_540 = vector.broadcast %add3A_539 : i32 to vector<16xi32>
      %add3A_541 = arith.addi %get3A_291, %add3A_540 : vector<16xi32>
      %gather3A_542 = tpu.vector_load_idx %arg10[%add3A_280, %add3A_541] : memref<256x128xf32, #tpu.memory_space<vmem>>[vector<16xi32>, vector<16xi32>], vector<16xf32>,
      %add3A_543 = arith.constant 16 : i32
      %add3A_544 = vector.broadcast %add3A_543 : i32 to vector<16xi32>
      %add3A_545 = arith.addi %get3A_295, %add3A_544 : vector<16xi32>
      %gather3A_546 = tpu.vector_load_idx %arg11[%add3A_280, %add3A_545] : memref<256x128xf32, #tpu.memory_space<vmem>>[vector<16xi32>, vector<16xi32>], vector<16xf32>,
      %sub3A_547 = arith.subf %gather3A_542, %gather3A_546 : vector<16xf32>
      %mul3A_548 = arith.mulf %gather3A_538, %sub3A_547 : vector<16xf32>
      %add3A_549 = arith.addf %add3A_534, %mul3A_548 : vector<16xf32>
      %add3A_550 = arith.constant 17 : i32
      %add3A_551 = vector.broadcast %add3A_550 : i32 to vector<16xi32>
      %add3A_552 = arith.addi %get3A_287, %add3A_551 : vector<16xi32>
      %gather3A_553 = tpu.vector_load_idx %arg9[%add3A_280, %add3A_552] : memref<256x128xf32, #tpu.memory_space<vmem>>[vector<16xi32>, vector<16xi32>], vector<16xf32>,
      %add3A_554 = arith.constant 17 : i32
      %add3A_555 = vector.broadcast %add3A_554 : i32 to vector<16xi32>
      %add3A_556 = arith.addi %get3A_291, %add3A_555 : vector<16xi32>
      %gather3A_557 = tpu.vector_load_idx %arg10[%add3A_280, %add3A_556] : memref<256x128xf32, #tpu.memory_space<vmem>>[vector<16xi32>, vector<16xi32>], vector<16xf32>,
      %add3A_558 = arith.constant 17 : i32
      %add3A_559 = vector.broadcast %add3A_558 : i32 to vector<16xi32>
      %add3A_560 = arith.addi %get3A_295, %add3A_559 : vector<16xi32>
      %gather3A_561 = tpu.vector_load_idx %arg11[%add3A_280, %add3A_560] : memref<256x128xf32, #tpu.memory_space<vmem>>[vector<16xi32>, vector<16xi32>], vector<16xf32>,
      %sub3A_562 = arith.subf %gather3A_557, %gather3A_561 : vector<16xf32>
      %mul3A_563 = arith.mulf %gather3A_553, %sub3A_562 : vector<16xf32>
      %add3A_564 = arith.addf %add3A_549, %mul3A_563 : vector<16xf32>
      %add3A_565 = arith.constant 18 : i32
      %add3A_566 = vector.broadcast %add3A_565 : i32 to vector<16xi32>
      %add3A_567 = arith.addi %get3A_287, %add3A_566 : vector<16xi32>
      %gather3A_568 = tpu.vector_load_idx %arg9[%add3A_280, %add3A_567] : memref<256x128xf32, #tpu.memory_space<vmem>>[vector<16xi32>, vector<16xi32>], vector<16xf32>,
      %add3A_569 = arith.constant 18 : i32
      %add3A_570 = vector.broadcast %add3A_569 : i32 to vector<16xi32>
      %add3A_571 = arith.addi %get3A_291, %add3A_570 : vector<16xi32>
      %gather3A_572 = tpu.vector_load_idx %arg10[%add3A_280, %add3A_571] : memref<256x128xf32, #tpu.memory_space<vmem>>[vector<16xi32>, vector<16xi32>], vector<16xf32>,
      %add3A_573 = arith.constant 18 : i32
      %add3A_574 = vector.broadcast %add3A_573 : i32 to vector<16xi32>
      %add3A_575 = arith.addi %get3A_295, %add3A_574 : vector<16xi32>
      %gather3A_576 = tpu.vector_load_idx %arg11[%add3A_280, %add3A_575] : memref<256x128xf32, #tpu.memory_space<vmem>>[vector<16xi32>, vector<16xi32>], vector<16xf32>,
      %sub3A_577 = arith.subf %gather3A_572, %gather3A_576 : vector<16xf32>
      %mul3A_578 = arith.mulf %gather3A_568, %sub3A_577 : vector<16xf32>
      %add3A_579 = arith.addf %add3A_564, %mul3A_578 : vector<16xf32>
      %add3A_580 = arith.constant 19 : i32
      %add3A_581 = vector.broadcast %add3A_580 : i32 to vector<16xi32>
      %add3A_582 = arith.addi %get3A_287, %add3A_581 : vector<16xi32>
      %gather3A_583 = tpu.vector_load_idx %arg9[%add3A_280, %add3A_582] : memref<256x128xf32, #tpu.memory_space<vmem>>[vector<16xi32>, vector<16xi32>], vector<16xf32>,
      %add3A_584 = arith.constant 19 : i32
      %add3A_585 = vector.broadcast %add3A_584 : i32 to vector<16xi32>
      %add3A_586 = arith.addi %get3A_291, %add3A_585 : vector<16xi32>
      %gather3A_587 = tpu.vector_load_idx %arg10[%add3A_280, %add3A_586] : memref<256x128xf32, #tpu.memory_space<vmem>>[vector<16xi32>, vector<16xi32>], vector<16xf32>,
      %add3A_588 = arith.constant 19 : i32
      %add3A_589 = vector.broadcast %add3A_588 : i32 to vector<16xi32>
      %add3A_590 = arith.addi %get3A_295, %add3A_589 : vector<16xi32>
      %gather3A_591 = tpu.vector_load_idx %arg11[%add3A_280, %add3A_590] : memref<256x128xf32, #tpu.memory_space<vmem>>[vector<16xi32>, vector<16xi32>], vector<16xf32>,
      %sub3A_592 = arith.subf %gather3A_587, %gather3A_591 : vector<16xf32>
      %mul3A_593 = arith.mulf %gather3A_583, %sub3A_592 : vector<16xf32>
      %add3A_594 = arith.addf %add3A_579, %mul3A_593 : vector<16xf32>
      %add3A_595 = arith.constant 20 : i32
      %add3A_596 = vector.broadcast %add3A_595 : i32 to vector<16xi32>
      %add3A_597 = arith.addi %get3A_287, %add3A_596 : vector<16xi32>
      %gather3A_598 = tpu.vector_load_idx %arg9[%add3A_280, %add3A_597] : memref<256x128xf32, #tpu.memory_space<vmem>>[vector<16xi32>, vector<16xi32>], vector<16xf32>,
      %add3A_599 = arith.constant 20 : i32
      %add3A_600 = vector.broadcast %add3A_599 : i32 to vector<16xi32>
      %add3A_601 = arith.addi %get3A_291, %add3A_600 : vector<16xi32>
      %gather3A_602 = tpu.vector_load_idx %arg10[%add3A_280, %add3A_601] : memref<256x128xf32, #tpu.memory_space<vmem>>[vector<16xi32>, vector<16xi32>], vector<16xf32>,
      %add3A_603 = arith.constant 20 : i32
      %add3A_604 = vector.broadcast %add3A_603 : i32 to vector<16xi32>
      %add3A_605 = arith.addi %get3A_295, %add3A_604 : vector<16xi32>
      %gather3A_606 = tpu.vector_load_idx %arg11[%add3A_280, %add3A_605] : memref<256x128xf32, #tpu.memory_space<vmem>>[vector<16xi32>, vector<16xi32>], vector<16xf32>,
      %sub3A_607 = arith.subf %gather3A_602, %gather3A_606 : vector<16xf32>
      %mul3A_608 = arith.mulf %gather3A_598, %sub3A_607 : vector<16xf32>
      %add3A_609 = arith.addf %add3A_594, %mul3A_608 : vector<16xf32>
      %add3A_610 = arith.constant 21 : i32
      %add3A_611 = vector.broadcast %add3A_610 : i32 to vector<16xi32>
      %add3A_612 = arith.addi %get3A_287, %add3A_611 : vector<16xi32>
      %gather3A_613 = tpu.vector_load_idx %arg9[%add3A_280, %add3A_612] : memref<256x128xf32, #tpu.memory_space<vmem>>[vector<16xi32>, vector<16xi32>], vector<16xf32>,
      %add3A_614 = arith.constant 21 : i32
      %add3A_615 = vector.broadcast %add3A_614 : i32 to vector<16xi32>
      %add3A_616 = arith.addi %get3A_291, %add3A_615 : vector<16xi32>
      %gather3A_617 = tpu.vector_load_idx %arg10[%add3A_280, %add3A_616] : memref<256x128xf32, #tpu.memory_space<vmem>>[vector<16xi32>, vector<16xi32>], vector<16xf32>,
      %add3A_618 = arith.constant 21 : i32
      %add3A_619 = vector.broadcast %add3A_618 : i32 to vector<16xi32>
      %add3A_620 = arith.addi %get3A_295, %add3A_619 : vector<16xi32>
      %gather3A_621 = tpu.vector_load_idx %arg11[%add3A_280, %add3A_620] : memref<256x128xf32, #tpu.memory_space<vmem>>[vector<16xi32>, vector<16xi32>], vector<16xf32>,
      %sub3A_622 = arith.subf %gather3A_617, %gather3A_621 : vector<16xf32>
      %mul3A_623 = arith.mulf %gather3A_613, %sub3A_622 : vector<16xf32>
      %add3A_624 = arith.addf %add3A_609, %mul3A_623 : vector<16xf32>
      %add3A_625 = arith.constant 22 : i32
      %add3A_626 = vector.broadcast %add3A_625 : i32 to vector<16xi32>
      %add3A_627 = arith.addi %get3A_287, %add3A_626 : vector<16xi32>
      %gather3A_628 = tpu.vector_load_idx %arg9[%add3A_280, %add3A_627] : memref<256x128xf32, #tpu.memory_space<vmem>>[vector<16xi32>, vector<16xi32>], vector<16xf32>,
      %add3A_629 = arith.constant 22 : i32
      %add3A_630 = vector.broadcast %add3A_629 : i32 to vector<16xi32>
      %add3A_631 = arith.addi %get3A_291, %add3A_630 : vector<16xi32>
      %gather3A_632 = tpu.vector_load_idx %arg10[%add3A_280, %add3A_631] : memref<256x128xf32, #tpu.memory_space<vmem>>[vector<16xi32>, vector<16xi32>], vector<16xf32>,
      %add3A_633 = arith.constant 22 : i32
      %add3A_634 = vector.broadcast %add3A_633 : i32 to vector<16xi32>
      %add3A_635 = arith.addi %get3A_295, %add3A_634 : vector<16xi32>
      %gather3A_636 = tpu.vector_load_idx %arg11[%add3A_280, %add3A_635] : memref<256x128xf32, #tpu.memory_space<vmem>>[vector<16xi32>, vector<16xi32>], vector<16xf32>,
      %sub3A_637 = arith.subf %gather3A_632, %gather3A_636 : vector<16xf32>
      %mul3A_638 = arith.mulf %gather3A_628, %sub3A_637 : vector<16xf32>
      %add3A_639 = arith.addf %add3A_624, %mul3A_638 : vector<16xf32>
      %add3A_640 = arith.constant 23 : i32
      %add3A_641 = vector.broadcast %add3A_640 : i32 to vector<16xi32>
      %add3A_642 = arith.addi %get3A_287, %add3A_641 : vector<16xi32>
      %gather3A_643 = tpu.vector_load_idx %arg9[%add3A_280, %add3A_642] : memref<256x128xf32, #tpu.memory_space<vmem>>[vector<16xi32>, vector<16xi32>], vector<16xf32>,
      %add3A_644 = arith.constant 23 : i32
      %add3A_645 = vector.broadcast %add3A_644 : i32 to vector<16xi32>
      %add3A_646 = arith.addi %get3A_291, %add3A_645 : vector<16xi32>
      %gather3A_647 = tpu.vector_load_idx %arg10[%add3A_280, %add3A_646] : memref<256x128xf32, #tpu.memory_space<vmem>>[vector<16xi32>, vector<16xi32>], vector<16xf32>,
      %add3A_648 = arith.constant 23 : i32
      %add3A_649 = vector.broadcast %add3A_648 : i32 to vector<16xi32>
      %add3A_650 = arith.addi %get3A_295, %add3A_649 : vector<16xi32>
      %gather3A_651 = tpu.vector_load_idx %arg11[%add3A_280, %add3A_650] : memref<256x128xf32, #tpu.memory_space<vmem>>[vector<16xi32>, vector<16xi32>], vector<16xf32>,
      %sub3A_652 = arith.subf %gather3A_647, %gather3A_651 : vector<16xf32>
      %mul3A_653 = arith.mulf %gather3A_643, %sub3A_652 : vector<16xf32>
      %add3A_654 = arith.addf %add3A_639, %mul3A_653 : vector<16xf32>
      %add3A_655 = arith.constant 24 : i32
      %add3A_656 = vector.broadcast %add3A_655 : i32 to vector<16xi32>
      %add3A_657 = arith.addi %get3A_287, %add3A_656 : vector<16xi32>
      %gather3A_658 = tpu.vector_load_idx %arg9[%add3A_280, %add3A_657] : memref<256x128xf32, #tpu.memory_space<vmem>>[vector<16xi32>, vector<16xi32>], vector<16xf32>,
      %add3A_659 = arith.constant 24 : i32
      %add3A_660 = vector.broadcast %add3A_659 : i32 to vector<16xi32>
      %add3A_661 = arith.addi %get3A_291, %add3A_660 : vector<16xi32>
      %gather3A_662 = tpu.vector_load_idx %arg10[%add3A_280, %add3A_661] : memref<256x128xf32, #tpu.memory_space<vmem>>[vector<16xi32>, vector<16xi32>], vector<16xf32>,
      %add3A_663 = arith.constant 24 : i32
      %add3A_664 = vector.broadcast %add3A_663 : i32 to vector<16xi32>
      %add3A_665 = arith.addi %get3A_295, %add3A_664 : vector<16xi32>
      %gather3A_666 = tpu.vector_load_idx %arg11[%add3A_280, %add3A_665] : memref<256x128xf32, #tpu.memory_space<vmem>>[vector<16xi32>, vector<16xi32>], vector<16xf32>,
      %sub3A_667 = arith.subf %gather3A_662, %gather3A_666 : vector<16xf32>
      %mul3A_668 = arith.mulf %gather3A_658, %sub3A_667 : vector<16xf32>
      %add3A_669 = arith.addf %add3A_654, %mul3A_668 : vector<16xf32>
      %add3A_670 = arith.constant 25 : i32
      %add3A_671 = vector.broadcast %add3A_670 : i32 to vector<16xi32>
      %add3A_672 = arith.addi %get3A_287, %add3A_671 : vector<16xi32>
      %gather3A_673 = tpu.vector_load_idx %arg9[%add3A_280, %add3A_672] : memref<256x128xf32, #tpu.memory_space<vmem>>[vector<16xi32>, vector<16xi32>], vector<16xf32>,
      %add3A_674 = arith.constant 25 : i32
      %add3A_675 = vector.broadcast %add3A_674 : i32 to vector<16xi32>
      %add3A_676 = arith.addi %get3A_291, %add3A_675 : vector<16xi32>
      %gather3A_677 = tpu.vector_load_idx %arg10[%add3A_280, %add3A_676] : memref<256x128xf32, #tpu.memory_space<vmem>>[vector<16xi32>, vector<16xi32>], vector<16xf32>,
      %add3A_678 = arith.constant 25 : i32
      %add3A_679 = vector.broadcast %add3A_678 : i32 to vector<16xi32>
      %add3A_680 = arith.addi %get3A_295, %add3A_679 : vector<16xi32>
      %gather3A_681 = tpu.vector_load_idx %arg11[%add3A_280, %add3A_680] : memref<256x128xf32, #tpu.memory_space<vmem>>[vector<16xi32>, vector<16xi32>], vector<16xf32>,
      %sub3A_682 = arith.subf %gather3A_677, %gather3A_681 : vector<16xf32>
      %mul3A_683 = arith.mulf %gather3A_673, %sub3A_682 : vector<16xf32>
      %add3A_684 = arith.addf %add3A_669, %mul3A_683 : vector<16xf32>
      %add3A_685 = arith.constant 26 : i32
      %add3A_686 = vector.broadcast %add3A_685 : i32 to vector<16xi32>
      %add3A_687 = arith.addi %get3A_287, %add3A_686 : vector<16xi32>
      %gather3A_688 = tpu.vector_load_idx %arg9[%add3A_280, %add3A_687] : memref<256x128xf32, #tpu.memory_space<vmem>>[vector<16xi32>, vector<16xi32>], vector<16xf32>,
      %add3A_689 = arith.constant 26 : i32
      %add3A_690 = vector.broadcast %add3A_689 : i32 to vector<16xi32>
      %add3A_691 = arith.addi %get3A_291, %add3A_690 : vector<16xi32>
      %gather3A_692 = tpu.vector_load_idx %arg10[%add3A_280, %add3A_691] : memref<256x128xf32, #tpu.memory_space<vmem>>[vector<16xi32>, vector<16xi32>], vector<16xf32>,
      %add3A_693 = arith.constant 26 : i32
      %add3A_694 = vector.broadcast %add3A_693 : i32 to vector<16xi32>
      %add3A_695 = arith.addi %get3A_295, %add3A_694 : vector<16xi32>
      %gather3A_696 = tpu.vector_load_idx %arg11[%add3A_280, %add3A_695] : memref<256x128xf32, #tpu.memory_space<vmem>>[vector<16xi32>, vector<16xi32>], vector<16xf32>,
      %sub3A_697 = arith.subf %gather3A_692, %gather3A_696 : vector<16xf32>
      %mul3A_698 = arith.mulf %gather3A_688, %sub3A_697 : vector<16xf32>
      %add3A_699 = arith.addf %add3A_684, %mul3A_698 : vector<16xf32>
      %add3A_700 = arith.constant 27 : i32
      %add3A_701 = vector.broadcast %add3A_700 : i32 to vector<16xi32>
      %add3A_702 = arith.addi %get3A_287, %add3A_701 : vector<16xi32>
      %gather3A_703 = tpu.vector_load_idx %arg9[%add3A_280, %add3A_702] : memref<256x128xf32, #tpu.memory_space<vmem>>[vector<16xi32>, vector<16xi32>], vector<16xf32>,
      %add3A_704 = arith.constant 27 : i32
      %add3A_705 = vector.broadcast %add3A_704 : i32 to vector<16xi32>
      %add3A_706 = arith.addi %get3A_291, %add3A_705 : vector<16xi32>
      %gather3A_707 = tpu.vector_load_idx %arg10[%add3A_280, %add3A_706] : memref<256x128xf32, #tpu.memory_space<vmem>>[vector<16xi32>, vector<16xi32>], vector<16xf32>,
      %add3A_708 = arith.constant 27 : i32
      %add3A_709 = vector.broadcast %add3A_708 : i32 to vector<16xi32>
      %add3A_710 = arith.addi %get3A_295, %add3A_709 : vector<16xi32>
      %gather3A_711 = tpu.vector_load_idx %arg11[%add3A_280, %add3A_710] : memref<256x128xf32, #tpu.memory_space<vmem>>[vector<16xi32>, vector<16xi32>], vector<16xf32>,
      %sub3A_712 = arith.subf %gather3A_707, %gather3A_711 : vector<16xf32>
      %mul3A_713 = arith.mulf %gather3A_703, %sub3A_712 : vector<16xf32>
      %add3A_714 = arith.addf %add3A_699, %mul3A_713 : vector<16xf32>
      %add3A_715 = arith.constant 28 : i32
      %add3A_716 = vector.broadcast %add3A_715 : i32 to vector<16xi32>
      %add3A_717 = arith.addi %get3A_287, %add3A_716 : vector<16xi32>
      %gather3A_718 = tpu.vector_load_idx %arg9[%add3A_280, %add3A_717] : memref<256x128xf32, #tpu.memory_space<vmem>>[vector<16xi32>, vector<16xi32>], vector<16xf32>,
      %add3A_719 = arith.constant 28 : i32
      %add3A_720 = vector.broadcast %add3A_719 : i32 to vector<16xi32>
      %add3A_721 = arith.addi %get3A_291, %add3A_720 : vector<16xi32>
      %gather3A_722 = tpu.vector_load_idx %arg10[%add3A_280, %add3A_721] : memref<256x128xf32, #tpu.memory_space<vmem>>[vector<16xi32>, vector<16xi32>], vector<16xf32>,
      %add3A_723 = arith.constant 28 : i32
      %add3A_724 = vector.broadcast %add3A_723 : i32 to vector<16xi32>
      %add3A_725 = arith.addi %get3A_295, %add3A_724 : vector<16xi32>
      %gather3A_726 = tpu.vector_load_idx %arg11[%add3A_280, %add3A_725] : memref<256x128xf32, #tpu.memory_space<vmem>>[vector<16xi32>, vector<16xi32>], vector<16xf32>,
      %sub3A_727 = arith.subf %gather3A_722, %gather3A_726 : vector<16xf32>
      %mul3A_728 = arith.mulf %gather3A_718, %sub3A_727 : vector<16xf32>
      %add3A_729 = arith.addf %add3A_714, %mul3A_728 : vector<16xf32>
      %add3A_730 = arith.constant 29 : i32
      %add3A_731 = vector.broadcast %add3A_730 : i32 to vector<16xi32>
      %add3A_732 = arith.addi %get3A_287, %add3A_731 : vector<16xi32>
      %gather3A_733 = tpu.vector_load_idx %arg9[%add3A_280, %add3A_732] : memref<256x128xf32, #tpu.memory_space<vmem>>[vector<16xi32>, vector<16xi32>], vector<16xf32>,
      %add3A_734 = arith.constant 29 : i32
      %add3A_735 = vector.broadcast %add3A_734 : i32 to vector<16xi32>
      %add3A_736 = arith.addi %get3A_291, %add3A_735 : vector<16xi32>
      %gather3A_737 = tpu.vector_load_idx %arg10[%add3A_280, %add3A_736] : memref<256x128xf32, #tpu.memory_space<vmem>>[vector<16xi32>, vector<16xi32>], vector<16xf32>,
      %add3A_738 = arith.constant 29 : i32
      %add3A_739 = vector.broadcast %add3A_738 : i32 to vector<16xi32>
      %add3A_740 = arith.addi %get3A_295, %add3A_739 : vector<16xi32>
      %gather3A_741 = tpu.vector_load_idx %arg11[%add3A_280, %add3A_740] : memref<256x128xf32, #tpu.memory_space<vmem>>[vector<16xi32>, vector<16xi32>], vector<16xf32>,
      %sub3A_742 = arith.subf %gather3A_737, %gather3A_741 : vector<16xf32>
      %mul3A_743 = arith.mulf %gather3A_733, %sub3A_742 : vector<16xf32>
      %add3A_744 = arith.addf %add3A_729, %mul3A_743 : vector<16xf32>
      %add3A_745 = arith.constant 30 : i32
      %add3A_746 = vector.broadcast %add3A_745 : i32 to vector<16xi32>
      %add3A_747 = arith.addi %get3A_287, %add3A_746 : vector<16xi32>
      %gather3A_748 = tpu.vector_load_idx %arg9[%add3A_280, %add3A_747] : memref<256x128xf32, #tpu.memory_space<vmem>>[vector<16xi32>, vector<16xi32>], vector<16xf32>,
      %add3A_749 = arith.constant 30 : i32
      %add3A_750 = vector.broadcast %add3A_749 : i32 to vector<16xi32>
      %add3A_751 = arith.addi %get3A_291, %add3A_750 : vector<16xi32>
      %gather3A_752 = tpu.vector_load_idx %arg10[%add3A_280, %add3A_751] : memref<256x128xf32, #tpu.memory_space<vmem>>[vector<16xi32>, vector<16xi32>], vector<16xf32>,
      %add3A_753 = arith.constant 30 : i32
      %add3A_754 = vector.broadcast %add3A_753 : i32 to vector<16xi32>
      %add3A_755 = arith.addi %get3A_295, %add3A_754 : vector<16xi32>
      %gather3A_756 = tpu.vector_load_idx %arg11[%add3A_280, %add3A_755] : memref<256x128xf32, #tpu.memory_space<vmem>>[vector<16xi32>, vector<16xi32>], vector<16xf32>,
      %sub3A_757 = arith.subf %gather3A_752, %gather3A_756 : vector<16xf32>
      %mul3A_758 = arith.mulf %gather3A_748, %sub3A_757 : vector<16xf32>
      %add3A_759 = arith.addf %add3A_744, %mul3A_758 : vector<16xf32>
      %add3A_760 = arith.constant 31 : i32
      %add3A_761 = vector.broadcast %add3A_760 : i32 to vector<16xi32>
      %add3A_762 = arith.addi %get3A_287, %add3A_761 : vector<16xi32>
      %gather3A_763 = tpu.vector_load_idx %arg9[%add3A_280, %add3A_762] : memref<256x128xf32, #tpu.memory_space<vmem>>[vector<16xi32>, vector<16xi32>], vector<16xf32>,
      %add3A_764 = arith.constant 31 : i32
      %add3A_765 = vector.broadcast %add3A_764 : i32 to vector<16xi32>
      %add3A_766 = arith.addi %get3A_291, %add3A_765 : vector<16xi32>
      %gather3A_767 = tpu.vector_load_idx %arg10[%add3A_280, %add3A_766] : memref<256x128xf32, #tpu.memory_space<vmem>>[vector<16xi32>, vector<16xi32>], vector<16xf32>,
      %add3A_768 = arith.constant 31 : i32
      %add3A_769 = vector.broadcast %add3A_768 : i32 to vector<16xi32>
      %add3A_770 = arith.addi %get3A_295, %add3A_769 : vector<16xi32>
      %gather3A_771 = tpu.vector_load_idx %arg11[%add3A_280, %add3A_770] : memref<256x128xf32, #tpu.memory_space<vmem>>[vector<16xi32>, vector<16xi32>], vector<16xf32>,
      %sub3A_772 = arith.subf %gather3A_767, %gather3A_771 : vector<16xf32>
      %mul3A_773 = arith.mulf %gather3A_763, %sub3A_772 : vector<16xf32>
      %add3A_774 = arith.addf %add3A_759, %mul3A_773 : vector<16xf32>
      %add3A_775 = arith.constant 32 : i32
      %add3A_776 = vector.broadcast %add3A_775 : i32 to vector<16xi32>
      %add3A_777 = arith.addi %get3A_287, %add3A_776 : vector<16xi32>
      %gather3A_778 = tpu.vector_load_idx %arg9[%add3A_280, %add3A_777] : memref<256x128xf32, #tpu.memory_space<vmem>>[vector<16xi32>, vector<16xi32>], vector<16xf32>,
      %add3A_779 = arith.constant 32 : i32
      %add3A_780 = vector.broadcast %add3A_779 : i32 to vector<16xi32>
      %add3A_781 = arith.addi %get3A_291, %add3A_780 : vector<16xi32>
      %gather3A_782 = tpu.vector_load_idx %arg10[%add3A_280, %add3A_781] : memref<256x128xf32, #tpu.memory_space<vmem>>[vector<16xi32>, vector<16xi32>], vector<16xf32>,
      %add3A_783 = arith.constant 32 : i32
      %add3A_784 = vector.broadcast %add3A_783 : i32 to vector<16xi32>
      %add3A_785 = arith.addi %get3A_295, %add3A_784 : vector<16xi32>
      %gather3A_786 = tpu.vector_load_idx %arg11[%add3A_280, %add3A_785] : memref<256x128xf32, #tpu.memory_space<vmem>>[vector<16xi32>, vector<16xi32>], vector<16xf32>,
      %sub3A_787 = arith.subf %gather3A_782, %gather3A_786 : vector<16xf32>
      %mul3A_788 = arith.mulf %gather3A_778, %sub3A_787 : vector<16xf32>
      %add3A_789 = arith.addf %add3A_774, %mul3A_788 : vector<16xf32>
      %add3A_790 = arith.constant 33 : i32
      %add3A_791 = vector.broadcast %add3A_790 : i32 to vector<16xi32>
      %add3A_792 = arith.addi %get3A_287, %add3A_791 : vector<16xi32>
      %gather3A_793 = tpu.vector_load_idx %arg9[%add3A_280, %add3A_792] : memref<256x128xf32, #tpu.memory_space<vmem>>[vector<16xi32>, vector<16xi32>], vector<16xf32>,
      %add3A_794 = arith.constant 33 : i32
      %add3A_795 = vector.broadcast %add3A_794 : i32 to vector<16xi32>
      %add3A_796 = arith.addi %get3A_291, %add3A_795 : vector<16xi32>
      %gather3A_797 = tpu.vector_load_idx %arg10[%add3A_280, %add3A_796] : memref<256x128xf32, #tpu.memory_space<vmem>>[vector<16xi32>, vector<16xi32>], vector<16xf32>,
      %add3A_798 = arith.constant 33 : i32
      %add3A_799 = vector.broadcast %add3A_798 : i32 to vector<16xi32>
      %add3A_800 = arith.addi %get3A_295, %add3A_799 : vector<16xi32>
      %gather3A_801 = tpu.vector_load_idx %arg11[%add3A_280, %add3A_800] : memref<256x128xf32, #tpu.memory_space<vmem>>[vector<16xi32>, vector<16xi32>], vector<16xf32>,
      %sub3A_802 = arith.subf %gather3A_797, %gather3A_801 : vector<16xf32>
      %mul3A_803 = arith.mulf %gather3A_793, %sub3A_802 : vector<16xf32>
      %add3A_804 = arith.addf %add3A_789, %mul3A_803 : vector<16xf32>
      %add3A_805 = arith.constant 34 : i32
      %add3A_806 = vector.broadcast %add3A_805 : i32 to vector<16xi32>
      %add3A_807 = arith.addi %get3A_287, %add3A_806 : vector<16xi32>
      %gather3A_808 = tpu.vector_load_idx %arg9[%add3A_280, %add3A_807] : memref<256x128xf32, #tpu.memory_space<vmem>>[vector<16xi32>, vector<16xi32>], vector<16xf32>,
      %add3A_809 = arith.constant 34 : i32
      %add3A_810 = vector.broadcast %add3A_809 : i32 to vector<16xi32>
      %add3A_811 = arith.addi %get3A_291, %add3A_810 : vector<16xi32>
      %gather3A_812 = tpu.vector_load_idx %arg10[%add3A_280, %add3A_811] : memref<256x128xf32, #tpu.memory_space<vmem>>[vector<16xi32>, vector<16xi32>], vector<16xf32>,
      %add3A_813 = arith.constant 34 : i32
      %add3A_814 = vector.broadcast %add3A_813 : i32 to vector<16xi32>
      %add3A_815 = arith.addi %get3A_295, %add3A_814 : vector<16xi32>
      %gather3A_816 = tpu.vector_load_idx %arg11[%add3A_280, %add3A_815] : memref<256x128xf32, #tpu.memory_space<vmem>>[vector<16xi32>, vector<16xi32>], vector<16xf32>,
      %sub3A_817 = arith.subf %gather3A_812, %gather3A_816 : vector<16xf32>
      %mul3A_818 = arith.mulf %gather3A_808, %sub3A_817 : vector<16xf32>
      %add3A_819 = arith.addf %add3A_804, %mul3A_818 : vector<16xf32>
      %add3A_820 = arith.constant 35 : i32
      %add3A_821 = vector.broadcast %add3A_820 : i32 to vector<16xi32>
      %add3A_822 = arith.addi %get3A_287, %add3A_821 : vector<16xi32>
      %gather3A_823 = tpu.vector_load_idx %arg9[%add3A_280, %add3A_822] : memref<256x128xf32, #tpu.memory_space<vmem>>[vector<16xi32>, vector<16xi32>], vector<16xf32>,
      %add3A_824 = arith.constant 35 : i32
      %add3A_825 = vector.broadcast %add3A_824 : i32 to vector<16xi32>
      %add3A_826 = arith.addi %get3A_291, %add3A_825 : vector<16xi32>
      %gather3A_827 = tpu.vector_load_idx %arg10[%add3A_280, %add3A_826] : memref<256x128xf32, #tpu.memory_space<vmem>>[vector<16xi32>, vector<16xi32>], vector<16xf32>,
      %add3A_828 = arith.constant 35 : i32
      %add3A_829 = vector.broadcast %add3A_828 : i32 to vector<16xi32>
      %add3A_830 = arith.addi %get3A_295, %add3A_829 : vector<16xi32>
      %gather3A_831 = tpu.vector_load_idx %arg11[%add3A_280, %add3A_830] : memref<256x128xf32, #tpu.memory_space<vmem>>[vector<16xi32>, vector<16xi32>], vector<16xf32>,
      %sub3A_832 = arith.subf %gather3A_827, %gather3A_831 : vector<16xf32>
      %mul3A_833 = arith.mulf %gather3A_823, %sub3A_832 : vector<16xf32>
      %add3A_834 = arith.addf %add3A_819, %mul3A_833 : vector<16xf32>
      %add3A_835 = arith.constant 36 : i32
      %add3A_836 = vector.broadcast %add3A_835 : i32 to vector<16xi32>
      %add3A_837 = arith.addi %get3A_287, %add3A_836 : vector<16xi32>
      %gather3A_838 = tpu.vector_load_idx %arg9[%add3A_280, %add3A_837] : memref<256x128xf32, #tpu.memory_space<vmem>>[vector<16xi32>, vector<16xi32>], vector<16xf32>,
      %add3A_839 = arith.constant 36 : i32
      %add3A_840 = vector.broadcast %add3A_839 : i32 to vector<16xi32>
      %add3A_841 = arith.addi %get3A_291, %add3A_840 : vector<16xi32>
      %gather3A_842 = tpu.vector_load_idx %arg10[%add3A_280, %add3A_841] : memref<256x128xf32, #tpu.memory_space<vmem>>[vector<16xi32>, vector<16xi32>], vector<16xf32>,
      %add3A_843 = arith.constant 36 : i32
      %add3A_844 = vector.broadcast %add3A_843 : i32 to vector<16xi32>
      %add3A_845 = arith.addi %get3A_295, %add3A_844 : vector<16xi32>
      %gather3A_846 = tpu.vector_load_idx %arg11[%add3A_280, %add3A_845] : memref<256x128xf32, #tpu.memory_space<vmem>>[vector<16xi32>, vector<16xi32>], vector<16xf32>,
      %sub3A_847 = arith.subf %gather3A_842, %gather3A_846 : vector<16xf32>
      %mul3A_848 = arith.mulf %gather3A_838, %sub3A_847 : vector<16xf32>
      %add3A_849 = arith.addf %add3A_834, %mul3A_848 : vector<16xf32>
      %add3A_850 = arith.constant 37 : i32
      %add3A_851 = vector.broadcast %add3A_850 : i32 to vector<16xi32>
      %add3A_852 = arith.addi %get3A_287, %add3A_851 : vector<16xi32>
      %gather3A_853 = tpu.vector_load_idx %arg9[%add3A_280, %add3A_852] : memref<256x128xf32, #tpu.memory_space<vmem>>[vector<16xi32>, vector<16xi32>], vector<16xf32>,
      %add3A_854 = arith.constant 37 : i32
      %add3A_855 = vector.broadcast %add3A_854 : i32 to vector<16xi32>
      %add3A_856 = arith.addi %get3A_291, %add3A_855 : vector<16xi32>
      %gather3A_857 = tpu.vector_load_idx %arg10[%add3A_280, %add3A_856] : memref<256x128xf32, #tpu.memory_space<vmem>>[vector<16xi32>, vector<16xi32>], vector<16xf32>,
      %add3A_858 = arith.constant 37 : i32
      %add3A_859 = vector.broadcast %add3A_858 : i32 to vector<16xi32>
      %add3A_860 = arith.addi %get3A_295, %add3A_859 : vector<16xi32>
      %gather3A_861 = tpu.vector_load_idx %arg11[%add3A_280, %add3A_860] : memref<256x128xf32, #tpu.memory_space<vmem>>[vector<16xi32>, vector<16xi32>], vector<16xf32>,
      %sub3A_862 = arith.subf %gather3A_857, %gather3A_861 : vector<16xf32>
      %mul3A_863 = arith.mulf %gather3A_853, %sub3A_862 : vector<16xf32>
      %add3A_864 = arith.addf %add3A_849, %mul3A_863 : vector<16xf32>
      %add3A_865 = arith.constant 38 : i32
      %add3A_866 = vector.broadcast %add3A_865 : i32 to vector<16xi32>
      %add3A_867 = arith.addi %get3A_287, %add3A_866 : vector<16xi32>
      %gather3A_868 = tpu.vector_load_idx %arg9[%add3A_280, %add3A_867] : memref<256x128xf32, #tpu.memory_space<vmem>>[vector<16xi32>, vector<16xi32>], vector<16xf32>,
      %add3A_869 = arith.constant 38 : i32
      %add3A_870 = vector.broadcast %add3A_869 : i32 to vector<16xi32>
      %add3A_871 = arith.addi %get3A_291, %add3A_870 : vector<16xi32>
      %gather3A_872 = tpu.vector_load_idx %arg10[%add3A_280, %add3A_871] : memref<256x128xf32, #tpu.memory_space<vmem>>[vector<16xi32>, vector<16xi32>], vector<16xf32>,
      %add3A_873 = arith.constant 38 : i32
      %add3A_874 = vector.broadcast %add3A_873 : i32 to vector<16xi32>
      %add3A_875 = arith.addi %get3A_295, %add3A_874 : vector<16xi32>
      %gather3A_876 = tpu.vector_load_idx %arg11[%add3A_280, %add3A_875] : memref<256x128xf32, #tpu.memory_space<vmem>>[vector<16xi32>, vector<16xi32>], vector<16xf32>,
      %sub3A_877 = arith.subf %gather3A_872, %gather3A_876 : vector<16xf32>
      %mul3A_878 = arith.mulf %gather3A_868, %sub3A_877 : vector<16xf32>
      %add3A_879 = arith.addf %add3A_864, %mul3A_878 : vector<16xf32>
      %add3A_880 = arith.constant 39 : i32
      %add3A_881 = vector.broadcast %add3A_880 : i32 to vector<16xi32>
      %add3A_882 = arith.addi %get3A_287, %add3A_881 : vector<16xi32>
      %gather3A_883 = tpu.vector_load_idx %arg9[%add3A_280, %add3A_882] : memref<256x128xf32, #tpu.memory_space<vmem>>[vector<16xi32>, vector<16xi32>], vector<16xf32>,
      %add3A_884 = arith.constant 39 : i32
      %add3A_885 = vector.broadcast %add3A_884 : i32 to vector<16xi32>
      %add3A_886 = arith.addi %get3A_291, %add3A_885 : vector<16xi32>
      %gather3A_887 = tpu.vector_load_idx %arg10[%add3A_280, %add3A_886] : memref<256x128xf32, #tpu.memory_space<vmem>>[vector<16xi32>, vector<16xi32>], vector<16xf32>,
      %add3A_888 = arith.constant 39 : i32
      %add3A_889 = vector.broadcast %add3A_888 : i32 to vector<16xi32>
      %add3A_890 = arith.addi %get3A_295, %add3A_889 : vector<16xi32>
      %gather3A_891 = tpu.vector_load_idx %arg11[%add3A_280, %add3A_890] : memref<256x128xf32, #tpu.memory_space<vmem>>[vector<16xi32>, vector<16xi32>], vector<16xf32>,
      %sub3A_892 = arith.subf %gather3A_887, %gather3A_891 : vector<16xf32>
      %mul3A_893 = arith.mulf %gather3A_883, %sub3A_892 : vector<16xf32>
      %add3A_894 = arith.addf %add3A_879, %mul3A_893 : vector<16xf32>
      %add3A_895 = arith.constant 40 : i32
      %add3A_896 = vector.broadcast %add3A_895 : i32 to vector<16xi32>
      %add3A_897 = arith.addi %get3A_287, %add3A_896 : vector<16xi32>
      %gather3A_898 = tpu.vector_load_idx %arg9[%add3A_280, %add3A_897] : memref<256x128xf32, #tpu.memory_space<vmem>>[vector<16xi32>, vector<16xi32>], vector<16xf32>,
      %add3A_899 = arith.constant 40 : i32
      %add3A_900 = vector.broadcast %add3A_899 : i32 to vector<16xi32>
      %add3A_901 = arith.addi %get3A_291, %add3A_900 : vector<16xi32>
      %gather3A_902 = tpu.vector_load_idx %arg10[%add3A_280, %add3A_901] : memref<256x128xf32, #tpu.memory_space<vmem>>[vector<16xi32>, vector<16xi32>], vector<16xf32>,
      %add3A_903 = arith.constant 40 : i32
      %add3A_904 = vector.broadcast %add3A_903 : i32 to vector<16xi32>
      %add3A_905 = arith.addi %get3A_295, %add3A_904 : vector<16xi32>
      %gather3A_906 = tpu.vector_load_idx %arg11[%add3A_280, %add3A_905] : memref<256x128xf32, #tpu.memory_space<vmem>>[vector<16xi32>, vector<16xi32>], vector<16xf32>,
      %sub3A_907 = arith.subf %gather3A_902, %gather3A_906 : vector<16xf32>
      %mul3A_908 = arith.mulf %gather3A_898, %sub3A_907 : vector<16xf32>
      %add3A_909 = arith.addf %add3A_894, %mul3A_908 : vector<16xf32>
      %add3A_910 = arith.constant 41 : i32
      %add3A_911 = vector.broadcast %add3A_910 : i32 to vector<16xi32>
      %add3A_912 = arith.addi %get3A_287, %add3A_911 : vector<16xi32>
      %gather3A_913 = tpu.vector_load_idx %arg9[%add3A_280, %add3A_912] : memref<256x128xf32, #tpu.memory_space<vmem>>[vector<16xi32>, vector<16xi32>], vector<16xf32>,
      %add3A_914 = arith.constant 41 : i32
      %add3A_915 = vector.broadcast %add3A_914 : i32 to vector<16xi32>
      %add3A_916 = arith.addi %get3A_291, %add3A_915 : vector<16xi32>
      %gather3A_917 = tpu.vector_load_idx %arg10[%add3A_280, %add3A_916] : memref<256x128xf32, #tpu.memory_space<vmem>>[vector<16xi32>, vector<16xi32>], vector<16xf32>,
      %add3A_918 = arith.constant 41 : i32
      %add3A_919 = vector.broadcast %add3A_918 : i32 to vector<16xi32>
      %add3A_920 = arith.addi %get3A_295, %add3A_919 : vector<16xi32>
      %gather3A_921 = tpu.vector_load_idx %arg11[%add3A_280, %add3A_920] : memref<256x128xf32, #tpu.memory_space<vmem>>[vector<16xi32>, vector<16xi32>], vector<16xf32>,
      %sub3A_922 = arith.subf %gather3A_917, %gather3A_921 : vector<16xf32>
      %mul3A_923 = arith.mulf %gather3A_913, %sub3A_922 : vector<16xf32>
      %add3A_924 = arith.addf %add3A_909, %mul3A_923 : vector<16xf32>
      %add3A_925 = arith.constant 42 : i32
      %add3A_926 = vector.broadcast %add3A_925 : i32 to vector<16xi32>
      %add3A_927 = arith.addi %get3A_287, %add3A_926 : vector<16xi32>
      %gather3A_928 = tpu.vector_load_idx %arg9[%add3A_280, %add3A_927] : memref<256x128xf32, #tpu.memory_space<vmem>>[vector<16xi32>, vector<16xi32>], vector<16xf32>,
      %add3A_929 = arith.constant 42 : i32
      %add3A_930 = vector.broadcast %add3A_929 : i32 to vector<16xi32>
      %add3A_931 = arith.addi %get3A_291, %add3A_930 : vector<16xi32>
      %gather3A_932 = tpu.vector_load_idx %arg10[%add3A_280, %add3A_931] : memref<256x128xf32, #tpu.memory_space<vmem>>[vector<16xi32>, vector<16xi32>], vector<16xf32>,
      %add3A_933 = arith.constant 42 : i32
      %add3A_934 = vector.broadcast %add3A_933 : i32 to vector<16xi32>
      %add3A_935 = arith.addi %get3A_295, %add3A_934 : vector<16xi32>
      %gather3A_936 = tpu.vector_load_idx %arg11[%add3A_280, %add3A_935] : memref<256x128xf32, #tpu.memory_space<vmem>>[vector<16xi32>, vector<16xi32>], vector<16xf32>,
      %sub3A_937 = arith.subf %gather3A_932, %gather3A_936 : vector<16xf32>
      %mul3A_938 = arith.mulf %gather3A_928, %sub3A_937 : vector<16xf32>
      %add3A_939 = arith.addf %add3A_924, %mul3A_938 : vector<16xf32>
      %add3A_940 = arith.constant 43 : i32
      %add3A_941 = vector.broadcast %add3A_940 : i32 to vector<16xi32>
      %add3A_942 = arith.addi %get3A_287, %add3A_941 : vector<16xi32>
      %gather3A_943 = tpu.vector_load_idx %arg9[%add3A_280, %add3A_942] : memref<256x128xf32, #tpu.memory_space<vmem>>[vector<16xi32>, vector<16xi32>], vector<16xf32>,
      %add3A_944 = arith.constant 43 : i32
      %add3A_945 = vector.broadcast %add3A_944 : i32 to vector<16xi32>
      %add3A_946 = arith.addi %get3A_291, %add3A_945 : vector<16xi32>
      %gather3A_947 = tpu.vector_load_idx %arg10[%add3A_280, %add3A_946] : memref<256x128xf32, #tpu.memory_space<vmem>>[vector<16xi32>, vector<16xi32>], vector<16xf32>,
      %add3A_948 = arith.constant 43 : i32
      %add3A_949 = vector.broadcast %add3A_948 : i32 to vector<16xi32>
      %add3A_950 = arith.addi %get3A_295, %add3A_949 : vector<16xi32>
      %gather3A_951 = tpu.vector_load_idx %arg11[%add3A_280, %add3A_950] : memref<256x128xf32, #tpu.memory_space<vmem>>[vector<16xi32>, vector<16xi32>], vector<16xf32>,
      %sub3A_952 = arith.subf %gather3A_947, %gather3A_951 : vector<16xf32>
      %mul3A_953 = arith.mulf %gather3A_943, %sub3A_952 : vector<16xf32>
      %add3A_954 = arith.addf %add3A_939, %mul3A_953 : vector<16xf32>
      %add3A_955 = arith.constant 44 : i32
      %add3A_956 = vector.broadcast %add3A_955 : i32 to vector<16xi32>
      %add3A_957 = arith.addi %get3A_287, %add3A_956 : vector<16xi32>
      %gather3A_958 = tpu.vector_load_idx %arg9[%add3A_280, %add3A_957] : memref<256x128xf32, #tpu.memory_space<vmem>>[vector<16xi32>, vector<16xi32>], vector<16xf32>,
      %add3A_959 = arith.constant 44 : i32
      %add3A_960 = vector.broadcast %add3A_959 : i32 to vector<16xi32>
      %add3A_961 = arith.addi %get3A_291, %add3A_960 : vector<16xi32>
      %gather3A_962 = tpu.vector_load_idx %arg10[%add3A_280, %add3A_961] : memref<256x128xf32, #tpu.memory_space<vmem>>[vector<16xi32>, vector<16xi32>], vector<16xf32>,
      %add3A_963 = arith.constant 44 : i32
      %add3A_964 = vector.broadcast %add3A_963 : i32 to vector<16xi32>
      %add3A_965 = arith.addi %get3A_295, %add3A_964 : vector<16xi32>
      %gather3A_966 = tpu.vector_load_idx %arg11[%add3A_280, %add3A_965] : memref<256x128xf32, #tpu.memory_space<vmem>>[vector<16xi32>, vector<16xi32>], vector<16xf32>,
      %sub3A_967 = arith.subf %gather3A_962, %gather3A_966 : vector<16xf32>
      %mul3A_968 = arith.mulf %gather3A_958, %sub3A_967 : vector<16xf32>
      %add3A_969 = arith.addf %add3A_954, %mul3A_968 : vector<16xf32>
      %add3A_970 = arith.constant 45 : i32
      %add3A_971 = vector.broadcast %add3A_970 : i32 to vector<16xi32>
      %add3A_972 = arith.addi %get3A_287, %add3A_971 : vector<16xi32>
      %gather3A_973 = tpu.vector_load_idx %arg9[%add3A_280, %add3A_972] : memref<256x128xf32, #tpu.memory_space<vmem>>[vector<16xi32>, vector<16xi32>], vector<16xf32>,
      %add3A_974 = arith.constant 45 : i32
      %add3A_975 = vector.broadcast %add3A_974 : i32 to vector<16xi32>
      %add3A_976 = arith.addi %get3A_291, %add3A_975 : vector<16xi32>
      %gather3A_977 = tpu.vector_load_idx %arg10[%add3A_280, %add3A_976] : memref<256x128xf32, #tpu.memory_space<vmem>>[vector<16xi32>, vector<16xi32>], vector<16xf32>,
      %add3A_978 = arith.constant 45 : i32
      %add3A_979 = vector.broadcast %add3A_978 : i32 to vector<16xi32>
      %add3A_980 = arith.addi %get3A_295, %add3A_979 : vector<16xi32>
      %gather3A_981 = tpu.vector_load_idx %arg11[%add3A_280, %add3A_980] : memref<256x128xf32, #tpu.memory_space<vmem>>[vector<16xi32>, vector<16xi32>], vector<16xf32>,
      %sub3A_982 = arith.subf %gather3A_977, %gather3A_981 : vector<16xf32>
      %mul3A_983 = arith.mulf %gather3A_973, %sub3A_982 : vector<16xf32>
      %add3A_984 = arith.addf %add3A_969, %mul3A_983 : vector<16xf32>
      %add3A_985 = arith.constant 46 : i32
      %add3A_986 = vector.broadcast %add3A_985 : i32 to vector<16xi32>
      %add3A_987 = arith.addi %get3A_287, %add3A_986 : vector<16xi32>
      %gather3A_988 = tpu.vector_load_idx %arg9[%add3A_280, %add3A_987] : memref<256x128xf32, #tpu.memory_space<vmem>>[vector<16xi32>, vector<16xi32>], vector<16xf32>,
      %add3A_989 = arith.constant 46 : i32
      %add3A_990 = vector.broadcast %add3A_989 : i32 to vector<16xi32>
      %add3A_991 = arith.addi %get3A_291, %add3A_990 : vector<16xi32>
      %gather3A_992 = tpu.vector_load_idx %arg10[%add3A_280, %add3A_991] : memref<256x128xf32, #tpu.memory_space<vmem>>[vector<16xi32>, vector<16xi32>], vector<16xf32>,
      %add3A_993 = arith.constant 46 : i32
      %add3A_994 = vector.broadcast %add3A_993 : i32 to vector<16xi32>
      %add3A_995 = arith.addi %get3A_295, %add3A_994 : vector<16xi32>
      %gather3A_996 = tpu.vector_load_idx %arg11[%add3A_280, %add3A_995] : memref<256x128xf32, #tpu.memory_space<vmem>>[vector<16xi32>, vector<16xi32>], vector<16xf32>,
      %sub3A_997 = arith.subf %gather3A_992, %gather3A_996 : vector<16xf32>
      %mul3A_998 = arith.mulf %gather3A_988, %sub3A_997 : vector<16xf32>
      %add3A_999 = arith.addf %add3A_984, %mul3A_998 : vector<16xf32>
      %add3A_1000 = arith.constant 47 : i32
      %add3A_1001 = vector.broadcast %add3A_1000 : i32 to vector<16xi32>
      %add3A_1002 = arith.addi %get3A_287, %add3A_1001 : vector<16xi32>
      %gather3A_1003 = tpu.vector_load_idx %arg9[%add3A_280, %add3A_1002] : memref<256x128xf32, #tpu.memory_space<vmem>>[vector<16xi32>, vector<16xi32>], vector<16xf32>,
      %add3A_1004 = arith.constant 47 : i32
      %add3A_1005 = vector.broadcast %add3A_1004 : i32 to vector<16xi32>
      %add3A_1006 = arith.addi %get3A_291, %add3A_1005 : vector<16xi32>
      %gather3A_1007 = tpu.vector_load_idx %arg10[%add3A_280, %add3A_1006] : memref<256x128xf32, #tpu.memory_space<vmem>>[vector<16xi32>, vector<16xi32>], vector<16xf32>,
      %add3A_1008 = arith.constant 47 : i32
      %add3A_1009 = vector.broadcast %add3A_1008 : i32 to vector<16xi32>
      %add3A_1010 = arith.addi %get3A_295, %add3A_1009 : vector<16xi32>
      %gather3A_1011 = tpu.vector_load_idx %arg11[%add3A_280, %add3A_1010] : memref<256x128xf32, #tpu.memory_space<vmem>>[vector<16xi32>, vector<16xi32>], vector<16xf32>,
      %sub3A_1012 = arith.subf %gather3A_1007, %gather3A_1011 : vector<16xf32>
      %mul3A_1013 = arith.mulf %gather3A_1003, %sub3A_1012 : vector<16xf32>
      %add3A_1014 = arith.addf %add3A_999, %mul3A_1013 : vector<16xf32>
      %add3A_1015 = arith.constant 48 : i32
      %add3A_1016 = vector.broadcast %add3A_1015 : i32 to vector<16xi32>
      %add3A_1017 = arith.addi %get3A_287, %add3A_1016 : vector<16xi32>
      %gather3A_1018 = tpu.vector_load_idx %arg9[%add3A_280, %add3A_1017] : memref<256x128xf32, #tpu.memory_space<vmem>>[vector<16xi32>, vector<16xi32>], vector<16xf32>,
      %add3A_1019 = arith.constant 48 : i32
      %add3A_1020 = vector.broadcast %add3A_1019 : i32 to vector<16xi32>
      %add3A_1021 = arith.addi %get3A_291, %add3A_1020 : vector<16xi32>
      %gather3A_1022 = tpu.vector_load_idx %arg10[%add3A_280, %add3A_1021] : memref<256x128xf32, #tpu.memory_space<vmem>>[vector<16xi32>, vector<16xi32>], vector<16xf32>,
      %add3A_1023 = arith.constant 48 : i32
      %add3A_1024 = vector.broadcast %add3A_1023 : i32 to vector<16xi32>
      %add3A_1025 = arith.addi %get3A_295, %add3A_1024 : vector<16xi32>
      %gather3A_1026 = tpu.vector_load_idx %arg11[%add3A_280, %add3A_1025] : memref<256x128xf32, #tpu.memory_space<vmem>>[vector<16xi32>, vector<16xi32>], vector<16xf32>,
      %sub3A_1027 = arith.subf %gather3A_1022, %gather3A_1026 : vector<16xf32>
      %mul3A_1028 = arith.mulf %gather3A_1018, %sub3A_1027 : vector<16xf32>
      %add3A_1029 = arith.addf %add3A_1014, %mul3A_1028 : vector<16xf32>
      %add3A_1030 = arith.constant 49 : i32
      %add3A_1031 = vector.broadcast %add3A_1030 : i32 to vector<16xi32>
      %add3A_1032 = arith.addi %get3A_287, %add3A_1031 : vector<16xi32>
      %gather3A_1033 = tpu.vector_load_idx %arg9[%add3A_280, %add3A_1032] : memref<256x128xf32, #tpu.memory_space<vmem>>[vector<16xi32>, vector<16xi32>], vector<16xf32>,
      %add3A_1034 = arith.constant 49 : i32
      %add3A_1035 = vector.broadcast %add3A_1034 : i32 to vector<16xi32>
      %add3A_1036 = arith.addi %get3A_291, %add3A_1035 : vector<16xi32>
      %gather3A_1037 = tpu.vector_load_idx %arg10[%add3A_280, %add3A_1036] : memref<256x128xf32, #tpu.memory_space<vmem>>[vector<16xi32>, vector<16xi32>], vector<16xf32>,
      %add3A_1038 = arith.constant 49 : i32
      %add3A_1039 = vector.broadcast %add3A_1038 : i32 to vector<16xi32>
      %add3A_1040 = arith.addi %get3A_295, %add3A_1039 : vector<16xi32>
      %gather3A_1041 = tpu.vector_load_idx %arg11[%add3A_280, %add3A_1040] : memref<256x128xf32, #tpu.memory_space<vmem>>[vector<16xi32>, vector<16xi32>], vector<16xf32>,
      %sub3A_1042 = arith.subf %gather3A_1037, %gather3A_1041 : vector<16xf32>
      %mul3A_1043 = arith.mulf %gather3A_1033, %sub3A_1042 : vector<16xf32>
      %add3A_1044 = arith.addf %add3A_1029, %mul3A_1043 : vector<16xf32>
      %add3A_1045 = arith.constant 50 : i32
      %add3A_1046 = vector.broadcast %add3A_1045 : i32 to vector<16xi32>
      %add3A_1047 = arith.addi %get3A_287, %add3A_1046 : vector<16xi32>
      %gather3A_1048 = tpu.vector_load_idx %arg9[%add3A_280, %add3A_1047] : memref<256x128xf32, #tpu.memory_space<vmem>>[vector<16xi32>, vector<16xi32>], vector<16xf32>,
      %add3A_1049 = arith.constant 50 : i32
      %add3A_1050 = vector.broadcast %add3A_1049 : i32 to vector<16xi32>
      %add3A_1051 = arith.addi %get3A_291, %add3A_1050 : vector<16xi32>
      %gather3A_1052 = tpu.vector_load_idx %arg10[%add3A_280, %add3A_1051] : memref<256x128xf32, #tpu.memory_space<vmem>>[vector<16xi32>, vector<16xi32>], vector<16xf32>,
      %add3A_1053 = arith.constant 50 : i32
      %add3A_1054 = vector.broadcast %add3A_1053 : i32 to vector<16xi32>
      %add3A_1055 = arith.addi %get3A_295, %add3A_1054 : vector<16xi32>
      %gather3A_1056 = tpu.vector_load_idx %arg11[%add3A_280, %add3A_1055] : memref<256x128xf32, #tpu.memory_space<vmem>>[vector<16xi32>, vector<16xi32>], vector<16xf32>,
      %sub3A_1057 = arith.subf %gather3A_1052, %gather3A_1056 : vector<16xf32>
      %mul3A_1058 = arith.mulf %gather3A_1048, %sub3A_1057 : vector<16xf32>
      %add3A_1059 = arith.addf %add3A_1044, %mul3A_1058 : vector<16xf32>
      %add3A_1060 = arith.constant 51 : i32
      %add3A_1061 = vector.broadcast %add3A_1060 : i32 to vector<16xi32>
      %add3A_1062 = arith.addi %get3A_287, %add3A_1061 : vector<16xi32>
      %gather3A_1063 = tpu.vector_load_idx %arg9[%add3A_280, %add3A_1062] : memref<256x128xf32, #tpu.memory_space<vmem>>[vector<16xi32>, vector<16xi32>], vector<16xf32>,
      %add3A_1064 = arith.constant 51 : i32
      %add3A_1065 = vector.broadcast %add3A_1064 : i32 to vector<16xi32>
      %add3A_1066 = arith.addi %get3A_291, %add3A_1065 : vector<16xi32>
      %gather3A_1067 = tpu.vector_load_idx %arg10[%add3A_280, %add3A_1066] : memref<256x128xf32, #tpu.memory_space<vmem>>[vector<16xi32>, vector<16xi32>], vector<16xf32>,
      %add3A_1068 = arith.constant 51 : i32
      %add3A_1069 = vector.broadcast %add3A_1068 : i32 to vector<16xi32>
      %add3A_1070 = arith.addi %get3A_295, %add3A_1069 : vector<16xi32>
      %gather3A_1071 = tpu.vector_load_idx %arg11[%add3A_280, %add3A_1070] : memref<256x128xf32, #tpu.memory_space<vmem>>[vector<16xi32>, vector<16xi32>], vector<16xf32>,
      %sub3A_1072 = arith.subf %gather3A_1067, %gather3A_1071 : vector<16xf32>
      %mul3A_1073 = arith.mulf %gather3A_1063, %sub3A_1072 : vector<16xf32>
      %add3A_1074 = arith.addf %add3A_1059, %mul3A_1073 : vector<16xf32>
      %add3A_1075 = arith.constant 52 : i32
      %add3A_1076 = vector.broadcast %add3A_1075 : i32 to vector<16xi32>
      %add3A_1077 = arith.addi %get3A_287, %add3A_1076 : vector<16xi32>
      %gather3A_1078 = tpu.vector_load_idx %arg9[%add3A_280, %add3A_1077] : memref<256x128xf32, #tpu.memory_space<vmem>>[vector<16xi32>, vector<16xi32>], vector<16xf32>,
      %add3A_1079 = arith.constant 52 : i32
      %add3A_1080 = vector.broadcast %add3A_1079 : i32 to vector<16xi32>
      %add3A_1081 = arith.addi %get3A_291, %add3A_1080 : vector<16xi32>
      %gather3A_1082 = tpu.vector_load_idx %arg10[%add3A_280, %add3A_1081] : memref<256x128xf32, #tpu.memory_space<vmem>>[vector<16xi32>, vector<16xi32>], vector<16xf32>,
      %add3A_1083 = arith.constant 52 : i32
      %add3A_1084 = vector.broadcast %add3A_1083 : i32 to vector<16xi32>
      %add3A_1085 = arith.addi %get3A_295, %add3A_1084 : vector<16xi32>
      %gather3A_1086 = tpu.vector_load_idx %arg11[%add3A_280, %add3A_1085] : memref<256x128xf32, #tpu.memory_space<vmem>>[vector<16xi32>, vector<16xi32>], vector<16xf32>,
      %sub3A_1087 = arith.subf %gather3A_1082, %gather3A_1086 : vector<16xf32>
      %mul3A_1088 = arith.mulf %gather3A_1078, %sub3A_1087 : vector<16xf32>
      %add3A_1089 = arith.addf %add3A_1074, %mul3A_1088 : vector<16xf32>
      %add3A_1090 = arith.constant 53 : i32
      %add3A_1091 = vector.broadcast %add3A_1090 : i32 to vector<16xi32>
      %add3A_1092 = arith.addi %get3A_287, %add3A_1091 : vector<16xi32>
      %gather3A_1093 = tpu.vector_load_idx %arg9[%add3A_280, %add3A_1092] : memref<256x128xf32, #tpu.memory_space<vmem>>[vector<16xi32>, vector<16xi32>], vector<16xf32>,
      %add3A_1094 = arith.constant 53 : i32
      %add3A_1095 = vector.broadcast %add3A_1094 : i32 to vector<16xi32>
      %add3A_1096 = arith.addi %get3A_291, %add3A_1095 : vector<16xi32>
      %gather3A_1097 = tpu.vector_load_idx %arg10[%add3A_280, %add3A_1096] : memref<256x128xf32, #tpu.memory_space<vmem>>[vector<16xi32>, vector<16xi32>], vector<16xf32>,
      %add3A_1098 = arith.constant 53 : i32
      %add3A_1099 = vector.broadcast %add3A_1098 : i32 to vector<16xi32>
      %add3A_1100 = arith.addi %get3A_295, %add3A_1099 : vector<16xi32>
      %gather3A_1101 = tpu.vector_load_idx %arg11[%add3A_280, %add3A_1100] : memref<256x128xf32, #tpu.memory_space<vmem>>[vector<16xi32>, vector<16xi32>], vector<16xf32>,
      %sub3A_1102 = arith.subf %gather3A_1097, %gather3A_1101 : vector<16xf32>
      %mul3A_1103 = arith.mulf %gather3A_1093, %sub3A_1102 : vector<16xf32>
      %add3A_1104 = arith.addf %add3A_1089, %mul3A_1103 : vector<16xf32>
      %add3A_1105 = arith.constant 54 : i32
      %add3A_1106 = vector.broadcast %add3A_1105 : i32 to vector<16xi32>
      %add3A_1107 = arith.addi %get3A_287, %add3A_1106 : vector<16xi32>
      %gather3A_1108 = tpu.vector_load_idx %arg9[%add3A_280, %add3A_1107] : memref<256x128xf32, #tpu.memory_space<vmem>>[vector<16xi32>, vector<16xi32>], vector<16xf32>,
      %add3A_1109 = arith.constant 54 : i32
      %add3A_1110 = vector.broadcast %add3A_1109 : i32 to vector<16xi32>
      %add3A_1111 = arith.addi %get3A_291, %add3A_1110 : vector<16xi32>
      %gather3A_1112 = tpu.vector_load_idx %arg10[%add3A_280, %add3A_1111] : memref<256x128xf32, #tpu.memory_space<vmem>>[vector<16xi32>, vector<16xi32>], vector<16xf32>,
      %add3A_1113 = arith.constant 54 : i32
      %add3A_1114 = vector.broadcast %add3A_1113 : i32 to vector<16xi32>
      %add3A_1115 = arith.addi %get3A_295, %add3A_1114 : vector<16xi32>
      %gather3A_1116 = tpu.vector_load_idx %arg11[%add3A_280, %add3A_1115] : memref<256x128xf32, #tpu.memory_space<vmem>>[vector<16xi32>, vector<16xi32>], vector<16xf32>,
      %sub3A_1117 = arith.subf %gather3A_1112, %gather3A_1116 : vector<16xf32>
      %mul3A_1118 = arith.mulf %gather3A_1108, %sub3A_1117 : vector<16xf32>
      %add3A_1119 = arith.addf %add3A_1104, %mul3A_1118 : vector<16xf32>
      %add3A_1120 = arith.constant 55 : i32
      %add3A_1121 = vector.broadcast %add3A_1120 : i32 to vector<16xi32>
      %add3A_1122 = arith.addi %get3A_287, %add3A_1121 : vector<16xi32>
      %gather3A_1123 = tpu.vector_load_idx %arg9[%add3A_280, %add3A_1122] : memref<256x128xf32, #tpu.memory_space<vmem>>[vector<16xi32>, vector<16xi32>], vector<16xf32>,
      %add3A_1124 = arith.constant 55 : i32
      %add3A_1125 = vector.broadcast %add3A_1124 : i32 to vector<16xi32>
      %add3A_1126 = arith.addi %get3A_291, %add3A_1125 : vector<16xi32>
      %gather3A_1127 = tpu.vector_load_idx %arg10[%add3A_280, %add3A_1126] : memref<256x128xf32, #tpu.memory_space<vmem>>[vector<16xi32>, vector<16xi32>], vector<16xf32>,
      %add3A_1128 = arith.constant 55 : i32
      %add3A_1129 = vector.broadcast %add3A_1128 : i32 to vector<16xi32>
      %add3A_1130 = arith.addi %get3A_295, %add3A_1129 : vector<16xi32>
      %gather3A_1131 = tpu.vector_load_idx %arg11[%add3A_280, %add3A_1130] : memref<256x128xf32, #tpu.memory_space<vmem>>[vector<16xi32>, vector<16xi32>], vector<16xf32>,
      %sub3A_1132 = arith.subf %gather3A_1127, %gather3A_1131 : vector<16xf32>
      %mul3A_1133 = arith.mulf %gather3A_1123, %sub3A_1132 : vector<16xf32>
      %add3A_1134 = arith.addf %add3A_1119, %mul3A_1133 : vector<16xf32>
      %add3A_1135 = arith.constant 56 : i32
      %add3A_1136 = vector.broadcast %add3A_1135 : i32 to vector<16xi32>
      %add3A_1137 = arith.addi %get3A_287, %add3A_1136 : vector<16xi32>
      %gather3A_1138 = tpu.vector_load_idx %arg9[%add3A_280, %add3A_1137] : memref<256x128xf32, #tpu.memory_space<vmem>>[vector<16xi32>, vector<16xi32>], vector<16xf32>,
      %add3A_1139 = arith.constant 56 : i32
      %add3A_1140 = vector.broadcast %add3A_1139 : i32 to vector<16xi32>
      %add3A_1141 = arith.addi %get3A_291, %add3A_1140 : vector<16xi32>
      %gather3A_1142 = tpu.vector_load_idx %arg10[%add3A_280, %add3A_1141] : memref<256x128xf32, #tpu.memory_space<vmem>>[vector<16xi32>, vector<16xi32>], vector<16xf32>,
      %add3A_1143 = arith.constant 56 : i32
      %add3A_1144 = vector.broadcast %add3A_1143 : i32 to vector<16xi32>
      %add3A_1145 = arith.addi %get3A_295, %add3A_1144 : vector<16xi32>
      %gather3A_1146 = tpu.vector_load_idx %arg11[%add3A_280, %add3A_1145] : memref<256x128xf32, #tpu.memory_space<vmem>>[vector<16xi32>, vector<16xi32>], vector<16xf32>,
      %sub3A_1147 = arith.subf %gather3A_1142, %gather3A_1146 : vector<16xf32>
      %mul3A_1148 = arith.mulf %gather3A_1138, %sub3A_1147 : vector<16xf32>
      %add3A_1149 = arith.addf %add3A_1134, %mul3A_1148 : vector<16xf32>
      %add3A_1150 = arith.constant 57 : i32
      %add3A_1151 = vector.broadcast %add3A_1150 : i32 to vector<16xi32>
      %add3A_1152 = arith.addi %get3A_287, %add3A_1151 : vector<16xi32>
      %gather3A_1153 = tpu.vector_load_idx %arg9[%add3A_280, %add3A_1152] : memref<256x128xf32, #tpu.memory_space<vmem>>[vector<16xi32>, vector<16xi32>], vector<16xf32>,
      %add3A_1154 = arith.constant 57 : i32
      %add3A_1155 = vector.broadcast %add3A_1154 : i32 to vector<16xi32>
      %add3A_1156 = arith.addi %get3A_291, %add3A_1155 : vector<16xi32>
      %gather3A_1157 = tpu.vector_load_idx %arg10[%add3A_280, %add3A_1156] : memref<256x128xf32, #tpu.memory_space<vmem>>[vector<16xi32>, vector<16xi32>], vector<16xf32>,
      %add3A_1158 = arith.constant 57 : i32
      %add3A_1159 = vector.broadcast %add3A_1158 : i32 to vector<16xi32>
      %add3A_1160 = arith.addi %get3A_295, %add3A_1159 : vector<16xi32>
      %gather3A_1161 = tpu.vector_load_idx %arg11[%add3A_280, %add3A_1160] : memref<256x128xf32, #tpu.memory_space<vmem>>[vector<16xi32>, vector<16xi32>], vector<16xf32>,
      %sub3A_1162 = arith.subf %gather3A_1157, %gather3A_1161 : vector<16xf32>
      %mul3A_1163 = arith.mulf %gather3A_1153, %sub3A_1162 : vector<16xf32>
      %add3A_1164 = arith.addf %add3A_1149, %mul3A_1163 : vector<16xf32>
      %add3A_1165 = arith.constant 58 : i32
      %add3A_1166 = vector.broadcast %add3A_1165 : i32 to vector<16xi32>
      %add3A_1167 = arith.addi %get3A_287, %add3A_1166 : vector<16xi32>
      %gather3A_1168 = tpu.vector_load_idx %arg9[%add3A_280, %add3A_1167] : memref<256x128xf32, #tpu.memory_space<vmem>>[vector<16xi32>, vector<16xi32>], vector<16xf32>,
      %add3A_1169 = arith.constant 58 : i32
      %add3A_1170 = vector.broadcast %add3A_1169 : i32 to vector<16xi32>
      %add3A_1171 = arith.addi %get3A_291, %add3A_1170 : vector<16xi32>
      %gather3A_1172 = tpu.vector_load_idx %arg10[%add3A_280, %add3A_1171] : memref<256x128xf32, #tpu.memory_space<vmem>>[vector<16xi32>, vector<16xi32>], vector<16xf32>,
      %add3A_1173 = arith.constant 58 : i32
      %add3A_1174 = vector.broadcast %add3A_1173 : i32 to vector<16xi32>
      %add3A_1175 = arith.addi %get3A_295, %add3A_1174 : vector<16xi32>
      %gather3A_1176 = tpu.vector_load_idx %arg11[%add3A_280, %add3A_1175] : memref<256x128xf32, #tpu.memory_space<vmem>>[vector<16xi32>, vector<16xi32>], vector<16xf32>,
      %sub3A_1177 = arith.subf %gather3A_1172, %gather3A_1176 : vector<16xf32>
      %mul3A_1178 = arith.mulf %gather3A_1168, %sub3A_1177 : vector<16xf32>
      %add3A_1179 = arith.addf %add3A_1164, %mul3A_1178 : vector<16xf32>
      %add3A_1180 = arith.constant 59 : i32
      %add3A_1181 = vector.broadcast %add3A_1180 : i32 to vector<16xi32>
      %add3A_1182 = arith.addi %get3A_287, %add3A_1181 : vector<16xi32>
      %gather3A_1183 = tpu.vector_load_idx %arg9[%add3A_280, %add3A_1182] : memref<256x128xf32, #tpu.memory_space<vmem>>[vector<16xi32>, vector<16xi32>], vector<16xf32>,
      %add3A_1184 = arith.constant 59 : i32
      %add3A_1185 = vector.broadcast %add3A_1184 : i32 to vector<16xi32>
      %add3A_1186 = arith.addi %get3A_291, %add3A_1185 : vector<16xi32>
      %gather3A_1187 = tpu.vector_load_idx %arg10[%add3A_280, %add3A_1186] : memref<256x128xf32, #tpu.memory_space<vmem>>[vector<16xi32>, vector<16xi32>], vector<16xf32>,
      %add3A_1188 = arith.constant 59 : i32
      %add3A_1189 = vector.broadcast %add3A_1188 : i32 to vector<16xi32>
      %add3A_1190 = arith.addi %get3A_295, %add3A_1189 : vector<16xi32>
      %gather3A_1191 = tpu.vector_load_idx %arg11[%add3A_280, %add3A_1190] : memref<256x128xf32, #tpu.memory_space<vmem>>[vector<16xi32>, vector<16xi32>], vector<16xf32>,
      %sub3A_1192 = arith.subf %gather3A_1187, %gather3A_1191 : vector<16xf32>
      %mul3A_1193 = arith.mulf %gather3A_1183, %sub3A_1192 : vector<16xf32>
      %add3A_1194 = arith.addf %add3A_1179, %mul3A_1193 : vector<16xf32>
      %add3A_1195 = arith.constant 60 : i32
      %add3A_1196 = vector.broadcast %add3A_1195 : i32 to vector<16xi32>
      %add3A_1197 = arith.addi %get3A_287, %add3A_1196 : vector<16xi32>
      %gather3A_1198 = tpu.vector_load_idx %arg9[%add3A_280, %add3A_1197] : memref<256x128xf32, #tpu.memory_space<vmem>>[vector<16xi32>, vector<16xi32>], vector<16xf32>,
      %add3A_1199 = arith.constant 60 : i32
      %add3A_1200 = vector.broadcast %add3A_1199 : i32 to vector<16xi32>
      %add3A_1201 = arith.addi %get3A_291, %add3A_1200 : vector<16xi32>
      %gather3A_1202 = tpu.vector_load_idx %arg10[%add3A_280, %add3A_1201] : memref<256x128xf32, #tpu.memory_space<vmem>>[vector<16xi32>, vector<16xi32>], vector<16xf32>,
      %add3A_1203 = arith.constant 60 : i32
      %add3A_1204 = vector.broadcast %add3A_1203 : i32 to vector<16xi32>
      %add3A_1205 = arith.addi %get3A_295, %add3A_1204 : vector<16xi32>
      %gather3A_1206 = tpu.vector_load_idx %arg11[%add3A_280, %add3A_1205] : memref<256x128xf32, #tpu.memory_space<vmem>>[vector<16xi32>, vector<16xi32>], vector<16xf32>,
      %sub3A_1207 = arith.subf %gather3A_1202, %gather3A_1206 : vector<16xf32>
      %mul3A_1208 = arith.mulf %gather3A_1198, %sub3A_1207 : vector<16xf32>
      %add3A_1209 = arith.addf %add3A_1194, %mul3A_1208 : vector<16xf32>
      %add3A_1210 = arith.constant 61 : i32
      %add3A_1211 = vector.broadcast %add3A_1210 : i32 to vector<16xi32>
      %add3A_1212 = arith.addi %get3A_287, %add3A_1211 : vector<16xi32>
      %gather3A_1213 = tpu.vector_load_idx %arg9[%add3A_280, %add3A_1212] : memref<256x128xf32, #tpu.memory_space<vmem>>[vector<16xi32>, vector<16xi32>], vector<16xf32>,
      %add3A_1214 = arith.constant 61 : i32
      %add3A_1215 = vector.broadcast %add3A_1214 : i32 to vector<16xi32>
      %add3A_1216 = arith.addi %get3A_291, %add3A_1215 : vector<16xi32>
      %gather3A_1217 = tpu.vector_load_idx %arg10[%add3A_280, %add3A_1216] : memref<256x128xf32, #tpu.memory_space<vmem>>[vector<16xi32>, vector<16xi32>], vector<16xf32>,
      %add3A_1218 = arith.constant 61 : i32
      %add3A_1219 = vector.broadcast %add3A_1218 : i32 to vector<16xi32>
      %add3A_1220 = arith.addi %get3A_295, %add3A_1219 : vector<16xi32>
      %gather3A_1221 = tpu.vector_load_idx %arg11[%add3A_280, %add3A_1220] : memref<256x128xf32, #tpu.memory_space<vmem>>[vector<16xi32>, vector<16xi32>], vector<16xf32>,
      %sub3A_1222 = arith.subf %gather3A_1217, %gather3A_1221 : vector<16xf32>
      %mul3A_1223 = arith.mulf %gather3A_1213, %sub3A_1222 : vector<16xf32>
      %add3A_1224 = arith.addf %add3A_1209, %mul3A_1223 : vector<16xf32>
      %add3A_1225 = arith.constant 62 : i32
      %add3A_1226 = vector.broadcast %add3A_1225 : i32 to vector<16xi32>
      %add3A_1227 = arith.addi %get3A_287, %add3A_1226 : vector<16xi32>
      %gather3A_1228 = tpu.vector_load_idx %arg9[%add3A_280, %add3A_1227] : memref<256x128xf32, #tpu.memory_space<vmem>>[vector<16xi32>, vector<16xi32>], vector<16xf32>,
      %add3A_1229 = arith.constant 62 : i32
      %add3A_1230 = vector.broadcast %add3A_1229 : i32 to vector<16xi32>
      %add3A_1231 = arith.addi %get3A_291, %add3A_1230 : vector<16xi32>
      %gather3A_1232 = tpu.vector_load_idx %arg10[%add3A_280, %add3A_1231] : memref<256x128xf32, #tpu.memory_space<vmem>>[vector<16xi32>, vector<16xi32>], vector<16xf32>,
      %add3A_1233 = arith.constant 62 : i32
      %add3A_1234 = vector.broadcast %add3A_1233 : i32 to vector<16xi32>
      %add3A_1235 = arith.addi %get3A_295, %add3A_1234 : vector<16xi32>
      %gather3A_1236 = tpu.vector_load_idx %arg11[%add3A_280, %add3A_1235] : memref<256x128xf32, #tpu.memory_space<vmem>>[vector<16xi32>, vector<16xi32>], vector<16xf32>,
      %sub3A_1237 = arith.subf %gather3A_1232, %gather3A_1236 : vector<16xf32>
      %mul3A_1238 = arith.mulf %gather3A_1228, %sub3A_1237 : vector<16xf32>
      %add3A_1239 = arith.addf %add3A_1224, %mul3A_1238 : vector<16xf32>
      %add3A_1240 = arith.constant 63 : i32
      %add3A_1241 = vector.broadcast %add3A_1240 : i32 to vector<16xi32>
      %add3A_1242 = arith.addi %get3A_287, %add3A_1241 : vector<16xi32>
      %gather3A_1243 = tpu.vector_load_idx %arg9[%add3A_280, %add3A_1242] : memref<256x128xf32, #tpu.memory_space<vmem>>[vector<16xi32>, vector<16xi32>], vector<16xf32>,
      %add3A_1244 = arith.constant 63 : i32
      %add3A_1245 = vector.broadcast %add3A_1244 : i32 to vector<16xi32>
      %add3A_1246 = arith.addi %get3A_291, %add3A_1245 : vector<16xi32>
      %gather3A_1247 = tpu.vector_load_idx %arg10[%add3A_280, %add3A_1246] : memref<256x128xf32, #tpu.memory_space<vmem>>[vector<16xi32>, vector<16xi32>], vector<16xf32>,
      %add3A_1248 = arith.constant 63 : i32
      %add3A_1249 = vector.broadcast %add3A_1248 : i32 to vector<16xi32>
      %add3A_1250 = arith.addi %get3A_295, %add3A_1249 : vector<16xi32>
      %gather3A_1251 = tpu.vector_load_idx %arg11[%add3A_280, %add3A_1250] : memref<256x128xf32, #tpu.memory_space<vmem>>[vector<16xi32>, vector<16xi32>], vector<16xf32>,
      %sub3A_1252 = arith.subf %gather3A_1247, %gather3A_1251 : vector<16xf32>
      %mul3A_1253 = arith.mulf %gather3A_1243, %sub3A_1252 : vector<16xf32>
      %add3A_1254 = arith.addf %add3A_1239, %mul3A_1253 : vector<16xf32>
      %swap3A = arith.index_cast %add3A_284 : i32 to index
      %swap3A_1255 = tpu.vector_load %arg12[%swap3A] {strides = array<i32>} : memref<512xf32, #tpu.memory_space<vmem>>, vector<16xf32>,
      tpu.vector_store %arg12[%swap3A], %add3A_1254 {strides = array<i32>} : memref<512xf32, #tpu.memory_space<vmem>>, vector<16xf32>,
    }
    %scan3A_137 = arith.constant 16 : i32
    %dma_start3A_138 = arith.constant 0 : i32
    %dma_start3A_139 = arith.constant 2 : i32
    %dma_start3A_140 = arith.constant 0 : i32
    %dma_start3A_141 = arith.constant 0 : i32
    %dma_start3A_142 = tpu.memref_slice %arg9[%dma_start3A_140, %dma_start3A_141] : memref<256x128xf32, #tpu.memory_space<vmem>> -> memref<128x128xf32, #tpu.memory_space<vmem>>
    %dma_start3A_143 = arith.constant 0 : i32
    %dma_start3A_144 = tpu.memref_slice %arg7[%dma_start3A_138, %dma_start3A_139, %dma_start3A_143] : memref<3x4x128xi32, #tpu.memory_space<vmem>> -> memref<1x1x128xi32, #tpu.memory_space<vmem>>
    %dma_start3A_145 = tpu.memref_squeeze %dma_start3A_144 : memref<1x1x128xi32, #tpu.memory_space<vmem>> -> memref<128xi32, #tpu.memory_space<vmem>>
    %dma_start3A_146 = arith.constant 0 : i32
    %dma_start3A_147 = arith.constant 0 : i32
    %dma_start3A_148 = tpu.memref_slice %arg4[%dma_start3A_146, %dma_start3A_147] : memref<500000x128xf32, #tpu.memory_space<hbm>> -> memref<500000x128xf32, #tpu.memory_space<hbm>>
    tpu.enqueue_indirect_dma source(%dma_start3A_148 : memref<500000x128xf32, #tpu.memory_space<hbm>>) target(%dma_start3A_142 : memref<128x128xf32, #tpu.memory_space<vmem>>) offsets(%dma_start3A_145 : memref<128xi32, #tpu.memory_space<vmem>>) semaphore(%arg13 : memref<!tpu.dma_semaphore, #tpu.memory_space<semaphore_mem>>)
    %dma_start3A_149 = arith.constant 1 : i32
    %dma_start3A_150 = arith.constant 2 : i32
    %dma_start3A_151 = arith.constant 0 : i32
    %dma_start3A_152 = arith.constant 0 : i32
    %dma_start3A_153 = tpu.memref_slice %arg10[%dma_start3A_151, %dma_start3A_152] : memref<256x128xf32, #tpu.memory_space<vmem>> -> memref<128x128xf32, #tpu.memory_space<vmem>>
    %dma_start3A_154 = arith.constant 0 : i32
    %dma_start3A_155 = tpu.memref_slice %arg7[%dma_start3A_149, %dma_start3A_150, %dma_start3A_154] : memref<3x4x128xi32, #tpu.memory_space<vmem>> -> memref<1x1x128xi32, #tpu.memory_space<vmem>>
    %dma_start3A_156 = tpu.memref_squeeze %dma_start3A_155 : memref<1x1x128xi32, #tpu.memory_space<vmem>> -> memref<128xi32, #tpu.memory_space<vmem>>
    %dma_start3A_157 = arith.constant 0 : i32
    %dma_start3A_158 = arith.constant 0 : i32
    %dma_start3A_159 = tpu.memref_slice %arg5[%dma_start3A_157, %dma_start3A_158] : memref<500000x128xf32, #tpu.memory_space<hbm>> -> memref<500000x128xf32, #tpu.memory_space<hbm>>
    tpu.enqueue_indirect_dma source(%dma_start3A_159 : memref<500000x128xf32, #tpu.memory_space<hbm>>) target(%dma_start3A_153 : memref<128x128xf32, #tpu.memory_space<vmem>>) offsets(%dma_start3A_156 : memref<128xi32, #tpu.memory_space<vmem>>) semaphore(%arg13 : memref<!tpu.dma_semaphore, #tpu.memory_space<semaphore_mem>>)
    %dma_start3A_160 = arith.constant 2 : i32
    %dma_start3A_161 = arith.constant 2 : i32
    %dma_start3A_162 = arith.constant 0 : i32
    %dma_start3A_163 = arith.constant 0 : i32
    %dma_start3A_164 = tpu.memref_slice %arg11[%dma_start3A_162, %dma_start3A_163] : memref<256x128xf32, #tpu.memory_space<vmem>> -> memref<128x128xf32, #tpu.memory_space<vmem>>
    %dma_start3A_165 = arith.constant 0 : i32
    %dma_start3A_166 = tpu.memref_slice %arg7[%dma_start3A_160, %dma_start3A_161, %dma_start3A_165] : memref<3x4x128xi32, #tpu.memory_space<vmem>> -> memref<1x1x128xi32, #tpu.memory_space<vmem>>
    %dma_start3A_167 = tpu.memref_squeeze %dma_start3A_166 : memref<1x1x128xi32, #tpu.memory_space<vmem>> -> memref<128xi32, #tpu.memory_space<vmem>>
    %dma_start3A_168 = arith.constant 0 : i32
    %dma_start3A_169 = arith.constant 0 : i32
    %dma_start3A_170 = tpu.memref_slice %arg5[%dma_start3A_168, %dma_start3A_169] : memref<500000x128xf32, #tpu.memory_space<hbm>> -> memref<500000x128xf32, #tpu.memory_space<hbm>>
    tpu.enqueue_indirect_dma source(%dma_start3A_170 : memref<500000x128xf32, #tpu.memory_space<hbm>>) target(%dma_start3A_164 : memref<128x128xf32, #tpu.memory_space<vmem>>) offsets(%dma_start3A_167 : memref<128xi32, #tpu.memory_space<vmem>>) semaphore(%arg13 : memref<!tpu.dma_semaphore, #tpu.memory_space<semaphore_mem>>)
    %dma_start3A_171 = arith.constant 0 : i32
    %dma_start3A_172 = arith.constant 3 : i32
    %dma_start3A_173 = arith.constant 128 : i32
    %dma_start3A_174 = arith.constant 0 : i32
    %dma_start3A_175 = tpu.memref_slice %arg9[%dma_start3A_173, %dma_start3A_174] : memref<256x128xf32, #tpu.memory_space<vmem>> -> memref<128x128xf32, #tpu.memory_space<vmem>>
    %dma_start3A_176 = arith.constant 0 : i32
    %dma_start3A_177 = tpu.memref_slice %arg7[%dma_start3A_171, %dma_start3A_172, %dma_start3A_176] : memref<3x4x128xi32, #tpu.memory_space<vmem>> -> memref<1x1x128xi32, #tpu.memory_space<vmem>>
    %dma_start3A_178 = tpu.memref_squeeze %dma_start3A_177 : memref<1x1x128xi32, #tpu.memory_space<vmem>> -> memref<128xi32, #tpu.memory_space<vmem>>
    %dma_start3A_179 = arith.constant 0 : i32
    %dma_start3A_180 = arith.constant 0 : i32
    %dma_start3A_181 = tpu.memref_slice %arg4[%dma_start3A_179, %dma_start3A_180] : memref<500000x128xf32, #tpu.memory_space<hbm>> -> memref<500000x128xf32, #tpu.memory_space<hbm>>
    tpu.enqueue_indirect_dma source(%dma_start3A_181 : memref<500000x128xf32, #tpu.memory_space<hbm>>) target(%dma_start3A_175 : memref<128x128xf32, #tpu.memory_space<vmem>>) offsets(%dma_start3A_178 : memref<128xi32, #tpu.memory_space<vmem>>) semaphore(%arg13 : memref<!tpu.dma_semaphore, #tpu.memory_space<semaphore_mem>>)
    %dma_start3A_182 = arith.constant 1 : i32
    %dma_start3A_183 = arith.constant 3 : i32
    %dma_start3A_184 = arith.constant 128 : i32
    %dma_start3A_185 = arith.constant 0 : i32
    %dma_start3A_186 = tpu.memref_slice %arg10[%dma_start3A_184, %dma_start3A_185] : memref<256x128xf32, #tpu.memory_space<vmem>> -> memref<128x128xf32, #tpu.memory_space<vmem>>
    %dma_start3A_187 = arith.constant 0 : i32
    %dma_start3A_188 = tpu.memref_slice %arg7[%dma_start3A_182, %dma_start3A_183, %dma_start3A_187] : memref<3x4x128xi32, #tpu.memory_space<vmem>> -> memref<1x1x128xi32, #tpu.memory_space<vmem>>
    %dma_start3A_189 = tpu.memref_squeeze %dma_start3A_188 : memref<1x1x128xi32, #tpu.memory_space<vmem>> -> memref<128xi32, #tpu.memory_space<vmem>>
    %dma_start3A_190 = arith.constant 0 : i32
    %dma_start3A_191 = arith.constant 0 : i32
    %dma_start3A_192 = tpu.memref_slice %arg5[%dma_start3A_190, %dma_start3A_191] : memref<500000x128xf32, #tpu.memory_space<hbm>> -> memref<500000x128xf32, #tpu.memory_space<hbm>>
    tpu.enqueue_indirect_dma source(%dma_start3A_192 : memref<500000x128xf32, #tpu.memory_space<hbm>>) target(%dma_start3A_186 : memref<128x128xf32, #tpu.memory_space<vmem>>) offsets(%dma_start3A_189 : memref<128xi32, #tpu.memory_space<vmem>>) semaphore(%arg13 : memref<!tpu.dma_semaphore, #tpu.memory_space<semaphore_mem>>)
    %dma_start3A_193 = arith.constant 2 : i32
    %dma_start3A_194 = arith.constant 3 : i32
    %dma_start3A_195 = arith.constant 128 : i32
    %dma_start3A_196 = arith.constant 0 : i32
    %dma_start3A_197 = tpu.memref_slice %arg11[%dma_start3A_195, %dma_start3A_196] : memref<256x128xf32, #tpu.memory_space<vmem>> -> memref<128x128xf32, #tpu.memory_space<vmem>>
    %dma_start3A_198 = arith.constant 0 : i32
    %dma_start3A_199 = tpu.memref_slice %arg7[%dma_start3A_193, %dma_start3A_194, %dma_start3A_198] : memref<3x4x128xi32, #tpu.memory_space<vmem>> -> memref<1x1x128xi32, #tpu.memory_space<vmem>>
    %dma_start3A_200 = tpu.memref_squeeze %dma_start3A_199 : memref<1x1x128xi32, #tpu.memory_space<vmem>> -> memref<128xi32, #tpu.memory_space<vmem>>
    %dma_start3A_201 = arith.constant 0 : i32
    %dma_start3A_202 = arith.constant 0 : i32
    %dma_start3A_203 = tpu.memref_slice %arg5[%dma_start3A_201, %dma_start3A_202] : memref<500000x128xf32, #tpu.memory_space<hbm>> -> memref<500000x128xf32, #tpu.memory_space<hbm>>
    tpu.enqueue_indirect_dma source(%dma_start3A_203 : memref<500000x128xf32, #tpu.memory_space<hbm>>) target(%dma_start3A_197 : memref<128x128xf32, #tpu.memory_space<vmem>>) offsets(%dma_start3A_200 : memref<128xi32, #tpu.memory_space<vmem>>) semaphore(%arg13 : memref<!tpu.dma_semaphore, #tpu.memory_space<semaphore_mem>>)
    %dma_wait3A_204 = arith.constant 0 : i32
    %dma_wait3A_205 = arith.constant 2 : i32
    %dma_wait3A_206 = arith.constant 0 : i32
    %dma_wait3A_207 = arith.constant 0 : i32
    %dma_wait3A_208 = tpu.memref_slice %arg9[%dma_wait3A_206, %dma_wait3A_207] : memref<256x128xf32, #tpu.memory_space<vmem>> -> memref<128x128xf32, #tpu.memory_space<vmem>>
    %dma_wait3A_209 = arith.constant 0 : i32
    %dma_wait3A_210 = tpu.memref_slice %arg7[%dma_wait3A_204, %dma_wait3A_205, %dma_wait3A_209] : memref<3x4x128xi32, #tpu.memory_space<vmem>> -> memref<1x1x128xi32, #tpu.memory_space<vmem>>
    %dma_wait3A_211 = tpu.memref_squeeze %dma_wait3A_210 : memref<1x1x128xi32, #tpu.memory_space<vmem>> -> memref<128xi32, #tpu.memory_space<vmem>>
    %dma_wait3A_212 = arith.constant 0 : i32
    %dma_wait3A_213 = arith.constant 0 : i32
    %dma_wait3A_214 = tpu.memref_slice %arg4[%dma_wait3A_212, %dma_wait3A_213] : memref<500000x128xf32, #tpu.memory_space<hbm>> -> memref<500000x128xf32, #tpu.memory_space<hbm>>
    tpu.wait_indirect_dma semaphore(%arg13 : memref<!tpu.dma_semaphore, #tpu.memory_space<semaphore_mem>>) src(%dma_wait3A_214 : memref<500000x128xf32, #tpu.memory_space<hbm>>) dst(%dma_wait3A_208 : memref<128x128xf32, #tpu.memory_space<vmem>>)
    %dma_wait3A_215 = arith.constant 1 : i32
    %dma_wait3A_216 = arith.constant 2 : i32
    %dma_wait3A_217 = arith.constant 0 : i32
    %dma_wait3A_218 = arith.constant 0 : i32
    %dma_wait3A_219 = tpu.memref_slice %arg10[%dma_wait3A_217, %dma_wait3A_218] : memref<256x128xf32, #tpu.memory_space<vmem>> -> memref<128x128xf32, #tpu.memory_space<vmem>>
    %dma_wait3A_220 = arith.constant 0 : i32
    %dma_wait3A_221 = tpu.memref_slice %arg7[%dma_wait3A_215, %dma_wait3A_216, %dma_wait3A_220] : memref<3x4x128xi32, #tpu.memory_space<vmem>> -> memref<1x1x128xi32, #tpu.memory_space<vmem>>
    %dma_wait3A_222 = tpu.memref_squeeze %dma_wait3A_221 : memref<1x1x128xi32, #tpu.memory_space<vmem>> -> memref<128xi32, #tpu.memory_space<vmem>>
    %dma_wait3A_223 = arith.constant 0 : i32
    %dma_wait3A_224 = arith.constant 0 : i32
    %dma_wait3A_225 = tpu.memref_slice %arg5[%dma_wait3A_223, %dma_wait3A_224] : memref<500000x128xf32, #tpu.memory_space<hbm>> -> memref<500000x128xf32, #tpu.memory_space<hbm>>
    tpu.wait_indirect_dma semaphore(%arg13 : memref<!tpu.dma_semaphore, #tpu.memory_space<semaphore_mem>>) src(%dma_wait3A_225 : memref<500000x128xf32, #tpu.memory_space<hbm>>) dst(%dma_wait3A_219 : memref<128x128xf32, #tpu.memory_space<vmem>>)
    %dma_wait3A_226 = arith.constant 2 : i32
    %dma_wait3A_227 = arith.constant 2 : i32
    %dma_wait3A_228 = arith.constant 0 : i32
    %dma_wait3A_229 = arith.constant 0 : i32
    %dma_wait3A_230 = tpu.memref_slice %arg11[%dma_wait3A_228, %dma_wait3A_229] : memref<256x128xf32, #tpu.memory_space<vmem>> -> memref<128x128xf32, #tpu.memory_space<vmem>>
    %dma_wait3A_231 = arith.constant 0 : i32
    %dma_wait3A_232 = tpu.memref_slice %arg7[%dma_wait3A_226, %dma_wait3A_227, %dma_wait3A_231] : memref<3x4x128xi32, #tpu.memory_space<vmem>> -> memref<1x1x128xi32, #tpu.memory_space<vmem>>
    %dma_wait3A_233 = tpu.memref_squeeze %dma_wait3A_232 : memref<1x1x128xi32, #tpu.memory_space<vmem>> -> memref<128xi32, #tpu.memory_space<vmem>>
    %dma_wait3A_234 = arith.constant 0 : i32
    %dma_wait3A_235 = arith.constant 0 : i32
    %dma_wait3A_236 = tpu.memref_slice %arg5[%dma_wait3A_234, %dma_wait3A_235] : memref<500000x128xf32, #tpu.memory_space<hbm>> -> memref<500000x128xf32, #tpu.memory_space<hbm>>
    tpu.wait_indirect_dma semaphore(%arg13 : memref<!tpu.dma_semaphore, #tpu.memory_space<semaphore_mem>>) src(%dma_wait3A_236 : memref<500000x128xf32, #tpu.memory_space<hbm>>) dst(%dma_wait3A_230 : memref<128x128xf32, #tpu.memory_space<vmem>>)
    %dma_wait3A_237 = arith.constant 0 : i32
    %dma_wait3A_238 = arith.constant 3 : i32
    %dma_wait3A_239 = arith.constant 128 : i32
    %dma_wait3A_240 = arith.constant 0 : i32
    %dma_wait3A_241 = tpu.memref_slice %arg9[%dma_wait3A_239, %dma_wait3A_240] : memref<256x128xf32, #tpu.memory_space<vmem>> -> memref<128x128xf32, #tpu.memory_space<vmem>>
    %dma_wait3A_242 = arith.constant 0 : i32
    %dma_wait3A_243 = tpu.memref_slice %arg7[%dma_wait3A_237, %dma_wait3A_238, %dma_wait3A_242] : memref<3x4x128xi32, #tpu.memory_space<vmem>> -> memref<1x1x128xi32, #tpu.memory_space<vmem>>
    %dma_wait3A_244 = tpu.memref_squeeze %dma_wait3A_243 : memref<1x1x128xi32, #tpu.memory_space<vmem>> -> memref<128xi32, #tpu.memory_space<vmem>>
    %dma_wait3A_245 = arith.constant 0 : i32
    %dma_wait3A_246 = arith.constant 0 : i32
    %dma_wait3A_247 = tpu.memref_slice %arg4[%dma_wait3A_245, %dma_wait3A_246] : memref<500000x128xf32, #tpu.memory_space<hbm>> -> memref<500000x128xf32, #tpu.memory_space<hbm>>
    tpu.wait_indirect_dma semaphore(%arg13 : memref<!tpu.dma_semaphore, #tpu.memory_space<semaphore_mem>>) src(%dma_wait3A_247 : memref<500000x128xf32, #tpu.memory_space<hbm>>) dst(%dma_wait3A_241 : memref<128x128xf32, #tpu.memory_space<vmem>>)
    %dma_wait3A_248 = arith.constant 1 : i32
    %dma_wait3A_249 = arith.constant 3 : i32
    %dma_wait3A_250 = arith.constant 128 : i32
    %dma_wait3A_251 = arith.constant 0 : i32
    %dma_wait3A_252 = tpu.memref_slice %arg10[%dma_wait3A_250, %dma_wait3A_251] : memref<256x128xf32, #tpu.memory_space<vmem>> -> memref<128x128xf32, #tpu.memory_space<vmem>>
    %dma_wait3A_253 = arith.constant 0 : i32
    %dma_wait3A_254 = tpu.memref_slice %arg7[%dma_wait3A_248, %dma_wait3A_249, %dma_wait3A_253] : memref<3x4x128xi32, #tpu.memory_space<vmem>> -> memref<1x1x128xi32, #tpu.memory_space<vmem>>
    %dma_wait3A_255 = tpu.memref_squeeze %dma_wait3A_254 : memref<1x1x128xi32, #tpu.memory_space<vmem>> -> memref<128xi32, #tpu.memory_space<vmem>>
    %dma_wait3A_256 = arith.constant 0 : i32
    %dma_wait3A_257 = arith.constant 0 : i32
    %dma_wait3A_258 = tpu.memref_slice %arg5[%dma_wait3A_256, %dma_wait3A_257] : memref<500000x128xf32, #tpu.memory_space<hbm>> -> memref<500000x128xf32, #tpu.memory_space<hbm>>
    tpu.wait_indirect_dma semaphore(%arg13 : memref<!tpu.dma_semaphore, #tpu.memory_space<semaphore_mem>>) src(%dma_wait3A_258 : memref<500000x128xf32, #tpu.memory_space<hbm>>) dst(%dma_wait3A_252 : memref<128x128xf32, #tpu.memory_space<vmem>>)
    %dma_wait3A_259 = arith.constant 2 : i32
    %dma_wait3A_260 = arith.constant 3 : i32
    %dma_wait3A_261 = arith.constant 128 : i32
    %dma_wait3A_262 = arith.constant 0 : i32
    %dma_wait3A_263 = tpu.memref_slice %arg11[%dma_wait3A_261, %dma_wait3A_262] : memref<256x128xf32, #tpu.memory_space<vmem>> -> memref<128x128xf32, #tpu.memory_space<vmem>>
    %dma_wait3A_264 = arith.constant 0 : i32
    %dma_wait3A_265 = tpu.memref_slice %arg7[%dma_wait3A_259, %dma_wait3A_260, %dma_wait3A_264] : memref<3x4x128xi32, #tpu.memory_space<vmem>> -> memref<1x1x128xi32, #tpu.memory_space<vmem>>
    %dma_wait3A_266 = tpu.memref_squeeze %dma_wait3A_265 : memref<1x1x128xi32, #tpu.memory_space<vmem>> -> memref<128xi32, #tpu.memory_space<vmem>>
    %dma_wait3A_267 = arith.constant 0 : i32
    %dma_wait3A_268 = arith.constant 0 : i32
    %dma_wait3A_269 = tpu.memref_slice %arg5[%dma_wait3A_267, %dma_wait3A_268] : memref<500000x128xf32, #tpu.memory_space<hbm>> -> memref<500000x128xf32, #tpu.memory_space<hbm>>
    tpu.wait_indirect_dma semaphore(%arg13 : memref<!tpu.dma_semaphore, #tpu.memory_space<semaphore_mem>>) src(%dma_wait3A_269 : memref<500000x128xf32, #tpu.memory_space<hbm>>) dst(%dma_wait3A_263 : memref<128x128xf32, #tpu.memory_space<vmem>>)
    %scan3A_270 = arith.constant 0 : i32
    %scan3A_271 = arith.constant 0 : i32
    %scan3A_272 = arith.constant 16 : i32
    %scan3A_273 = arith.addi %scan3A_271, %scan3A_272 : i32
    %scan3A_274 = arith.constant 1 : i32
    scf.for %scan3A_276 = %scan3A_271 to %scan3A_273 step %scan3A_274  : i32 {
      %mul3A_277 = arith.constant 16 : i32
      %mul3A_278 = arith.muli %scan3A_276, %mul3A_277 : i32
      %iota3A = tpu.iota {dimensions = array<i32: 0>} : vector<16xi32>
      %add3A_279 = vector.broadcast %mul3A_278 : i32 to vector<16xi32>
      %add3A_280 = arith.addi %add3A_279, %iota3A : vector<16xi32>
      %mul3A_281 = arith.constant 16 : i32
      %mul3A_282 = arith.muli %scan3A_276, %mul3A_281 : i32
      %add3A_283 = arith.constant 256 : i32
      %add3A_284 = arith.addi %add3A_283, %mul3A_282 : i32
      %get3A = arith.constant 0 : i32
      %get3A_285 = arith.index_cast %get3A : i32 to index
      %get3A_286 = arith.index_cast %add3A_284 : i32 to index
      %get3A_287 = tpu.vector_load %arg8[%get3A_285, %get3A_286] {strides = array<i32>} : memref<3x512xi32, #tpu.memory_space<vmem>>, vector<16xi32>,
      %get3A_288 = arith.constant 1 : i32
      %get3A_289 = arith.index_cast %get3A_288 : i32 to index
      %get3A_290 = arith.index_cast %add3A_284 : i32 to index
      %get3A_291 = tpu.vector_load %arg8[%get3A_289, %get3A_290] {strides = array<i32>} : memref<3x512xi32, #tpu.memory_space<vmem>>, vector<16xi32>,
      %get3A_292 = arith.constant 2 : i32
      %get3A_293 = arith.index_cast %get3A_292 : i32 to index
      %get3A_294 = arith.index_cast %add3A_284 : i32 to index
      %get3A_295 = tpu.vector_load %arg8[%get3A_293, %get3A_294] {strides = array<i32>} : memref<3x512xi32, #tpu.memory_space<vmem>>, vector<16xi32>,
      %broadcast_in_dim3A = arith.constant 0.000000e+00 : f32
      %broadcast_in_dim3A_296 = vector.broadcast %broadcast_in_dim3A : f32 to vector<16xf32>
      %add3A_297 = arith.constant 0 : i32
      %add3A_298 = vector.broadcast %add3A_297 : i32 to vector<16xi32>
      %add3A_299 = arith.addi %get3A_287, %add3A_298 : vector<16xi32>
      %gather3A = tpu.vector_load_idx %arg9[%add3A_280, %add3A_299] : memref<256x128xf32, #tpu.memory_space<vmem>>[vector<16xi32>, vector<16xi32>], vector<16xf32>,
      %add3A_300 = arith.constant 0 : i32
      %add3A_301 = vector.broadcast %add3A_300 : i32 to vector<16xi32>
      %add3A_302 = arith.addi %get3A_291, %add3A_301 : vector<16xi32>
      %gather3A_303 = tpu.vector_load_idx %arg10[%add3A_280, %add3A_302] : memref<256x128xf32, #tpu.memory_space<vmem>>[vector<16xi32>, vector<16xi32>], vector<16xf32>,
      %add3A_304 = arith.constant 0 : i32
      %add3A_305 = vector.broadcast %add3A_304 : i32 to vector<16xi32>
      %add3A_306 = arith.addi %get3A_295, %add3A_305 : vector<16xi32>
      %gather3A_307 = tpu.vector_load_idx %arg11[%add3A_280, %add3A_306] : memref<256x128xf32, #tpu.memory_space<vmem>>[vector<16xi32>, vector<16xi32>], vector<16xf32>,
      %sub3A = arith.subf %gather3A_303, %gather3A_307 : vector<16xf32>
      %mul3A_308 = arith.mulf %gather3A, %sub3A : vector<16xf32>
      %add3A_309 = arith.addf %broadcast_in_dim3A_296, %mul3A_308 : vector<16xf32>
      %add3A_310 = arith.constant 1 : i32
      %add3A_311 = vector.broadcast %add3A_310 : i32 to vector<16xi32>
      %add3A_312 = arith.addi %get3A_287, %add3A_311 : vector<16xi32>
      %gather3A_313 = tpu.vector_load_idx %arg9[%add3A_280, %add3A_312] : memref<256x128xf32, #tpu.memory_space<vmem>>[vector<16xi32>, vector<16xi32>], vector<16xf32>,
      %add3A_314 = arith.constant 1 : i32
      %add3A_315 = vector.broadcast %add3A_314 : i32 to vector<16xi32>
      %add3A_316 = arith.addi %get3A_291, %add3A_315 : vector<16xi32>
      %gather3A_317 = tpu.vector_load_idx %arg10[%add3A_280, %add3A_316] : memref<256x128xf32, #tpu.memory_space<vmem>>[vector<16xi32>, vector<16xi32>], vector<16xf32>,
      %add3A_318 = arith.constant 1 : i32
      %add3A_319 = vector.broadcast %add3A_318 : i32 to vector<16xi32>
      %add3A_320 = arith.addi %get3A_295, %add3A_319 : vector<16xi32>
      %gather3A_321 = tpu.vector_load_idx %arg11[%add3A_280, %add3A_320] : memref<256x128xf32, #tpu.memory_space<vmem>>[vector<16xi32>, vector<16xi32>], vector<16xf32>,
      %sub3A_322 = arith.subf %gather3A_317, %gather3A_321 : vector<16xf32>
      %mul3A_323 = arith.mulf %gather3A_313, %sub3A_322 : vector<16xf32>
      %add3A_324 = arith.addf %add3A_309, %mul3A_323 : vector<16xf32>
      %add3A_325 = arith.constant 2 : i32
      %add3A_326 = vector.broadcast %add3A_325 : i32 to vector<16xi32>
      %add3A_327 = arith.addi %get3A_287, %add3A_326 : vector<16xi32>
      %gather3A_328 = tpu.vector_load_idx %arg9[%add3A_280, %add3A_327] : memref<256x128xf32, #tpu.memory_space<vmem>>[vector<16xi32>, vector<16xi32>], vector<16xf32>,
      %add3A_329 = arith.constant 2 : i32
      %add3A_330 = vector.broadcast %add3A_329 : i32 to vector<16xi32>
      %add3A_331 = arith.addi %get3A_291, %add3A_330 : vector<16xi32>
      %gather3A_332 = tpu.vector_load_idx %arg10[%add3A_280, %add3A_331] : memref<256x128xf32, #tpu.memory_space<vmem>>[vector<16xi32>, vector<16xi32>], vector<16xf32>,
      %add3A_333 = arith.constant 2 : i32
      %add3A_334 = vector.broadcast %add3A_333 : i32 to vector<16xi32>
      %add3A_335 = arith.addi %get3A_295, %add3A_334 : vector<16xi32>
      %gather3A_336 = tpu.vector_load_idx %arg11[%add3A_280, %add3A_335] : memref<256x128xf32, #tpu.memory_space<vmem>>[vector<16xi32>, vector<16xi32>], vector<16xf32>,
      %sub3A_337 = arith.subf %gather3A_332, %gather3A_336 : vector<16xf32>
      %mul3A_338 = arith.mulf %gather3A_328, %sub3A_337 : vector<16xf32>
      %add3A_339 = arith.addf %add3A_324, %mul3A_338 : vector<16xf32>
      %add3A_340 = arith.constant 3 : i32
      %add3A_341 = vector.broadcast %add3A_340 : i32 to vector<16xi32>
      %add3A_342 = arith.addi %get3A_287, %add3A_341 : vector<16xi32>
      %gather3A_343 = tpu.vector_load_idx %arg9[%add3A_280, %add3A_342] : memref<256x128xf32, #tpu.memory_space<vmem>>[vector<16xi32>, vector<16xi32>], vector<16xf32>,
      %add3A_344 = arith.constant 3 : i32
      %add3A_345 = vector.broadcast %add3A_344 : i32 to vector<16xi32>
      %add3A_346 = arith.addi %get3A_291, %add3A_345 : vector<16xi32>
      %gather3A_347 = tpu.vector_load_idx %arg10[%add3A_280, %add3A_346] : memref<256x128xf32, #tpu.memory_space<vmem>>[vector<16xi32>, vector<16xi32>], vector<16xf32>,
      %add3A_348 = arith.constant 3 : i32
      %add3A_349 = vector.broadcast %add3A_348 : i32 to vector<16xi32>
      %add3A_350 = arith.addi %get3A_295, %add3A_349 : vector<16xi32>
      %gather3A_351 = tpu.vector_load_idx %arg11[%add3A_280, %add3A_350] : memref<256x128xf32, #tpu.memory_space<vmem>>[vector<16xi32>, vector<16xi32>], vector<16xf32>,
      %sub3A_352 = arith.subf %gather3A_347, %gather3A_351 : vector<16xf32>
      %mul3A_353 = arith.mulf %gather3A_343, %sub3A_352 : vector<16xf32>
      %add3A_354 = arith.addf %add3A_339, %mul3A_353 : vector<16xf32>
      %add3A_355 = arith.constant 4 : i32
      %add3A_356 = vector.broadcast %add3A_355 : i32 to vector<16xi32>
      %add3A_357 = arith.addi %get3A_287, %add3A_356 : vector<16xi32>
      %gather3A_358 = tpu.vector_load_idx %arg9[%add3A_280, %add3A_357] : memref<256x128xf32, #tpu.memory_space<vmem>>[vector<16xi32>, vector<16xi32>], vector<16xf32>,
      %add3A_359 = arith.constant 4 : i32
      %add3A_360 = vector.broadcast %add3A_359 : i32 to vector<16xi32>
      %add3A_361 = arith.addi %get3A_291, %add3A_360 : vector<16xi32>
      %gather3A_362 = tpu.vector_load_idx %arg10[%add3A_280, %add3A_361] : memref<256x128xf32, #tpu.memory_space<vmem>>[vector<16xi32>, vector<16xi32>], vector<16xf32>,
      %add3A_363 = arith.constant 4 : i32
      %add3A_364 = vector.broadcast %add3A_363 : i32 to vector<16xi32>
      %add3A_365 = arith.addi %get3A_295, %add3A_364 : vector<16xi32>
      %gather3A_366 = tpu.vector_load_idx %arg11[%add3A_280, %add3A_365] : memref<256x128xf32, #tpu.memory_space<vmem>>[vector<16xi32>, vector<16xi32>], vector<16xf32>,
      %sub3A_367 = arith.subf %gather3A_362, %gather3A_366 : vector<16xf32>
      %mul3A_368 = arith.mulf %gather3A_358, %sub3A_367 : vector<16xf32>
      %add3A_369 = arith.addf %add3A_354, %mul3A_368 : vector<16xf32>
      %add3A_370 = arith.constant 5 : i32
      %add3A_371 = vector.broadcast %add3A_370 : i32 to vector<16xi32>
      %add3A_372 = arith.addi %get3A_287, %add3A_371 : vector<16xi32>
      %gather3A_373 = tpu.vector_load_idx %arg9[%add3A_280, %add3A_372] : memref<256x128xf32, #tpu.memory_space<vmem>>[vector<16xi32>, vector<16xi32>], vector<16xf32>,
      %add3A_374 = arith.constant 5 : i32
      %add3A_375 = vector.broadcast %add3A_374 : i32 to vector<16xi32>
      %add3A_376 = arith.addi %get3A_291, %add3A_375 : vector<16xi32>
      %gather3A_377 = tpu.vector_load_idx %arg10[%add3A_280, %add3A_376] : memref<256x128xf32, #tpu.memory_space<vmem>>[vector<16xi32>, vector<16xi32>], vector<16xf32>,
      %add3A_378 = arith.constant 5 : i32
      %add3A_379 = vector.broadcast %add3A_378 : i32 to vector<16xi32>
      %add3A_380 = arith.addi %get3A_295, %add3A_379 : vector<16xi32>
      %gather3A_381 = tpu.vector_load_idx %arg11[%add3A_280, %add3A_380] : memref<256x128xf32, #tpu.memory_space<vmem>>[vector<16xi32>, vector<16xi32>], vector<16xf32>,
      %sub3A_382 = arith.subf %gather3A_377, %gather3A_381 : vector<16xf32>
      %mul3A_383 = arith.mulf %gather3A_373, %sub3A_382 : vector<16xf32>
      %add3A_384 = arith.addf %add3A_369, %mul3A_383 : vector<16xf32>
      %add3A_385 = arith.constant 6 : i32
      %add3A_386 = vector.broadcast %add3A_385 : i32 to vector<16xi32>
      %add3A_387 = arith.addi %get3A_287, %add3A_386 : vector<16xi32>
      %gather3A_388 = tpu.vector_load_idx %arg9[%add3A_280, %add3A_387] : memref<256x128xf32, #tpu.memory_space<vmem>>[vector<16xi32>, vector<16xi32>], vector<16xf32>,
      %add3A_389 = arith.constant 6 : i32
      %add3A_390 = vector.broadcast %add3A_389 : i32 to vector<16xi32>
      %add3A_391 = arith.addi %get3A_291, %add3A_390 : vector<16xi32>
      %gather3A_392 = tpu.vector_load_idx %arg10[%add3A_280, %add3A_391] : memref<256x128xf32, #tpu.memory_space<vmem>>[vector<16xi32>, vector<16xi32>], vector<16xf32>,
      %add3A_393 = arith.constant 6 : i32
      %add3A_394 = vector.broadcast %add3A_393 : i32 to vector<16xi32>
      %add3A_395 = arith.addi %get3A_295, %add3A_394 : vector<16xi32>
      %gather3A_396 = tpu.vector_load_idx %arg11[%add3A_280, %add3A_395] : memref<256x128xf32, #tpu.memory_space<vmem>>[vector<16xi32>, vector<16xi32>], vector<16xf32>,
      %sub3A_397 = arith.subf %gather3A_392, %gather3A_396 : vector<16xf32>
      %mul3A_398 = arith.mulf %gather3A_388, %sub3A_397 : vector<16xf32>
      %add3A_399 = arith.addf %add3A_384, %mul3A_398 : vector<16xf32>
      %add3A_400 = arith.constant 7 : i32
      %add3A_401 = vector.broadcast %add3A_400 : i32 to vector<16xi32>
      %add3A_402 = arith.addi %get3A_287, %add3A_401 : vector<16xi32>
      %gather3A_403 = tpu.vector_load_idx %arg9[%add3A_280, %add3A_402] : memref<256x128xf32, #tpu.memory_space<vmem>>[vector<16xi32>, vector<16xi32>], vector<16xf32>,
      %add3A_404 = arith.constant 7 : i32
      %add3A_405 = vector.broadcast %add3A_404 : i32 to vector<16xi32>
      %add3A_406 = arith.addi %get3A_291, %add3A_405 : vector<16xi32>
      %gather3A_407 = tpu.vector_load_idx %arg10[%add3A_280, %add3A_406] : memref<256x128xf32, #tpu.memory_space<vmem>>[vector<16xi32>, vector<16xi32>], vector<16xf32>,
      %add3A_408 = arith.constant 7 : i32
      %add3A_409 = vector.broadcast %add3A_408 : i32 to vector<16xi32>
      %add3A_410 = arith.addi %get3A_295, %add3A_409 : vector<16xi32>
      %gather3A_411 = tpu.vector_load_idx %arg11[%add3A_280, %add3A_410] : memref<256x128xf32, #tpu.memory_space<vmem>>[vector<16xi32>, vector<16xi32>], vector<16xf32>,
      %sub3A_412 = arith.subf %gather3A_407, %gather3A_411 : vector<16xf32>
      %mul3A_413 = arith.mulf %gather3A_403, %sub3A_412 : vector<16xf32>
      %add3A_414 = arith.addf %add3A_399, %mul3A_413 : vector<16xf32>
      %add3A_415 = arith.constant 8 : i32
      %add3A_416 = vector.broadcast %add3A_415 : i32 to vector<16xi32>
      %add3A_417 = arith.addi %get3A_287, %add3A_416 : vector<16xi32>
      %gather3A_418 = tpu.vector_load_idx %arg9[%add3A_280, %add3A_417] : memref<256x128xf32, #tpu.memory_space<vmem>>[vector<16xi32>, vector<16xi32>], vector<16xf32>,
      %add3A_419 = arith.constant 8 : i32
      %add3A_420 = vector.broadcast %add3A_419 : i32 to vector<16xi32>
      %add3A_421 = arith.addi %get3A_291, %add3A_420 : vector<16xi32>
      %gather3A_422 = tpu.vector_load_idx %arg10[%add3A_280, %add3A_421] : memref<256x128xf32, #tpu.memory_space<vmem>>[vector<16xi32>, vector<16xi32>], vector<16xf32>,
      %add3A_423 = arith.constant 8 : i32
      %add3A_424 = vector.broadcast %add3A_423 : i32 to vector<16xi32>
      %add3A_425 = arith.addi %get3A_295, %add3A_424 : vector<16xi32>
      %gather3A_426 = tpu.vector_load_idx %arg11[%add3A_280, %add3A_425] : memref<256x128xf32, #tpu.memory_space<vmem>>[vector<16xi32>, vector<16xi32>], vector<16xf32>,
      %sub3A_427 = arith.subf %gather3A_422, %gather3A_426 : vector<16xf32>
      %mul3A_428 = arith.mulf %gather3A_418, %sub3A_427 : vector<16xf32>
      %add3A_429 = arith.addf %add3A_414, %mul3A_428 : vector<16xf32>
      %add3A_430 = arith.constant 9 : i32
      %add3A_431 = vector.broadcast %add3A_430 : i32 to vector<16xi32>
      %add3A_432 = arith.addi %get3A_287, %add3A_431 : vector<16xi32>
      %gather3A_433 = tpu.vector_load_idx %arg9[%add3A_280, %add3A_432] : memref<256x128xf32, #tpu.memory_space<vmem>>[vector<16xi32>, vector<16xi32>], vector<16xf32>,
      %add3A_434 = arith.constant 9 : i32
      %add3A_435 = vector.broadcast %add3A_434 : i32 to vector<16xi32>
      %add3A_436 = arith.addi %get3A_291, %add3A_435 : vector<16xi32>
      %gather3A_437 = tpu.vector_load_idx %arg10[%add3A_280, %add3A_436] : memref<256x128xf32, #tpu.memory_space<vmem>>[vector<16xi32>, vector<16xi32>], vector<16xf32>,
      %add3A_438 = arith.constant 9 : i32
      %add3A_439 = vector.broadcast %add3A_438 : i32 to vector<16xi32>
      %add3A_440 = arith.addi %get3A_295, %add3A_439 : vector<16xi32>
      %gather3A_441 = tpu.vector_load_idx %arg11[%add3A_280, %add3A_440] : memref<256x128xf32, #tpu.memory_space<vmem>>[vector<16xi32>, vector<16xi32>], vector<16xf32>,
      %sub3A_442 = arith.subf %gather3A_437, %gather3A_441 : vector<16xf32>
      %mul3A_443 = arith.mulf %gather3A_433, %sub3A_442 : vector<16xf32>
      %add3A_444 = arith.addf %add3A_429, %mul3A_443 : vector<16xf32>
      %add3A_445 = arith.constant 10 : i32
      %add3A_446 = vector.broadcast %add3A_445 : i32 to vector<16xi32>
      %add3A_447 = arith.addi %get3A_287, %add3A_446 : vector<16xi32>
      %gather3A_448 = tpu.vector_load_idx %arg9[%add3A_280, %add3A_447] : memref<256x128xf32, #tpu.memory_space<vmem>>[vector<16xi32>, vector<16xi32>], vector<16xf32>,
      %add3A_449 = arith.constant 10 : i32
      %add3A_450 = vector.broadcast %add3A_449 : i32 to vector<16xi32>
      %add3A_451 = arith.addi %get3A_291, %add3A_450 : vector<16xi32>
      %gather3A_452 = tpu.vector_load_idx %arg10[%add3A_280, %add3A_451] : memref<256x128xf32, #tpu.memory_space<vmem>>[vector<16xi32>, vector<16xi32>], vector<16xf32>,
      %add3A_453 = arith.constant 10 : i32
      %add3A_454 = vector.broadcast %add3A_453 : i32 to vector<16xi32>
      %add3A_455 = arith.addi %get3A_295, %add3A_454 : vector<16xi32>
      %gather3A_456 = tpu.vector_load_idx %arg11[%add3A_280, %add3A_455] : memref<256x128xf32, #tpu.memory_space<vmem>>[vector<16xi32>, vector<16xi32>], vector<16xf32>,
      %sub3A_457 = arith.subf %gather3A_452, %gather3A_456 : vector<16xf32>
      %mul3A_458 = arith.mulf %gather3A_448, %sub3A_457 : vector<16xf32>
      %add3A_459 = arith.addf %add3A_444, %mul3A_458 : vector<16xf32>
      %add3A_460 = arith.constant 11 : i32
      %add3A_461 = vector.broadcast %add3A_460 : i32 to vector<16xi32>
      %add3A_462 = arith.addi %get3A_287, %add3A_461 : vector<16xi32>
      %gather3A_463 = tpu.vector_load_idx %arg9[%add3A_280, %add3A_462] : memref<256x128xf32, #tpu.memory_space<vmem>>[vector<16xi32>, vector<16xi32>], vector<16xf32>,
      %add3A_464 = arith.constant 11 : i32
      %add3A_465 = vector.broadcast %add3A_464 : i32 to vector<16xi32>
      %add3A_466 = arith.addi %get3A_291, %add3A_465 : vector<16xi32>
      %gather3A_467 = tpu.vector_load_idx %arg10[%add3A_280, %add3A_466] : memref<256x128xf32, #tpu.memory_space<vmem>>[vector<16xi32>, vector<16xi32>], vector<16xf32>,
      %add3A_468 = arith.constant 11 : i32
      %add3A_469 = vector.broadcast %add3A_468 : i32 to vector<16xi32>
      %add3A_470 = arith.addi %get3A_295, %add3A_469 : vector<16xi32>
      %gather3A_471 = tpu.vector_load_idx %arg11[%add3A_280, %add3A_470] : memref<256x128xf32, #tpu.memory_space<vmem>>[vector<16xi32>, vector<16xi32>], vector<16xf32>,
      %sub3A_472 = arith.subf %gather3A_467, %gather3A_471 : vector<16xf32>
      %mul3A_473 = arith.mulf %gather3A_463, %sub3A_472 : vector<16xf32>
      %add3A_474 = arith.addf %add3A_459, %mul3A_473 : vector<16xf32>
      %add3A_475 = arith.constant 12 : i32
      %add3A_476 = vector.broadcast %add3A_475 : i32 to vector<16xi32>
      %add3A_477 = arith.addi %get3A_287, %add3A_476 : vector<16xi32>
      %gather3A_478 = tpu.vector_load_idx %arg9[%add3A_280, %add3A_477] : memref<256x128xf32, #tpu.memory_space<vmem>>[vector<16xi32>, vector<16xi32>], vector<16xf32>,
      %add3A_479 = arith.constant 12 : i32
      %add3A_480 = vector.broadcast %add3A_479 : i32 to vector<16xi32>
      %add3A_481 = arith.addi %get3A_291, %add3A_480 : vector<16xi32>
      %gather3A_482 = tpu.vector_load_idx %arg10[%add3A_280, %add3A_481] : memref<256x128xf32, #tpu.memory_space<vmem>>[vector<16xi32>, vector<16xi32>], vector<16xf32>,
      %add3A_483 = arith.constant 12 : i32
      %add3A_484 = vector.broadcast %add3A_483 : i32 to vector<16xi32>
      %add3A_485 = arith.addi %get3A_295, %add3A_484 : vector<16xi32>
      %gather3A_486 = tpu.vector_load_idx %arg11[%add3A_280, %add3A_485] : memref<256x128xf32, #tpu.memory_space<vmem>>[vector<16xi32>, vector<16xi32>], vector<16xf32>,
      %sub3A_487 = arith.subf %gather3A_482, %gather3A_486 : vector<16xf32>
      %mul3A_488 = arith.mulf %gather3A_478, %sub3A_487 : vector<16xf32>
      %add3A_489 = arith.addf %add3A_474, %mul3A_488 : vector<16xf32>
      %add3A_490 = arith.constant 13 : i32
      %add3A_491 = vector.broadcast %add3A_490 : i32 to vector<16xi32>
      %add3A_492 = arith.addi %get3A_287, %add3A_491 : vector<16xi32>
      %gather3A_493 = tpu.vector_load_idx %arg9[%add3A_280, %add3A_492] : memref<256x128xf32, #tpu.memory_space<vmem>>[vector<16xi32>, vector<16xi32>], vector<16xf32>,
      %add3A_494 = arith.constant 13 : i32
      %add3A_495 = vector.broadcast %add3A_494 : i32 to vector<16xi32>
      %add3A_496 = arith.addi %get3A_291, %add3A_495 : vector<16xi32>
      %gather3A_497 = tpu.vector_load_idx %arg10[%add3A_280, %add3A_496] : memref<256x128xf32, #tpu.memory_space<vmem>>[vector<16xi32>, vector<16xi32>], vector<16xf32>,
      %add3A_498 = arith.constant 13 : i32
      %add3A_499 = vector.broadcast %add3A_498 : i32 to vector<16xi32>
      %add3A_500 = arith.addi %get3A_295, %add3A_499 : vector<16xi32>
      %gather3A_501 = tpu.vector_load_idx %arg11[%add3A_280, %add3A_500] : memref<256x128xf32, #tpu.memory_space<vmem>>[vector<16xi32>, vector<16xi32>], vector<16xf32>,
      %sub3A_502 = arith.subf %gather3A_497, %gather3A_501 : vector<16xf32>
      %mul3A_503 = arith.mulf %gather3A_493, %sub3A_502 : vector<16xf32>
      %add3A_504 = arith.addf %add3A_489, %mul3A_503 : vector<16xf32>
      %add3A_505 = arith.constant 14 : i32
      %add3A_506 = vector.broadcast %add3A_505 : i32 to vector<16xi32>
      %add3A_507 = arith.addi %get3A_287, %add3A_506 : vector<16xi32>
      %gather3A_508 = tpu.vector_load_idx %arg9[%add3A_280, %add3A_507] : memref<256x128xf32, #tpu.memory_space<vmem>>[vector<16xi32>, vector<16xi32>], vector<16xf32>,
      %add3A_509 = arith.constant 14 : i32
      %add3A_510 = vector.broadcast %add3A_509 : i32 to vector<16xi32>
      %add3A_511 = arith.addi %get3A_291, %add3A_510 : vector<16xi32>
      %gather3A_512 = tpu.vector_load_idx %arg10[%add3A_280, %add3A_511] : memref<256x128xf32, #tpu.memory_space<vmem>>[vector<16xi32>, vector<16xi32>], vector<16xf32>,
      %add3A_513 = arith.constant 14 : i32
      %add3A_514 = vector.broadcast %add3A_513 : i32 to vector<16xi32>
      %add3A_515 = arith.addi %get3A_295, %add3A_514 : vector<16xi32>
      %gather3A_516 = tpu.vector_load_idx %arg11[%add3A_280, %add3A_515] : memref<256x128xf32, #tpu.memory_space<vmem>>[vector<16xi32>, vector<16xi32>], vector<16xf32>,
      %sub3A_517 = arith.subf %gather3A_512, %gather3A_516 : vector<16xf32>
      %mul3A_518 = arith.mulf %gather3A_508, %sub3A_517 : vector<16xf32>
      %add3A_519 = arith.addf %add3A_504, %mul3A_518 : vector<16xf32>
      %add3A_520 = arith.constant 15 : i32
      %add3A_521 = vector.broadcast %add3A_520 : i32 to vector<16xi32>
      %add3A_522 = arith.addi %get3A_287, %add3A_521 : vector<16xi32>
      %gather3A_523 = tpu.vector_load_idx %arg9[%add3A_280, %add3A_522] : memref<256x128xf32, #tpu.memory_space<vmem>>[vector<16xi32>, vector<16xi32>], vector<16xf32>,
      %add3A_524 = arith.constant 15 : i32
      %add3A_525 = vector.broadcast %add3A_524 : i32 to vector<16xi32>
      %add3A_526 = arith.addi %get3A_291, %add3A_525 : vector<16xi32>
      %gather3A_527 = tpu.vector_load_idx %arg10[%add3A_280, %add3A_526] : memref<256x128xf32, #tpu.memory_space<vmem>>[vector<16xi32>, vector<16xi32>], vector<16xf32>,
      %add3A_528 = arith.constant 15 : i32
      %add3A_529 = vector.broadcast %add3A_528 : i32 to vector<16xi32>
      %add3A_530 = arith.addi %get3A_295, %add3A_529 : vector<16xi32>
      %gather3A_531 = tpu.vector_load_idx %arg11[%add3A_280, %add3A_530] : memref<256x128xf32, #tpu.memory_space<vmem>>[vector<16xi32>, vector<16xi32>], vector<16xf32>,
      %sub3A_532 = arith.subf %gather3A_527, %gather3A_531 : vector<16xf32>
      %mul3A_533 = arith.mulf %gather3A_523, %sub3A_532 : vector<16xf32>
      %add3A_534 = arith.addf %add3A_519, %mul3A_533 : vector<16xf32>
      %add3A_535 = arith.constant 16 : i32
      %add3A_536 = vector.broadcast %add3A_535 : i32 to vector<16xi32>
      %add3A_537 = arith.addi %get3A_287, %add3A_536 : vector<16xi32>
      %gather3A_538 = tpu.vector_load_idx %arg9[%add3A_280, %add3A_537] : memref<256x128xf32, #tpu.memory_space<vmem>>[vector<16xi32>, vector<16xi32>], vector<16xf32>,
      %add3A_539 = arith.constant 16 : i32
      %add3A_540 = vector.broadcast %add3A_539 : i32 to vector<16xi32>
      %add3A_541 = arith.addi %get3A_291, %add3A_540 : vector<16xi32>
      %gather3A_542 = tpu.vector_load_idx %arg10[%add3A_280, %add3A_541] : memref<256x128xf32, #tpu.memory_space<vmem>>[vector<16xi32>, vector<16xi32>], vector<16xf32>,
      %add3A_543 = arith.constant 16 : i32
      %add3A_544 = vector.broadcast %add3A_543 : i32 to vector<16xi32>
      %add3A_545 = arith.addi %get3A_295, %add3A_544 : vector<16xi32>
      %gather3A_546 = tpu.vector_load_idx %arg11[%add3A_280, %add3A_545] : memref<256x128xf32, #tpu.memory_space<vmem>>[vector<16xi32>, vector<16xi32>], vector<16xf32>,
      %sub3A_547 = arith.subf %gather3A_542, %gather3A_546 : vector<16xf32>
      %mul3A_548 = arith.mulf %gather3A_538, %sub3A_547 : vector<16xf32>
      %add3A_549 = arith.addf %add3A_534, %mul3A_548 : vector<16xf32>
      %add3A_550 = arith.constant 17 : i32
      %add3A_551 = vector.broadcast %add3A_550 : i32 to vector<16xi32>
      %add3A_552 = arith.addi %get3A_287, %add3A_551 : vector<16xi32>
      %gather3A_553 = tpu.vector_load_idx %arg9[%add3A_280, %add3A_552] : memref<256x128xf32, #tpu.memory_space<vmem>>[vector<16xi32>, vector<16xi32>], vector<16xf32>,
      %add3A_554 = arith.constant 17 : i32
      %add3A_555 = vector.broadcast %add3A_554 : i32 to vector<16xi32>
      %add3A_556 = arith.addi %get3A_291, %add3A_555 : vector<16xi32>
      %gather3A_557 = tpu.vector_load_idx %arg10[%add3A_280, %add3A_556] : memref<256x128xf32, #tpu.memory_space<vmem>>[vector<16xi32>, vector<16xi32>], vector<16xf32>,
      %add3A_558 = arith.constant 17 : i32
      %add3A_559 = vector.broadcast %add3A_558 : i32 to vector<16xi32>
      %add3A_560 = arith.addi %get3A_295, %add3A_559 : vector<16xi32>
      %gather3A_561 = tpu.vector_load_idx %arg11[%add3A_280, %add3A_560] : memref<256x128xf32, #tpu.memory_space<vmem>>[vector<16xi32>, vector<16xi32>], vector<16xf32>,
      %sub3A_562 = arith.subf %gather3A_557, %gather3A_561 : vector<16xf32>
      %mul3A_563 = arith.mulf %gather3A_553, %sub3A_562 : vector<16xf32>
      %add3A_564 = arith.addf %add3A_549, %mul3A_563 : vector<16xf32>
      %add3A_565 = arith.constant 18 : i32
      %add3A_566 = vector.broadcast %add3A_565 : i32 to vector<16xi32>
      %add3A_567 = arith.addi %get3A_287, %add3A_566 : vector<16xi32>
      %gather3A_568 = tpu.vector_load_idx %arg9[%add3A_280, %add3A_567] : memref<256x128xf32, #tpu.memory_space<vmem>>[vector<16xi32>, vector<16xi32>], vector<16xf32>,
      %add3A_569 = arith.constant 18 : i32
      %add3A_570 = vector.broadcast %add3A_569 : i32 to vector<16xi32>
      %add3A_571 = arith.addi %get3A_291, %add3A_570 : vector<16xi32>
      %gather3A_572 = tpu.vector_load_idx %arg10[%add3A_280, %add3A_571] : memref<256x128xf32, #tpu.memory_space<vmem>>[vector<16xi32>, vector<16xi32>], vector<16xf32>,
      %add3A_573 = arith.constant 18 : i32
      %add3A_574 = vector.broadcast %add3A_573 : i32 to vector<16xi32>
      %add3A_575 = arith.addi %get3A_295, %add3A_574 : vector<16xi32>
      %gather3A_576 = tpu.vector_load_idx %arg11[%add3A_280, %add3A_575] : memref<256x128xf32, #tpu.memory_space<vmem>>[vector<16xi32>, vector<16xi32>], vector<16xf32>,
      %sub3A_577 = arith.subf %gather3A_572, %gather3A_576 : vector<16xf32>
      %mul3A_578 = arith.mulf %gather3A_568, %sub3A_577 : vector<16xf32>
      %add3A_579 = arith.addf %add3A_564, %mul3A_578 : vector<16xf32>
      %add3A_580 = arith.constant 19 : i32
      %add3A_581 = vector.broadcast %add3A_580 : i32 to vector<16xi32>
      %add3A_582 = arith.addi %get3A_287, %add3A_581 : vector<16xi32>
      %gather3A_583 = tpu.vector_load_idx %arg9[%add3A_280, %add3A_582] : memref<256x128xf32, #tpu.memory_space<vmem>>[vector<16xi32>, vector<16xi32>], vector<16xf32>,
      %add3A_584 = arith.constant 19 : i32
      %add3A_585 = vector.broadcast %add3A_584 : i32 to vector<16xi32>
      %add3A_586 = arith.addi %get3A_291, %add3A_585 : vector<16xi32>
      %gather3A_587 = tpu.vector_load_idx %arg10[%add3A_280, %add3A_586] : memref<256x128xf32, #tpu.memory_space<vmem>>[vector<16xi32>, vector<16xi32>], vector<16xf32>,
      %add3A_588 = arith.constant 19 : i32
      %add3A_589 = vector.broadcast %add3A_588 : i32 to vector<16xi32>
      %add3A_590 = arith.addi %get3A_295, %add3A_589 : vector<16xi32>
      %gather3A_591 = tpu.vector_load_idx %arg11[%add3A_280, %add3A_590] : memref<256x128xf32, #tpu.memory_space<vmem>>[vector<16xi32>, vector<16xi32>], vector<16xf32>,
      %sub3A_592 = arith.subf %gather3A_587, %gather3A_591 : vector<16xf32>
      %mul3A_593 = arith.mulf %gather3A_583, %sub3A_592 : vector<16xf32>
      %add3A_594 = arith.addf %add3A_579, %mul3A_593 : vector<16xf32>
      %add3A_595 = arith.constant 20 : i32
      %add3A_596 = vector.broadcast %add3A_595 : i32 to vector<16xi32>
      %add3A_597 = arith.addi %get3A_287, %add3A_596 : vector<16xi32>
      %gather3A_598 = tpu.vector_load_idx %arg9[%add3A_280, %add3A_597] : memref<256x128xf32, #tpu.memory_space<vmem>>[vector<16xi32>, vector<16xi32>], vector<16xf32>,
      %add3A_599 = arith.constant 20 : i32
      %add3A_600 = vector.broadcast %add3A_599 : i32 to vector<16xi32>
      %add3A_601 = arith.addi %get3A_291, %add3A_600 : vector<16xi32>
      %gather3A_602 = tpu.vector_load_idx %arg10[%add3A_280, %add3A_601] : memref<256x128xf32, #tpu.memory_space<vmem>>[vector<16xi32>, vector<16xi32>], vector<16xf32>,
      %add3A_603 = arith.constant 20 : i32
      %add3A_604 = vector.broadcast %add3A_603 : i32 to vector<16xi32>
      %add3A_605 = arith.addi %get3A_295, %add3A_604 : vector<16xi32>
      %gather3A_606 = tpu.vector_load_idx %arg11[%add3A_280, %add3A_605] : memref<256x128xf32, #tpu.memory_space<vmem>>[vector<16xi32>, vector<16xi32>], vector<16xf32>,
      %sub3A_607 = arith.subf %gather3A_602, %gather3A_606 : vector<16xf32>
      %mul3A_608 = arith.mulf %gather3A_598, %sub3A_607 : vector<16xf32>
      %add3A_609 = arith.addf %add3A_594, %mul3A_608 : vector<16xf32>
      %add3A_610 = arith.constant 21 : i32
      %add3A_611 = vector.broadcast %add3A_610 : i32 to vector<16xi32>
      %add3A_612 = arith.addi %get3A_287, %add3A_611 : vector<16xi32>
      %gather3A_613 = tpu.vector_load_idx %arg9[%add3A_280, %add3A_612] : memref<256x128xf32, #tpu.memory_space<vmem>>[vector<16xi32>, vector<16xi32>], vector<16xf32>,
      %add3A_614 = arith.constant 21 : i32
      %add3A_615 = vector.broadcast %add3A_614 : i32 to vector<16xi32>
      %add3A_616 = arith.addi %get3A_291, %add3A_615 : vector<16xi32>
      %gather3A_617 = tpu.vector_load_idx %arg10[%add3A_280, %add3A_616] : memref<256x128xf32, #tpu.memory_space<vmem>>[vector<16xi32>, vector<16xi32>], vector<16xf32>,
      %add3A_618 = arith.constant 21 : i32
      %add3A_619 = vector.broadcast %add3A_618 : i32 to vector<16xi32>
      %add3A_620 = arith.addi %get3A_295, %add3A_619 : vector<16xi32>
      %gather3A_621 = tpu.vector_load_idx %arg11[%add3A_280, %add3A_620] : memref<256x128xf32, #tpu.memory_space<vmem>>[vector<16xi32>, vector<16xi32>], vector<16xf32>,
      %sub3A_622 = arith.subf %gather3A_617, %gather3A_621 : vector<16xf32>
      %mul3A_623 = arith.mulf %gather3A_613, %sub3A_622 : vector<16xf32>
      %add3A_624 = arith.addf %add3A_609, %mul3A_623 : vector<16xf32>
      %add3A_625 = arith.constant 22 : i32
      %add3A_626 = vector.broadcast %add3A_625 : i32 to vector<16xi32>
      %add3A_627 = arith.addi %get3A_287, %add3A_626 : vector<16xi32>
      %gather3A_628 = tpu.vector_load_idx %arg9[%add3A_280, %add3A_627] : memref<256x128xf32, #tpu.memory_space<vmem>>[vector<16xi32>, vector<16xi32>], vector<16xf32>,
      %add3A_629 = arith.constant 22 : i32
      %add3A_630 = vector.broadcast %add3A_629 : i32 to vector<16xi32>
      %add3A_631 = arith.addi %get3A_291, %add3A_630 : vector<16xi32>
      %gather3A_632 = tpu.vector_load_idx %arg10[%add3A_280, %add3A_631] : memref<256x128xf32, #tpu.memory_space<vmem>>[vector<16xi32>, vector<16xi32>], vector<16xf32>,
      %add3A_633 = arith.constant 22 : i32
      %add3A_634 = vector.broadcast %add3A_633 : i32 to vector<16xi32>
      %add3A_635 = arith.addi %get3A_295, %add3A_634 : vector<16xi32>
      %gather3A_636 = tpu.vector_load_idx %arg11[%add3A_280, %add3A_635] : memref<256x128xf32, #tpu.memory_space<vmem>>[vector<16xi32>, vector<16xi32>], vector<16xf32>,
      %sub3A_637 = arith.subf %gather3A_632, %gather3A_636 : vector<16xf32>
      %mul3A_638 = arith.mulf %gather3A_628, %sub3A_637 : vector<16xf32>
      %add3A_639 = arith.addf %add3A_624, %mul3A_638 : vector<16xf32>
      %add3A_640 = arith.constant 23 : i32
      %add3A_641 = vector.broadcast %add3A_640 : i32 to vector<16xi32>
      %add3A_642 = arith.addi %get3A_287, %add3A_641 : vector<16xi32>
      %gather3A_643 = tpu.vector_load_idx %arg9[%add3A_280, %add3A_642] : memref<256x128xf32, #tpu.memory_space<vmem>>[vector<16xi32>, vector<16xi32>], vector<16xf32>,
      %add3A_644 = arith.constant 23 : i32
      %add3A_645 = vector.broadcast %add3A_644 : i32 to vector<16xi32>
      %add3A_646 = arith.addi %get3A_291, %add3A_645 : vector<16xi32>
      %gather3A_647 = tpu.vector_load_idx %arg10[%add3A_280, %add3A_646] : memref<256x128xf32, #tpu.memory_space<vmem>>[vector<16xi32>, vector<16xi32>], vector<16xf32>,
      %add3A_648 = arith.constant 23 : i32
      %add3A_649 = vector.broadcast %add3A_648 : i32 to vector<16xi32>
      %add3A_650 = arith.addi %get3A_295, %add3A_649 : vector<16xi32>
      %gather3A_651 = tpu.vector_load_idx %arg11[%add3A_280, %add3A_650] : memref<256x128xf32, #tpu.memory_space<vmem>>[vector<16xi32>, vector<16xi32>], vector<16xf32>,
      %sub3A_652 = arith.subf %gather3A_647, %gather3A_651 : vector<16xf32>
      %mul3A_653 = arith.mulf %gather3A_643, %sub3A_652 : vector<16xf32>
      %add3A_654 = arith.addf %add3A_639, %mul3A_653 : vector<16xf32>
      %add3A_655 = arith.constant 24 : i32
      %add3A_656 = vector.broadcast %add3A_655 : i32 to vector<16xi32>
      %add3A_657 = arith.addi %get3A_287, %add3A_656 : vector<16xi32>
      %gather3A_658 = tpu.vector_load_idx %arg9[%add3A_280, %add3A_657] : memref<256x128xf32, #tpu.memory_space<vmem>>[vector<16xi32>, vector<16xi32>], vector<16xf32>,
      %add3A_659 = arith.constant 24 : i32
      %add3A_660 = vector.broadcast %add3A_659 : i32 to vector<16xi32>
      %add3A_661 = arith.addi %get3A_291, %add3A_660 : vector<16xi32>
      %gather3A_662 = tpu.vector_load_idx %arg10[%add3A_280, %add3A_661] : memref<256x128xf32, #tpu.memory_space<vmem>>[vector<16xi32>, vector<16xi32>], vector<16xf32>,
      %add3A_663 = arith.constant 24 : i32
      %add3A_664 = vector.broadcast %add3A_663 : i32 to vector<16xi32>
      %add3A_665 = arith.addi %get3A_295, %add3A_664 : vector<16xi32>
      %gather3A_666 = tpu.vector_load_idx %arg11[%add3A_280, %add3A_665] : memref<256x128xf32, #tpu.memory_space<vmem>>[vector<16xi32>, vector<16xi32>], vector<16xf32>,
      %sub3A_667 = arith.subf %gather3A_662, %gather3A_666 : vector<16xf32>
      %mul3A_668 = arith.mulf %gather3A_658, %sub3A_667 : vector<16xf32>
      %add3A_669 = arith.addf %add3A_654, %mul3A_668 : vector<16xf32>
      %add3A_670 = arith.constant 25 : i32
      %add3A_671 = vector.broadcast %add3A_670 : i32 to vector<16xi32>
      %add3A_672 = arith.addi %get3A_287, %add3A_671 : vector<16xi32>
      %gather3A_673 = tpu.vector_load_idx %arg9[%add3A_280, %add3A_672] : memref<256x128xf32, #tpu.memory_space<vmem>>[vector<16xi32>, vector<16xi32>], vector<16xf32>,
      %add3A_674 = arith.constant 25 : i32
      %add3A_675 = vector.broadcast %add3A_674 : i32 to vector<16xi32>
      %add3A_676 = arith.addi %get3A_291, %add3A_675 : vector<16xi32>
      %gather3A_677 = tpu.vector_load_idx %arg10[%add3A_280, %add3A_676] : memref<256x128xf32, #tpu.memory_space<vmem>>[vector<16xi32>, vector<16xi32>], vector<16xf32>,
      %add3A_678 = arith.constant 25 : i32
      %add3A_679 = vector.broadcast %add3A_678 : i32 to vector<16xi32>
      %add3A_680 = arith.addi %get3A_295, %add3A_679 : vector<16xi32>
      %gather3A_681 = tpu.vector_load_idx %arg11[%add3A_280, %add3A_680] : memref<256x128xf32, #tpu.memory_space<vmem>>[vector<16xi32>, vector<16xi32>], vector<16xf32>,
      %sub3A_682 = arith.subf %gather3A_677, %gather3A_681 : vector<16xf32>
      %mul3A_683 = arith.mulf %gather3A_673, %sub3A_682 : vector<16xf32>
      %add3A_684 = arith.addf %add3A_669, %mul3A_683 : vector<16xf32>
      %add3A_685 = arith.constant 26 : i32
      %add3A_686 = vector.broadcast %add3A_685 : i32 to vector<16xi32>
      %add3A_687 = arith.addi %get3A_287, %add3A_686 : vector<16xi32>
      %gather3A_688 = tpu.vector_load_idx %arg9[%add3A_280, %add3A_687] : memref<256x128xf32, #tpu.memory_space<vmem>>[vector<16xi32>, vector<16xi32>], vector<16xf32>,
      %add3A_689 = arith.constant 26 : i32
      %add3A_690 = vector.broadcast %add3A_689 : i32 to vector<16xi32>
      %add3A_691 = arith.addi %get3A_291, %add3A_690 : vector<16xi32>
      %gather3A_692 = tpu.vector_load_idx %arg10[%add3A_280, %add3A_691] : memref<256x128xf32, #tpu.memory_space<vmem>>[vector<16xi32>, vector<16xi32>], vector<16xf32>,
      %add3A_693 = arith.constant 26 : i32
      %add3A_694 = vector.broadcast %add3A_693 : i32 to vector<16xi32>
      %add3A_695 = arith.addi %get3A_295, %add3A_694 : vector<16xi32>
      %gather3A_696 = tpu.vector_load_idx %arg11[%add3A_280, %add3A_695] : memref<256x128xf32, #tpu.memory_space<vmem>>[vector<16xi32>, vector<16xi32>], vector<16xf32>,
      %sub3A_697 = arith.subf %gather3A_692, %gather3A_696 : vector<16xf32>
      %mul3A_698 = arith.mulf %gather3A_688, %sub3A_697 : vector<16xf32>
      %add3A_699 = arith.addf %add3A_684, %mul3A_698 : vector<16xf32>
      %add3A_700 = arith.constant 27 : i32
      %add3A_701 = vector.broadcast %add3A_700 : i32 to vector<16xi32>
      %add3A_702 = arith.addi %get3A_287, %add3A_701 : vector<16xi32>
      %gather3A_703 = tpu.vector_load_idx %arg9[%add3A_280, %add3A_702] : memref<256x128xf32, #tpu.memory_space<vmem>>[vector<16xi32>, vector<16xi32>], vector<16xf32>,
      %add3A_704 = arith.constant 27 : i32
      %add3A_705 = vector.broadcast %add3A_704 : i32 to vector<16xi32>
      %add3A_706 = arith.addi %get3A_291, %add3A_705 : vector<16xi32>
      %gather3A_707 = tpu.vector_load_idx %arg10[%add3A_280, %add3A_706] : memref<256x128xf32, #tpu.memory_space<vmem>>[vector<16xi32>, vector<16xi32>], vector<16xf32>,
      %add3A_708 = arith.constant 27 : i32
      %add3A_709 = vector.broadcast %add3A_708 : i32 to vector<16xi32>
      %add3A_710 = arith.addi %get3A_295, %add3A_709 : vector<16xi32>
      %gather3A_711 = tpu.vector_load_idx %arg11[%add3A_280, %add3A_710] : memref<256x128xf32, #tpu.memory_space<vmem>>[vector<16xi32>, vector<16xi32>], vector<16xf32>,
      %sub3A_712 = arith.subf %gather3A_707, %gather3A_711 : vector<16xf32>
      %mul3A_713 = arith.mulf %gather3A_703, %sub3A_712 : vector<16xf32>
      %add3A_714 = arith.addf %add3A_699, %mul3A_713 : vector<16xf32>
      %add3A_715 = arith.constant 28 : i32
      %add3A_716 = vector.broadcast %add3A_715 : i32 to vector<16xi32>
      %add3A_717 = arith.addi %get3A_287, %add3A_716 : vector<16xi32>
      %gather3A_718 = tpu.vector_load_idx %arg9[%add3A_280, %add3A_717] : memref<256x128xf32, #tpu.memory_space<vmem>>[vector<16xi32>, vector<16xi32>], vector<16xf32>,
      %add3A_719 = arith.constant 28 : i32
      %add3A_720 = vector.broadcast %add3A_719 : i32 to vector<16xi32>
      %add3A_721 = arith.addi %get3A_291, %add3A_720 : vector<16xi32>
      %gather3A_722 = tpu.vector_load_idx %arg10[%add3A_280, %add3A_721] : memref<256x128xf32, #tpu.memory_space<vmem>>[vector<16xi32>, vector<16xi32>], vector<16xf32>,
      %add3A_723 = arith.constant 28 : i32
      %add3A_724 = vector.broadcast %add3A_723 : i32 to vector<16xi32>
      %add3A_725 = arith.addi %get3A_295, %add3A_724 : vector<16xi32>
      %gather3A_726 = tpu.vector_load_idx %arg11[%add3A_280, %add3A_725] : memref<256x128xf32, #tpu.memory_space<vmem>>[vector<16xi32>, vector<16xi32>], vector<16xf32>,
      %sub3A_727 = arith.subf %gather3A_722, %gather3A_726 : vector<16xf32>
      %mul3A_728 = arith.mulf %gather3A_718, %sub3A_727 : vector<16xf32>
      %add3A_729 = arith.addf %add3A_714, %mul3A_728 : vector<16xf32>
      %add3A_730 = arith.constant 29 : i32
      %add3A_731 = vector.broadcast %add3A_730 : i32 to vector<16xi32>
      %add3A_732 = arith.addi %get3A_287, %add3A_731 : vector<16xi32>
      %gather3A_733 = tpu.vector_load_idx %arg9[%add3A_280, %add3A_732] : memref<256x128xf32, #tpu.memory_space<vmem>>[vector<16xi32>, vector<16xi32>], vector<16xf32>,
      %add3A_734 = arith.constant 29 : i32
      %add3A_735 = vector.broadcast %add3A_734 : i32 to vector<16xi32>
      %add3A_736 = arith.addi %get3A_291, %add3A_735 : vector<16xi32>
      %gather3A_737 = tpu.vector_load_idx %arg10[%add3A_280, %add3A_736] : memref<256x128xf32, #tpu.memory_space<vmem>>[vector<16xi32>, vector<16xi32>], vector<16xf32>,
      %add3A_738 = arith.constant 29 : i32
      %add3A_739 = vector.broadcast %add3A_738 : i32 to vector<16xi32>
      %add3A_740 = arith.addi %get3A_295, %add3A_739 : vector<16xi32>
      %gather3A_741 = tpu.vector_load_idx %arg11[%add3A_280, %add3A_740] : memref<256x128xf32, #tpu.memory_space<vmem>>[vector<16xi32>, vector<16xi32>], vector<16xf32>,
      %sub3A_742 = arith.subf %gather3A_737, %gather3A_741 : vector<16xf32>
      %mul3A_743 = arith.mulf %gather3A_733, %sub3A_742 : vector<16xf32>
      %add3A_744 = arith.addf %add3A_729, %mul3A_743 : vector<16xf32>
      %add3A_745 = arith.constant 30 : i32
      %add3A_746 = vector.broadcast %add3A_745 : i32 to vector<16xi32>
      %add3A_747 = arith.addi %get3A_287, %add3A_746 : vector<16xi32>
      %gather3A_748 = tpu.vector_load_idx %arg9[%add3A_280, %add3A_747] : memref<256x128xf32, #tpu.memory_space<vmem>>[vector<16xi32>, vector<16xi32>], vector<16xf32>,
      %add3A_749 = arith.constant 30 : i32
      %add3A_750 = vector.broadcast %add3A_749 : i32 to vector<16xi32>
      %add3A_751 = arith.addi %get3A_291, %add3A_750 : vector<16xi32>
      %gather3A_752 = tpu.vector_load_idx %arg10[%add3A_280, %add3A_751] : memref<256x128xf32, #tpu.memory_space<vmem>>[vector<16xi32>, vector<16xi32>], vector<16xf32>,
      %add3A_753 = arith.constant 30 : i32
      %add3A_754 = vector.broadcast %add3A_753 : i32 to vector<16xi32>
      %add3A_755 = arith.addi %get3A_295, %add3A_754 : vector<16xi32>
      %gather3A_756 = tpu.vector_load_idx %arg11[%add3A_280, %add3A_755] : memref<256x128xf32, #tpu.memory_space<vmem>>[vector<16xi32>, vector<16xi32>], vector<16xf32>,
      %sub3A_757 = arith.subf %gather3A_752, %gather3A_756 : vector<16xf32>
      %mul3A_758 = arith.mulf %gather3A_748, %sub3A_757 : vector<16xf32>
      %add3A_759 = arith.addf %add3A_744, %mul3A_758 : vector<16xf32>
      %add3A_760 = arith.constant 31 : i32
      %add3A_761 = vector.broadcast %add3A_760 : i32 to vector<16xi32>
      %add3A_762 = arith.addi %get3A_287, %add3A_761 : vector<16xi32>
      %gather3A_763 = tpu.vector_load_idx %arg9[%add3A_280, %add3A_762] : memref<256x128xf32, #tpu.memory_space<vmem>>[vector<16xi32>, vector<16xi32>], vector<16xf32>,
      %add3A_764 = arith.constant 31 : i32
      %add3A_765 = vector.broadcast %add3A_764 : i32 to vector<16xi32>
      %add3A_766 = arith.addi %get3A_291, %add3A_765 : vector<16xi32>
      %gather3A_767 = tpu.vector_load_idx %arg10[%add3A_280, %add3A_766] : memref<256x128xf32, #tpu.memory_space<vmem>>[vector<16xi32>, vector<16xi32>], vector<16xf32>,
      %add3A_768 = arith.constant 31 : i32
      %add3A_769 = vector.broadcast %add3A_768 : i32 to vector<16xi32>
      %add3A_770 = arith.addi %get3A_295, %add3A_769 : vector<16xi32>
      %gather3A_771 = tpu.vector_load_idx %arg11[%add3A_280, %add3A_770] : memref<256x128xf32, #tpu.memory_space<vmem>>[vector<16xi32>, vector<16xi32>], vector<16xf32>,
      %sub3A_772 = arith.subf %gather3A_767, %gather3A_771 : vector<16xf32>
      %mul3A_773 = arith.mulf %gather3A_763, %sub3A_772 : vector<16xf32>
      %add3A_774 = arith.addf %add3A_759, %mul3A_773 : vector<16xf32>
      %add3A_775 = arith.constant 32 : i32
      %add3A_776 = vector.broadcast %add3A_775 : i32 to vector<16xi32>
      %add3A_777 = arith.addi %get3A_287, %add3A_776 : vector<16xi32>
      %gather3A_778 = tpu.vector_load_idx %arg9[%add3A_280, %add3A_777] : memref<256x128xf32, #tpu.memory_space<vmem>>[vector<16xi32>, vector<16xi32>], vector<16xf32>,
      %add3A_779 = arith.constant 32 : i32
      %add3A_780 = vector.broadcast %add3A_779 : i32 to vector<16xi32>
      %add3A_781 = arith.addi %get3A_291, %add3A_780 : vector<16xi32>
      %gather3A_782 = tpu.vector_load_idx %arg10[%add3A_280, %add3A_781] : memref<256x128xf32, #tpu.memory_space<vmem>>[vector<16xi32>, vector<16xi32>], vector<16xf32>,
      %add3A_783 = arith.constant 32 : i32
      %add3A_784 = vector.broadcast %add3A_783 : i32 to vector<16xi32>
      %add3A_785 = arith.addi %get3A_295, %add3A_784 : vector<16xi32>
      %gather3A_786 = tpu.vector_load_idx %arg11[%add3A_280, %add3A_785] : memref<256x128xf32, #tpu.memory_space<vmem>>[vector<16xi32>, vector<16xi32>], vector<16xf32>,
      %sub3A_787 = arith.subf %gather3A_782, %gather3A_786 : vector<16xf32>
      %mul3A_788 = arith.mulf %gather3A_778, %sub3A_787 : vector<16xf32>
      %add3A_789 = arith.addf %add3A_774, %mul3A_788 : vector<16xf32>
      %add3A_790 = arith.constant 33 : i32
      %add3A_791 = vector.broadcast %add3A_790 : i32 to vector<16xi32>
      %add3A_792 = arith.addi %get3A_287, %add3A_791 : vector<16xi32>
      %gather3A_793 = tpu.vector_load_idx %arg9[%add3A_280, %add3A_792] : memref<256x128xf32, #tpu.memory_space<vmem>>[vector<16xi32>, vector<16xi32>], vector<16xf32>,
      %add3A_794 = arith.constant 33 : i32
      %add3A_795 = vector.broadcast %add3A_794 : i32 to vector<16xi32>
      %add3A_796 = arith.addi %get3A_291, %add3A_795 : vector<16xi32>
      %gather3A_797 = tpu.vector_load_idx %arg10[%add3A_280, %add3A_796] : memref<256x128xf32, #tpu.memory_space<vmem>>[vector<16xi32>, vector<16xi32>], vector<16xf32>,
      %add3A_798 = arith.constant 33 : i32
      %add3A_799 = vector.broadcast %add3A_798 : i32 to vector<16xi32>
      %add3A_800 = arith.addi %get3A_295, %add3A_799 : vector<16xi32>
      %gather3A_801 = tpu.vector_load_idx %arg11[%add3A_280, %add3A_800] : memref<256x128xf32, #tpu.memory_space<vmem>>[vector<16xi32>, vector<16xi32>], vector<16xf32>,
      %sub3A_802 = arith.subf %gather3A_797, %gather3A_801 : vector<16xf32>
      %mul3A_803 = arith.mulf %gather3A_793, %sub3A_802 : vector<16xf32>
      %add3A_804 = arith.addf %add3A_789, %mul3A_803 : vector<16xf32>
      %add3A_805 = arith.constant 34 : i32
      %add3A_806 = vector.broadcast %add3A_805 : i32 to vector<16xi32>
      %add3A_807 = arith.addi %get3A_287, %add3A_806 : vector<16xi32>
      %gather3A_808 = tpu.vector_load_idx %arg9[%add3A_280, %add3A_807] : memref<256x128xf32, #tpu.memory_space<vmem>>[vector<16xi32>, vector<16xi32>], vector<16xf32>,
      %add3A_809 = arith.constant 34 : i32
      %add3A_810 = vector.broadcast %add3A_809 : i32 to vector<16xi32>
      %add3A_811 = arith.addi %get3A_291, %add3A_810 : vector<16xi32>
      %gather3A_812 = tpu.vector_load_idx %arg10[%add3A_280, %add3A_811] : memref<256x128xf32, #tpu.memory_space<vmem>>[vector<16xi32>, vector<16xi32>], vector<16xf32>,
      %add3A_813 = arith.constant 34 : i32
      %add3A_814 = vector.broadcast %add3A_813 : i32 to vector<16xi32>
      %add3A_815 = arith.addi %get3A_295, %add3A_814 : vector<16xi32>
      %gather3A_816 = tpu.vector_load_idx %arg11[%add3A_280, %add3A_815] : memref<256x128xf32, #tpu.memory_space<vmem>>[vector<16xi32>, vector<16xi32>], vector<16xf32>,
      %sub3A_817 = arith.subf %gather3A_812, %gather3A_816 : vector<16xf32>
      %mul3A_818 = arith.mulf %gather3A_808, %sub3A_817 : vector<16xf32>
      %add3A_819 = arith.addf %add3A_804, %mul3A_818 : vector<16xf32>
      %add3A_820 = arith.constant 35 : i32
      %add3A_821 = vector.broadcast %add3A_820 : i32 to vector<16xi32>
      %add3A_822 = arith.addi %get3A_287, %add3A_821 : vector<16xi32>
      %gather3A_823 = tpu.vector_load_idx %arg9[%add3A_280, %add3A_822] : memref<256x128xf32, #tpu.memory_space<vmem>>[vector<16xi32>, vector<16xi32>], vector<16xf32>,
      %add3A_824 = arith.constant 35 : i32
      %add3A_825 = vector.broadcast %add3A_824 : i32 to vector<16xi32>
      %add3A_826 = arith.addi %get3A_291, %add3A_825 : vector<16xi32>
      %gather3A_827 = tpu.vector_load_idx %arg10[%add3A_280, %add3A_826] : memref<256x128xf32, #tpu.memory_space<vmem>>[vector<16xi32>, vector<16xi32>], vector<16xf32>,
      %add3A_828 = arith.constant 35 : i32
      %add3A_829 = vector.broadcast %add3A_828 : i32 to vector<16xi32>
      %add3A_830 = arith.addi %get3A_295, %add3A_829 : vector<16xi32>
      %gather3A_831 = tpu.vector_load_idx %arg11[%add3A_280, %add3A_830] : memref<256x128xf32, #tpu.memory_space<vmem>>[vector<16xi32>, vector<16xi32>], vector<16xf32>,
      %sub3A_832 = arith.subf %gather3A_827, %gather3A_831 : vector<16xf32>
      %mul3A_833 = arith.mulf %gather3A_823, %sub3A_832 : vector<16xf32>
      %add3A_834 = arith.addf %add3A_819, %mul3A_833 : vector<16xf32>
      %add3A_835 = arith.constant 36 : i32
      %add3A_836 = vector.broadcast %add3A_835 : i32 to vector<16xi32>
      %add3A_837 = arith.addi %get3A_287, %add3A_836 : vector<16xi32>
      %gather3A_838 = tpu.vector_load_idx %arg9[%add3A_280, %add3A_837] : memref<256x128xf32, #tpu.memory_space<vmem>>[vector<16xi32>, vector<16xi32>], vector<16xf32>,
      %add3A_839 = arith.constant 36 : i32
      %add3A_840 = vector.broadcast %add3A_839 : i32 to vector<16xi32>
      %add3A_841 = arith.addi %get3A_291, %add3A_840 : vector<16xi32>
      %gather3A_842 = tpu.vector_load_idx %arg10[%add3A_280, %add3A_841] : memref<256x128xf32, #tpu.memory_space<vmem>>[vector<16xi32>, vector<16xi32>], vector<16xf32>,
      %add3A_843 = arith.constant 36 : i32
      %add3A_844 = vector.broadcast %add3A_843 : i32 to vector<16xi32>
      %add3A_845 = arith.addi %get3A_295, %add3A_844 : vector<16xi32>
      %gather3A_846 = tpu.vector_load_idx %arg11[%add3A_280, %add3A_845] : memref<256x128xf32, #tpu.memory_space<vmem>>[vector<16xi32>, vector<16xi32>], vector<16xf32>,
      %sub3A_847 = arith.subf %gather3A_842, %gather3A_846 : vector<16xf32>
      %mul3A_848 = arith.mulf %gather3A_838, %sub3A_847 : vector<16xf32>
      %add3A_849 = arith.addf %add3A_834, %mul3A_848 : vector<16xf32>
      %add3A_850 = arith.constant 37 : i32
      %add3A_851 = vector.broadcast %add3A_850 : i32 to vector<16xi32>
      %add3A_852 = arith.addi %get3A_287, %add3A_851 : vector<16xi32>
      %gather3A_853 = tpu.vector_load_idx %arg9[%add3A_280, %add3A_852] : memref<256x128xf32, #tpu.memory_space<vmem>>[vector<16xi32>, vector<16xi32>], vector<16xf32>,
      %add3A_854 = arith.constant 37 : i32
      %add3A_855 = vector.broadcast %add3A_854 : i32 to vector<16xi32>
      %add3A_856 = arith.addi %get3A_291, %add3A_855 : vector<16xi32>
      %gather3A_857 = tpu.vector_load_idx %arg10[%add3A_280, %add3A_856] : memref<256x128xf32, #tpu.memory_space<vmem>>[vector<16xi32>, vector<16xi32>], vector<16xf32>,
      %add3A_858 = arith.constant 37 : i32
      %add3A_859 = vector.broadcast %add3A_858 : i32 to vector<16xi32>
      %add3A_860 = arith.addi %get3A_295, %add3A_859 : vector<16xi32>
      %gather3A_861 = tpu.vector_load_idx %arg11[%add3A_280, %add3A_860] : memref<256x128xf32, #tpu.memory_space<vmem>>[vector<16xi32>, vector<16xi32>], vector<16xf32>,
      %sub3A_862 = arith.subf %gather3A_857, %gather3A_861 : vector<16xf32>
      %mul3A_863 = arith.mulf %gather3A_853, %sub3A_862 : vector<16xf32>
      %add3A_864 = arith.addf %add3A_849, %mul3A_863 : vector<16xf32>
      %add3A_865 = arith.constant 38 : i32
      %add3A_866 = vector.broadcast %add3A_865 : i32 to vector<16xi32>
      %add3A_867 = arith.addi %get3A_287, %add3A_866 : vector<16xi32>
      %gather3A_868 = tpu.vector_load_idx %arg9[%add3A_280, %add3A_867] : memref<256x128xf32, #tpu.memory_space<vmem>>[vector<16xi32>, vector<16xi32>], vector<16xf32>,
      %add3A_869 = arith.constant 38 : i32
      %add3A_870 = vector.broadcast %add3A_869 : i32 to vector<16xi32>
      %add3A_871 = arith.addi %get3A_291, %add3A_870 : vector<16xi32>
      %gather3A_872 = tpu.vector_load_idx %arg10[%add3A_280, %add3A_871] : memref<256x128xf32, #tpu.memory_space<vmem>>[vector<16xi32>, vector<16xi32>], vector<16xf32>,
      %add3A_873 = arith.constant 38 : i32
      %add3A_874 = vector.broadcast %add3A_873 : i32 to vector<16xi32>
      %add3A_875 = arith.addi %get3A_295, %add3A_874 : vector<16xi32>
      %gather3A_876 = tpu.vector_load_idx %arg11[%add3A_280, %add3A_875] : memref<256x128xf32, #tpu.memory_space<vmem>>[vector<16xi32>, vector<16xi32>], vector<16xf32>,
      %sub3A_877 = arith.subf %gather3A_872, %gather3A_876 : vector<16xf32>
      %mul3A_878 = arith.mulf %gather3A_868, %sub3A_877 : vector<16xf32>
      %add3A_879 = arith.addf %add3A_864, %mul3A_878 : vector<16xf32>
      %add3A_880 = arith.constant 39 : i32
      %add3A_881 = vector.broadcast %add3A_880 : i32 to vector<16xi32>
      %add3A_882 = arith.addi %get3A_287, %add3A_881 : vector<16xi32>
      %gather3A_883 = tpu.vector_load_idx %arg9[%add3A_280, %add3A_882] : memref<256x128xf32, #tpu.memory_space<vmem>>[vector<16xi32>, vector<16xi32>], vector<16xf32>,
      %add3A_884 = arith.constant 39 : i32
      %add3A_885 = vector.broadcast %add3A_884 : i32 to vector<16xi32>
      %add3A_886 = arith.addi %get3A_291, %add3A_885 : vector<16xi32>
      %gather3A_887 = tpu.vector_load_idx %arg10[%add3A_280, %add3A_886] : memref<256x128xf32, #tpu.memory_space<vmem>>[vector<16xi32>, vector<16xi32>], vector<16xf32>,
      %add3A_888 = arith.constant 39 : i32
      %add3A_889 = vector.broadcast %add3A_888 : i32 to vector<16xi32>
      %add3A_890 = arith.addi %get3A_295, %add3A_889 : vector<16xi32>
      %gather3A_891 = tpu.vector_load_idx %arg11[%add3A_280, %add3A_890] : memref<256x128xf32, #tpu.memory_space<vmem>>[vector<16xi32>, vector<16xi32>], vector<16xf32>,
      %sub3A_892 = arith.subf %gather3A_887, %gather3A_891 : vector<16xf32>
      %mul3A_893 = arith.mulf %gather3A_883, %sub3A_892 : vector<16xf32>
      %add3A_894 = arith.addf %add3A_879, %mul3A_893 : vector<16xf32>
      %add3A_895 = arith.constant 40 : i32
      %add3A_896 = vector.broadcast %add3A_895 : i32 to vector<16xi32>
      %add3A_897 = arith.addi %get3A_287, %add3A_896 : vector<16xi32>
      %gather3A_898 = tpu.vector_load_idx %arg9[%add3A_280, %add3A_897] : memref<256x128xf32, #tpu.memory_space<vmem>>[vector<16xi32>, vector<16xi32>], vector<16xf32>,
      %add3A_899 = arith.constant 40 : i32
      %add3A_900 = vector.broadcast %add3A_899 : i32 to vector<16xi32>
      %add3A_901 = arith.addi %get3A_291, %add3A_900 : vector<16xi32>
      %gather3A_902 = tpu.vector_load_idx %arg10[%add3A_280, %add3A_901] : memref<256x128xf32, #tpu.memory_space<vmem>>[vector<16xi32>, vector<16xi32>], vector<16xf32>,
      %add3A_903 = arith.constant 40 : i32
      %add3A_904 = vector.broadcast %add3A_903 : i32 to vector<16xi32>
      %add3A_905 = arith.addi %get3A_295, %add3A_904 : vector<16xi32>
      %gather3A_906 = tpu.vector_load_idx %arg11[%add3A_280, %add3A_905] : memref<256x128xf32, #tpu.memory_space<vmem>>[vector<16xi32>, vector<16xi32>], vector<16xf32>,
      %sub3A_907 = arith.subf %gather3A_902, %gather3A_906 : vector<16xf32>
      %mul3A_908 = arith.mulf %gather3A_898, %sub3A_907 : vector<16xf32>
      %add3A_909 = arith.addf %add3A_894, %mul3A_908 : vector<16xf32>
      %add3A_910 = arith.constant 41 : i32
      %add3A_911 = vector.broadcast %add3A_910 : i32 to vector<16xi32>
      %add3A_912 = arith.addi %get3A_287, %add3A_911 : vector<16xi32>
      %gather3A_913 = tpu.vector_load_idx %arg9[%add3A_280, %add3A_912] : memref<256x128xf32, #tpu.memory_space<vmem>>[vector<16xi32>, vector<16xi32>], vector<16xf32>,
      %add3A_914 = arith.constant 41 : i32
      %add3A_915 = vector.broadcast %add3A_914 : i32 to vector<16xi32>
      %add3A_916 = arith.addi %get3A_291, %add3A_915 : vector<16xi32>
      %gather3A_917 = tpu.vector_load_idx %arg10[%add3A_280, %add3A_916] : memref<256x128xf32, #tpu.memory_space<vmem>>[vector<16xi32>, vector<16xi32>], vector<16xf32>,
      %add3A_918 = arith.constant 41 : i32
      %add3A_919 = vector.broadcast %add3A_918 : i32 to vector<16xi32>
      %add3A_920 = arith.addi %get3A_295, %add3A_919 : vector<16xi32>
      %gather3A_921 = tpu.vector_load_idx %arg11[%add3A_280, %add3A_920] : memref<256x128xf32, #tpu.memory_space<vmem>>[vector<16xi32>, vector<16xi32>], vector<16xf32>,
      %sub3A_922 = arith.subf %gather3A_917, %gather3A_921 : vector<16xf32>
      %mul3A_923 = arith.mulf %gather3A_913, %sub3A_922 : vector<16xf32>
      %add3A_924 = arith.addf %add3A_909, %mul3A_923 : vector<16xf32>
      %add3A_925 = arith.constant 42 : i32
      %add3A_926 = vector.broadcast %add3A_925 : i32 to vector<16xi32>
      %add3A_927 = arith.addi %get3A_287, %add3A_926 : vector<16xi32>
      %gather3A_928 = tpu.vector_load_idx %arg9[%add3A_280, %add3A_927] : memref<256x128xf32, #tpu.memory_space<vmem>>[vector<16xi32>, vector<16xi32>], vector<16xf32>,
      %add3A_929 = arith.constant 42 : i32
      %add3A_930 = vector.broadcast %add3A_929 : i32 to vector<16xi32>
      %add3A_931 = arith.addi %get3A_291, %add3A_930 : vector<16xi32>
      %gather3A_932 = tpu.vector_load_idx %arg10[%add3A_280, %add3A_931] : memref<256x128xf32, #tpu.memory_space<vmem>>[vector<16xi32>, vector<16xi32>], vector<16xf32>,
      %add3A_933 = arith.constant 42 : i32
      %add3A_934 = vector.broadcast %add3A_933 : i32 to vector<16xi32>
      %add3A_935 = arith.addi %get3A_295, %add3A_934 : vector<16xi32>
      %gather3A_936 = tpu.vector_load_idx %arg11[%add3A_280, %add3A_935] : memref<256x128xf32, #tpu.memory_space<vmem>>[vector<16xi32>, vector<16xi32>], vector<16xf32>,
      %sub3A_937 = arith.subf %gather3A_932, %gather3A_936 : vector<16xf32>
      %mul3A_938 = arith.mulf %gather3A_928, %sub3A_937 : vector<16xf32>
      %add3A_939 = arith.addf %add3A_924, %mul3A_938 : vector<16xf32>
      %add3A_940 = arith.constant 43 : i32
      %add3A_941 = vector.broadcast %add3A_940 : i32 to vector<16xi32>
      %add3A_942 = arith.addi %get3A_287, %add3A_941 : vector<16xi32>
      %gather3A_943 = tpu.vector_load_idx %arg9[%add3A_280, %add3A_942] : memref<256x128xf32, #tpu.memory_space<vmem>>[vector<16xi32>, vector<16xi32>], vector<16xf32>,
      %add3A_944 = arith.constant 43 : i32
      %add3A_945 = vector.broadcast %add3A_944 : i32 to vector<16xi32>
      %add3A_946 = arith.addi %get3A_291, %add3A_945 : vector<16xi32>
      %gather3A_947 = tpu.vector_load_idx %arg10[%add3A_280, %add3A_946] : memref<256x128xf32, #tpu.memory_space<vmem>>[vector<16xi32>, vector<16xi32>], vector<16xf32>,
      %add3A_948 = arith.constant 43 : i32
      %add3A_949 = vector.broadcast %add3A_948 : i32 to vector<16xi32>
      %add3A_950 = arith.addi %get3A_295, %add3A_949 : vector<16xi32>
      %gather3A_951 = tpu.vector_load_idx %arg11[%add3A_280, %add3A_950] : memref<256x128xf32, #tpu.memory_space<vmem>>[vector<16xi32>, vector<16xi32>], vector<16xf32>,
      %sub3A_952 = arith.subf %gather3A_947, %gather3A_951 : vector<16xf32>
      %mul3A_953 = arith.mulf %gather3A_943, %sub3A_952 : vector<16xf32>
      %add3A_954 = arith.addf %add3A_939, %mul3A_953 : vector<16xf32>
      %add3A_955 = arith.constant 44 : i32
      %add3A_956 = vector.broadcast %add3A_955 : i32 to vector<16xi32>
      %add3A_957 = arith.addi %get3A_287, %add3A_956 : vector<16xi32>
      %gather3A_958 = tpu.vector_load_idx %arg9[%add3A_280, %add3A_957] : memref<256x128xf32, #tpu.memory_space<vmem>>[vector<16xi32>, vector<16xi32>], vector<16xf32>,
      %add3A_959 = arith.constant 44 : i32
      %add3A_960 = vector.broadcast %add3A_959 : i32 to vector<16xi32>
      %add3A_961 = arith.addi %get3A_291, %add3A_960 : vector<16xi32>
      %gather3A_962 = tpu.vector_load_idx %arg10[%add3A_280, %add3A_961] : memref<256x128xf32, #tpu.memory_space<vmem>>[vector<16xi32>, vector<16xi32>], vector<16xf32>,
      %add3A_963 = arith.constant 44 : i32
      %add3A_964 = vector.broadcast %add3A_963 : i32 to vector<16xi32>
      %add3A_965 = arith.addi %get3A_295, %add3A_964 : vector<16xi32>
      %gather3A_966 = tpu.vector_load_idx %arg11[%add3A_280, %add3A_965] : memref<256x128xf32, #tpu.memory_space<vmem>>[vector<16xi32>, vector<16xi32>], vector<16xf32>,
      %sub3A_967 = arith.subf %gather3A_962, %gather3A_966 : vector<16xf32>
      %mul3A_968 = arith.mulf %gather3A_958, %sub3A_967 : vector<16xf32>
      %add3A_969 = arith.addf %add3A_954, %mul3A_968 : vector<16xf32>
      %add3A_970 = arith.constant 45 : i32
      %add3A_971 = vector.broadcast %add3A_970 : i32 to vector<16xi32>
      %add3A_972 = arith.addi %get3A_287, %add3A_971 : vector<16xi32>
      %gather3A_973 = tpu.vector_load_idx %arg9[%add3A_280, %add3A_972] : memref<256x128xf32, #tpu.memory_space<vmem>>[vector<16xi32>, vector<16xi32>], vector<16xf32>,
      %add3A_974 = arith.constant 45 : i32
      %add3A_975 = vector.broadcast %add3A_974 : i32 to vector<16xi32>
      %add3A_976 = arith.addi %get3A_291, %add3A_975 : vector<16xi32>
      %gather3A_977 = tpu.vector_load_idx %arg10[%add3A_280, %add3A_976] : memref<256x128xf32, #tpu.memory_space<vmem>>[vector<16xi32>, vector<16xi32>], vector<16xf32>,
      %add3A_978 = arith.constant 45 : i32
      %add3A_979 = vector.broadcast %add3A_978 : i32 to vector<16xi32>
      %add3A_980 = arith.addi %get3A_295, %add3A_979 : vector<16xi32>
      %gather3A_981 = tpu.vector_load_idx %arg11[%add3A_280, %add3A_980] : memref<256x128xf32, #tpu.memory_space<vmem>>[vector<16xi32>, vector<16xi32>], vector<16xf32>,
      %sub3A_982 = arith.subf %gather3A_977, %gather3A_981 : vector<16xf32>
      %mul3A_983 = arith.mulf %gather3A_973, %sub3A_982 : vector<16xf32>
      %add3A_984 = arith.addf %add3A_969, %mul3A_983 : vector<16xf32>
      %add3A_985 = arith.constant 46 : i32
      %add3A_986 = vector.broadcast %add3A_985 : i32 to vector<16xi32>
      %add3A_987 = arith.addi %get3A_287, %add3A_986 : vector<16xi32>
      %gather3A_988 = tpu.vector_load_idx %arg9[%add3A_280, %add3A_987] : memref<256x128xf32, #tpu.memory_space<vmem>>[vector<16xi32>, vector<16xi32>], vector<16xf32>,
      %add3A_989 = arith.constant 46 : i32
      %add3A_990 = vector.broadcast %add3A_989 : i32 to vector<16xi32>
      %add3A_991 = arith.addi %get3A_291, %add3A_990 : vector<16xi32>
      %gather3A_992 = tpu.vector_load_idx %arg10[%add3A_280, %add3A_991] : memref<256x128xf32, #tpu.memory_space<vmem>>[vector<16xi32>, vector<16xi32>], vector<16xf32>,
      %add3A_993 = arith.constant 46 : i32
      %add3A_994 = vector.broadcast %add3A_993 : i32 to vector<16xi32>
      %add3A_995 = arith.addi %get3A_295, %add3A_994 : vector<16xi32>
      %gather3A_996 = tpu.vector_load_idx %arg11[%add3A_280, %add3A_995] : memref<256x128xf32, #tpu.memory_space<vmem>>[vector<16xi32>, vector<16xi32>], vector<16xf32>,
      %sub3A_997 = arith.subf %gather3A_992, %gather3A_996 : vector<16xf32>
      %mul3A_998 = arith.mulf %gather3A_988, %sub3A_997 : vector<16xf32>
      %add3A_999 = arith.addf %add3A_984, %mul3A_998 : vector<16xf32>
      %add3A_1000 = arith.constant 47 : i32
      %add3A_1001 = vector.broadcast %add3A_1000 : i32 to vector<16xi32>
      %add3A_1002 = arith.addi %get3A_287, %add3A_1001 : vector<16xi32>
      %gather3A_1003 = tpu.vector_load_idx %arg9[%add3A_280, %add3A_1002] : memref<256x128xf32, #tpu.memory_space<vmem>>[vector<16xi32>, vector<16xi32>], vector<16xf32>,
      %add3A_1004 = arith.constant 47 : i32
      %add3A_1005 = vector.broadcast %add3A_1004 : i32 to vector<16xi32>
      %add3A_1006 = arith.addi %get3A_291, %add3A_1005 : vector<16xi32>
      %gather3A_1007 = tpu.vector_load_idx %arg10[%add3A_280, %add3A_1006] : memref<256x128xf32, #tpu.memory_space<vmem>>[vector<16xi32>, vector<16xi32>], vector<16xf32>,
      %add3A_1008 = arith.constant 47 : i32
      %add3A_1009 = vector.broadcast %add3A_1008 : i32 to vector<16xi32>
      %add3A_1010 = arith.addi %get3A_295, %add3A_1009 : vector<16xi32>
      %gather3A_1011 = tpu.vector_load_idx %arg11[%add3A_280, %add3A_1010] : memref<256x128xf32, #tpu.memory_space<vmem>>[vector<16xi32>, vector<16xi32>], vector<16xf32>,
      %sub3A_1012 = arith.subf %gather3A_1007, %gather3A_1011 : vector<16xf32>
      %mul3A_1013 = arith.mulf %gather3A_1003, %sub3A_1012 : vector<16xf32>
      %add3A_1014 = arith.addf %add3A_999, %mul3A_1013 : vector<16xf32>
      %add3A_1015 = arith.constant 48 : i32
      %add3A_1016 = vector.broadcast %add3A_1015 : i32 to vector<16xi32>
      %add3A_1017 = arith.addi %get3A_287, %add3A_1016 : vector<16xi32>
      %gather3A_1018 = tpu.vector_load_idx %arg9[%add3A_280, %add3A_1017] : memref<256x128xf32, #tpu.memory_space<vmem>>[vector<16xi32>, vector<16xi32>], vector<16xf32>,
      %add3A_1019 = arith.constant 48 : i32
      %add3A_1020 = vector.broadcast %add3A_1019 : i32 to vector<16xi32>
      %add3A_1021 = arith.addi %get3A_291, %add3A_1020 : vector<16xi32>
      %gather3A_1022 = tpu.vector_load_idx %arg10[%add3A_280, %add3A_1021] : memref<256x128xf32, #tpu.memory_space<vmem>>[vector<16xi32>, vector<16xi32>], vector<16xf32>,
      %add3A_1023 = arith.constant 48 : i32
      %add3A_1024 = vector.broadcast %add3A_1023 : i32 to vector<16xi32>
      %add3A_1025 = arith.addi %get3A_295, %add3A_1024 : vector<16xi32>
      %gather3A_1026 = tpu.vector_load_idx %arg11[%add3A_280, %add3A_1025] : memref<256x128xf32, #tpu.memory_space<vmem>>[vector<16xi32>, vector<16xi32>], vector<16xf32>,
      %sub3A_1027 = arith.subf %gather3A_1022, %gather3A_1026 : vector<16xf32>
      %mul3A_1028 = arith.mulf %gather3A_1018, %sub3A_1027 : vector<16xf32>
      %add3A_1029 = arith.addf %add3A_1014, %mul3A_1028 : vector<16xf32>
      %add3A_1030 = arith.constant 49 : i32
      %add3A_1031 = vector.broadcast %add3A_1030 : i32 to vector<16xi32>
      %add3A_1032 = arith.addi %get3A_287, %add3A_1031 : vector<16xi32>
      %gather3A_1033 = tpu.vector_load_idx %arg9[%add3A_280, %add3A_1032] : memref<256x128xf32, #tpu.memory_space<vmem>>[vector<16xi32>, vector<16xi32>], vector<16xf32>,
      %add3A_1034 = arith.constant 49 : i32
      %add3A_1035 = vector.broadcast %add3A_1034 : i32 to vector<16xi32>
      %add3A_1036 = arith.addi %get3A_291, %add3A_1035 : vector<16xi32>
      %gather3A_1037 = tpu.vector_load_idx %arg10[%add3A_280, %add3A_1036] : memref<256x128xf32, #tpu.memory_space<vmem>>[vector<16xi32>, vector<16xi32>], vector<16xf32>,
      %add3A_1038 = arith.constant 49 : i32
      %add3A_1039 = vector.broadcast %add3A_1038 : i32 to vector<16xi32>
      %add3A_1040 = arith.addi %get3A_295, %add3A_1039 : vector<16xi32>
      %gather3A_1041 = tpu.vector_load_idx %arg11[%add3A_280, %add3A_1040] : memref<256x128xf32, #tpu.memory_space<vmem>>[vector<16xi32>, vector<16xi32>], vector<16xf32>,
      %sub3A_1042 = arith.subf %gather3A_1037, %gather3A_1041 : vector<16xf32>
      %mul3A_1043 = arith.mulf %gather3A_1033, %sub3A_1042 : vector<16xf32>
      %add3A_1044 = arith.addf %add3A_1029, %mul3A_1043 : vector<16xf32>
      %add3A_1045 = arith.constant 50 : i32
      %add3A_1046 = vector.broadcast %add3A_1045 : i32 to vector<16xi32>
      %add3A_1047 = arith.addi %get3A_287, %add3A_1046 : vector<16xi32>
      %gather3A_1048 = tpu.vector_load_idx %arg9[%add3A_280, %add3A_1047] : memref<256x128xf32, #tpu.memory_space<vmem>>[vector<16xi32>, vector<16xi32>], vector<16xf32>,
      %add3A_1049 = arith.constant 50 : i32
      %add3A_1050 = vector.broadcast %add3A_1049 : i32 to vector<16xi32>
      %add3A_1051 = arith.addi %get3A_291, %add3A_1050 : vector<16xi32>
      %gather3A_1052 = tpu.vector_load_idx %arg10[%add3A_280, %add3A_1051] : memref<256x128xf32, #tpu.memory_space<vmem>>[vector<16xi32>, vector<16xi32>], vector<16xf32>,
      %add3A_1053 = arith.constant 50 : i32
      %add3A_1054 = vector.broadcast %add3A_1053 : i32 to vector<16xi32>
      %add3A_1055 = arith.addi %get3A_295, %add3A_1054 : vector<16xi32>
      %gather3A_1056 = tpu.vector_load_idx %arg11[%add3A_280, %add3A_1055] : memref<256x128xf32, #tpu.memory_space<vmem>>[vector<16xi32>, vector<16xi32>], vector<16xf32>,
      %sub3A_1057 = arith.subf %gather3A_1052, %gather3A_1056 : vector<16xf32>
      %mul3A_1058 = arith.mulf %gather3A_1048, %sub3A_1057 : vector<16xf32>
      %add3A_1059 = arith.addf %add3A_1044, %mul3A_1058 : vector<16xf32>
      %add3A_1060 = arith.constant 51 : i32
      %add3A_1061 = vector.broadcast %add3A_1060 : i32 to vector<16xi32>
      %add3A_1062 = arith.addi %get3A_287, %add3A_1061 : vector<16xi32>
      %gather3A_1063 = tpu.vector_load_idx %arg9[%add3A_280, %add3A_1062] : memref<256x128xf32, #tpu.memory_space<vmem>>[vector<16xi32>, vector<16xi32>], vector<16xf32>,
      %add3A_1064 = arith.constant 51 : i32
      %add3A_1065 = vector.broadcast %add3A_1064 : i32 to vector<16xi32>
      %add3A_1066 = arith.addi %get3A_291, %add3A_1065 : vector<16xi32>
      %gather3A_1067 = tpu.vector_load_idx %arg10[%add3A_280, %add3A_1066] : memref<256x128xf32, #tpu.memory_space<vmem>>[vector<16xi32>, vector<16xi32>], vector<16xf32>,
      %add3A_1068 = arith.constant 51 : i32
      %add3A_1069 = vector.broadcast %add3A_1068 : i32 to vector<16xi32>
      %add3A_1070 = arith.addi %get3A_295, %add3A_1069 : vector<16xi32>
      %gather3A_1071 = tpu.vector_load_idx %arg11[%add3A_280, %add3A_1070] : memref<256x128xf32, #tpu.memory_space<vmem>>[vector<16xi32>, vector<16xi32>], vector<16xf32>,
      %sub3A_1072 = arith.subf %gather3A_1067, %gather3A_1071 : vector<16xf32>
      %mul3A_1073 = arith.mulf %gather3A_1063, %sub3A_1072 : vector<16xf32>
      %add3A_1074 = arith.addf %add3A_1059, %mul3A_1073 : vector<16xf32>
      %add3A_1075 = arith.constant 52 : i32
      %add3A_1076 = vector.broadcast %add3A_1075 : i32 to vector<16xi32>
      %add3A_1077 = arith.addi %get3A_287, %add3A_1076 : vector<16xi32>
      %gather3A_1078 = tpu.vector_load_idx %arg9[%add3A_280, %add3A_1077] : memref<256x128xf32, #tpu.memory_space<vmem>>[vector<16xi32>, vector<16xi32>], vector<16xf32>,
      %add3A_1079 = arith.constant 52 : i32
      %add3A_1080 = vector.broadcast %add3A_1079 : i32 to vector<16xi32>
      %add3A_1081 = arith.addi %get3A_291, %add3A_1080 : vector<16xi32>
      %gather3A_1082 = tpu.vector_load_idx %arg10[%add3A_280, %add3A_1081] : memref<256x128xf32, #tpu.memory_space<vmem>>[vector<16xi32>, vector<16xi32>], vector<16xf32>,
      %add3A_1083 = arith.constant 52 : i32
      %add3A_1084 = vector.broadcast %add3A_1083 : i32 to vector<16xi32>
      %add3A_1085 = arith.addi %get3A_295, %add3A_1084 : vector<16xi32>
      %gather3A_1086 = tpu.vector_load_idx %arg11[%add3A_280, %add3A_1085] : memref<256x128xf32, #tpu.memory_space<vmem>>[vector<16xi32>, vector<16xi32>], vector<16xf32>,
      %sub3A_1087 = arith.subf %gather3A_1082, %gather3A_1086 : vector<16xf32>
      %mul3A_1088 = arith.mulf %gather3A_1078, %sub3A_1087 : vector<16xf32>
      %add3A_1089 = arith.addf %add3A_1074, %mul3A_1088 : vector<16xf32>
      %add3A_1090 = arith.constant 53 : i32
      %add3A_1091 = vector.broadcast %add3A_1090 : i32 to vector<16xi32>
      %add3A_1092 = arith.addi %get3A_287, %add3A_1091 : vector<16xi32>
      %gather3A_1093 = tpu.vector_load_idx %arg9[%add3A_280, %add3A_1092] : memref<256x128xf32, #tpu.memory_space<vmem>>[vector<16xi32>, vector<16xi32>], vector<16xf32>,
      %add3A_1094 = arith.constant 53 : i32
      %add3A_1095 = vector.broadcast %add3A_1094 : i32 to vector<16xi32>
      %add3A_1096 = arith.addi %get3A_291, %add3A_1095 : vector<16xi32>
      %gather3A_1097 = tpu.vector_load_idx %arg10[%add3A_280, %add3A_1096] : memref<256x128xf32, #tpu.memory_space<vmem>>[vector<16xi32>, vector<16xi32>], vector<16xf32>,
      %add3A_1098 = arith.constant 53 : i32
      %add3A_1099 = vector.broadcast %add3A_1098 : i32 to vector<16xi32>
      %add3A_1100 = arith.addi %get3A_295, %add3A_1099 : vector<16xi32>
      %gather3A_1101 = tpu.vector_load_idx %arg11[%add3A_280, %add3A_1100] : memref<256x128xf32, #tpu.memory_space<vmem>>[vector<16xi32>, vector<16xi32>], vector<16xf32>,
      %sub3A_1102 = arith.subf %gather3A_1097, %gather3A_1101 : vector<16xf32>
      %mul3A_1103 = arith.mulf %gather3A_1093, %sub3A_1102 : vector<16xf32>
      %add3A_1104 = arith.addf %add3A_1089, %mul3A_1103 : vector<16xf32>
      %add3A_1105 = arith.constant 54 : i32
      %add3A_1106 = vector.broadcast %add3A_1105 : i32 to vector<16xi32>
      %add3A_1107 = arith.addi %get3A_287, %add3A_1106 : vector<16xi32>
      %gather3A_1108 = tpu.vector_load_idx %arg9[%add3A_280, %add3A_1107] : memref<256x128xf32, #tpu.memory_space<vmem>>[vector<16xi32>, vector<16xi32>], vector<16xf32>,
      %add3A_1109 = arith.constant 54 : i32
      %add3A_1110 = vector.broadcast %add3A_1109 : i32 to vector<16xi32>
      %add3A_1111 = arith.addi %get3A_291, %add3A_1110 : vector<16xi32>
      %gather3A_1112 = tpu.vector_load_idx %arg10[%add3A_280, %add3A_1111] : memref<256x128xf32, #tpu.memory_space<vmem>>[vector<16xi32>, vector<16xi32>], vector<16xf32>,
      %add3A_1113 = arith.constant 54 : i32
      %add3A_1114 = vector.broadcast %add3A_1113 : i32 to vector<16xi32>
      %add3A_1115 = arith.addi %get3A_295, %add3A_1114 : vector<16xi32>
      %gather3A_1116 = tpu.vector_load_idx %arg11[%add3A_280, %add3A_1115] : memref<256x128xf32, #tpu.memory_space<vmem>>[vector<16xi32>, vector<16xi32>], vector<16xf32>,
      %sub3A_1117 = arith.subf %gather3A_1112, %gather3A_1116 : vector<16xf32>
      %mul3A_1118 = arith.mulf %gather3A_1108, %sub3A_1117 : vector<16xf32>
      %add3A_1119 = arith.addf %add3A_1104, %mul3A_1118 : vector<16xf32>
      %add3A_1120 = arith.constant 55 : i32
      %add3A_1121 = vector.broadcast %add3A_1120 : i32 to vector<16xi32>
      %add3A_1122 = arith.addi %get3A_287, %add3A_1121 : vector<16xi32>
      %gather3A_1123 = tpu.vector_load_idx %arg9[%add3A_280, %add3A_1122] : memref<256x128xf32, #tpu.memory_space<vmem>>[vector<16xi32>, vector<16xi32>], vector<16xf32>,
      %add3A_1124 = arith.constant 55 : i32
      %add3A_1125 = vector.broadcast %add3A_1124 : i32 to vector<16xi32>
      %add3A_1126 = arith.addi %get3A_291, %add3A_1125 : vector<16xi32>
      %gather3A_1127 = tpu.vector_load_idx %arg10[%add3A_280, %add3A_1126] : memref<256x128xf32, #tpu.memory_space<vmem>>[vector<16xi32>, vector<16xi32>], vector<16xf32>,
      %add3A_1128 = arith.constant 55 : i32
      %add3A_1129 = vector.broadcast %add3A_1128 : i32 to vector<16xi32>
      %add3A_1130 = arith.addi %get3A_295, %add3A_1129 : vector<16xi32>
      %gather3A_1131 = tpu.vector_load_idx %arg11[%add3A_280, %add3A_1130] : memref<256x128xf32, #tpu.memory_space<vmem>>[vector<16xi32>, vector<16xi32>], vector<16xf32>,
      %sub3A_1132 = arith.subf %gather3A_1127, %gather3A_1131 : vector<16xf32>
      %mul3A_1133 = arith.mulf %gather3A_1123, %sub3A_1132 : vector<16xf32>
      %add3A_1134 = arith.addf %add3A_1119, %mul3A_1133 : vector<16xf32>
      %add3A_1135 = arith.constant 56 : i32
      %add3A_1136 = vector.broadcast %add3A_1135 : i32 to vector<16xi32>
      %add3A_1137 = arith.addi %get3A_287, %add3A_1136 : vector<16xi32>
      %gather3A_1138 = tpu.vector_load_idx %arg9[%add3A_280, %add3A_1137] : memref<256x128xf32, #tpu.memory_space<vmem>>[vector<16xi32>, vector<16xi32>], vector<16xf32>,
      %add3A_1139 = arith.constant 56 : i32
      %add3A_1140 = vector.broadcast %add3A_1139 : i32 to vector<16xi32>
      %add3A_1141 = arith.addi %get3A_291, %add3A_1140 : vector<16xi32>
      %gather3A_1142 = tpu.vector_load_idx %arg10[%add3A_280, %add3A_1141] : memref<256x128xf32, #tpu.memory_space<vmem>>[vector<16xi32>, vector<16xi32>], vector<16xf32>,
      %add3A_1143 = arith.constant 56 : i32
      %add3A_1144 = vector.broadcast %add3A_1143 : i32 to vector<16xi32>
      %add3A_1145 = arith.addi %get3A_295, %add3A_1144 : vector<16xi32>
      %gather3A_1146 = tpu.vector_load_idx %arg11[%add3A_280, %add3A_1145] : memref<256x128xf32, #tpu.memory_space<vmem>>[vector<16xi32>, vector<16xi32>], vector<16xf32>,
      %sub3A_1147 = arith.subf %gather3A_1142, %gather3A_1146 : vector<16xf32>
      %mul3A_1148 = arith.mulf %gather3A_1138, %sub3A_1147 : vector<16xf32>
      %add3A_1149 = arith.addf %add3A_1134, %mul3A_1148 : vector<16xf32>
      %add3A_1150 = arith.constant 57 : i32
      %add3A_1151 = vector.broadcast %add3A_1150 : i32 to vector<16xi32>
      %add3A_1152 = arith.addi %get3A_287, %add3A_1151 : vector<16xi32>
      %gather3A_1153 = tpu.vector_load_idx %arg9[%add3A_280, %add3A_1152] : memref<256x128xf32, #tpu.memory_space<vmem>>[vector<16xi32>, vector<16xi32>], vector<16xf32>,
      %add3A_1154 = arith.constant 57 : i32
      %add3A_1155 = vector.broadcast %add3A_1154 : i32 to vector<16xi32>
      %add3A_1156 = arith.addi %get3A_291, %add3A_1155 : vector<16xi32>
      %gather3A_1157 = tpu.vector_load_idx %arg10[%add3A_280, %add3A_1156] : memref<256x128xf32, #tpu.memory_space<vmem>>[vector<16xi32>, vector<16xi32>], vector<16xf32>,
      %add3A_1158 = arith.constant 57 : i32
      %add3A_1159 = vector.broadcast %add3A_1158 : i32 to vector<16xi32>
      %add3A_1160 = arith.addi %get3A_295, %add3A_1159 : vector<16xi32>
      %gather3A_1161 = tpu.vector_load_idx %arg11[%add3A_280, %add3A_1160] : memref<256x128xf32, #tpu.memory_space<vmem>>[vector<16xi32>, vector<16xi32>], vector<16xf32>,
      %sub3A_1162 = arith.subf %gather3A_1157, %gather3A_1161 : vector<16xf32>
      %mul3A_1163 = arith.mulf %gather3A_1153, %sub3A_1162 : vector<16xf32>
      %add3A_1164 = arith.addf %add3A_1149, %mul3A_1163 : vector<16xf32>
      %add3A_1165 = arith.constant 58 : i32
      %add3A_1166 = vector.broadcast %add3A_1165 : i32 to vector<16xi32>
      %add3A_1167 = arith.addi %get3A_287, %add3A_1166 : vector<16xi32>
      %gather3A_1168 = tpu.vector_load_idx %arg9[%add3A_280, %add3A_1167] : memref<256x128xf32, #tpu.memory_space<vmem>>[vector<16xi32>, vector<16xi32>], vector<16xf32>,
      %add3A_1169 = arith.constant 58 : i32
      %add3A_1170 = vector.broadcast %add3A_1169 : i32 to vector<16xi32>
      %add3A_1171 = arith.addi %get3A_291, %add3A_1170 : vector<16xi32>
      %gather3A_1172 = tpu.vector_load_idx %arg10[%add3A_280, %add3A_1171] : memref<256x128xf32, #tpu.memory_space<vmem>>[vector<16xi32>, vector<16xi32>], vector<16xf32>,
      %add3A_1173 = arith.constant 58 : i32
      %add3A_1174 = vector.broadcast %add3A_1173 : i32 to vector<16xi32>
      %add3A_1175 = arith.addi %get3A_295, %add3A_1174 : vector<16xi32>
      %gather3A_1176 = tpu.vector_load_idx %arg11[%add3A_280, %add3A_1175] : memref<256x128xf32, #tpu.memory_space<vmem>>[vector<16xi32>, vector<16xi32>], vector<16xf32>,
      %sub3A_1177 = arith.subf %gather3A_1172, %gather3A_1176 : vector<16xf32>
      %mul3A_1178 = arith.mulf %gather3A_1168, %sub3A_1177 : vector<16xf32>
      %add3A_1179 = arith.addf %add3A_1164, %mul3A_1178 : vector<16xf32>
      %add3A_1180 = arith.constant 59 : i32
      %add3A_1181 = vector.broadcast %add3A_1180 : i32 to vector<16xi32>
      %add3A_1182 = arith.addi %get3A_287, %add3A_1181 : vector<16xi32>
      %gather3A_1183 = tpu.vector_load_idx %arg9[%add3A_280, %add3A_1182] : memref<256x128xf32, #tpu.memory_space<vmem>>[vector<16xi32>, vector<16xi32>], vector<16xf32>,
      %add3A_1184 = arith.constant 59 : i32
      %add3A_1185 = vector.broadcast %add3A_1184 : i32 to vector<16xi32>
      %add3A_1186 = arith.addi %get3A_291, %add3A_1185 : vector<16xi32>
      %gather3A_1187 = tpu.vector_load_idx %arg10[%add3A_280, %add3A_1186] : memref<256x128xf32, #tpu.memory_space<vmem>>[vector<16xi32>, vector<16xi32>], vector<16xf32>,
      %add3A_1188 = arith.constant 59 : i32
      %add3A_1189 = vector.broadcast %add3A_1188 : i32 to vector<16xi32>
      %add3A_1190 = arith.addi %get3A_295, %add3A_1189 : vector<16xi32>
      %gather3A_1191 = tpu.vector_load_idx %arg11[%add3A_280, %add3A_1190] : memref<256x128xf32, #tpu.memory_space<vmem>>[vector<16xi32>, vector<16xi32>], vector<16xf32>,
      %sub3A_1192 = arith.subf %gather3A_1187, %gather3A_1191 : vector<16xf32>
      %mul3A_1193 = arith.mulf %gather3A_1183, %sub3A_1192 : vector<16xf32>
      %add3A_1194 = arith.addf %add3A_1179, %mul3A_1193 : vector<16xf32>
      %add3A_1195 = arith.constant 60 : i32
      %add3A_1196 = vector.broadcast %add3A_1195 : i32 to vector<16xi32>
      %add3A_1197 = arith.addi %get3A_287, %add3A_1196 : vector<16xi32>
      %gather3A_1198 = tpu.vector_load_idx %arg9[%add3A_280, %add3A_1197] : memref<256x128xf32, #tpu.memory_space<vmem>>[vector<16xi32>, vector<16xi32>], vector<16xf32>,
      %add3A_1199 = arith.constant 60 : i32
      %add3A_1200 = vector.broadcast %add3A_1199 : i32 to vector<16xi32>
      %add3A_1201 = arith.addi %get3A_291, %add3A_1200 : vector<16xi32>
      %gather3A_1202 = tpu.vector_load_idx %arg10[%add3A_280, %add3A_1201] : memref<256x128xf32, #tpu.memory_space<vmem>>[vector<16xi32>, vector<16xi32>], vector<16xf32>,
      %add3A_1203 = arith.constant 60 : i32
      %add3A_1204 = vector.broadcast %add3A_1203 : i32 to vector<16xi32>
      %add3A_1205 = arith.addi %get3A_295, %add3A_1204 : vector<16xi32>
      %gather3A_1206 = tpu.vector_load_idx %arg11[%add3A_280, %add3A_1205] : memref<256x128xf32, #tpu.memory_space<vmem>>[vector<16xi32>, vector<16xi32>], vector<16xf32>,
      %sub3A_1207 = arith.subf %gather3A_1202, %gather3A_1206 : vector<16xf32>
      %mul3A_1208 = arith.mulf %gather3A_1198, %sub3A_1207 : vector<16xf32>
      %add3A_1209 = arith.addf %add3A_1194, %mul3A_1208 : vector<16xf32>
      %add3A_1210 = arith.constant 61 : i32
      %add3A_1211 = vector.broadcast %add3A_1210 : i32 to vector<16xi32>
      %add3A_1212 = arith.addi %get3A_287, %add3A_1211 : vector<16xi32>
      %gather3A_1213 = tpu.vector_load_idx %arg9[%add3A_280, %add3A_1212] : memref<256x128xf32, #tpu.memory_space<vmem>>[vector<16xi32>, vector<16xi32>], vector<16xf32>,
      %add3A_1214 = arith.constant 61 : i32
      %add3A_1215 = vector.broadcast %add3A_1214 : i32 to vector<16xi32>
      %add3A_1216 = arith.addi %get3A_291, %add3A_1215 : vector<16xi32>
      %gather3A_1217 = tpu.vector_load_idx %arg10[%add3A_280, %add3A_1216] : memref<256x128xf32, #tpu.memory_space<vmem>>[vector<16xi32>, vector<16xi32>], vector<16xf32>,
      %add3A_1218 = arith.constant 61 : i32
      %add3A_1219 = vector.broadcast %add3A_1218 : i32 to vector<16xi32>
      %add3A_1220 = arith.addi %get3A_295, %add3A_1219 : vector<16xi32>
      %gather3A_1221 = tpu.vector_load_idx %arg11[%add3A_280, %add3A_1220] : memref<256x128xf32, #tpu.memory_space<vmem>>[vector<16xi32>, vector<16xi32>], vector<16xf32>,
      %sub3A_1222 = arith.subf %gather3A_1217, %gather3A_1221 : vector<16xf32>
      %mul3A_1223 = arith.mulf %gather3A_1213, %sub3A_1222 : vector<16xf32>
      %add3A_1224 = arith.addf %add3A_1209, %mul3A_1223 : vector<16xf32>
      %add3A_1225 = arith.constant 62 : i32
      %add3A_1226 = vector.broadcast %add3A_1225 : i32 to vector<16xi32>
      %add3A_1227 = arith.addi %get3A_287, %add3A_1226 : vector<16xi32>
      %gather3A_1228 = tpu.vector_load_idx %arg9[%add3A_280, %add3A_1227] : memref<256x128xf32, #tpu.memory_space<vmem>>[vector<16xi32>, vector<16xi32>], vector<16xf32>,
      %add3A_1229 = arith.constant 62 : i32
      %add3A_1230 = vector.broadcast %add3A_1229 : i32 to vector<16xi32>
      %add3A_1231 = arith.addi %get3A_291, %add3A_1230 : vector<16xi32>
      %gather3A_1232 = tpu.vector_load_idx %arg10[%add3A_280, %add3A_1231] : memref<256x128xf32, #tpu.memory_space<vmem>>[vector<16xi32>, vector<16xi32>], vector<16xf32>,
      %add3A_1233 = arith.constant 62 : i32
      %add3A_1234 = vector.broadcast %add3A_1233 : i32 to vector<16xi32>
      %add3A_1235 = arith.addi %get3A_295, %add3A_1234 : vector<16xi32>
      %gather3A_1236 = tpu.vector_load_idx %arg11[%add3A_280, %add3A_1235] : memref<256x128xf32, #tpu.memory_space<vmem>>[vector<16xi32>, vector<16xi32>], vector<16xf32>,
      %sub3A_1237 = arith.subf %gather3A_1232, %gather3A_1236 : vector<16xf32>
      %mul3A_1238 = arith.mulf %gather3A_1228, %sub3A_1237 : vector<16xf32>
      %add3A_1239 = arith.addf %add3A_1224, %mul3A_1238 : vector<16xf32>
      %add3A_1240 = arith.constant 63 : i32
      %add3A_1241 = vector.broadcast %add3A_1240 : i32 to vector<16xi32>
      %add3A_1242 = arith.addi %get3A_287, %add3A_1241 : vector<16xi32>
      %gather3A_1243 = tpu.vector_load_idx %arg9[%add3A_280, %add3A_1242] : memref<256x128xf32, #tpu.memory_space<vmem>>[vector<16xi32>, vector<16xi32>], vector<16xf32>,
      %add3A_1244 = arith.constant 63 : i32
      %add3A_1245 = vector.broadcast %add3A_1244 : i32 to vector<16xi32>
      %add3A_1246 = arith.addi %get3A_291, %add3A_1245 : vector<16xi32>
      %gather3A_1247 = tpu.vector_load_idx %arg10[%add3A_280, %add3A_1246] : memref<256x128xf32, #tpu.memory_space<vmem>>[vector<16xi32>, vector<16xi32>], vector<16xf32>,
      %add3A_1248 = arith.constant 63 : i32
      %add3A_1249 = vector.broadcast %add3A_1248 : i32 to vector<16xi32>
      %add3A_1250 = arith.addi %get3A_295, %add3A_1249 : vector<16xi32>
      %gather3A_1251 = tpu.vector_load_idx %arg11[%add3A_280, %add3A_1250] : memref<256x128xf32, #tpu.memory_space<vmem>>[vector<16xi32>, vector<16xi32>], vector<16xf32>,
      %sub3A_1252 = arith.subf %gather3A_1247, %gather3A_1251 : vector<16xf32>
      %mul3A_1253 = arith.mulf %gather3A_1243, %sub3A_1252 : vector<16xf32>
      %add3A_1254 = arith.addf %add3A_1239, %mul3A_1253 : vector<16xf32>
      %swap3A = arith.index_cast %add3A_284 : i32 to index
      %swap3A_1255 = tpu.vector_load %arg12[%swap3A] {strides = array<i32>} : memref<512xf32, #tpu.memory_space<vmem>>, vector<16xf32>,
      tpu.vector_store %arg12[%swap3A], %add3A_1254 {strides = array<i32>} : memref<512xf32, #tpu.memory_space<vmem>>, vector<16xf32>,
    }
    %scan3A_275 = arith.constant 16 : i32
    "tpu.region"() ({
      %run_scoped3A = tpu.sem_alloc : memref<!tpu.dma_semaphore, #tpu.memory_space<semaphore_mem>>
      %dma_start3A_276 = tpu.memref_slice %arg6[%mul3A_2] : memref<16384xf32, #tpu.memory_space<hbm>> -> memref<512xf32, #tpu.memory_space<hbm>>
      %dma_start3A_277 = tpu.memref_slice %arg6[%mul3A_2] : memref<16384xf32, #tpu.memory_space<hbm>> -> memref<512xf32, #tpu.memory_space<hbm>>
      tpu.enqueue_dma source(%arg12 : memref<512xf32, #tpu.memory_space<vmem>>) target(%dma_start3A_277 : memref<512xf32, #tpu.memory_space<hbm>>) target_semaphore(%run_scoped3A : memref<!tpu.dma_semaphore, #tpu.memory_space<semaphore_mem>>)
      %dma_wait3A_278 = tpu.memref_slice %arg6[%mul3A_2] : memref<16384xf32, #tpu.memory_space<hbm>> -> memref<512xf32, #tpu.memory_space<hbm>>
      %dma_wait3A_279 = tpu.memref_slice %arg6[%mul3A_2] : memref<16384xf32, #tpu.memory_space<hbm>> -> memref<512xf32, #tpu.memory_space<hbm>>
      tpu.wait_dma2 semaphore(%run_scoped3A : memref<!tpu.dma_semaphore, #tpu.memory_space<semaphore_mem>>) src(%arg12 : memref<512xf32, #tpu.memory_space<vmem>>) dst(%dma_wait3A_279 : memref<512xf32, #tpu.memory_space<hbm>>)
      tpu.yield
    }) : () -> ()
    return
  }
}

module attributes {stable_mosaic.version = 14 : i64} {
  func.func @_loss_body(%arg0: memref<128x128xf32, #tpu.memory_space<vmem>>, %arg1: memref<1x1xf32, #tpu.memory_space<vmem>>) attributes {dimension_semantics = [], scalar_prefetch = 0 : i64, scratch_operands = 0 : i64, tpu.core_type = #tpu.core_type<tc>} {
    %get3A = arith.constant 0 : index
    %get3A_0 = arith.constant 0 : index
    %get3A_1 = vector.load %arg0[%get3A, %get3A_0] : memref<128x128xf32, #tpu.memory_space<vmem>>, vector<128x128xf32>
    %neg3A = arith.constant 0.000000e+00 : f32
    %neg3A_2 = vector.broadcast %neg3A : f32 to vector<128x128xf32>
    %neg3A_3 = arith.subf %neg3A_2, %get3A_1 : vector<128x128xf32>
    %max3A = arith.constant 0.000000e+00 : f32
    %max3A_4 = vector.broadcast %max3A : f32 to vector<128x128xf32>
    %max3A_5 = arith.maximumf %neg3A_3, %max3A_4 : vector<128x128xf32>
    %abs3A = math.absf %get3A_1 : vector<128x128xf32>
    %neg3A_6 = arith.constant 0.000000e+00 : f32
    %neg3A_7 = vector.broadcast %neg3A_6 : f32 to vector<128x128xf32>
    %neg3A_8 = arith.subf %neg3A_7, %abs3A : vector<128x128xf32>
    %exp3A = math.exp %neg3A_8 : vector<128x128xf32>
    %add3A = arith.constant 1.000000e+00 : f32
    %add3A_9 = vector.broadcast %add3A : f32 to vector<128x128xf32>
    %add3A_10 = arith.addf %add3A_9, %exp3A : vector<128x128xf32>
    %log3A = math.log %add3A_10 : vector<128x128xf32>
    %add3A_11 = arith.addf %max3A_5, %log3A : vector<128x128xf32>
    %reduce_sum3A = vector.shape_cast %add3A_11 : vector<128x128xf32> to vector<1x128x128xf32>
    %reduce_sum3A_12 = arith.constant dense<0.000000e+00> : vector<1xf32>
    %reduce_sum3A_13 = vector.multi_reduction <add>, %reduce_sum3A, %reduce_sum3A_12 [1, 2] : vector<1x128x128xf32> to vector<1xf32>
    %reduce_sum3A_14 = vector.shape_cast %reduce_sum3A_13 : vector<1xf32> to vector<1x1x1xf32>
    %reduce_sum3A_15 = vector.extract %reduce_sum3A_14[0, 0, 0] : f32 from vector<1x1x1xf32>
    %broadcast_in_dim3A = vector.broadcast %reduce_sum3A_15 : f32 to vector<1x1xf32>
    %swap3A = arith.constant 0 : index
    %swap3A_16 = arith.constant 0 : index
    %swap3A_17 = vector.load %arg1[%swap3A, %swap3A_16] : memref<1x1xf32, #tpu.memory_space<vmem>>, vector<1x1xf32>
    tpu.vector_store %arg1[%swap3A, %swap3A_16], %broadcast_in_dim3A {strides = array<i32>} : memref<1x1xf32, #tpu.memory_space<vmem>>, vector<1x1xf32>,
    return
  }
}

</mosaic_0001>

<sc_bundles>
// kernel: kernel.4.cloned.1.call-start
scs
__scs_entry_jumppad:
0x0: {  	(pc) =	sbr.rel $0x88, $3  }
0x1: {  	(tag) =	ssettag $0x0;
	lr =	simm.s32 $0x1  }
0x2: {  	[smem:$0x3F9E] =	sst lr;
	_ =	strace $0xD0000000  }
0x3: {  	_ = 	snop  }
0x4: {  	_ = 	snop  }
0x5: {  	_ = 	snop  }
0x6: {  	_ = 	snop  }
0x7: {  	_ = 	snop  }
__scs_overlays_trampoline_lowered:
0x8: {  	[smem:$0x3FAD] =	sst s0  }
0x9: {  	[smem:$0x3FAE] =	sst s1  }
0xa: {  	[smem:$0x3FAF] =	sst s2  }
0xb: {  	[smem:$0x3FB0] =	sst s3  }
0xc: {  	[smem:$0x3FB1] =	sst s4  }
0xd: {  	[smem:$0x3FB2] =	sst s5  }
0xe: {  	[smem:$0x3FB3] =	sst s6  }
0xf: {  	[smem:$0x3FB4] =	sst s7  }
0x10: {  	[smem:$0x3FB5] =	sst s8  }
0x11: {  	[smem:$0x3FB6] =	sst s9;
	s0 =	simm.s32 @!p0 $0x0  }
0x12: {  	s1 =	sld [smem:$0x3F9C];
	s0 =	simm.s32 @p0 $0x1  }
0x13: {  	[smem:$0x3FB7] =	sst s0;
	s0 =	simm.s32 @!p1 $0x0  }
0x14: {  	s2 =	sld [smem:$0x3F9B];
	s0 =	simm.s32 @p1 $0x1  }
0x15: {  	[smem:$0x3FB8] =	sst s0;
	s0 =	simm.s32 @!p2 $0x0  }
0x16: {  	s3 =	sld [smem:$0x3FDB];
	s0 =	simm.s32 @p2 $0x1  }
0x17: {  	s4 =	simm.s32 $0x1BF5;
	[smem:$0x3FBA] =	sst s0  }
0x18: {  	s0 =	sld [smem:$0x3F9D];
	_ =	swait.ge [sflag:s4], $0x0  }
0x19: {  	s7 =	sld [smem:$0x3F9E]  }
0x1a: {  	s8 =	sadd.s32 $0xFFFFE003, lr  }
0x1b: {  	s9 =	sadd.s32 $0xFFFFFEF7, lr;
	s5 =	simm.s32 $0xFFFFFFFF;
	p2 =	slt.u32 s8, $0xFFFFF086  }
0x1c: {  	p1 =	slt.u32 s9, $0xF7A;
	s5 =	simm.s32 @!p2 $0x0  }
0x1d: {  	s5 =	simm.s32 @p1 $0x1;
	p0 =	seq.s32 s7, s2  }
0x1e: {  	s7 =	smul.u32 @!p0 $0xF7A, s2;
	p2 =	seq.s32 @!p0 s5, $0x0  }
0x1f: {  	s9 =	smul.u32 $0xF7A, s1;
	s8 =	simm.s32 @!p0 $0x1BF5;
	p2 =	por !p2, p0  }
0x20: {  	[sflag:s8] =	ssyncset.s32 @!p0 $0xFFFFF086;
	s6 =	sadd.s32 @!p0 s3, s7;
	s7 =	simm.s32 @!p0 $0x108  }
0x21: {  	s3 =	sadd.s32 s3, s9;
	s6 =	sadd.s32 @!p0 $0x88, s6;
	s7 =	simm.s32 @p2 $0x1082  }
0x22: {  	[simem:s7], [sflag:s8] =	dma.local @!p0 [hbm:s6], $0xF7A  }
0x23: {  	s9 =	sor.u32 $0xD0000000, s2;
	s6 =	simm.s32 $0x108;
	_ =	swait.ge @!p0 [sflag:s8], $0x0  }
0x24: {  	s3 =	sadd.s32 $0x88, s3;
	s6 =	simm.s32 @!p1 $0x1082;
	[sflag:s4] =	ssyncset.s32 $0xFFFFF086  }
0x25: {  	[simem:s6], [sflag:s4] =	dma.local [hbm:s3], $0xF7A  }
0x26: {  	[smem:$0x3F9E] =	sst s1;
	(tag) =	ssettag s2;
	_ =	strace s9  }
0x27: {  	s1 =	sld [smem:$0x3FAE]  }
0x28: {  	s2 =	sld [smem:$0x3FAF]  }
0x29: {  	s4 =	sld [smem:$0x3FB1]  }
0x2a: {  	p0 =	seq.s32 s5, $0x0;
	s5 =	sld [smem:$0x3FB2]  }
0x2b: {  	s6 =	sld [smem:$0x3FB3]  }
0x2c: {  	s7 =	sld [smem:$0x3FB4]  }
0x2d: {  	s3 =	simm.s32 $0x108;
	s8 =	sld [smem:$0x3FB5]  }
0x2e: {  	s3 =	simm.s32 @!p0 $0x1082;
	s9 =	sld [smem:$0x3FB6]  }
0x2f: {  	lr =	sadd.s32 s0, s3;
	s0 =	sld [smem:$0x3FAD]  }
0x30: {  	s3 =	sld [smem:$0x3FB0]  }
0x31: {  	[smem:$0x3FB9] =	sst s10  }
0x32: {  	s10 =	sld [smem:$0x3FB7];
	_ =	sdelay $0x3  }
0x33: {  	p0 =	seq.s32 s10, $0x1;
	s10 =	sld [smem:$0x3FB9];
	_ =	sdelay $0x3  }
0x34: {  	[smem:$0x3FB9] =	sst s10  }
0x35: {  	s10 =	sld [smem:$0x3FB8];
	_ =	sdelay $0x3  }
0x36: {  	p1 =	seq.s32 s10, $0x1;
	s10 =	sld [smem:$0x3FB9];
	_ =	sdelay $0x3  }
0x37: {  	[smem:$0x3FB9] =	sst s10  }
0x38: {  	s10 =	sld [smem:$0x3FBA]  }
0x39: {  	_ = 	snop;
	(pc) =	sbr.ind lr, $3  }
0x3a: {  	_ = 	snop  }
0x3b: {  	_ = 	snop  }
0x3c: {  	p2 =	seq.s32 s10, $0x1;
	s10 =	sld [smem:$0x3FB9]  }
0x3d: {  	_ =	shalt  }
0x3e: {  	_ =	shalt  }
0x3f: {  	_ =	shalt  }
0x40: {  	_ =	shalt  }
0x41: {  	_ =	shalt  }
0x42: {  	_ =	shalt  }
0x43: {  	_ =	shalt  }
0x44: {  	_ =	shalt  }
0x45: {  	_ =	shalt  }
0x46: {  	_ =	shalt  }
0x47: {  	_ =	shalt  }
0x48: {  	_ =	shalt  }
0x49: {  	_ =	shalt  }
0x4a: {  	_ =	shalt  }
0x4b: {  	_ =	shalt  }
0x4c: {  	_ =	shalt  }
0x4d: {  	_ =	shalt  }
0x4e: {  	_ =	shalt  }
0x4f: {  	_ =	shalt  }
0x50: {  	_ =	shalt  }
0x51: {  	_ =	shalt  }
0x52: {  	_ =	shalt  }
0x53: {  	_ =	shalt  }
0x54: {  	_ =	shalt  }
0x55: {  	_ =	shalt  }
0x56: {  	_ =	shalt  }
0x57: {  	_ =	shalt  }
0x58: {  	_ =	shalt  }
0x59: {  	_ =	shalt  }
0x5a: {  	_ =	shalt  }
0x5b: {  	_ =	shalt  }
0x5c: {  	_ =	shalt  }
0x5d: {  	_ =	shalt  }
0x5e: {  	_ =	shalt  }
0x5f: {  	_ =	shalt  }
0x60: {  	_ =	shalt  }
0x61: {  	_ =	shalt  }
0x62: {  	_ =	shalt  }
0x63: {  	_ =	shalt  }
0x64: {  	_ =	shalt  }
0x65: {  	_ =	shalt  }
0x66: {  	_ =	shalt  }
0x67: {  	_ =	shalt  }
0x68: {  	_ =	shalt  }
0x69: {  	_ =	shalt  }
0x6a: {  	_ =	shalt  }
0x6b: {  	_ =	shalt  }
0x6c: {  	_ =	shalt  }
0x6d: {  	_ =	shalt  }
0x6e: {  	_ =	shalt  }
0x6f: {  	_ =	shalt  }
0x70: {  	_ =	shalt  }
0x71: {  	_ =	shalt  }
0x72: {  	_ =	shalt  }
0x73: {  	_ =	shalt  }
0x74: {  	_ =	shalt  }
0x75: {  	_ =	shalt  }
0x76: {  	_ =	shalt  }
0x77: {  	_ =	shalt  }
0x78: {  	_ =	shalt  }
0x79: {  	_ =	shalt  }
0x7a: {  	_ =	shalt  }
0x7b: {  	_ =	shalt  }
0x7c: {  	_ =	shalt  }
0x7d: {  	_ =	shalt  }
0x7e: {  	_ =	shalt  }
0x7f: {  	_ =	shalt  }
0x80: {  	_ =	shalt  }
0x81: {  	_ =	shalt  }
0x82: {  	_ =	shalt  }
0x83: {  	_ =	shalt  }
0x84: {  	_ =	shalt  }
0x85: {  	_ =	shalt  }
0x86: {  	_ =	shalt  }
0x87: {  	_ =	shalt  }
.Lfunc_end0:
.L_simem_size_0:
called_computation_lowered:
.L_overlay_start_0:
0x88: {  	s2 =	sld [smem:$0x3FD9]  }
0x89: {  	s3 =	sld [smem:$0x3FFE];
	_ =	sdelay $0x1  }
0x8a: {  	s1 =	srdreg.scid  }
0x8b: {  	s0 =	sand.u32 $0x1, s1  }
0x8c: {  	s16 =	sshll.u32 s0, $0xA;
	s2 =	sadd.s32 s3, s2  }
0x8d: {  	s2 =	sadd.s32 s2, s16  }
0x8e: {  	[smem:$0x3FC5] =	sst s2  }
0x8f: {  	_ = 	snop  }
0x90: {  	(tm) =	ssettm $0x1  }
0x91: {  	s17 =	sld [smem:$0x3FFB];
	_ =	sdelay $0x3  }
0x92: {  	_ =	strace s17  }
0x93: {  	s2 =	sld [smem:$0x3FFC];
	_ =	sdelay $0x3  }
0x94: {  	_ =	strace s2  }
0x95: {  	s2 =	sld [smem:$0x3FFD];
	_ =	sdelay $0x3  }
0x96: {  	_ =	strace s2  }
0x97: {  	_ =	strace $0x8FFFFFFF  }
0x98: {  	s18 =	sld [smem:$0x3FDB];
	_ =	sdelay $0x1  }
0x99: {  	s19 =	simm.s32 $_scs_section_size  }
0x9a: {  	s4 =	simm.s32 $_size__tile_overlayer_lowered;
	s5 =	simm.s32 $_tile_overlayer_lowered  }
0x9b: {  	s22 =	simm.s32 $0x1BFF;
	s21 =	sshll.u32 s5, $0x1;
	s2 =	sadd.s32 s19, s18  }
0x9c: {  	s6 =	simm.s32 $0x0;
	s20 =	sshll.u32 s4, $0x1;
	s4 =	sadd.s32 s21, s2  }
0x9d: {  	[timem:s6], [sflag:s22] =	dma.local [hbm:s4], s20  }
0x9e: {  	_ =	swait.ge [sflag:s22], s20  }
0x9f: {  	s3 =	ssub.s32 $0x0, s20;
	[sflag:s22] =	ssyncset.done $0x0  }
0xa0: {  	[sflag:s22] =	ssyncadd.s32 s3;
	_ =	sdelay $0x1  }
0xa1: {  	s23 =	simm.s32 $0x1B8B  }
0xa2: {  	_ =	swait.ge [sflag:s23], $0x1  }
0xa3: {  	[sflag:s23] =	ssyncset.done $0x0  }
0xa4: {  	s25 =	simm.s32 $0x1B8E;
	s24 =	sld [smem:$0x3FFE];
	[sflag:s23] =	ssyncadd.s32 $0xFFFFFFFF  }
0xa5: {  	s26 =	simm.s32 $execute0_lowered;
	[smem:$0x3FD2] =	sst s25  }
0xa6: {  	s4 =	sshll.u32 s26, $0x1;
	_ =	strace $0x80000046;
	[dreg:$0x1] =	wrdreg $0xFFFFFFFF  }
0xa7: {  	s28 =	simm.s32 $_size_execute0_lowered;
	s2 =	sadd.s32 s2, s4;
	[dreg:$0x0] =	wrdreg $0x0  }
0xa8: {  	s4 =	sshll.u32 s28, $0x1;
	[dreg:$0x2] =	wrdreg s2  }
0xa9: {  	[dreg:$0x3] =	wrdreg s4  }
0xaa: {  	[dreg:$0x4] =	wrdreg $0xC0  }
0xab: {  	_ =	task [dreg:s6], $0x5FFFF  }
0xac: {  	[dreg:$0x1] =	wrdreg $0xFFFFFFFF  }
0xad: {  	[dreg:$0x0] =	wrdreg $0x60  }
0xae: {  	[dreg:$0x2] =	wrdreg s24  }
0xaf: {  	[dreg:$0x3] =	wrdreg $0x9  }
0xb0: {  	_ =	task.clear_ibuf [dreg:s6], $0x4FFFF;
	_ =	strace $0x90000046  }
0xb1: {  	s29 =	simm.s32 $0x9;
	_ =	strace $0x80000048  }
0xb2: {  	_ =	swait.ge [sflag:s29], $0x1  }
0xb3: {  	[sflag:s29] =	ssyncadd.s32 $0xFFFFFFFF  }
0xb4: {  	_ =	strace $0x90000048  }
0xb5: {  	_ =	sfence  }
0xb6: {  	s30 =	sld [smem:$0x0];
	_ =	sdelay $0x2  }
0xb7: {  	s31 =	sshll.u32 s1, $0xD;
	s1 =	sshrl.u32 s1, $0x2  }
0xb8: {  	s3 =	sand.u32 $0x4000, s31;
	s1 =	sadd.s32 s1, s30  }
0xb9: {  	s0 =	sor.u32 s3, s0;
	s1 =	sshll.u32 s1, $0x11  }
0xba: {  	s0 =	sor.u32 s1, s0  }
0xbb: {  	s0 =	sadd.s32 $0x8F2B, s0  }
0xbc: {  	[sflag:s0] =	ssyncadd.remote.s32 $0x1  }
0xbd: {  	_ =	sfence.sel $0xFFFF  }
0xbe: {  	[dreg:$0x0] =	wrdreg $0xFFFFFFFF;
	(pc) =	sbr.abs _section_cstart, $3  }
0xbf: {  	[dreg:$0x1] =	wrdreg $0xFFFFFFFF  }
0xc0: {  	_ =	task.clear_ibuf [dreg:s6], $0x2FFFF;
	_ =	strace $0x9FFFFFFF  }
0xc1: {  	(tm) =	ssettm $0x7FFFFFFF  }
tec
execute0_lowered:
.L_overlay_start_1:
0x0: {  	(tag) =	ssettag $0x1  }
0x1: {  	s0 =	srdreg.scid  }
0x2: {  	s1 =	stileid.u32;
	s5 =	rddreg [dreg:$0x0];
	s2 =	simm.s32 $0x0  }
0x3: {  	s9 =	simm.s32 $0x2;
	s11 =	simm.s32 $0x80;
	s12 =	simm.s32 $0xE00  }
0x4: {  	s14 =	simm.s32 $0x8E00;
	s15 =	simm.s32 $0x400;
	s16 =	simm.s32 $0x10E00  }
0x5: {  	s17 =	simm.s32 $0x4E00;
	s18 =	simm.s32 $0x280;
	s19 =	simm.s32 $0xCE00  }
0x6: {  	s20 =	simm.s32 $0x480;
	s21 =	simm.s32 $0x14E00;
	s22 =	simm.s32 $0x1  }
0x7: {  	s23 =	simm.s32 $0x300;
	s24 =	simm.s32 $0x500;
	s25 =	simm.s32 $0x180  }
0x8: {  	s26 =	simm.s32 $0x380;
	s28 =	simm.s32 $0x580;
	s29 =	simm.s32 $0x18E00  }
0x9: {  	s30 =	simm.s32 $0x0;
	s0 =	sand.u32 $0x1, s0;
	s1 =	sshll.u32 s1, $0x1  }
0xa: {  	[smem:$0x7FF] =	sst s2;
	s4 =	sadd.s32 $0x16E7600, s5;
	s1 =	sor.u32 s0, s1  }
0xb: {  	_ =	strace $0x80000047;
	s0 =	ssub.s32 $0x2, s0;
	s3 =	smul.u32 $0xC0, s1  }
0xc: {  	s31 =	sshll.u32 s1, $0x8;
	s1 =	sshll.u32 s1, $0x6;
	s8 =	sshrl.u32 s0, $0x1  }
0xd: {  	s7 =	sadd.s32 s31, s5;
	s1 =	sadd.s32 s1, s5;
	s0 =	ssub.s32 s0, s8  }
0xe: {  	v0 =	vlaneseq.u32;
	s6 =	sadd.s32 s3, s5;
	s3 =	sadd.s32 $0xF46400, s5;
	s8 =	smax.u32 s0, $0x1  }
0xf: {  	v0 =	vmul.u32 $0x80, v0;
	s5 =	sadd.s32 $0x2800, s6;
	s6 =	sadd.s32 $0x800, s7;
	s7 =	sadd.s32 $0x4000, s1  }
.LBB2_1:
0x10: {  	[tilespmem:s2], [sflag:$0x2] =	stream.linear.gather [hbm4b:s5+s2], $0x600, $0x38;
	[tilespmem:$0x19000] =	vst v63  }
0x11: {  	_ =	swait.ge [sflag:s9], $0x600  }
0x12: {  	[sflag:s9] =	ssyncset.done $0x0  }
0x13: {  	s0 =	simm.s32 $0x600;
	[sflag:s9] =	ssyncadd.s32 $0xFFFFFA00  }
0x14: {  	[tilespmem:s0], [sflag:$0x2] =	stream.linear.gather [hbm4b:s6+s2], $0x800, $0x38;
	[tilespmem:$0x19000] =	vst v63  }
0x15: {  	_ =	swait.ge [sflag:s9], $0x800  }
0x16: {  	[sflag:s9] =	ssyncset.done $0x0  }
0x17: {  	[sflag:s9] =	ssyncadd.s32 $0xFFFFF800  }
0x18: {  	[tilespmem:s12], [sflag:$0x1] =	stream.indirect.gather [hbm4b:s3+s11], $0x80, s2, s11, $0xb8;
	[tilespmem:$0x19000] =	vst v63  }
0x19: {  	s13 =	simm.s32 $0x200  }
0x1a: {  	[tilespmem:s14], [sflag:$0x1] =	stream.indirect.gather [hbm4b:s4+s11], $0x80, s13, s11, $0xb8;
	[tilespmem:$0x19000] =	vst v63  }
0x1b: {  	_ = 	snop  }
0x1c: {  	[tilespmem:s16], [sflag:$0x1] =	stream.indirect.gather [hbm4b:s4+s11], $0x80, s15, s11, $0xb8;
	[tilespmem:$0x19000] =	vst v63  }
0x1d: {  	_ = 	snop  }
0x1e: {  	[tilespmem:s17], [sflag:$0x1] =	stream.indirect.gather [hbm4b:s3+s11], $0x80, s11, s11, $0xb8;
	[tilespmem:$0x19000] =	vst v63  }
0x1f: {  	_ = 	snop  }
0x20: {  	[tilespmem:s19], [sflag:$0x1] =	stream.indirect.gather [hbm4b:s4+s11], $0x80, s18, s11, $0xb8;
	[tilespmem:$0x19000] =	vst v63  }
0x21: {  	_ = 	snop  }
0x22: {  	[tilespmem:s21], [sflag:$0x1] =	stream.indirect.gather [hbm4b:s4+s11], $0x80, s20, s11, $0xb8;
	[tilespmem:$0x19000] =	vst v63  }
0x23: {  	_ =	swait.ge [sflag:s22], $0x4000  }
0x24: {  	[sflag:s22] =	ssyncset.done $0x0  }
0x25: {  	[sflag:s22] =	ssyncadd.s32 $0xFFFFC000  }
0x26: {  	_ =	swait.ge [sflag:s22], $0x4000  }
0x27: {  	[sflag:s22] =	ssyncset.done $0x0  }
0x28: {  	[sflag:s22] =	ssyncadd.s32 $0xFFFFC000  }
0x29: {  	_ =	swait.ge [sflag:s22], $0x4000  }
0x2a: {  	[sflag:s22] =	ssyncset.done $0x0  }
0x2b: {  	[sflag:s22] =	ssyncadd.s32 $0xFFFFC000  }
0x2c: {  	_ =	swait.ge [sflag:s22], $0x4000  }
0x2d: {  	[sflag:s22] =	ssyncset.done $0x0  }
0x2e: {  	[sflag:s22] =	ssyncadd.s32 $0xFFFFC000  }
0x2f: {  	_ =	swait.ge [sflag:s22], $0x4000  }
0x30: {  	[sflag:s22] =	ssyncset.done $0x0  }
0x31: {  	[sflag:s22] =	ssyncadd.s32 $0xFFFFC000  }
0x32: {  	_ =	swait.ge [sflag:s22], $0x4000  }
0x33: {  	[sflag:s22] =	ssyncset.done $0x0  }
0x34: {  	s1 =	simm.s32 $0x0;
	s31 =	simm.s32 $0x0;
	[sflag:s22] =	ssyncadd.s32 $0xFFFFC000  }
.LBB2_2:
0x35: {  	s0 =	sand.u32 $0x70, s31;
	s10 =	sand.u32 $0x200, s1  }
0x36: {  	s0 =	sor.u32 s0, s10  }
0x37: {  	v2 =	vld [tilespmem:s0+$0x600]  }
0x38: {  	v4 =	vld [tilespmem:s0+$0x680]  }
0x39: {  	v3 =	vld [tilespmem:s0+$0x700]  }
0x3a: {  	v1 =	vmov s31  }
0x3b: {  	v1 =	vshll.u32 v1, $0x7  }
0x3c: {  	v1 =	vor.u32 v0, v1  }
0x3d: {  	v5 =	vand.u32 $0xFFFFFF80, v2;
	v6 =	vand.u32 $0x7F, v2;
	v34 =	vand.u32 $0xFFFFFF80, v4  }
0x3e: {  	v7 =	vand.u32 $0x7F, v4;
	v8 =	vand.u32 $0xFFFFFF80, v3;
	v9 =	vand.u32 $0x7F, v3  }
0x3f: {  	v36 =	vadd.s32 $0x1, v2;
	v10 =	vadd.s32 $0x1, v4;
	v12 =	vadd.s32 $0x1, v3  }
0x40: {  	v41 =	vadd.s32 $0x2, v4;
	v42 =	vadd.s32 $0x2, v2;
	v14 =	vadd.s32 $0x2, v3  }
0x41: {  	v52 =	vadd.s32 $0x3, v2;
	v55 =	vadd.s32 $0x3, v4;
	v58 =	vadd.s32 $0x3, v3  }
0x42: {  	v60 =	vadd.s32 $0x4, v2;
	v62 =	vadd.s32 $0x4, v4;
	v21 =	vadd.s32 $0x4, v3  }
0x43: {  	v23 =	vadd.s32 $0x5, v2;
	v27 =	vadd.s32 $0x5, v4;
	v28 =	vadd.s32 $0x5, v3  }
0x44: {  	v29 =	vadd.s32 $0x6, v2;
	v18 =	vadd.s32 $0x6, v4;
	v5 =	vadd.s32 v1, v5  }
0x45: {  	v8 =	vadd.s32 v1, v8;
	v37 =	vand.u32 $0xFFFFFF80, v36;
	v11 =	vand.u32 $0xFFFFFF80, v10  }
0x46: {  	v10 =	vand.u32 $0x7F, v10;
	v13 =	vand.u32 $0xFFFFFF80, v12;
	v38 =	vand.u32 $0x7F, v12  }
0x47: {  	v43 =	vand.u32 $0xFFFFFF80, v41;
	v15 =	vand.u32 $0xFFFFFF80, v14;
	v44 =	vand.u32 $0x7F, v14  }
0x48: {  	v46 =	vand.u32 $0xFFFFFF80, v42;
	v12 =	vand.u32 $0x7F, v42;
	v54 =	vand.u32 $0xFFFFFF80, v52  }
0x49: {  	v56 =	vand.u32 $0xFFFFFF80, v55;
	v57 =	vand.u32 $0x7F, v55;
	v59 =	vand.u32 $0xFFFFFF80, v58  }
0x4a: {  	v61 =	vand.u32 $0xFFFFFF80, v60;
	v19 =	vand.u32 $0xFFFFFF80, v62;
	v20 =	vand.u32 $0x7F, v62  }
0x4b: {  	v22 =	vand.u32 $0xFFFFFF80, v21;
	v24 =	vand.u32 $0xFFFFFF80, v23;
	v25 =	vand.u32 $0x7F, v23  }
0x4c: {  	v16 =	vand.u32 $0xFFFFFF80, v27;
	v14 =	vand.u32 $0x7F, v27;
	v17 =	vand.u32 $0xFFFFFF80, v28  }
0x4d: {  	v30 =	vand.u32 $0xFFFFFF80, v29;
	v55 =	vadd.s32 $0x8, v4;
	v62 =	vadd.s32 $0x9, v4  }
0x4e: {  	v5 =	vor.u32 v6, v5;
	v6 =	vadd.s32 v1, v34;
	v35 =	vor.u32 v9, v8  }
0x4f: {  	v8 =	vand.u32 $0x7F, v36;
	v9 =	vadd.s32 v1, v37;
	v11 =	vadd.s32 v1, v11  }
0x50: {  	v39 =	vadd.s32 v1, v13;
	v13 =	vadd.s32 v1, v43;
	v45 =	vadd.s32 v1, v15  }
0x51: {  	v47 =	vadd.s32 v1, v46;
	v26 =	vadd.s32 v1, v24;
	v16 =	vadd.s32 v1, v16  }
0x52: {  	v15 =	vand.u32 $0x7F, v28;
	v17 =	vadd.s32 v1, v17;
	v40 =	vor.u32 v38, v39  }
0x53: {  	v10 =	vor.u32 v10, v11;
	v11 =	vand.u32 $0x7F, v41;
	v12 =	vor.u32 v12, v47  }
0x54: {  	v34 =	vadd.s32 $0x7, v4;
	v24 =	vand.u32 $0xFFFFFF80, v62;
	v11 =	vor.u32 v11, v13  }
0x55: {  	v28 =	vadd.s32 $0xA, v2;
	v6 =	vor.u32 v7, v6;
	v13 =	vor.u32 v44, v45  }
0x56: {  	v8 =	vor.u32 v8, v9;
	v14 =	vor.u32 v14, v16;
	v15 =	vor.u32 v15, v17;
	v7 =	vld.idx.msk [tilespmem:v35+s16+$0x0], $0xffff  }
0x57: {  	v16 =	vand.u32 $0x7F, v29;
	v17 =	vadd.s32 v1, v30;
	v36 =	vand.u32 $0xFFFFFF80, v34;
	v9 =	vld.idx.msk [tilespmem:v40+s16+$0x0], $0xffff  }
0x58: {  	v29 =	vand.u32 $0xFFFFFF80, v28;
	v30 =	vand.u32 $0x7F, v28;
	v35 =	vadd.s32 $0x7, v2;
	v51 =	vld.idx.msk [tilespmem:v12+s12+$0x0], $0xffff  }
0x59: {  	v16 =	vor.u32 v16, v17;
	v12 =	vadd.s32 v1, v61;
	v40 =	vand.u32 $0xFFFFFF80, v35;
	v48 =	vld.idx.msk [tilespmem:v11+s14+$0x0], $0xffff  }
0x5a: {  	v42 =	vand.u32 $0x7F, v35;
	v49 =	vld.idx.msk [tilespmem:v13+s16+$0x0], $0xffff;
	v11 =	vand.u32 $0x7F, v60;
	v13 =	vand.u32 $0x7F, v21  }
0x5b: {  	v60 =	vadd.s32 $0x9, v2;
	v63 =	vor.u32 v11, v12;
	v11 =	vadd.s32 v1, v19  }
0x5c: {  	v12 =	vadd.s32 v1, v22;
	v19 =	vand.u32 $0xFFFFFF80, v18;
	v18 =	vand.u32 $0x7F, v18  }
0x5d: {  	v6 =	vld.idx.msk [tilespmem:v6+s14+$0x0], $0xffff;
	v22 =	vadd.s32 $0x7, v3;
	v61 =	vand.u32 $0xFFFFFF80, v60;
	v11 =	vor.u32 v20, v11  }
0x5e: {  	v10 =	vld.idx.msk [tilespmem:v10+s14+$0x0], $0xffff;
	v12 =	vor.u32 v13, v12;
	v13 =	vor.u32 v25, v26;
	v20 =	vadd.s32 $0x6, v3  }
0x5f: {  	v14 =	vld.idx.msk [tilespmem:v14+s14+$0x0], $0xffff;
	v19 =	vadd.s32 v1, v19;
	v23 =	vand.u32 $0xFFFFFF80, v22;
	v37 =	vand.u32 $0x7F, v22  }
0x60: {  	v15 =	vld.idx.msk [tilespmem:v15+s16+$0x0], $0xffff;
	v25 =	vand.u32 $0x7F, v62;
	v26 =	vadd.s32 $0x9, v3;
	v21 =	vand.u32 $0xFFFFFF80, v20  }
0x61: {  	v18 =	vor.u32 v18, v19;
	v31 =	vand.u32 $0x7F, v20;
	v19 =	vand.u32 $0x7F, v34  }
0x62: {  	v38 =	vadd.s32 v1, v23;
	v27 =	vand.u32 $0xFFFFFF80, v26;
	v23 =	vadd.s32 $0xE, v2  }
0x63: {  	v6 =	vsub.f32 v6, v7;
	v50 =	vsub.f32 v10, v9;
	v7 =	vadd.s32 v1, v54  }
0x64: {  	v5 =	vld.idx.msk [tilespmem:v5+s12+$0x0], $0xffff;
	v10 =	vand.u32 $0x7F, v58;
	v9 =	vadd.s32 v1, v59;
	v32 =	vadd.s32 v1, v21  }
0x65: {  	v8 =	vld.idx.msk [tilespmem:v8+s12+$0x0], $0xffff;
	v21 =	vadd.s32 v1, v36;
	v47 =	vsub.f32 v14, v15;
	v58 =	vadd.s32 $0x8, v3  }
0x66: {  	v36 =	vadd.s32 $0xB, v2;
	v53 =	vsub.f32 v48, v49;
	v9 =	vor.u32 v10, v9  }
0x67: {  	v33 =	vor.u32 v31, v32;
	v19 =	vor.u32 v19, v21;
	v21 =	vor.u32 v37, v38  }
0x68: {  	v59 =	vand.u32 $0xFFFFFF80, v58;
	v31 =	vadd.s32 v1, v29;
	v32 =	vadd.s32 $0xA, v4  }
0x69: {  	v37 =	vand.u32 $0xFFFFFF80, v36;
	v38 =	vadd.s32 $0xB, v4;
	v29 =	vadd.s32 $0xE, v3  }
0x6a: {  	v45 =	vld.idx.msk [tilespmem:v16+s12+$0x0], $0xffff;
	v5 =	vmul.f32 v6, v5;
	v6 =	vmul.f32 v50, v8;
	v8 =	vand.u32 $0x7F, v52  }
0x6b: {  	v52 =	vadd.s32 $0x8, v2;
	v34 =	vand.u32 $0xFFFFFF80, v32;
	v14 =	vand.u32 $0x7F, v32;
	v11 =	vld.idx.msk [tilespmem:v11+s14+$0x0], $0xffff  }
0x6c: {  	v7 =	vor.u32 v8, v7;
	v8 =	vadd.s32 v1, v56;
	v12 =	vld.idx.msk [tilespmem:v12+s16+$0x0], $0xffff;
	v54 =	vand.u32 $0xFFFFFF80, v52  }
0x6d: {  	v13 =	vld.idx.msk [tilespmem:v13+s12+$0x0], $0xffff;
	v56 =	vand.u32 $0xFFFFFF80, v55;
	v16 =	vadd.s32 v1, v34;
	v5 =	vadd.f32 $0.0e+00, v5  }
0x6e: {  	v8 =	vor.u32 v57, v8;
	v39 =	vld.idx.msk [tilespmem:v18+s14+$0x0], $0xffff;
	v18 =	vadd.s32 v1, v40;
	v57 =	vand.u32 $0x7F, v55  }
0x6f: {  	v14 =	vor.u32 v14, v16;
	v16 =	vand.u32 $0x7F, v36;
	v40 =	vadd.s32 $0xB, v3  }
0x70: {  	v36 =	vadd.s32 $0xF, v3;
	v44 =	vor.u32 v42, v18;
	v18 =	vand.u32 $0x7F, v38  }
0x71: {  	v5 =	vadd.f32 v6, v5;
	v6 =	vmul.f32 v53, v51;
	v41 =	vld.idx.msk [tilespmem:v33+s16+$0x0], $0xffff;
	v33 =	vadd.s32 $0xA, v3  }
0x72: {  	v42 =	vand.u32 $0x7F, v40;
	v35 =	vand.u32 $0xFFFFFF80, v33;
	v15 =	vand.u32 $0x7F, v33  }
0x73: {  	v10 =	vld.idx.msk [tilespmem:v63+s12+$0x0], $0xffff;
	v5 =	vadd.f32 v6, v5;
	v43 =	vsub.f32 v11, v12;
	v50 =	vmul.f32 v47, v13  }
0x74: {  	v11 =	vand.u32 $0x7F, v60;
	v12 =	vadd.s32 v1, v61;
	v13 =	vand.u32 $0x7F, v26  }
0x75: {  	v48 =	vld.idx.msk [tilespmem:v19+s14+$0x0], $0xffff;
	v17 =	vadd.s32 v1, v35;
	v35 =	vadd.s32 $0xF, v4;
	v63 =	vor.u32 v11, v12  }
0x76: {  	v49 =	vld.idx.msk [tilespmem:v21+s16+$0x0], $0xffff;
	v11 =	vadd.s32 v1, v24;
	v12 =	vadd.s32 v1, v27;
	v15 =	vor.u32 v15, v17  }
0x77: {  	v17 =	vadd.s32 v1, v37;
	v24 =	vand.u32 $0xFFFFFF80, v23;
	v37 =	vand.u32 $0xFFFFFF80, v35  }
0x78: {  	v46 =	vmul.f32 v43, v10;
	v10 =	vand.u32 $0x7F, v58;
	v11 =	vor.u32 v25, v11  }
0x79: {  	v12 =	vor.u32 v13, v12;
	v13 =	vor.u32 v30, v31;
	v16 =	vor.u32 v16, v17  }
0x7a: {  	v25 =	vadd.s32 $0xE, v4;
	v30 =	vand.u32 $0xFFFFFF80, v29;
	v31 =	vadd.s32 $0xF, v2  }
0x7b: {  	v6 =	vsub.f32 v39, v41;
	v53 =	vsub.f32 v48, v49;
	v39 =	vand.u32 $0xFFFFFF80, v38  }
0x7c: {  	v9 =	vld.idx.msk [tilespmem:v9+s16+$0x0], $0xffff;
	v41 =	vand.u32 $0xFFFFFF80, v40;
	v48 =	vadd.s32 $0xC, v3;
	v27 =	vand.u32 $0xFFFFFF80, v25  }
0x7d: {  	v8 =	vld.idx.msk [tilespmem:v8+s14+$0x0], $0xffff;
	v28 =	vand.u32 $0x7F, v25;
	v32 =	vand.u32 $0xFFFFFF80, v31;
	v33 =	vand.u32 $0x7F, v31  }
0x7e: {  	v38 =	vand.u32 $0xFFFFFF80, v36;
	v19 =	vadd.s32 v1, v39;
	v43 =	vadd.s32 v1, v41  }
0x7f: {  	v7 =	vld.idx.msk [tilespmem:v7+s12+$0x0], $0xffff;
	v49 =	vand.u32 $0xFFFFFF80, v48;
	v34 =	vadd.s32 v1, v32;
	v39 =	vadd.s32 $0x10, v2  }
0x80: {  	v14 =	vld.idx.msk [tilespmem:v14+s14+$0x0], $0xffff;
	v41 =	vadd.s32 $0x10, v4;
	v6 =	vmul.f32 v6, v45;
	v18 =	vor.u32 v18, v19  }
0x81: {  	v51 =	vld.idx.msk [tilespmem:v44+s12+$0x0], $0xffff;
	v44 =	vor.u32 v42, v43;
	v45 =	vadd.s32 $0xC, v4;
	v40 =	vand.u32 $0xFFFFFF80, v39  }
0x82: {  	v42 =	vand.u32 $0xFFFFFF80, v41;
	v43 =	vadd.s32 $0x10, v3;
	v8 =	vsub.f32 v8, v9;
	v15 =	vld.idx.msk [tilespmem:v15+s16+$0x0], $0xffff  }
0x83: {  	v9 =	vadd.s32 v1, v54;
	v47 =	vand.u32 $0xFFFFFF80, v45;
	v19 =	vand.u32 $0x7F, v45;
	v11 =	vld.idx.msk [tilespmem:v11+s14+$0x0], $0xffff  }
0x84: {  	v12 =	vld.idx.msk [tilespmem:v12+s16+$0x0], $0xffff;
	v21 =	vadd.s32 v1, v47;
	v7 =	vmul.f32 v8, v7;
	v8 =	vadd.s32 v1, v56  }
0x85: {  	v45 =	vand.u32 $0x7F, v43;
	v13 =	vld.idx.msk [tilespmem:v13+s12+$0x0], $0xffff;
	v19 =	vor.u32 v19, v21;
	v8 =	vor.u32 v57, v8  }
0x86: {  	v5 =	vadd.f32 v7, v5;
	v7 =	vand.u32 $0x7F, v52;
	v54 =	vld.idx.msk [tilespmem:v44+s16+$0x0], $0xffff;
	v44 =	vand.u32 $0xFFFFFF80, v43  }
0x87: {  	v7 =	vor.u32 v7, v9;
	v9 =	vadd.s32 v1, v59;
	v60 =	vsub.f32 v14, v15  }
0x88: {  	v15 =	vadd.s32 $0xD, v2;
	v14 =	vand.u32 $0x7F, v35;
	v5 =	vadd.f32 v46, v5  }
0x89: {  	v9 =	vor.u32 v10, v9;
	v46 =	vadd.s32 $0xC, v2;
	v56 =	vsub.f32 v11, v12  }
0x8a: {  	v17 =	vand.u32 $0xFFFFFF80, v15;
	v11 =	vand.u32 $0x7F, v23;
	v12 =	vadd.s32 v1, v24  }
0x8b: {  	v10 =	vld.idx.msk [tilespmem:v63+s12+$0x0], $0xffff;
	v23 =	vadd.s32 $0x12, v4;
	v55 =	vand.u32 $0x7F, v46;
	v63 =	vmul.f32 v60, v13  }
0x8c: {  	v26 =	vor.u32 v11, v12;
	v11 =	vadd.s32 v1, v27;
	v12 =	vadd.s32 v1, v30  }
0x8d: {  	v24 =	vand.u32 $0xFFFFFF80, v23;
	v25 =	vand.u32 $0x7F, v23;
	v30 =	vadd.s32 $0x13, v4  }
0x8e: {  	v5 =	vadd.f32 v50, v5;
	v50 =	vand.u32 $0x7F, v48;
	v11 =	vor.u32 v28, v11  }
0x8f: {  	v48 =	vadd.s32 $0x11, v4;
	v28 =	vadd.s32 $0x13, v2;
	v32 =	vand.u32 $0xFFFFFF80, v30  }
0x90: {  	v5 =	vadd.f32 v6, v5;
	v6 =	vmul.f32 v53, v51;
	v51 =	vadd.s32 v1, v49  }
0x91: {  	v52 =	vld.idx.msk [tilespmem:v18+s14+$0x0], $0xffff;
	v53 =	vand.u32 $0xFFFFFF80, v46;
	v46 =	vadd.s32 v1, v44;
	v49 =	vadd.s32 $0x11, v2  }
0x92: {  	v44 =	vadd.s32 $0x15, v2;
	v21 =	vor.u32 v50, v51;
	v18 =	vadd.s32 v1, v53  }
0x93: {  	v58 =	vld.idx.msk [tilespmem:v16+s12+$0x0], $0xffff;
	v59 =	vmul.f32 v56, v10;
	v47 =	vor.u32 v45, v46;
	v50 =	vand.u32 $0xFFFFFF80, v48  }
0x94: {  	v8 =	vld.idx.msk [tilespmem:v8+s14+$0x0], $0xffff;
	v51 =	vadd.s32 $0x11, v3;
	v56 =	vand.u32 $0xFFFFFF80, v49;
	v45 =	vand.u32 $0xFFFFFF80, v44  }
0x95: {  	v9 =	vld.idx.msk [tilespmem:v9+s16+$0x0], $0xffff;
	v46 =	vadd.s32 $0x15, v4;
	v5 =	vadd.f32 v6, v5;
	v57 =	vor.u32 v55, v18  }
0x96: {  	v61 =	vld.idx.msk [tilespmem:v19+s14+$0x0], $0xffff;
	v6 =	vsub.f32 v52, v54;
	v18 =	vadd.s32 $0xD, v4;
	v52 =	vand.u32 $0xFFFFFF80, v51  }
0x97: {  	v7 =	vld.idx.msk [tilespmem:v7+s12+$0x0], $0xffff;
	v53 =	vand.u32 $0x7F, v51;
	v19 =	vand.u32 $0xFFFFFF80, v18;
	v20 =	vand.u32 $0x7F, v18  }
0x98: {  	v18 =	vand.u32 $0x7F, v41;
	v54 =	vadd.s32 v1, v52;
	v41 =	vadd.s32 $0x14, v3  }
0x99: {  	v6 =	vmul.f32 v6, v58;
	v58 =	vand.u32 $0x7F, v49;
	v43 =	vand.u32 $0xFFFFFF80, v41  }
0x9a: {  	v8 =	vsub.f32 v8, v9;
	v62 =	vld.idx.msk [tilespmem:v21+s16+$0x0], $0xffff;
	v9 =	vadd.s32 v1, v17;
	v21 =	vadd.s32 $0xD, v3  }
0x9b: {  	v17 =	vadd.s32 v1, v38;
	v22 =	vand.u32 $0xFFFFFF80, v21;
	v10 =	vand.u32 $0x7F, v21  }
0x9c: {  	v13 =	vld.idx.msk [tilespmem:v57+s12+$0x0], $0xffff;
	v21 =	vadd.s32 v1, v50;
	v7 =	vmul.f32 v8, v7;
	v8 =	vadd.s32 v1, v19  }
0x9d: {  	v57 =	vld.idx.msk [tilespmem:v47+s16+$0x0], $0xffff;
	v47 =	vand.u32 $0xFFFFFF80, v46;
	v19 =	vadd.s32 v1, v42;
	v8 =	vor.u32 v20, v8  }
0x9e: {  	v18 =	vor.u32 v18, v19;
	v19 =	vand.u32 $0x7F, v48;
	v20 =	vadd.s32 $0x12, v2  }
0x9f: {  	v48 =	vadd.s32 $0x15, v3;
	v5 =	vadd.f32 v7, v5;
	v7 =	vand.u32 $0x7F, v15  }
0xa0: {  	v15 =	vand.u32 $0x7F, v36;
	v19 =	vor.u32 v19, v21;
	v21 =	vor.u32 v53, v54  }
0xa1: {  	v36 =	vadd.s32 $0x14, v2;
	v49 =	vand.u32 $0xFFFFFF80, v48;
	v50 =	vand.u32 $0x7F, v48  }
0xa2: {  	v53 =	vadd.s32 $0x16, v4;
	v54 =	vadd.s32 $0x16, v2;
	v16 =	vsub.f32 v61, v62  }
0xa3: {  	v7 =	vor.u32 v7, v9;
	v9 =	vadd.s32 v1, v22;
	v15 =	vor.u32 v15, v17  }
0xa4: {  	v17 =	vadd.s32 v1, v40;
	v22 =	vand.u32 $0xFFFFFF80, v20;
	v5 =	vadd.f32 v59, v5  }
0xa5: {  	v38 =	vand.u32 $0x7F, v36;
	v40 =	vadd.s32 $0x14, v4;
	v9 =	vor.u32 v10, v9  }
0xa6: {  	v51 =	vadd.s32 v1, v49;
	v10 =	vld.idx.msk [tilespmem:v26+s12+$0x0], $0xffff;
	v26 =	vadd.s32 $0x12, v3;
	v5 =	vadd.f32 v63, v5  }
0xa7: {  	v42 =	vand.u32 $0xFFFFFF80, v40;
	v52 =	vor.u32 v50, v51;
	v50 =	vadd.s32 $0x19, v4  }
0xa8: {  	v8 =	vld.idx.msk [tilespmem:v8+s14+$0x0], $0xffff;
	v5 =	vadd.f32 v6, v5;
	v6 =	vmul.f32 v16, v13;
	v13 =	vand.u32 $0x7F, v29  }
0xa9: {  	v51 =	vadd.s32 $0x19, v3;
	v55 =	vld.idx.msk [tilespmem:v18+s14+$0x0], $0xffff;
	v16 =	vadd.s32 v1, v37;
	v12 =	vor.u32 v13, v12  }
0xaa: {  	v27 =	vand.u32 $0xFFFFFF80, v26;
	v18 =	vadd.s32 v1, v56;
	v14 =	vor.u32 v14, v16;
	v9 =	vld.idx.msk [tilespmem:v9+s16+$0x0], $0xffff  }
0xab: {  	v11 =	vld.idx.msk [tilespmem:v11+s14+$0x0], $0xffff;
	v56 =	vadd.s32 $0x16, v3;
	v60 =	vor.u32 v58, v18;
	v16 =	vand.u32 $0x7F, v39  }
0xac: {  	v58 =	vand.u32 $0x7F, v56;
	v7 =	vld.idx.msk [tilespmem:v7+s12+$0x0], $0xffff;
	v29 =	vand.u32 $0xFFFFFF80, v28;
	v16 =	vor.u32 v16, v17  }
0xad: {  	v15 =	vld.idx.msk [tilespmem:v15+s16+$0x0], $0xffff;
	v37 =	vand.u32 $0xFFFFFF80, v36;
	v36 =	vadd.s32 $0x17, v3;
	v13 =	vor.u32 v33, v34  }
0xae: {  	v33 =	vand.u32 $0x7F, v30;
	v34 =	vadd.s32 $0x13, v3;
	v39 =	vadd.s32 v1, v37;
	v12 =	vld.idx.msk [tilespmem:v12+s16+$0x0], $0xffff  }
0xaf: {  	v30 =	vadd.s32 $0x17, v2;
	v37 =	vand.u32 $0xFFFFFF80, v36;
	v14 =	vld.idx.msk [tilespmem:v14+s14+$0x0], $0xffff;
	v8 =	vsub.f32 v8, v9  }
0xb0: {  	v5 =	vadd.f32 v6, v5;
	v17 =	vld.idx.msk [tilespmem:v21+s16+$0x0], $0xffff;
	v35 =	vand.u32 $0xFFFFFF80, v34;
	v6 =	vsub.f32 v55, v57  }
0xb1: {  	v55 =	vand.u32 $0xFFFFFF80, v53;
	v57 =	vand.u32 $0xFFFFFF80, v56;
	v61 =	vld.idx.msk [tilespmem:v16+s12+$0x0], $0xffff;
	v7 =	vmul.f32 v8, v7  }
0xb2: {  	v56 =	vadd.s32 $0x1A, v4;
	v9 =	vadd.s32 v1, v22;
	v16 =	vld.idx.msk [tilespmem:v19+s14+$0x0], $0xffff;
	v8 =	vadd.s32 v1, v24  }
0xb3: {  	v8 =	vor.u32 v25, v8;
	v5 =	vadd.f32 v7, v5;
	v7 =	vand.u32 $0x7F, v20  }
0xb4: {  	v59 =	vsub.f32 v11, v12;
	v63 =	vsub.f32 v14, v15;
	v7 =	vor.u32 v7, v9  }
0xb5: {  	v9 =	vadd.s32 v1, v27;
	v11 =	vand.u32 $0x7F, v28;
	v12 =	vadd.s32 v1, v29  }
0xb6: {  	v13 =	vld.idx.msk [tilespmem:v13+s12+$0x0], $0xffff;
	v14 =	vand.u32 $0x7F, v40;
	v15 =	vand.u32 $0x7F, v41;
	v40 =	vadd.s32 $0x18, v4  }
0xb7: {  	v6 =	vmul.f32 v6, v61;
	v21 =	vsub.f32 v16, v17;
	v31 =	vor.u32 v11, v12  }
0xb8: {  	v11 =	vadd.s32 v1, v32;
	v12 =	vadd.s32 v1, v35;
	v16 =	vadd.s32 v1, v42  }
0xb9: {  	v17 =	vadd.s32 v1, v43;
	v61 =	vand.u32 $0xFFFFFF80, v54;
	v32 =	vand.u32 $0xFFFFFF80, v30  }
0xba: {  	v42 =	vand.u32 $0xFFFFFF80, v40;
	v43 =	vand.u32 $0x7F, v40;
	v62 =	vmul.f32 v59, v10  }
0xbb: {  	v18 =	vmul.f32 v63, v13;
	v10 =	vand.u32 $0x7F, v26;
	v11 =	vor.u32 v33, v11  }
0xbc: {  	v13 =	vand.u32 $0x7F, v34;
	v14 =	vor.u32 v14, v16;
	v15 =	vor.u32 v15, v17  }
0xbd: {  	v16 =	vand.u32 $0x7F, v44;
	v17 =	vadd.s32 v1, v45;
	v59 =	vadd.s32 v1, v57  }
0xbe: {  	v63 =	vand.u32 $0x7F, v54;
	v33 =	vadd.s32 $0x17, v4;
	v44 =	vadd.s32 $0x18, v3  }
0xbf: {  	v54 =	vadd.s32 $0x1A, v2;
	v57 =	vand.u32 $0xFFFFFF80, v56;
	v9 =	vor.u32 v10, v9  }
0xc0: {  	v19 =	vld.idx.msk [tilespmem:v60+s12+$0x0], $0xffff;
	v12 =	vor.u32 v13, v12;
	v13 =	vor.u32 v38, v39;
	v5 =	vadd.f32 v62, v5  }
0xc1: {  	v8 =	vld.idx.msk [tilespmem:v8+s14+$0x0], $0xffff;
	v16 =	vor.u32 v16, v17;
	v34 =	vand.u32 $0xFFFFFF80, v33;
	v35 =	vand.u32 $0x7F, v33  }
0xc2: {  	v38 =	vadd.s32 $0x18, v2;
	v45 =	vand.u32 $0xFFFFFF80, v44;
	v62 =	vld.idx.msk [tilespmem:v52+s16+$0x0], $0xffff;
	v5 =	vadd.f32 v18, v5  }
0xc3: {  	v39 =	vand.u32 $0xFFFFFF80, v38;
	v18 =	vand.u32 $0x7F, v46;
	v46 =	vadd.s32 $0x19, v2;
	v11 =	vld.idx.msk [tilespmem:v11+s14+$0x0], $0xffff  }
0xc4: {  	v52 =	vand.u32 $0xFFFFFF80, v50;
	v14 =	vld.idx.msk [tilespmem:v14+s14+$0x0], $0xffff;
	v48 =	vand.u32 $0x7F, v46;
	v5 =	vadd.f32 v6, v5  }
0xc5: {  	v15 =	vld.idx.msk [tilespmem:v15+s16+$0x0], $0xffff;
	v6 =	vmul.f32 v21, v19;
	v19 =	vadd.s32 v1, v47;
	v21 =	vadd.s32 v1, v55  }
0xc6: {  	v23 =	vld.idx.msk [tilespmem:v16+s12+$0x0], $0xffff;
	v47 =	vand.u32 $0xFFFFFF80, v46;
	v16 =	vadd.s32 v1, v52;
	v55 =	vand.u32 $0xFFFFFF80, v54  }
0xc7: {  	v9 =	vld.idx.msk [tilespmem:v9+s16+$0x0], $0xffff;
	v46 =	vadd.s32 $0x1C, v4;
	v18 =	vor.u32 v18, v19;
	v19 =	vand.u32 $0x7F, v53  }
0xc8: {  	v12 =	vld.idx.msk [tilespmem:v12+s16+$0x0], $0xffff;
	v49 =	vadd.s32 v1, v47;
	v53 =	vand.u32 $0xFFFFFF80, v51;
	v47 =	vand.u32 $0xFFFFFF80, v46  }
0xc9: {  	v19 =	vor.u32 v19, v21;
	v21 =	vor.u32 v58, v59;
	v5 =	vadd.f32 v6, v5  }
0xca: {  	v17 =	vadd.s32 v1, v53;
	v58 =	vadd.s32 $0x1A, v3;
	v53 =	vadd.s32 $0x1D, v4  }
0xcb: {  	v13 =	vld.idx.msk [tilespmem:v13+s12+$0x0], $0xffff;
	v59 =	vand.u32 $0xFFFFFF80, v58;
	v25 =	vsub.f32 v14, v15;
	v14 =	vand.u32 $0x7F, v50  }
0xcc: {  	v15 =	vand.u32 $0x7F, v51;
	v51 =	vadd.s32 $0x1D, v2;
	v8 =	vsub.f32 v8, v9  }
0xcd: {  	v20 =	vsub.f32 v11, v12;
	v9 =	vadd.s32 v1, v32;
	v11 =	vand.u32 $0x7F, v38  }
0xce: {  	v7 =	vld.idx.msk [tilespmem:v7+s12+$0x0], $0xffff;
	v12 =	vadd.s32 v1, v39;
	v14 =	vor.u32 v14, v16;
	v15 =	vor.u32 v15, v17  }
0xcf: {  	v10 =	vld.idx.msk [tilespmem:v31+s12+$0x0], $0xffff;
	v16 =	vand.u32 $0x7F, v54;
	v17 =	vadd.s32 v1, v55;
	v52 =	vand.u32 $0xFFFFFF80, v51  }
0xd0: {  	v55 =	vand.u32 $0xFFFFFF80, v53;
	v60 =	vld.idx.msk [tilespmem:v18+s14+$0x0], $0xffff;
	v18 =	vadd.s32 v1, v61;
	v28 =	vmul.f32 v25, v13  }
0xd1: {  	v41 =	vor.u32 v11, v12;
	v11 =	vadd.s32 v1, v42;
	v13 =	vand.u32 $0x7F, v44  }
0xd2: {  	v12 =	vadd.s32 v1, v45;
	v61 =	vadd.s32 v1, v59;
	v16 =	vor.u32 v16, v17  }
0xd3: {  	v59 =	vadd.s32 $0x1E, v2;
	v7 =	vmul.f32 v8, v7;
	v22 =	vor.u32 v63, v18  }
0xd4: {  	v24 =	vmul.f32 v20, v10;
	v8 =	vadd.s32 v1, v34;
	v10 =	vand.u32 $0x7F, v36  }
0xd5: {  	v11 =	vor.u32 v43, v11;
	v12 =	vor.u32 v13, v12;
	v13 =	vor.u32 v48, v49  }
0xd6: {  	v26 =	vld.idx.msk [tilespmem:v19+s14+$0x0], $0xffff;
	v18 =	vand.u32 $0x7F, v56;
	v19 =	vadd.s32 v1, v57;
	v63 =	vadd.s32 $0x1B, v4  }
0xd7: {  	v43 =	vadd.s32 $0x1C, v2;
	v48 =	vand.u32 $0x7F, v46;
	v49 =	vadd.s32 $0x1C, v3  }
0xd8: {  	v56 =	vand.u32 $0x7F, v53;
	v57 =	vadd.s32 $0x1D, v3;
	v20 =	vadd.s32 $0x1E, v3  }
0xd9: {  	v8 =	vor.u32 v35, v8;
	v18 =	vor.u32 v18, v19;
	v25 =	vand.u32 $0xFFFFFF80, v63  }
0xda: {  	v27 =	vld.idx.msk [tilespmem:v21+s16+$0x0], $0xffff;
	v19 =	vand.u32 $0x7F, v63;
	v45 =	vand.u32 $0xFFFFFF80, v43;
	v50 =	vand.u32 $0xFFFFFF80, v49  }
0xdb: {  	v63 =	vadd.s32 $0x1E, v4;
	v5 =	vadd.f32 v7, v5;
	v7 =	vand.u32 $0x7F, v30  }
0xdc: {  	v21 =	vadd.s32 v1, v25;
	v25 =	vadd.s32 $0x1F, v4;
	v7 =	vor.u32 v7, v9  }
0xdd: {  	v9 =	vadd.s32 v1, v37;
	v19 =	vor.u32 v19, v21;
	v5 =	vadd.f32 v24, v5  }
0xde: {  	v14 =	vld.idx.msk [tilespmem:v14+s14+$0x0], $0xffff;
	v6 =	vsub.f32 v60, v62;
	v9 =	vor.u32 v10, v9;
	v60 =	vand.u32 $0x7F, v58  }
0xdf: {  	v15 =	vld.idx.msk [tilespmem:v15+s16+$0x0], $0xffff;
	v24 =	vadd.s32 $0x1B, v2;
	v58 =	vand.u32 $0xFFFFFF80, v57;
	v31 =	vsub.f32 v26, v27  }
0xe0: {  	v29 =	vld.idx.msk [tilespmem:v22+s12+$0x0], $0xffff;
	v62 =	vor.u32 v60, v61;
	v26 =	vadd.s32 $0x1B, v3;
	v33 =	vand.u32 $0x7F, v24  }
0xe1: {  	v11 =	vld.idx.msk [tilespmem:v11+s14+$0x0], $0xffff;
	v60 =	vand.u32 $0xFFFFFF80, v59;
	v61 =	vand.u32 $0x7F, v59;
	v22 =	vand.u32 $0xFFFFFF80, v20  }
0xe2: {  	v12 =	vld.idx.msk [tilespmem:v12+s16+$0x0], $0xffff;
	v5 =	vadd.f32 v28, v5;
	v6 =	vmul.f32 v6, v23;
	v27 =	vand.u32 $0xFFFFFF80, v26  }
0xe3: {  	v13 =	vld.idx.msk [tilespmem:v13+s12+$0x0], $0xffff;
	v28 =	vand.u32 $0x7F, v26;
	v17 =	vadd.s32 v1, v22;
	v23 =	vadd.s32 $0x1F, v2  }
0xe4: {  	v26 =	vand.u32 $0xFFFFFF80, v25;
	v5 =	vadd.f32 v6, v5;
	v38 =	vsub.f32 v14, v15  }
0xe5: {  	v39 =	vld.idx.msk [tilespmem:v19+s14+$0x0], $0xffff;
	v14 =	vand.u32 $0x7F, v63;
	v15 =	vand.u32 $0x7F, v20;
	v19 =	vadd.s32 v1, v26  }
0xe6: {  	v26 =	vadd.s32 $0x22, v3;
	v15 =	vor.u32 v15, v17;
	v6 =	vmul.f32 v31, v29  }
0xe7: {  	v29 =	vadd.s32 v1, v27;
	v31 =	vand.u32 $0xFFFFFF80, v24;
	v34 =	vsub.f32 v11, v12  }
0xe8: {  	v10 =	vld.idx.msk [tilespmem:v41+s12+$0x0], $0xffff;
	v41 =	vmul.f32 v38, v13;
	v11 =	vand.u32 $0x7F, v51;
	v12 =	vadd.s32 v1, v52  }
0xe9: {  	v32 =	vld.idx.msk [tilespmem:v62+s16+$0x0], $0xffff;
	v13 =	vand.u32 $0x7F, v57;
	v62 =	vadd.s32 v1, v60;
	v24 =	vand.u32 $0xFFFFFF80, v23  }
0xea: {  	v27 =	vadd.s32 $0x1F, v3;
	v52 =	vadd.s32 $0x21, v2;
	v60 =	vadd.s32 $0x22, v2  }
0xeb: {  	v30 =	vld.idx.msk [tilespmem:v18+s14+$0x0], $0xffff;
	v21 =	vor.u32 v28, v29;
	v18 =	vadd.s32 v1, v31;
	v54 =	vor.u32 v11, v12  }
0xec: {  	v11 =	vadd.s32 v1, v55;
	v12 =	vadd.s32 v1, v58;
	v17 =	vadd.s32 v1, v24  }
0xed: {  	v28 =	vand.u32 $0xFFFFFF80, v27;
	v29 =	vand.u32 $0x7F, v27;
	v55 =	vadd.s32 $0x21, v4  }
0xee: {  	v8 =	vld.idx.msk [tilespmem:v8+s14+$0x0], $0xffff;
	v58 =	vadd.s32 $0x21, v3;
	v27 =	vand.u32 $0xFFFFFF80, v26;
	v5 =	vadd.f32 v6, v5  }
0xef: {  	v9 =	vld.idx.msk [tilespmem:v9+s16+$0x0], $0xffff;
	v35 =	vor.u32 v33, v18;
	v37 =	vmul.f32 v34, v10;
	v10 =	vand.u32 $0x7F, v49  }
0xf0: {  	v11 =	vor.u32 v56, v11;
	v12 =	vor.u32 v13, v12;
	v13 =	vor.u32 v61, v62  }
0xf1: {  	v7 =	vld.idx.msk [tilespmem:v7+s12+$0x0], $0xffff;
	v18 =	vand.u32 $0x7F, v25;
	v33 =	vadd.s32 $0x20, v2;
	v56 =	vand.u32 $0xFFFFFF80, v55  }
0xf2: {  	v57 =	vand.u32 $0x7F, v55;
	v59 =	vand.u32 $0xFFFFFF80, v58;
	v62 =	vadd.s32 $0x22, v4  }
0xf3: {  	v61 =	vand.u32 $0xFFFFFF80, v60;
	v18 =	vor.u32 v18, v19;
	v24 =	vand.u32 $0xFFFFFF80, v62  }
0xf4: {  	v36 =	vld.idx.msk [tilespmem:v16+s12+$0x0], $0xffff;
	v25 =	vand.u32 $0x7F, v62;
	v8 =	vsub.f32 v8, v9;
	v9 =	vadd.s32 v1, v45  }
0xf5: {  	v6 =	vsub.f32 v30, v32;
	v30 =	vadd.s32 v1, v28;
	v32 =	vadd.s32 $0x20, v4  }
0xf6: {  	v28 =	vadd.s32 $0x23, v2;
	v7 =	vmul.f32 v8, v7;
	v8 =	vadd.s32 v1, v47  }
0xf7: {  	v40 =	vld.idx.msk [tilespmem:v21+s16+$0x0], $0xffff;
	v21 =	vand.u32 $0xFFFFFF80, v63;
	v31 =	vor.u32 v29, v30;
	v34 =	vand.u32 $0xFFFFFF80, v32  }
0xf8: {  	v19 =	vand.u32 $0x7F, v32;
	v29 =	vand.u32 $0xFFFFFF80, v28;
	v30 =	vand.u32 $0x7F, v28  }
0xf9: {  	v32 =	vadd.s32 $0x23, v4;
	v6 =	vmul.f32 v6, v36;
	v8 =	vor.u32 v48, v8  }
0xfa: {  	v42 =	vld.idx.msk [tilespmem:v35+s12+$0x0], $0xffff;
	v16 =	vadd.s32 v1, v21;
	v35 =	vadd.s32 $0x20, v3;
	v21 =	vadd.s32 v1, v34  }
0xfb: {  	v34 =	vand.u32 $0xFFFFFF80, v32;
	v5 =	vadd.f32 v7, v5;
	v7 =	vand.u32 $0x7F, v43  }
0xfc: {  	v14 =	vor.u32 v14, v16;
	v16 =	vand.u32 $0x7F, v23;
	v36 =	vand.u32 $0xFFFFFF80, v35  }
0xfd: {  	v11 =	vld.idx.msk [tilespmem:v11+s14+$0x0], $0xffff;
	v19 =	vor.u32 v19, v21;
	v23 =	vadd.s32 $0x27, v2;
	v7 =	vor.u32 v7, v9  }
0xfe: {  	v12 =	vld.idx.msk [tilespmem:v12+s16+$0x0], $0xffff;
	v9 =	vadd.s32 v1, v50;
	v16 =	vor.u32 v16, v17;
	v38 =	vadd.s32 v1, v36  }
0xff: {  	v36 =	vadd.s32 $0x24, v2;
	v5 =	vadd.f32 v37, v5;
	v9 =	vor.u32 v10, v9  }
0x100: {  	v10 =	vld.idx.msk [tilespmem:v54+s12+$0x0], $0xffff;
	v37 =	vand.u32 $0x7F, v35;
	v54 =	vand.u32 $0xFFFFFF80, v52;
	v44 =	vsub.f32 v39, v40  }
0x101: {  	v40 =	vand.u32 $0xFFFFFF80, v33;
	v21 =	vor.u32 v37, v38;
	v37 =	vand.u32 $0xFFFFFF80, v36  }
0x102: {  	v39 =	vld.idx.msk [tilespmem:v18+s14+$0x0], $0xffff;
	v38 =	vadd.s32 $0x24, v4;
	v5 =	vadd.f32 v41, v5;
	v18 =	vadd.s32 v1, v40  }
0x103: {  	v43 =	vsub.f32 v11, v12;
	v11 =	vand.u32 $0x7F, v60;
	v12 =	vadd.s32 v1, v61  }
0x104: {  	v41 =	vld.idx.msk [tilespmem:v31+s16+$0x0], $0xffff;
	v31 =	vadd.s32 v1, v29;
	v40 =	vadd.s32 $0x24, v3;
	v29 =	vadd.s32 $0x27, v3  }
0x105: {  	v63 =	vor.u32 v11, v12;
	v11 =	vadd.s32 v1, v24;
	v12 =	vadd.s32 v1, v27  }
0x106: {  	v15 =	vld.idx.msk [tilespmem:v15+s16+$0x0], $0xffff;
	v24 =	vand.u32 $0xFFFFFF80, v23;
	v5 =	vadd.f32 v6, v5;
	v6 =	vmul.f32 v44, v42  }
0x107: {  	v14 =	vld.idx.msk [tilespmem:v14+s14+$0x0], $0xffff;
	v42 =	vand.u32 $0x7F, v33;
	v11 =	vor.u32 v25, v11;
	v33 =	vadd.s32 $0x23, v3  }
0x108: {  	v45 =	vld.idx.msk [tilespmem:v16+s12+$0x0], $0xffff;
	v16 =	vadd.s32 v1, v34;
	v25 =	vadd.s32 $0x27, v4;
	v44 =	vor.u32 v42, v18  }
0x109: {  	v46 =	vmul.f32 v43, v10;
	v10 =	vand.u32 $0x7F, v58;
	v35 =	vand.u32 $0xFFFFFF80, v33  }
0x10a: {  	v18 =	vand.u32 $0x7F, v38;
	v42 =	vand.u32 $0x7F, v40;
	v27 =	vand.u32 $0xFFFFFF80, v25  }
0x10b: {  	v13 =	vld.idx.msk [tilespmem:v13+s12+$0x0], $0xffff;
	v28 =	vand.u32 $0x7F, v25;
	v5 =	vadd.f32 v6, v5;
	v17 =	vadd.s32 v1, v35  }
0x10c: {  	v8 =	vld.idx.msk [tilespmem:v8+s14+$0x0], $0xffff;
	v35 =	vadd.s32 $0x28, v4;
	v6 =	vsub.f32 v39, v41;
	v39 =	vand.u32 $0xFFFFFF80, v38  }
0x10d: {  	v48 =	vld.idx.msk [tilespmem:v19+s14+$0x0], $0xffff;
	v41 =	vand.u32 $0xFFFFFF80, v40;
	v47 =	vsub.f32 v14, v15;
	v14 =	vand.u32 $0x7F, v32  }
0x10e: {  	v9 =	vld.idx.msk [tilespmem:v9+s16+$0x0], $0xffff;
	v15 =	vand.u32 $0x7F, v33;
	v19 =	vadd.s32 v1, v39;
	v43 =	vadd.s32 v1, v41  }
0x10f: {  	v39 =	vadd.s32 $0x29, v2;
	v41 =	vadd.s32 $0x29, v4;
	v6 =	vmul.f32 v6, v45  }
0x110: {  	v14 =	vor.u32 v14, v16;
	v15 =	vor.u32 v15, v17;
	v16 =	vand.u32 $0x7F, v36  }
0x111: {  	v49 =	vld.idx.msk [tilespmem:v21+s16+$0x0], $0xffff;
	v17 =	vadd.s32 v1, v37;
	v18 =	vor.u32 v18, v19;
	v45 =	vadd.s32 $0x25, v4  }
0x112: {  	v36 =	vadd.s32 $0x28, v3;
	v37 =	vand.u32 $0xFFFFFF80, v35;
	v40 =	vand.u32 $0xFFFFFF80, v39  }
0x113: {  	v7 =	vld.idx.msk [tilespmem:v7+s12+$0x0], $0xffff;
	v8 =	vsub.f32 v8, v9;
	v50 =	vmul.f32 v47, v13;
	v9 =	vadd.s32 v1, v54  }
0x114: {  	v51 =	vld.idx.msk [tilespmem:v44+s12+$0x0], $0xffff;
	v13 =	vand.u32 $0x7F, v26;
	v16 =	vor.u32 v16, v17;
	v44 =	vor.u32 v42, v43  }
0x115: {  	v47 =	vand.u32 $0xFFFFFF80, v45;
	v19 =	vand.u32 $0x7F, v45;
	v38 =	vand.u32 $0xFFFFFF80, v36  }
0x116: {  	v42 =	vand.u32 $0xFFFFFF80, v41;
	v43 =	vadd.s32 $0x29, v3;
	v53 =	vsub.f32 v48, v49  }
0x117: {  	v12 =	vor.u32 v13, v12;
	v13 =	vor.u32 v30, v31;
	v48 =	vadd.s32 $0x25, v3  }
0x118: {  	v21 =	vadd.s32 v1, v47;
	v30 =	vand.u32 $0xFFFFFF80, v29;
	v31 =	vadd.s32 $0x28, v2  }
0x119: {  	v45 =	vand.u32 $0x7F, v43;
	v7 =	vmul.f32 v8, v7;
	v8 =	vadd.s32 v1, v56  }
0x11a: {  	v49 =	vand.u32 $0xFFFFFF80, v48;
	v19 =	vor.u32 v19, v21;
	v32 =	vand.u32 $0xFFFFFF80, v31;
	v14 =	vld.idx.msk [tilespmem:v14+s14+$0x0], $0xffff  }
0x11b: {  	v33 =	vand.u32 $0x7F, v31;
	v5 =	vadd.f32 v7, v5;
	v7 =	vand.u32 $0x7F, v52;
	v15 =	vld.idx.msk [tilespmem:v15+s16+$0x0], $0xffff  }
0x11c: {  	v11 =	vld.idx.msk [tilespmem:v11+s14+$0x0], $0xffff;
	v8 =	vor.u32 v57, v8;
	v34 =	vadd.s32 v1, v32;
	v7 =	vor.u32 v7, v9  }
0x11d: {  	v9 =	vadd.s32 v1, v59;
	v54 =	vld.idx.msk [tilespmem:v44+s16+$0x0], $0xffff;
	v5 =	vadd.f32 v46, v5;
	v46 =	vadd.s32 $0x25, v2  }
0x11e: {  	v44 =	vand.u32 $0xFFFFFF80, v43;
	v9 =	vor.u32 v10, v9;
	v12 =	vld.idx.msk [tilespmem:v12+s16+$0x0], $0xffff;
	v55 =	vand.u32 $0x7F, v46  }
0x11f: {  	v13 =	vld.idx.msk [tilespmem:v13+s12+$0x0], $0xffff;
	v5 =	vadd.f32 v50, v5;
	v50 =	vand.u32 $0x7F, v48;
	v48 =	vadd.s32 $0x2A, v4  }
0x120: {  	v60 =	vsub.f32 v14, v15;
	v15 =	vadd.s32 $0x26, v2;
	v14 =	vand.u32 $0x7F, v35  }
0x121: {  	v5 =	vadd.f32 v6, v5;
	v6 =	vmul.f32 v53, v51;
	v51 =	vadd.s32 v1, v49  }
0x122: {  	v53 =	vand.u32 $0xFFFFFF80, v46;
	v17 =	vand.u32 $0xFFFFFF80, v15;
	v46 =	vadd.s32 v1, v44  }
0x123: {  	v52 =	vld.idx.msk [tilespmem:v18+s14+$0x0], $0xffff;
	v49 =	vadd.s32 $0x2A, v2;
	v44 =	vadd.s32 $0x2E, v2;
	v21 =	vor.u32 v50, v51  }
0x124: {  	v10 =	vld.idx.msk [tilespmem:v63+s12+$0x0], $0xffff;
	v18 =	vadd.s32 v1, v53;
	v56 =	vsub.f32 v11, v12;
	v63 =	vmul.f32 v60, v13  }
0x125: {  	v11 =	vand.u32 $0x7F, v23;
	v12 =	vadd.s32 v1, v24;
	v47 =	vor.u32 v45, v46  }
0x126: {  	v50 =	vand.u32 $0xFFFFFF80, v48;
	v51 =	vadd.s32 $0x2A, v3;
	v23 =	vadd.s32 $0x2B, v4  }
0x127: {  	v45 =	vand.u32 $0xFFFFFF80, v44;
	v46 =	vadd.s32 $0x2E, v4;
	v5 =	vadd.f32 v6, v5  }
0x128: {  	v57 =	vor.u32 v55, v18;
	v6 =	vsub.f32 v52, v54;
	v18 =	vadd.s32 $0x26, v4  }
0x129: {  	v58 =	vld.idx.msk [tilespmem:v16+s12+$0x0], $0xffff;
	v26 =	vor.u32 v11, v12;
	v11 =	vadd.s32 v1, v27;
	v12 =	vadd.s32 v1, v30  }
0x12a: {  	v8 =	vld.idx.msk [tilespmem:v8+s14+$0x0], $0xffff;
	v52 =	vand.u32 $0xFFFFFF80, v51;
	v53 =	vand.u32 $0x7F, v51;
	v24 =	vand.u32 $0xFFFFFF80, v23  }
0x12b: {  	v9 =	vld.idx.msk [tilespmem:v9+s16+$0x0], $0xffff;
	v25 =	vand.u32 $0x7F, v23;
	v30 =	vadd.s32 $0x2C, v4;
	v59 =	vmul.f32 v56, v10  }
0x12c: {  	v61 =	vld.idx.msk [tilespmem:v19+s14+$0x0], $0xffff;
	v19 =	vand.u32 $0xFFFFFF80, v18;
	v20 =	vand.u32 $0x7F, v18;
	v11 =	vor.u32 v28, v11  }
0x12d: {  	v7 =	vld.idx.msk [tilespmem:v7+s12+$0x0], $0xffff;
	v18 =	vand.u32 $0x7F, v41;
	v54 =	vadd.s32 v1, v52;
	v56 =	vand.u32 $0xFFFFFF80, v49  }
0x12e: {  	v28 =	vadd.s32 $0x2C, v2;
	v32 =	vand.u32 $0xFFFFFF80, v30;
	v41 =	vadd.s32 $0x2D, v3  }
0x12f: {  	v6 =	vmul.f32 v6, v58;
	v58 =	vand.u32 $0x7F, v49;
	v43 =	vand.u32 $0xFFFFFF80, v41  }
0x130: {  	v8 =	vsub.f32 v8, v9;
	v62 =	vld.idx.msk [tilespmem:v21+s16+$0x0], $0xffff;
	v9 =	vadd.s32 v1, v17;
	v21 =	vadd.s32 $0x26, v3  }
0x131: {  	v17 =	vadd.s32 v1, v38;
	v22 =	vand.u32 $0xFFFFFF80, v21;
	v10 =	vand.u32 $0x7F, v21  }
0x132: {  	v13 =	vld.idx.msk [tilespmem:v57+s12+$0x0], $0xffff;
	v21 =	vadd.s32 v1, v50;
	v7 =	vmul.f32 v8, v7;
	v8 =	vadd.s32 v1, v19  }
0x133: {  	v57 =	vld.idx.msk [tilespmem:v47+s16+$0x0], $0xffff;
	v47 =	vand.u32 $0xFFFFFF80, v46;
	v19 =	vadd.s32 v1, v42;
	v8 =	vor.u32 v20, v8  }
0x134: {  	v18 =	vor.u32 v18, v19;
	v19 =	vand.u32 $0x7F, v48;
	v20 =	vadd.s32 $0x2B, v2  }
0x135: {  	v48 =	vadd.s32 $0x2E, v3;
	v5 =	vadd.f32 v7, v5;
	v7 =	vand.u32 $0x7F, v15  }
0x136: {  	v15 =	vand.u32 $0x7F, v36;
	v19 =	vor.u32 v19, v21;
	v21 =	vor.u32 v53, v54  }
0x137: {  	v36 =	vadd.s32 $0x2D, v2;
	v49 =	vand.u32 $0xFFFFFF80, v48;
	v50 =	vand.u32 $0x7F, v48  }
0x138: {  	v53 =	vadd.s32 $0x2F, v4;
	v54 =	vadd.s32 $0x2F, v2;
	v16 =	vsub.f32 v61, v62  }
0x139: {  	v7 =	vor.u32 v7, v9;
	v9 =	vadd.s32 v1, v22;
	v15 =	vor.u32 v15, v17  }
0x13a: {  	v17 =	vadd.s32 v1, v40;
	v22 =	vand.u32 $0xFFFFFF80, v20;
	v5 =	vadd.f32 v59, v5  }
0x13b: {  	v38 =	vand.u32 $0x7F, v36;
	v40 =	vadd.s32 $0x2D, v4;
	v9 =	vor.u32 v10, v9  }
0x13c: {  	v51 =	vadd.s32 v1, v49;
	v10 =	vld.idx.msk [tilespmem:v26+s12+$0x0], $0xffff;
	v26 =	vadd.s32 $0x2B, v3;
	v5 =	vadd.f32 v63, v5  }
0x13d: {  	v42 =	vand.u32 $0xFFFFFF80, v40;
	v52 =	vor.u32 v50, v51;
	v50 =	vadd.s32 $0x32, v4  }
0x13e: {  	v8 =	vld.idx.msk [tilespmem:v8+s14+$0x0], $0xffff;
	v5 =	vadd.f32 v6, v5;
	v6 =	vmul.f32 v16, v13;
	v13 =	vand.u32 $0x7F, v29  }
0x13f: {  	v51 =	vadd.s32 $0x32, v3;
	v55 =	vld.idx.msk [tilespmem:v18+s14+$0x0], $0xffff;
	v16 =	vadd.s32 v1, v37;
	v12 =	vor.u32 v13, v12  }
0x140: {  	v27 =	vand.u32 $0xFFFFFF80, v26;
	v18 =	vadd.s32 v1, v56;
	v14 =	vor.u32 v14, v16;
	v9 =	vld.idx.msk [tilespmem:v9+s16+$0x0], $0xffff  }
0x141: {  	v11 =	vld.idx.msk [tilespmem:v11+s14+$0x0], $0xffff;
	v56 =	vadd.s32 $0x2F, v3;
	v60 =	vor.u32 v58, v18;
	v16 =	vand.u32 $0x7F, v39  }
0x142: {  	v58 =	vand.u32 $0x7F, v56;
	v7 =	vld.idx.msk [tilespmem:v7+s12+$0x0], $0xffff;
	v29 =	vand.u32 $0xFFFFFF80, v28;
	v16 =	vor.u32 v16, v17  }
0x143: {  	v15 =	vld.idx.msk [tilespmem:v15+s16+$0x0], $0xffff;
	v37 =	vand.u32 $0xFFFFFF80, v36;
	v36 =	vadd.s32 $0x30, v3;
	v13 =	vor.u32 v33, v34  }
0x144: {  	v33 =	vand.u32 $0x7F, v30;
	v34 =	vadd.s32 $0x2C, v3;
	v39 =	vadd.s32 v1, v37;
	v12 =	vld.idx.msk [tilespmem:v12+s16+$0x0], $0xffff  }
0x145: {  	v30 =	vadd.s32 $0x30, v2;
	v37 =	vand.u32 $0xFFFFFF80, v36;
	v14 =	vld.idx.msk [tilespmem:v14+s14+$0x0], $0xffff;
	v8 =	vsub.f32 v8, v9  }
0x146: {  	v5 =	vadd.f32 v6, v5;
	v17 =	vld.idx.msk [tilespmem:v21+s16+$0x0], $0xffff;
	v35 =	vand.u32 $0xFFFFFF80, v34;
	v6 =	vsub.f32 v55, v57  }
0x147: {  	v55 =	vand.u32 $0xFFFFFF80, v53;
	v57 =	vand.u32 $0xFFFFFF80, v56;
	v61 =	vld.idx.msk [tilespmem:v16+s12+$0x0], $0xffff;
	v7 =	vmul.f32 v8, v7  }
0x148: {  	v56 =	vadd.s32 $0x33, v4;
	v9 =	vadd.s32 v1, v22;
	v16 =	vld.idx.msk [tilespmem:v19+s14+$0x0], $0xffff;
	v8 =	vadd.s32 v1, v24  }
0x149: {  	v8 =	vor.u32 v25, v8;
	v5 =	vadd.f32 v7, v5;
	v7 =	vand.u32 $0x7F, v20  }
0x14a: {  	v59 =	vsub.f32 v11, v12;
	v63 =	vsub.f32 v14, v15;
	v7 =	vor.u32 v7, v9  }
0x14b: {  	v9 =	vadd.s32 v1, v27;
	v11 =	vand.u32 $0x7F, v28;
	v12 =	vadd.s32 v1, v29  }
0x14c: {  	v13 =	vld.idx.msk [tilespmem:v13+s12+$0x0], $0xffff;
	v14 =	vand.u32 $0x7F, v40;
	v15 =	vand.u32 $0x7F, v41;
	v40 =	vadd.s32 $0x31, v4  }
0x14d: {  	v6 =	vmul.f32 v6, v61;
	v21 =	vsub.f32 v16, v17;
	v31 =	vor.u32 v11, v12  }
0x14e: {  	v11 =	vadd.s32 v1, v32;
	v12 =	vadd.s32 v1, v35;
	v16 =	vadd.s32 v1, v42  }
0x14f: {  	v17 =	vadd.s32 v1, v43;
	v61 =	vand.u32 $0xFFFFFF80, v54;
	v32 =	vand.u32 $0xFFFFFF80, v30  }
0x150: {  	v42 =	vand.u32 $0xFFFFFF80, v40;
	v43 =	vand.u32 $0x7F, v40;
	v62 =	vmul.f32 v59, v10  }
0x151: {  	v18 =	vmul.f32 v63, v13;
	v10 =	vand.u32 $0x7F, v26;
	v11 =	vor.u32 v33, v11  }
0x152: {  	v13 =	vand.u32 $0x7F, v34;
	v14 =	vor.u32 v14, v16;
	v15 =	vor.u32 v15, v17  }
0x153: {  	v16 =	vand.u32 $0x7F, v44;
	v17 =	vadd.s32 v1, v45;
	v59 =	vadd.s32 v1, v57  }
0x154: {  	v63 =	vand.u32 $0x7F, v54;
	v33 =	vadd.s32 $0x30, v4;
	v44 =	vadd.s32 $0x31, v3  }
0x155: {  	v54 =	vadd.s32 $0x33, v2;
	v57 =	vand.u32 $0xFFFFFF80, v56;
	v9 =	vor.u32 v10, v9  }
0x156: {  	v19 =	vld.idx.msk [tilespmem:v60+s12+$0x0], $0xffff;
	v12 =	vor.u32 v13, v12;
	v13 =	vor.u32 v38, v39;
	v5 =	vadd.f32 v62, v5  }
0x157: {  	v8 =	vld.idx.msk [tilespmem:v8+s14+$0x0], $0xffff;
	v16 =	vor.u32 v16, v17;
	v34 =	vand.u32 $0xFFFFFF80, v33;
	v35 =	vand.u32 $0x7F, v33  }
0x158: {  	v38 =	vadd.s32 $0x31, v2;
	v45 =	vand.u32 $0xFFFFFF80, v44;
	v62 =	vld.idx.msk [tilespmem:v52+s16+$0x0], $0xffff;
	v5 =	vadd.f32 v18, v5  }
0x159: {  	v39 =	vand.u32 $0xFFFFFF80, v38;
	v18 =	vand.u32 $0x7F, v46;
	v46 =	vadd.s32 $0x32, v2;
	v11 =	vld.idx.msk [tilespmem:v11+s14+$0x0], $0xffff  }
0x15a: {  	v52 =	vand.u32 $0xFFFFFF80, v50;
	v14 =	vld.idx.msk [tilespmem:v14+s14+$0x0], $0xffff;
	v48 =	vand.u32 $0x7F, v46;
	v5 =	vadd.f32 v6, v5  }
0x15b: {  	v15 =	vld.idx.msk [tilespmem:v15+s16+$0x0], $0xffff;
	v6 =	vmul.f32 v21, v19;
	v19 =	vadd.s32 v1, v47;
	v21 =	vadd.s32 v1, v55  }
0x15c: {  	v23 =	vld.idx.msk [tilespmem:v16+s12+$0x0], $0xffff;
	v47 =	vand.u32 $0xFFFFFF80, v46;
	v16 =	vadd.s32 v1, v52;
	v55 =	vand.u32 $0xFFFFFF80, v54  }
0x15d: {  	v9 =	vld.idx.msk [tilespmem:v9+s16+$0x0], $0xffff;
	v46 =	vadd.s32 $0x35, v4;
	v18 =	vor.u32 v18, v19;
	v19 =	vand.u32 $0x7F, v53  }
0x15e: {  	v12 =	vld.idx.msk [tilespmem:v12+s16+$0x0], $0xffff;
	v49 =	vadd.s32 v1, v47;
	v53 =	vand.u32 $0xFFFFFF80, v51;
	v47 =	vand.u32 $0xFFFFFF80, v46  }
0x15f: {  	v19 =	vor.u32 v19, v21;
	v21 =	vor.u32 v58, v59;
	v5 =	vadd.f32 v6, v5  }
0x160: {  	v17 =	vadd.s32 v1, v53;
	v58 =	vadd.s32 $0x33, v3;
	v53 =	vadd.s32 $0x36, v4  }
0x161: {  	v13 =	vld.idx.msk [tilespmem:v13+s12+$0x0], $0xffff;
	v59 =	vand.u32 $0xFFFFFF80, v58;
	v25 =	vsub.f32 v14, v15;
	v14 =	vand.u32 $0x7F, v50  }
0x162: {  	v15 =	vand.u32 $0x7F, v51;
	v51 =	vadd.s32 $0x36, v2;
	v8 =	vsub.f32 v8, v9  }
0x163: {  	v20 =	vsub.f32 v11, v12;
	v9 =	vadd.s32 v1, v32;
	v11 =	vand.u32 $0x7F, v38  }
0x164: {  	v7 =	vld.idx.msk [tilespmem:v7+s12+$0x0], $0xffff;
	v12 =	vadd.s32 v1, v39;
	v14 =	vor.u32 v14, v16;
	v15 =	vor.u32 v15, v17  }
0x165: {  	v10 =	vld.idx.msk [tilespmem:v31+s12+$0x0], $0xffff;
	v16 =	vand.u32 $0x7F, v54;
	v17 =	vadd.s32 v1, v55;
	v52 =	vand.u32 $0xFFFFFF80, v51  }
0x166: {  	v55 =	vand.u32 $0xFFFFFF80, v53;
	v60 =	vld.idx.msk [tilespmem:v18+s14+$0x0], $0xffff;
	v18 =	vadd.s32 v1, v61;
	v28 =	vmul.f32 v25, v13  }
0x167: {  	v41 =	vor.u32 v11, v12;
	v11 =	vadd.s32 v1, v42;
	v13 =	vand.u32 $0x7F, v44  }
0x168: {  	v12 =	vadd.s32 v1, v45;
	v61 =	vadd.s32 v1, v59;
	v16 =	vor.u32 v16, v17  }
0x169: {  	v59 =	vadd.s32 $0x37, v2;
	v7 =	vmul.f32 v8, v7;
	v22 =	vor.u32 v63, v18  }
0x16a: {  	v24 =	vmul.f32 v20, v10;
	v8 =	vadd.s32 v1, v34;
	v10 =	vand.u32 $0x7F, v36  }
0x16b: {  	v11 =	vor.u32 v43, v11;
	v12 =	vor.u32 v13, v12;
	v13 =	vor.u32 v48, v49  }
0x16c: {  	v26 =	vld.idx.msk [tilespmem:v19+s14+$0x0], $0xffff;
	v18 =	vand.u32 $0x7F, v56;
	v19 =	vadd.s32 v1, v57;
	v63 =	vadd.s32 $0x34, v4  }
0x16d: {  	v43 =	vadd.s32 $0x35, v2;
	v48 =	vand.u32 $0x7F, v46;
	v49 =	vadd.s32 $0x35, v3  }
0x16e: {  	v56 =	vand.u32 $0x7F, v53;
	v57 =	vadd.s32 $0x36, v3;
	v20 =	vadd.s32 $0x37, v3  }
0x16f: {  	v8 =	vor.u32 v35, v8;
	v18 =	vor.u32 v18, v19;
	v25 =	vand.u32 $0xFFFFFF80, v63  }
0x170: {  	v27 =	vld.idx.msk [tilespmem:v21+s16+$0x0], $0xffff;
	v19 =	vand.u32 $0x7F, v63;
	v45 =	vand.u32 $0xFFFFFF80, v43;
	v50 =	vand.u32 $0xFFFFFF80, v49  }
0x171: {  	v63 =	vadd.s32 $0x37, v4;
	v5 =	vadd.f32 v7, v5;
	v7 =	vand.u32 $0x7F, v30  }
0x172: {  	v21 =	vadd.s32 v1, v25;
	v25 =	vadd.s32 $0x38, v4;
	v7 =	vor.u32 v7, v9  }
0x173: {  	v9 =	vadd.s32 v1, v37;
	v19 =	vor.u32 v19, v21;
	v5 =	vadd.f32 v24, v5  }
0x174: {  	v14 =	vld.idx.msk [tilespmem:v14+s14+$0x0], $0xffff;
	v6 =	vsub.f32 v60, v62;
	v9 =	vor.u32 v10, v9;
	v60 =	vand.u32 $0x7F, v58  }
0x175: {  	v15 =	vld.idx.msk [tilespmem:v15+s16+$0x0], $0xffff;
	v24 =	vadd.s32 $0x34, v2;
	v58 =	vand.u32 $0xFFFFFF80, v57;
	v31 =	vsub.f32 v26, v27  }
0x176: {  	v29 =	vld.idx.msk [tilespmem:v22+s12+$0x0], $0xffff;
	v62 =	vor.u32 v60, v61;
	v26 =	vadd.s32 $0x34, v3;
	v33 =	vand.u32 $0x7F, v24  }
0x177: {  	v11 =	vld.idx.msk [tilespmem:v11+s14+$0x0], $0xffff;
	v60 =	vand.u32 $0xFFFFFF80, v59;
	v61 =	vand.u32 $0x7F, v59;
	v22 =	vand.u32 $0xFFFFFF80, v20  }
0x178: {  	v12 =	vld.idx.msk [tilespmem:v12+s16+$0x0], $0xffff;
	v5 =	vadd.f32 v28, v5;
	v6 =	vmul.f32 v6, v23;
	v27 =	vand.u32 $0xFFFFFF80, v26  }
0x179: {  	v13 =	vld.idx.msk [tilespmem:v13+s12+$0x0], $0xffff;
	v28 =	vand.u32 $0x7F, v26;
	v17 =	vadd.s32 v1, v22;
	v23 =	vadd.s32 $0x38, v2  }
0x17a: {  	v26 =	vand.u32 $0xFFFFFF80, v25;
	v5 =	vadd.f32 v6, v5;
	v38 =	vsub.f32 v14, v15  }
0x17b: {  	v39 =	vld.idx.msk [tilespmem:v19+s14+$0x0], $0xffff;
	v14 =	vand.u32 $0x7F, v63;
	v15 =	vand.u32 $0x7F, v20;
	v19 =	vadd.s32 v1, v26  }
0x17c: {  	v26 =	vadd.s32 $0x3B, v3;
	v15 =	vor.u32 v15, v17;
	v6 =	vmul.f32 v31, v29  }
0x17d: {  	v29 =	vadd.s32 v1, v27;
	v31 =	vand.u32 $0xFFFFFF80, v24;
	v34 =	vsub.f32 v11, v12  }
0x17e: {  	v10 =	vld.idx.msk [tilespmem:v41+s12+$0x0], $0xffff;
	v41 =	vmul.f32 v38, v13;
	v11 =	vand.u32 $0x7F, v51;
	v12 =	vadd.s32 v1, v52  }
0x17f: {  	v32 =	vld.idx.msk [tilespmem:v62+s16+$0x0], $0xffff;
	v13 =	vand.u32 $0x7F, v57;
	v62 =	vadd.s32 v1, v60;
	v24 =	vand.u32 $0xFFFFFF80, v23  }
0x180: {  	v27 =	vadd.s32 $0x38, v3;
	v52 =	vadd.s32 $0x3A, v2;
	v60 =	vadd.s32 $0x3B, v2  }
0x181: {  	v30 =	vld.idx.msk [tilespmem:v18+s14+$0x0], $0xffff;
	v21 =	vor.u32 v28, v29;
	v18 =	vadd.s32 v1, v31;
	v54 =	vor.u32 v11, v12  }
0x182: {  	v11 =	vadd.s32 v1, v55;
	v12 =	vadd.s32 v1, v58;
	v17 =	vadd.s32 v1, v24  }
0x183: {  	v28 =	vand.u32 $0xFFFFFF80, v27;
	v29 =	vand.u32 $0x7F, v27;
	v55 =	vadd.s32 $0x3A, v4  }
0x184: {  	v8 =	vld.idx.msk [tilespmem:v8+s14+$0x0], $0xffff;
	v58 =	vadd.s32 $0x3A, v3;
	v27 =	vand.u32 $0xFFFFFF80, v26;
	v5 =	vadd.f32 v6, v5  }
0x185: {  	v9 =	vld.idx.msk [tilespmem:v9+s16+$0x0], $0xffff;
	v35 =	vor.u32 v33, v18;
	v37 =	vmul.f32 v34, v10;
	v10 =	vand.u32 $0x7F, v49  }
0x186: {  	v11 =	vor.u32 v56, v11;
	v12 =	vor.u32 v13, v12;
	v13 =	vor.u32 v61, v62  }
0x187: {  	v7 =	vld.idx.msk [tilespmem:v7+s12+$0x0], $0xffff;
	v18 =	vand.u32 $0x7F, v25;
	v33 =	vadd.s32 $0x39, v2;
	v56 =	vand.u32 $0xFFFFFF80, v55  }
0x188: {  	v57 =	vand.u32 $0x7F, v55;
	v59 =	vand.u32 $0xFFFFFF80, v58;
	v62 =	vadd.s32 $0x3B, v4  }
0x189: {  	v61 =	vand.u32 $0xFFFFFF80, v60;
	v18 =	vor.u32 v18, v19;
	v24 =	vand.u32 $0xFFFFFF80, v62  }
0x18a: {  	v36 =	vld.idx.msk [tilespmem:v16+s12+$0x0], $0xffff;
	v25 =	vand.u32 $0x7F, v62;
	v8 =	vsub.f32 v8, v9;
	v9 =	vadd.s32 v1, v45  }
0x18b: {  	v6 =	vsub.f32 v30, v32;
	v30 =	vadd.s32 v1, v28;
	v32 =	vadd.s32 $0x39, v4  }
0x18c: {  	v28 =	vadd.s32 $0x3C, v2;
	v7 =	vmul.f32 v8, v7;
	v8 =	vadd.s32 v1, v47  }
0x18d: {  	v40 =	vld.idx.msk [tilespmem:v21+s16+$0x0], $0xffff;
	v21 =	vand.u32 $0xFFFFFF80, v63;
	v31 =	vor.u32 v29, v30;
	v34 =	vand.u32 $0xFFFFFF80, v32  }
0x18e: {  	v19 =	vand.u32 $0x7F, v32;
	v29 =	vand.u32 $0xFFFFFF80, v28;
	v30 =	vadd.s32 $0x3C, v4  }
0x18f: {  	v6 =	vmul.f32 v6, v36;
	v8 =	vor.u32 v48, v8;
	v16 =	vadd.s32 v1, v21  }
0x190: {  	v42 =	vld.idx.msk [tilespmem:v35+s12+$0x0], $0xffff;
	v35 =	vadd.s32 $0x39, v3;
	v21 =	vadd.s32 v1, v34;
	v32 =	vand.u32 $0xFFFFFF80, v30  }
0x191: {  	v34 =	vadd.s32 $0x3C, v3;
	v5 =	vadd.f32 v7, v5;
	v7 =	vand.u32 $0x7F, v43  }
0x192: {  	v14 =	vor.u32 v14, v16;
	v16 =	vand.u32 $0x7F, v23;
	v36 =	vand.u32 $0xFFFFFF80, v35  }
0x193: {  	v11 =	vld.idx.msk [tilespmem:v11+s14+$0x0], $0xffff;
	v19 =	vor.u32 v19, v21;
	v7 =	vor.u32 v7, v9;
	v9 =	vadd.s32 v1, v50  }
0x194: {  	v12 =	vld.idx.msk [tilespmem:v12+s16+$0x0], $0xffff;
	v16 =	vor.u32 v16, v17;
	v38 =	vadd.s32 v1, v36;
	v36 =	vadd.s32 $0x3D, v2  }
0x195: {  	v5 =	vadd.f32 v37, v5;
	v9 =	vor.u32 v10, v9;
	v37 =	vand.u32 $0x7F, v35  }
0x196: {  	v10 =	vld.idx.msk [tilespmem:v54+s12+$0x0], $0xffff;
	v54 =	vand.u32 $0xFFFFFF80, v52;
	v35 =	vand.u32 $0xFFFFFF80, v34;
	v17 =	vand.u32 $0x7F, v36  }
0x197: {  	v44 =	vsub.f32 v39, v40;
	v40 =	vand.u32 $0xFFFFFF80, v33;
	v21 =	vor.u32 v37, v38  }
0x198: {  	v15 =	vld.idx.msk [tilespmem:v15+s16+$0x0], $0xffff;
	v37 =	vand.u32 $0xFFFFFF80, v36;
	v38 =	vadd.s32 $0x3D, v4;
	v5 =	vadd.f32 v41, v5  }
0x199: {  	v13 =	vld.idx.msk [tilespmem:v13+s12+$0x0], $0xffff;
	v43 =	vsub.f32 v11, v12;
	v11 =	vand.u32 $0x7F, v60;
	v12 =	vadd.s32 v1, v61  }
0x19a: {  	v39 =	vld.idx.msk [tilespmem:v18+s14+$0x0], $0xffff;
	v18 =	vadd.s32 v1, v40;
	v40 =	vand.u32 $0xFFFFFF80, v38;
	v63 =	vor.u32 v11, v12  }
0x19b: {  	v41 =	vld.idx.msk [tilespmem:v31+s16+$0x0], $0xffff;
	v11 =	vadd.s32 v1, v24;
	v12 =	vadd.s32 v1, v27;
	v5 =	vadd.f32 v6, v5  }
0x19c: {  	v14 =	vld.idx.msk [tilespmem:v14+s14+$0x0], $0xffff;
	v6 =	vmul.f32 v44, v42;
	v42 =	vand.u32 $0x7F, v33;
	v11 =	vor.u32 v25, v11  }
0x19d: {  	v45 =	vld.idx.msk [tilespmem:v16+s12+$0x0], $0xffff;
	v33 =	vand.u32 $0x7F, v30;
	v16 =	vand.u32 $0x7F, v34;
	v44 =	vor.u32 v42, v18  }
0x19e: {  	v8 =	vld.idx.msk [tilespmem:v8+s14+$0x0], $0xffff;
	v46 =	vmul.f32 v43, v10;
	v10 =	vand.u32 $0x7F, v58;
	v42 =	vadd.s32 $0x3D, v3  }
0x19f: {  	v9 =	vld.idx.msk [tilespmem:v9+s16+$0x0], $0xffff;
	v18 =	vadd.s32 v1, v37;
	v5 =	vadd.f32 v6, v5;
	v43 =	vand.u32 $0xFFFFFF80, v42  }
0x1a0: {  	v48 =	vld.idx.msk [tilespmem:v19+s14+$0x0], $0xffff;
	v19 =	vand.u32 $0x7F, v42;
	v6 =	vsub.f32 v39, v41;
	v39 =	vor.u32 v17, v18  }
0x1a1: {  	v7 =	vld.idx.msk [tilespmem:v7+s12+$0x0], $0xffff;
	v41 =	vand.u32 $0x7F, v38;
	v17 =	vadd.s32 v1, v40;
	v18 =	vadd.s32 v1, v43  }
0x1a2: {  	v47 =	vsub.f32 v14, v15;
	v14 =	vand.u32 $0x7F, v28;
	v15 =	vadd.s32 v1, v29  }
0x1a3: {  	v17 =	vor.u32 v41, v17;
	v18 =	vor.u32 v19, v18;
	v6 =	vmul.f32 v6, v45  }
0x1a4: {  	v31 =	vor.u32 v14, v15;
	v14 =	vadd.s32 v1, v32;
	v8 =	vsub.f32 v8, v9  }
0x1a5: {  	v49 =	vld.idx.msk [tilespmem:v21+s16+$0x0], $0xffff;
	v15 =	vadd.s32 v1, v35;
	v50 =	vmul.f32 v47, v13;
	v9 =	vadd.s32 v1, v54  }
0x1a6: {  	v13 =	vand.u32 $0x7F, v26;
	v14 =	vor.u32 v33, v14;
	v7 =	vmul.f32 v8, v7  }
0x1a7: {  	v51 =	vld.idx.msk [tilespmem:v44+s12+$0x0], $0xffff;
	v15 =	vor.u32 v16, v15;
	v44 =	vadd.s32 $0x3E, v2;
	v2 =	vadd.s32 $0x3F, v2  }
0x1a8: {  	v8 =	vadd.s32 v1, v56;
	v5 =	vadd.f32 v7, v5;
	v7 =	vand.u32 $0x7F, v52  }
0x1a9: {  	v11 =	vld.idx.msk [tilespmem:v11+s14+$0x0], $0xffff;
	v8 =	vor.u32 v57, v8;
	v7 =	vor.u32 v7, v9;
	v9 =	vadd.s32 v1, v59  }
0x1aa: {  	v53 =	vsub.f32 v48, v49;
	v45 =	vand.u32 $0xFFFFFF80, v44;
	v16 =	vld.idx.msk [tilespmem:v39+s12+$0x0], $0xffff;
	v9 =	vor.u32 v10, v9  }
0x1ab: {  	v12 =	vor.u32 v13, v12;
	v20 =	vand.u32 $0x7F, v44;
	v21 =	vadd.s32 v1, v45;
	v17 =	vld.idx.msk [tilespmem:v17+s14+$0x0], $0xffff  }
0x1ac: {  	v47 =	vor.u32 v20, v21;
	v54 =	vld.idx.msk [tilespmem:v18+s16+$0x0], $0xffff;
	v5 =	vadd.f32 v46, v5;
	v46 =	vadd.s32 $0x3E, v4  }
0x1ad: {  	v14 =	vld.idx.msk [tilespmem:v14+s14+$0x0], $0xffff;
	v4 =	vadd.s32 $0x3F, v4;
	v48 =	vand.u32 $0xFFFFFF80, v46;
	v49 =	vand.u32 $0x7F, v46  }
0x1ae: {  	v52 =	vand.u32 $0xFFFFFF80, v4;
	v4 =	vand.u32 $0x7F, v4;
	v5 =	vadd.f32 v50, v5;
	v8 =	vld.idx.msk [tilespmem:v8+s14+$0x0], $0xffff  }
0x1af: {  	v20 =	vadd.s32 v1, v48;
	v50 =	vadd.s32 $0x3E, v3;
	v3 =	vadd.s32 $0x3F, v3;
	v9 =	vld.idx.msk [tilespmem:v9+s16+$0x0], $0xffff  }
0x1b0: {  	v12 =	vld.idx.msk [tilespmem:v12+s16+$0x0], $0xffff;
	v5 =	vadd.f32 v6, v5;
	v6 =	vmul.f32 v53, v51;
	v51 =	vand.u32 $0xFFFFFF80, v50  }
0x1b1: {  	v20 =	vor.u32 v49, v20;
	v22 =	vand.u32 $0x7F, v50;
	v7 =	vld.idx.msk [tilespmem:v7+s12+$0x0], $0xffff;
	v21 =	vadd.s32 v1, v51  }
0x1b2: {  	v15 =	vld.idx.msk [tilespmem:v15+s16+$0x0], $0xffff;
	v23 =	vadd.s32 v1, v52;
	v53 =	vand.u32 $0xFFFFFF80, v3;
	v21 =	vor.u32 v22, v21  }
0x1b3: {  	v10 =	vld.idx.msk [tilespmem:v63+s12+$0x0], $0xffff;
	v4 =	vor.u32 v4, v23;
	v3 =	vand.u32 $0x7F, v3;
	v22 =	vadd.s32 v1, v53  }
0x1b4: {  	v55 =	vand.u32 $0xFFFFFF80, v2;
	v13 =	vld.idx.msk [tilespmem:v31+s12+$0x0], $0xffff;
	v3 =	vor.u32 v3, v22;
	v8 =	vsub.f32 v8, v9  }
0x1b5: {  	v2 =	vand.u32 $0x7F, v2;
	v56 =	vld.idx.msk [tilespmem:v47+s12+$0x0], $0xffff;
	v57 =	vsub.f32 v11, v12;
	v1 =	vadd.s32 v1, v55  }
0x1b6: {  	v5 =	vadd.f32 v6, v5;
	v1 =	vor.u32 v2, v1;
	v2 =	vld.idx.msk [tilespmem:v20+s14+$0x0], $0xffff;
	v7 =	vmul.f32 v8, v7  }
0x1b7: {  	v58 =	vld.idx.msk [tilespmem:v21+s16+$0x0], $0xffff  }
0x1b8: {  	v60 =	vsub.f32 v14, v15;
	v59 =	vmul.f32 v57, v10;
	v4 =	vld.idx.msk [tilespmem:v4+s14+$0x0], $0xffff;
	v5 =	vadd.f32 v7, v5  }
0x1b9: {  	v3 =	vld.idx.msk [tilespmem:v3+s16+$0x0], $0xffff  }
0x1ba: {  	v62 =	vsub.f32 v17, v54;
	v61 =	vmul.f32 v60, v13;
	v5 =	vadd.f32 v59, v5  }
0x1bb: {  	v1 =	vld.idx.msk [tilespmem:v1+s12+$0x0], $0xffff  }
0x1bc: {  	v63 =	vmul.f32 v62, v16;
	v2 =	vsub.f32 v2, v58;
	v5 =	vadd.f32 v61, v5;
	_ =	sdelay $0x1  }
0x1bd: {  	v3 =	vsub.f32 v4, v3;
	v2 =	vmul.f32 v2, v56;
	v5 =	vadd.f32 v63, v5  }
0x1be: {  	p0 =	sne.s32 s31, $0xF0  }
.Ltmp0:
0x1bf: {  	v1 =	vmul.f32 v3, v1;
	v2 =	vadd.f32 v2, v5;
	(pc) =	sbr.rel @p0 .LBB2_2-.Ltmp0, $4  }
0x1c0: {  	_ = 	snop  }
0x1c1: {  	v1 =	vadd.f32 v1, v2  }
0x1c2: {  	s13 =	sshra.s32 s1, $0x2  }
0x1c3: {  	s1 =	sadd.s32 $0x40, s1;
	s31 =	sadd.s32 $0x10, s31;
	[tilespmem:s13+$0x18E00] =	vst v1  }
0x1c4: {  	s31 =	simm.s32 $0x100  }
0x1c5: {  	[tilespmem:s12], [sflag:$0x1] =	stream.indirect.gather [hbm4b:s3+s11], $0x80, s31, s11, $0xb8;
	[tilespmem:$0x19000] =	vst v63  }
0x1c6: {  	_ = 	snop  }
0x1c7: {  	[tilespmem:s14], [sflag:$0x1] =	stream.indirect.gather [hbm4b:s4+s11], $0x80, s23, s11, $0xb8;
	[tilespmem:$0x19000] =	vst v63  }
0x1c8: {  	_ = 	snop  }
0x1c9: {  	[tilespmem:s16], [sflag:$0x1] =	stream.indirect.gather [hbm4b:s4+s11], $0x80, s24, s11, $0xb8;
	[tilespmem:$0x19000] =	vst v63  }
0x1ca: {  	_ = 	snop  }
0x1cb: {  	[tilespmem:s17], [sflag:$0x1] =	stream.indirect.gather [hbm4b:s3+s11], $0x80, s25, s11, $0xb8;
	[tilespmem:$0x19000] =	vst v63  }
0x1cc: {  	_ = 	snop  }
0x1cd: {  	[tilespmem:s19], [sflag:$0x1] =	stream.indirect.gather [hbm4b:s4+s11], $0x80, s26, s11, $0xb8;
	[tilespmem:$0x19000] =	vst v63  }
0x1ce: {  	_ = 	snop  }
0x1cf: {  	[tilespmem:s21], [sflag:$0x1] =	stream.indirect.gather [hbm4b:s4+s11], $0x80, s28, s11, $0xb8;
	[tilespmem:$0x19000] =	vst v63  }
0x1d0: {  	_ =	swait.ge [sflag:s22], $0x4000  }
0x1d1: {  	[sflag:s22] =	ssyncset.done $0x0  }
0x1d2: {  	[sflag:s22] =	ssyncadd.s32 $0xFFFFC000  }
0x1d3: {  	_ =	swait.ge [sflag:s22], $0x4000  }
0x1d4: {  	[sflag:s22] =	ssyncset.done $0x0  }
0x1d5: {  	[sflag:s22] =	ssyncadd.s32 $0xFFFFC000  }
0x1d6: {  	_ =	swait.ge [sflag:s22], $0x4000  }
0x1d7: {  	[sflag:s22] =	ssyncset.done $0x0  }
0x1d8: {  	[sflag:s22] =	ssyncadd.s32 $0xFFFFC000  }
0x1d9: {  	_ =	swait.ge [sflag:s22], $0x4000  }
0x1da: {  	[sflag:s22] =	ssyncset.done $0x0  }
0x1db: {  	[sflag:s22] =	ssyncadd.s32 $0xFFFFC000  }
0x1dc: {  	_ =	swait.ge [sflag:s22], $0x4000  }
0x1dd: {  	[sflag:s22] =	ssyncset.done $0x0  }
0x1de: {  	[sflag:s22] =	ssyncadd.s32 $0xFFFFC000  }
0x1df: {  	_ =	swait.ge [sflag:s22], $0x4000  }
0x1e0: {  	[sflag:s22] =	ssyncset.done $0x0  }
0x1e1: {  	s1 =	simm.s32 $0x400;
	[sflag:s22] =	ssyncadd.s32 $0xFFFFC000  }
.LBB2_4:
0x1e2: {  	s10 =	sadd.s32 $0xFFFFFF00, s31  }
0x1e3: {  	s13 =	sand.u32 $0x600, s1;
	s0 =	sand.u32 $0x70, s10  }
0x1e4: {  	s13 =	sor.u32 s0, s13  }
0x1e5: {  	v2 =	vld [tilespmem:s13+$0x600]  }
0x1e6: {  	v4 =	vld [tilespmem:s13+$0x680]  }
0x1e7: {  	v3 =	vld [tilespmem:s13+$0x700]  }
0x1e8: {  	v1 =	vmov s10  }
0x1e9: {  	v1 =	vshll.u32 v1, $0x7  }
0x1ea: {  	v1 =	vor.u32 v0, v1  }
0x1eb: {  	v5 =	vand.u32 $0xFFFFFF80, v2;
	v6 =	vand.u32 $0x7F, v2;
	v34 =	vand.u32 $0xFFFFFF80, v4  }
0x1ec: {  	v7 =	vand.u32 $0x7F, v4;
	v8 =	vand.u32 $0xFFFFFF80, v3;
	v9 =	vand.u32 $0x7F, v3  }
0x1ed: {  	v36 =	vadd.s32 $0x1, v2;
	v10 =	vadd.s32 $0x1, v4;
	v12 =	vadd.s32 $0x1, v3  }
0x1ee: {  	v41 =	vadd.s32 $0x2, v4;
	v42 =	vadd.s32 $0x2, v2;
	v14 =	vadd.s32 $0x2, v3  }
0x1ef: {  	v52 =	vadd.s32 $0x3, v2;
	v55 =	vadd.s32 $0x3, v4;
	v58 =	vadd.s32 $0x3, v3  }
0x1f0: {  	v60 =	vadd.s32 $0x4, v2;
	v62 =	vadd.s32 $0x4, v4;
	v21 =	vadd.s32 $0x4, v3  }
0x1f1: {  	v23 =	vadd.s32 $0x5, v2;
	v27 =	vadd.s32 $0x5, v4;
	v28 =	vadd.s32 $0x5, v3  }
0x1f2: {  	v29 =	vadd.s32 $0x6, v2;
	v18 =	vadd.s32 $0x6, v4;
	v5 =	vadd.s32 v1, v5  }
0x1f3: {  	v8 =	vadd.s32 v1, v8;
	v37 =	vand.u32 $0xFFFFFF80, v36;
	v11 =	vand.u32 $0xFFFFFF80, v10  }
0x1f4: {  	v10 =	vand.u32 $0x7F, v10;
	v13 =	vand.u32 $0xFFFFFF80, v12;
	v38 =	vand.u32 $0x7F, v12  }
0x1f5: {  	v43 =	vand.u32 $0xFFFFFF80, v41;
	v15 =	vand.u32 $0xFFFFFF80, v14;
	v44 =	vand.u32 $0x7F, v14  }
0x1f6: {  	v46 =	vand.u32 $0xFFFFFF80, v42;
	v12 =	vand.u32 $0x7F, v42;
	v54 =	vand.u32 $0xFFFFFF80, v52  }
0x1f7: {  	v56 =	vand.u32 $0xFFFFFF80, v55;
	v57 =	vand.u32 $0x7F, v55;
	v59 =	vand.u32 $0xFFFFFF80, v58  }
0x1f8: {  	v61 =	vand.u32 $0xFFFFFF80, v60;
	v19 =	vand.u32 $0xFFFFFF80, v62;
	v20 =	vand.u32 $0x7F, v62  }
0x1f9: {  	v22 =	vand.u32 $0xFFFFFF80, v21;
	v24 =	vand.u32 $0xFFFFFF80, v23;
	v25 =	vand.u32 $0x7F, v23  }
0x1fa: {  	v16 =	vand.u32 $0xFFFFFF80, v27;
	v14 =	vand.u32 $0x7F, v27;
	v17 =	vand.u32 $0xFFFFFF80, v28  }
0x1fb: {  	v30 =	vand.u32 $0xFFFFFF80, v29;
	v55 =	vadd.s32 $0x8, v4;
	v62 =	vadd.s32 $0x9, v4  }
0x1fc: {  	v5 =	vor.u32 v6, v5;
	v6 =	vadd.s32 v1, v34;
	v35 =	vor.u32 v9, v8  }
0x1fd: {  	v8 =	vand.u32 $0x7F, v36;
	v9 =	vadd.s32 v1, v37;
	v11 =	vadd.s32 v1, v11  }
0x1fe: {  	v39 =	vadd.s32 v1, v13;
	v13 =	vadd.s32 v1, v43;
	v45 =	vadd.s32 v1, v15  }
0x1ff: {  	v47 =	vadd.s32 v1, v46;
	v26 =	vadd.s32 v1, v24;
	v16 =	vadd.s32 v1, v16  }
0x200: {  	v15 =	vand.u32 $0x7F, v28;
	v17 =	vadd.s32 v1, v17;
	v40 =	vor.u32 v38, v39  }
0x201: {  	v10 =	vor.u32 v10, v11;
	v11 =	vand.u32 $0x7F, v41;
	v12 =	vor.u32 v12, v47  }
0x202: {  	v34 =	vadd.s32 $0x7, v4;
	v24 =	vand.u32 $0xFFFFFF80, v62;
	v11 =	vor.u32 v11, v13  }
0x203: {  	v28 =	vadd.s32 $0xA, v2;
	v6 =	vor.u32 v7, v6;
	v13 =	vor.u32 v44, v45  }
0x204: {  	v8 =	vor.u32 v8, v9;
	v14 =	vor.u32 v14, v16;
	v15 =	vor.u32 v15, v17;
	v7 =	vld.idx.msk [tilespmem:v35+s16+$0x0], $0xffff  }
0x205: {  	v16 =	vand.u32 $0x7F, v29;
	v17 =	vadd.s32 v1, v30;
	v36 =	vand.u32 $0xFFFFFF80, v34;
	v9 =	vld.idx.msk [tilespmem:v40+s16+$0x0], $0xffff  }
0x206: {  	v29 =	vand.u32 $0xFFFFFF80, v28;
	v30 =	vand.u32 $0x7F, v28;
	v35 =	vadd.s32 $0x7, v2;
	v51 =	vld.idx.msk [tilespmem:v12+s12+$0x0], $0xffff  }
0x207: {  	v16 =	vor.u32 v16, v17;
	v12 =	vadd.s32 v1, v61;
	v40 =	vand.u32 $0xFFFFFF80, v35;
	v48 =	vld.idx.msk [tilespmem:v11+s14+$0x0], $0xffff  }
0x208: {  	v42 =	vand.u32 $0x7F, v35;
	v49 =	vld.idx.msk [tilespmem:v13+s16+$0x0], $0xffff;
	v11 =	vand.u32 $0x7F, v60;
	v13 =	vand.u32 $0x7F, v21  }
0x209: {  	v60 =	vadd.s32 $0x9, v2;
	v63 =	vor.u32 v11, v12;
	v11 =	vadd.s32 v1, v19  }
0x20a: {  	v12 =	vadd.s32 v1, v22;
	v19 =	vand.u32 $0xFFFFFF80, v18;
	v18 =	vand.u32 $0x7F, v18  }
0x20b: {  	v6 =	vld.idx.msk [tilespmem:v6+s14+$0x0], $0xffff;
	v22 =	vadd.s32 $0x7, v3;
	v61 =	vand.u32 $0xFFFFFF80, v60;
	v11 =	vor.u32 v20, v11  }
0x20c: {  	v10 =	vld.idx.msk [tilespmem:v10+s14+$0x0], $0xffff;
	v12 =	vor.u32 v13, v12;
	v13 =	vor.u32 v25, v26;
	v20 =	vadd.s32 $0x6, v3  }
0x20d: {  	v14 =	vld.idx.msk [tilespmem:v14+s14+$0x0], $0xffff;
	v19 =	vadd.s32 v1, v19;
	v23 =	vand.u32 $0xFFFFFF80, v22;
	v37 =	vand.u32 $0x7F, v22  }
0x20e: {  	v15 =	vld.idx.msk [tilespmem:v15+s16+$0x0], $0xffff;
	v25 =	vand.u32 $0x7F, v62;
	v26 =	vadd.s32 $0x9, v3;
	v21 =	vand.u32 $0xFFFFFF80, v20  }
0x20f: {  	v18 =	vor.u32 v18, v19;
	v31 =	vand.u32 $0x7F, v20;
	v19 =	vand.u32 $0x7F, v34  }
0x210: {  	v38 =	vadd.s32 v1, v23;
	v27 =	vand.u32 $0xFFFFFF80, v26;
	v23 =	vadd.s32 $0xE, v2  }
0x211: {  	v6 =	vsub.f32 v6, v7;
	v50 =	vsub.f32 v10, v9;
	v7 =	vadd.s32 v1, v54  }
0x212: {  	v5 =	vld.idx.msk [tilespmem:v5+s12+$0x0], $0xffff;
	v10 =	vand.u32 $0x7F, v58;
	v9 =	vadd.s32 v1, v59;
	v32 =	vadd.s32 v1, v21  }
0x213: {  	v8 =	vld.idx.msk [tilespmem:v8+s12+$0x0], $0xffff;
	v21 =	vadd.s32 v1, v36;
	v47 =	vsub.f32 v14, v15;
	v58 =	vadd.s32 $0x8, v3  }
0x214: {  	v36 =	vadd.s32 $0xB, v2;
	v53 =	vsub.f32 v48, v49;
	v9 =	vor.u32 v10, v9  }
0x215: {  	v33 =	vor.u32 v31, v32;
	v19 =	vor.u32 v19, v21;
	v21 =	vor.u32 v37, v38  }
0x216: {  	v59 =	vand.u32 $0xFFFFFF80, v58;
	v31 =	vadd.s32 v1, v29;
	v32 =	vadd.s32 $0xA, v4  }
0x217: {  	v37 =	vand.u32 $0xFFFFFF80, v36;
	v38 =	vadd.s32 $0xB, v4;
	v29 =	vadd.s32 $0xE, v3  }
0x218: {  	v45 =	vld.idx.msk [tilespmem:v16+s12+$0x0], $0xffff;
	v5 =	vmul.f32 v6, v5;
	v6 =	vmul.f32 v50, v8;
	v8 =	vand.u32 $0x7F, v52  }
0x219: {  	v52 =	vadd.s32 $0x8, v2;
	v34 =	vand.u32 $0xFFFFFF80, v32;
	v14 =	vand.u32 $0x7F, v32;
	v11 =	vld.idx.msk [tilespmem:v11+s14+$0x0], $0xffff  }
0x21a: {  	v7 =	vor.u32 v8, v7;
	v8 =	vadd.s32 v1, v56;
	v12 =	vld.idx.msk [tilespmem:v12+s16+$0x0], $0xffff;
	v54 =	vand.u32 $0xFFFFFF80, v52  }
0x21b: {  	v13 =	vld.idx.msk [tilespmem:v13+s12+$0x0], $0xffff;
	v56 =	vand.u32 $0xFFFFFF80, v55;
	v16 =	vadd.s32 v1, v34;
	v5 =	vadd.f32 $0.0e+00, v5  }
0x21c: {  	v8 =	vor.u32 v57, v8;
	v39 =	vld.idx.msk [tilespmem:v18+s14+$0x0], $0xffff;
	v18 =	vadd.s32 v1, v40;
	v57 =	vand.u32 $0x7F, v55  }
0x21d: {  	v14 =	vor.u32 v14, v16;
	v16 =	vand.u32 $0x7F, v36;
	v40 =	vadd.s32 $0xB, v3  }
0x21e: {  	v36 =	vadd.s32 $0xF, v3;
	v44 =	vor.u32 v42, v18;
	v18 =	vand.u32 $0x7F, v38  }
0x21f: {  	v5 =	vadd.f32 v6, v5;
	v6 =	vmul.f32 v53, v51;
	v41 =	vld.idx.msk [tilespmem:v33+s16+$0x0], $0xffff;
	v33 =	vadd.s32 $0xA, v3  }
0x220: {  	v42 =	vand.u32 $0x7F, v40;
	v35 =	vand.u32 $0xFFFFFF80, v33;
	v15 =	vand.u32 $0x7F, v33  }
0x221: {  	v10 =	vld.idx.msk [tilespmem:v63+s12+$0x0], $0xffff;
	v5 =	vadd.f32 v6, v5;
	v43 =	vsub.f32 v11, v12;
	v50 =	vmul.f32 v47, v13  }
0x222: {  	v11 =	vand.u32 $0x7F, v60;
	v12 =	vadd.s32 v1, v61;
	v13 =	vand.u32 $0x7F, v26  }
0x223: {  	v48 =	vld.idx.msk [tilespmem:v19+s14+$0x0], $0xffff;
	v17 =	vadd.s32 v1, v35;
	v35 =	vadd.s32 $0xF, v4;
	v63 =	vor.u32 v11, v12  }
0x224: {  	v49 =	vld.idx.msk [tilespmem:v21+s16+$0x0], $0xffff;
	v11 =	vadd.s32 v1, v24;
	v12 =	vadd.s32 v1, v27;
	v15 =	vor.u32 v15, v17  }
0x225: {  	v17 =	vadd.s32 v1, v37;
	v24 =	vand.u32 $0xFFFFFF80, v23;
	v37 =	vand.u32 $0xFFFFFF80, v35  }
0x226: {  	v46 =	vmul.f32 v43, v10;
	v10 =	vand.u32 $0x7F, v58;
	v11 =	vor.u32 v25, v11  }
0x227: {  	v12 =	vor.u32 v13, v12;
	v13 =	vor.u32 v30, v31;
	v16 =	vor.u32 v16, v17  }
0x228: {  	v25 =	vadd.s32 $0xE, v4;
	v30 =	vand.u32 $0xFFFFFF80, v29;
	v31 =	vadd.s32 $0xF, v2  }
0x229: {  	v6 =	vsub.f32 v39, v41;
	v53 =	vsub.f32 v48, v49;
	v39 =	vand.u32 $0xFFFFFF80, v38  }
0x22a: {  	v9 =	vld.idx.msk [tilespmem:v9+s16+$0x0], $0xffff;
	v41 =	vand.u32 $0xFFFFFF80, v40;
	v48 =	vadd.s32 $0xC, v3;
	v27 =	vand.u32 $0xFFFFFF80, v25  }
0x22b: {  	v8 =	vld.idx.msk [tilespmem:v8+s14+$0x0], $0xffff;
	v28 =	vand.u32 $0x7F, v25;
	v32 =	vand.u32 $0xFFFFFF80, v31;
	v33 =	vand.u32 $0x7F, v31  }
0x22c: {  	v38 =	vand.u32 $0xFFFFFF80, v36;
	v19 =	vadd.s32 v1, v39;
	v43 =	vadd.s32 v1, v41  }
0x22d: {  	v7 =	vld.idx.msk [tilespmem:v7+s12+$0x0], $0xffff;
	v49 =	vand.u32 $0xFFFFFF80, v48;
	v34 =	vadd.s32 v1, v32;
	v39 =	vadd.s32 $0x10, v2  }
0x22e: {  	v14 =	vld.idx.msk [tilespmem:v14+s14+$0x0], $0xffff;
	v41 =	vadd.s32 $0x10, v4;
	v6 =	vmul.f32 v6, v45;
	v18 =	vor.u32 v18, v19  }
0x22f: {  	v51 =	vld.idx.msk [tilespmem:v44+s12+$0x0], $0xffff;
	v44 =	vor.u32 v42, v43;
	v45 =	vadd.s32 $0xC, v4;
	v40 =	vand.u32 $0xFFFFFF80, v39  }
0x230: {  	v42 =	vand.u32 $0xFFFFFF80, v41;
	v43 =	vadd.s32 $0x10, v3;
	v8 =	vsub.f32 v8, v9;
	v15 =	vld.idx.msk [tilespmem:v15+s16+$0x0], $0xffff  }
0x231: {  	v9 =	vadd.s32 v1, v54;
	v47 =	vand.u32 $0xFFFFFF80, v45;
	v19 =	vand.u32 $0x7F, v45;
	v11 =	vld.idx.msk [tilespmem:v11+s14+$0x0], $0xffff  }
0x232: {  	v12 =	vld.idx.msk [tilespmem:v12+s16+$0x0], $0xffff;
	v21 =	vadd.s32 v1, v47;
	v7 =	vmul.f32 v8, v7;
	v8 =	vadd.s32 v1, v56  }
0x233: {  	v45 =	vand.u32 $0x7F, v43;
	v13 =	vld.idx.msk [tilespmem:v13+s12+$0x0], $0xffff;
	v19 =	vor.u32 v19, v21;
	v8 =	vor.u32 v57, v8  }
0x234: {  	v5 =	vadd.f32 v7, v5;
	v7 =	vand.u32 $0x7F, v52;
	v54 =	vld.idx.msk [tilespmem:v44+s16+$0x0], $0xffff;
	v44 =	vand.u32 $0xFFFFFF80, v43  }
0x235: {  	v7 =	vor.u32 v7, v9;
	v9 =	vadd.s32 v1, v59;
	v60 =	vsub.f32 v14, v15  }
0x236: {  	v15 =	vadd.s32 $0xD, v2;
	v14 =	vand.u32 $0x7F, v35;
	v5 =	vadd.f32 v46, v5  }
0x237: {  	v9 =	vor.u32 v10, v9;
	v46 =	vadd.s32 $0xC, v2;
	v56 =	vsub.f32 v11, v12  }
0x238: {  	v17 =	vand.u32 $0xFFFFFF80, v15;
	v11 =	vand.u32 $0x7F, v23;
	v12 =	vadd.s32 v1, v24  }
0x239: {  	v10 =	vld.idx.msk [tilespmem:v63+s12+$0x0], $0xffff;
	v23 =	vadd.s32 $0x12, v4;
	v55 =	vand.u32 $0x7F, v46;
	v63 =	vmul.f32 v60, v13  }
0x23a: {  	v26 =	vor.u32 v11, v12;
	v11 =	vadd.s32 v1, v27;
	v12 =	vadd.s32 v1, v30  }
0x23b: {  	v24 =	vand.u32 $0xFFFFFF80, v23;
	v25 =	vand.u32 $0x7F, v23;
	v30 =	vadd.s32 $0x13, v4  }
0x23c: {  	v5 =	vadd.f32 v50, v5;
	v50 =	vand.u32 $0x7F, v48;
	v11 =	vor.u32 v28, v11  }
0x23d: {  	v48 =	vadd.s32 $0x11, v4;
	v28 =	vadd.s32 $0x13, v2;
	v32 =	vand.u32 $0xFFFFFF80, v30  }
0x23e: {  	v5 =	vadd.f32 v6, v5;
	v6 =	vmul.f32 v53, v51;
	v51 =	vadd.s32 v1, v49  }
0x23f: {  	v52 =	vld.idx.msk [tilespmem:v18+s14+$0x0], $0xffff;
	v53 =	vand.u32 $0xFFFFFF80, v46;
	v46 =	vadd.s32 v1, v44;
	v49 =	vadd.s32 $0x11, v2  }
0x240: {  	v44 =	vadd.s32 $0x15, v2;
	v21 =	vor.u32 v50, v51;
	v18 =	vadd.s32 v1, v53  }
0x241: {  	v58 =	vld.idx.msk [tilespmem:v16+s12+$0x0], $0xffff;
	v59 =	vmul.f32 v56, v10;
	v47 =	vor.u32 v45, v46;
	v50 =	vand.u32 $0xFFFFFF80, v48  }
0x242: {  	v8 =	vld.idx.msk [tilespmem:v8+s14+$0x0], $0xffff;
	v51 =	vadd.s32 $0x11, v3;
	v56 =	vand.u32 $0xFFFFFF80, v49;
	v45 =	vand.u32 $0xFFFFFF80, v44  }
0x243: {  	v9 =	vld.idx.msk [tilespmem:v9+s16+$0x0], $0xffff;
	v46 =	vadd.s32 $0x15, v4;
	v5 =	vadd.f32 v6, v5;
	v57 =	vor.u32 v55, v18  }
0x244: {  	v61 =	vld.idx.msk [tilespmem:v19+s14+$0x0], $0xffff;
	v6 =	vsub.f32 v52, v54;
	v18 =	vadd.s32 $0xD, v4;
	v52 =	vand.u32 $0xFFFFFF80, v51  }
0x245: {  	v7 =	vld.idx.msk [tilespmem:v7+s12+$0x0], $0xffff;
	v53 =	vand.u32 $0x7F, v51;
	v19 =	vand.u32 $0xFFFFFF80, v18;
	v20 =	vand.u32 $0x7F, v18  }
0x246: {  	v18 =	vand.u32 $0x7F, v41;
	v54 =	vadd.s32 v1, v52;
	v41 =	vadd.s32 $0x14, v3  }
0x247: {  	v6 =	vmul.f32 v6, v58;
	v58 =	vand.u32 $0x7F, v49;
	v43 =	vand.u32 $0xFFFFFF80, v41  }
0x248: {  	v8 =	vsub.f32 v8, v9;
	v62 =	vld.idx.msk [tilespmem:v21+s16+$0x0], $0xffff;
	v9 =	vadd.s32 v1, v17;
	v21 =	vadd.s32 $0xD, v3  }
0x249: {  	v17 =	vadd.s32 v1, v38;
	v22 =	vand.u32 $0xFFFFFF80, v21;
	v10 =	vand.u32 $0x7F, v21  }
0x24a: {  	v13 =	vld.idx.msk [tilespmem:v57+s12+$0x0], $0xffff;
	v21 =	vadd.s32 v1, v50;
	v7 =	vmul.f32 v8, v7;
	v8 =	vadd.s32 v1, v19  }
0x24b: {  	v57 =	vld.idx.msk [tilespmem:v47+s16+$0x0], $0xffff;
	v47 =	vand.u32 $0xFFFFFF80, v46;
	v19 =	vadd.s32 v1, v42;
	v8 =	vor.u32 v20, v8  }
0x24c: {  	v18 =	vor.u32 v18, v19;
	v19 =	vand.u32 $0x7F, v48;
	v20 =	vadd.s32 $0x12, v2  }
0x24d: {  	v48 =	vadd.s32 $0x15, v3;
	v5 =	vadd.f32 v7, v5;
	v7 =	vand.u32 $0x7F, v15  }
0x24e: {  	v15 =	vand.u32 $0x7F, v36;
	v19 =	vor.u32 v19, v21;
	v21 =	vor.u32 v53, v54  }
0x24f: {  	v36 =	vadd.s32 $0x14, v2;
	v49 =	vand.u32 $0xFFFFFF80, v48;
	v50 =	vand.u32 $0x7F, v48  }
0x250: {  	v53 =	vadd.s32 $0x16, v4;
	v54 =	vadd.s32 $0x16, v2;
	v16 =	vsub.f32 v61, v62  }
0x251: {  	v7 =	vor.u32 v7, v9;
	v9 =	vadd.s32 v1, v22;
	v15 =	vor.u32 v15, v17  }
0x252: {  	v17 =	vadd.s32 v1, v40;
	v22 =	vand.u32 $0xFFFFFF80, v20;
	v5 =	vadd.f32 v59, v5  }
0x253: {  	v38 =	vand.u32 $0x7F, v36;
	v40 =	vadd.s32 $0x14, v4;
	v9 =	vor.u32 v10, v9  }
0x254: {  	v51 =	vadd.s32 v1, v49;
	v10 =	vld.idx.msk [tilespmem:v26+s12+$0x0], $0xffff;
	v26 =	vadd.s32 $0x12, v3;
	v5 =	vadd.f32 v63, v5  }
0x255: {  	v42 =	vand.u32 $0xFFFFFF80, v40;
	v52 =	vor.u32 v50, v51;
	v50 =	vadd.s32 $0x19, v4  }
0x256: {  	v8 =	vld.idx.msk [tilespmem:v8+s14+$0x0], $0xffff;
	v5 =	vadd.f32 v6, v5;
	v6 =	vmul.f32 v16, v13;
	v13 =	vand.u32 $0x7F, v29  }
0x257: {  	v51 =	vadd.s32 $0x19, v3;
	v55 =	vld.idx.msk [tilespmem:v18+s14+$0x0], $0xffff;
	v16 =	vadd.s32 v1, v37;
	v12 =	vor.u32 v13, v12  }
0x258: {  	v27 =	vand.u32 $0xFFFFFF80, v26;
	v18 =	vadd.s32 v1, v56;
	v14 =	vor.u32 v14, v16;
	v9 =	vld.idx.msk [tilespmem:v9+s16+$0x0], $0xffff  }
0x259: {  	v11 =	vld.idx.msk [tilespmem:v11+s14+$0x0], $0xffff;
	v56 =	vadd.s32 $0x16, v3;
	v60 =	vor.u32 v58, v18;
	v16 =	vand.u32 $0x7F, v39  }
0x25a: {  	v58 =	vand.u32 $0x7F, v56;
	v7 =	vld.idx.msk [tilespmem:v7+s12+$0x0], $0xffff;
	v29 =	vand.u32 $0xFFFFFF80, v28;
	v16 =	vor.u32 v16, v17  }
0x25b: {  	v15 =	vld.idx.msk [tilespmem:v15+s16+$0x0], $0xffff;
	v37 =	vand.u32 $0xFFFFFF80, v36;
	v36 =	vadd.s32 $0x17, v3;
	v13 =	vor.u32 v33, v34  }
0x25c: {  	v33 =	vand.u32 $0x7F, v30;
	v34 =	vadd.s32 $0x13, v3;
	v39 =	vadd.s32 v1, v37;
	v12 =	vld.idx.msk [tilespmem:v12+s16+$0x0], $0xffff  }
0x25d: {  	v30 =	vadd.s32 $0x17, v2;
	v37 =	vand.u32 $0xFFFFFF80, v36;
	v14 =	vld.idx.msk [tilespmem:v14+s14+$0x0], $0xffff;
	v8 =	vsub.f32 v8, v9  }
0x25e: {  	v5 =	vadd.f32 v6, v5;
	v17 =	vld.idx.msk [tilespmem:v21+s16+$0x0], $0xffff;
	v35 =	vand.u32 $0xFFFFFF80, v34;
	v6 =	vsub.f32 v55, v57  }
0x25f: {  	v55 =	vand.u32 $0xFFFFFF80, v53;
	v57 =	vand.u32 $0xFFFFFF80, v56;
	v61 =	vld.idx.msk [tilespmem:v16+s12+$0x0], $0xffff;
	v7 =	vmul.f32 v8, v7  }
0x260: {  	v56 =	vadd.s32 $0x1A, v4;
	v9 =	vadd.s32 v1, v22;
	v16 =	vld.idx.msk [tilespmem:v19+s14+$0x0], $0xffff;
	v8 =	vadd.s32 v1, v24  }
0x261: {  	v8 =	vor.u32 v25, v8;
	v5 =	vadd.f32 v7, v5;
	v7 =	vand.u32 $0x7F, v20  }
0x262: {  	v59 =	vsub.f32 v11, v12;
	v63 =	vsub.f32 v14, v15;
	v7 =	vor.u32 v7, v9  }
0x263: {  	v9 =	vadd.s32 v1, v27;
	v11 =	vand.u32 $0x7F, v28;
	v12 =	vadd.s32 v1, v29  }
0x264: {  	v13 =	vld.idx.msk [tilespmem:v13+s12+$0x0], $0xffff;
	v14 =	vand.u32 $0x7F, v40;
	v15 =	vand.u32 $0x7F, v41;
	v40 =	vadd.s32 $0x18, v4  }
0x265: {  	v6 =	vmul.f32 v6, v61;
	v21 =	vsub.f32 v16, v17;
	v31 =	vor.u32 v11, v12  }
0x266: {  	v11 =	vadd.s32 v1, v32;
	v12 =	vadd.s32 v1, v35;
	v16 =	vadd.s32 v1, v42  }
0x267: {  	v17 =	vadd.s32 v1, v43;
	v61 =	vand.u32 $0xFFFFFF80, v54;
	v32 =	vand.u32 $0xFFFFFF80, v30  }
0x268: {  	v42 =	vand.u32 $0xFFFFFF80, v40;
	v43 =	vand.u32 $0x7F, v40;
	v62 =	vmul.f32 v59, v10  }
0x269: {  	v18 =	vmul.f32 v63, v13;
	v10 =	vand.u32 $0x7F, v26;
	v11 =	vor.u32 v33, v11  }
0x26a: {  	v13 =	vand.u32 $0x7F, v34;
	v14 =	vor.u32 v14, v16;
	v15 =	vor.u32 v15, v17  }
0x26b: {  	v16 =	vand.u32 $0x7F, v44;
	v17 =	vadd.s32 v1, v45;
	v59 =	vadd.s32 v1, v57  }
0x26c: {  	v63 =	vand.u32 $0x7F, v54;
	v33 =	vadd.s32 $0x17, v4;
	v44 =	vadd.s32 $0x18, v3  }
0x26d: {  	v54 =	vadd.s32 $0x1A, v2;
	v57 =	vand.u32 $0xFFFFFF80, v56;
	v9 =	vor.u32 v10, v9  }
0x26e: {  	v19 =	vld.idx.msk [tilespmem:v60+s12+$0x0], $0xffff;
	v12 =	vor.u32 v13, v12;
	v13 =	vor.u32 v38, v39;
	v5 =	vadd.f32 v62, v5  }
0x26f: {  	v8 =	vld.idx.msk [tilespmem:v8+s14+$0x0], $0xffff;
	v16 =	vor.u32 v16, v17;
	v34 =	vand.u32 $0xFFFFFF80, v33;
	v35 =	vand.u32 $0x7F, v33  }
0x270: {  	v38 =	vadd.s32 $0x18, v2;
	v45 =	vand.u32 $0xFFFFFF80, v44;
	v62 =	vld.idx.msk [tilespmem:v52+s16+$0x0], $0xffff;
	v5 =	vadd.f32 v18, v5  }
0x271: {  	v39 =	vand.u32 $0xFFFFFF80, v38;
	v18 =	vand.u32 $0x7F, v46;
	v46 =	vadd.s32 $0x19, v2;
	v11 =	vld.idx.msk [tilespmem:v11+s14+$0x0], $0xffff  }
0x272: {  	v52 =	vand.u32 $0xFFFFFF80, v50;
	v14 =	vld.idx.msk [tilespmem:v14+s14+$0x0], $0xffff;
	v48 =	vand.u32 $0x7F, v46;
	v5 =	vadd.f32 v6, v5  }
0x273: {  	v15 =	vld.idx.msk [tilespmem:v15+s16+$0x0], $0xffff;
	v6 =	vmul.f32 v21, v19;
	v19 =	vadd.s32 v1, v47;
	v21 =	vadd.s32 v1, v55  }
0x274: {  	v23 =	vld.idx.msk [tilespmem:v16+s12+$0x0], $0xffff;
	v47 =	vand.u32 $0xFFFFFF80, v46;
	v16 =	vadd.s32 v1, v52;
	v55 =	vand.u32 $0xFFFFFF80, v54  }
0x275: {  	v9 =	vld.idx.msk [tilespmem:v9+s16+$0x0], $0xffff;
	v46 =	vadd.s32 $0x1C, v4;
	v18 =	vor.u32 v18, v19;
	v19 =	vand.u32 $0x7F, v53  }
0x276: {  	v12 =	vld.idx.msk [tilespmem:v12+s16+$0x0], $0xffff;
	v49 =	vadd.s32 v1, v47;
	v53 =	vand.u32 $0xFFFFFF80, v51;
	v47 =	vand.u32 $0xFFFFFF80, v46  }
0x277: {  	v19 =	vor.u32 v19, v21;
	v21 =	vor.u32 v58, v59;
	v5 =	vadd.f32 v6, v5  }
0x278: {  	v17 =	vadd.s32 v1, v53;
	v58 =	vadd.s32 $0x1A, v3;
	v53 =	vadd.s32 $0x1D, v4  }
0x279: {  	v13 =	vld.idx.msk [tilespmem:v13+s12+$0x0], $0xffff;
	v59 =	vand.u32 $0xFFFFFF80, v58;
	v25 =	vsub.f32 v14, v15;
	v14 =	vand.u32 $0x7F, v50  }
0x27a: {  	v15 =	vand.u32 $0x7F, v51;
	v51 =	vadd.s32 $0x1D, v2;
	v8 =	vsub.f32 v8, v9  }
0x27b: {  	v20 =	vsub.f32 v11, v12;
	v9 =	vadd.s32 v1, v32;
	v11 =	vand.u32 $0x7F, v38  }
0x27c: {  	v7 =	vld.idx.msk [tilespmem:v7+s12+$0x0], $0xffff;
	v12 =	vadd.s32 v1, v39;
	v14 =	vor.u32 v14, v16;
	v15 =	vor.u32 v15, v17  }
0x27d: {  	v10 =	vld.idx.msk [tilespmem:v31+s12+$0x0], $0xffff;
	v16 =	vand.u32 $0x7F, v54;
	v17 =	vadd.s32 v1, v55;
	v52 =	vand.u32 $0xFFFFFF80, v51  }
0x27e: {  	v55 =	vand.u32 $0xFFFFFF80, v53;
	v60 =	vld.idx.msk [tilespmem:v18+s14+$0x0], $0xffff;
	v18 =	vadd.s32 v1, v61;
	v28 =	vmul.f32 v25, v13  }
0x27f: {  	v41 =	vor.u32 v11, v12;
	v11 =	vadd.s32 v1, v42;
	v13 =	vand.u32 $0x7F, v44  }
0x280: {  	v12 =	vadd.s32 v1, v45;
	v61 =	vadd.s32 v1, v59;
	v16 =	vor.u32 v16, v17  }
0x281: {  	v59 =	vadd.s32 $0x1E, v2;
	v7 =	vmul.f32 v8, v7;
	v22 =	vor.u32 v63, v18  }
0x282: {  	v24 =	vmul.f32 v20, v10;
	v8 =	vadd.s32 v1, v34;
	v10 =	vand.u32 $0x7F, v36  }
0x283: {  	v11 =	vor.u32 v43, v11;
	v12 =	vor.u32 v13, v12;
	v13 =	vor.u32 v48, v49  }
0x284: {  	v26 =	vld.idx.msk [tilespmem:v19+s14+$0x0], $0xffff;
	v18 =	vand.u32 $0x7F, v56;
	v19 =	vadd.s32 v1, v57;
	v63 =	vadd.s32 $0x1B, v4  }
0x285: {  	v43 =	vadd.s32 $0x1C, v2;
	v48 =	vand.u32 $0x7F, v46;
	v49 =	vadd.s32 $0x1C, v3  }
0x286: {  	v56 =	vand.u32 $0x7F, v53;
	v57 =	vadd.s32 $0x1D, v3;
	v20 =	vadd.s32 $0x1E, v3  }
0x287: {  	v8 =	vor.u32 v35, v8;
	v18 =	vor.u32 v18, v19;
	v25 =	vand.u32 $0xFFFFFF80, v63  }
0x288: {  	v27 =	vld.idx.msk [tilespmem:v21+s16+$0x0], $0xffff;
	v19 =	vand.u32 $0x7F, v63;
	v45 =	vand.u32 $0xFFFFFF80, v43;
	v50 =	vand.u32 $0xFFFFFF80, v49  }
0x289: {  	v63 =	vadd.s32 $0x1E, v4;
	v5 =	vadd.f32 v7, v5;
	v7 =	vand.u32 $0x7F, v30  }
0x28a: {  	v21 =	vadd.s32 v1, v25;
	v25 =	vadd.s32 $0x1F, v4;
	v7 =	vor.u32 v7, v9  }
0x28b: {  	v9 =	vadd.s32 v1, v37;
	v19 =	vor.u32 v19, v21;
	v5 =	vadd.f32 v24, v5  }
0x28c: {  	v14 =	vld.idx.msk [tilespmem:v14+s14+$0x0], $0xffff;
	v6 =	vsub.f32 v60, v62;
	v9 =	vor.u32 v10, v9;
	v60 =	vand.u32 $0x7F, v58  }
0x28d: {  	v15 =	vld.idx.msk [tilespmem:v15+s16+$0x0], $0xffff;
	v24 =	vadd.s32 $0x1B, v2;
	v58 =	vand.u32 $0xFFFFFF80, v57;
	v31 =	vsub.f32 v26, v27  }
0x28e: {  	v29 =	vld.idx.msk [tilespmem:v22+s12+$0x0], $0xffff;
	v62 =	vor.u32 v60, v61;
	v26 =	vadd.s32 $0x1B, v3;
	v33 =	vand.u32 $0x7F, v24  }
0x28f: {  	v11 =	vld.idx.msk [tilespmem:v11+s14+$0x0], $0xffff;
	v60 =	vand.u32 $0xFFFFFF80, v59;
	v61 =	vand.u32 $0x7F, v59;
	v22 =	vand.u32 $0xFFFFFF80, v20  }
0x290: {  	v12 =	vld.idx.msk [tilespmem:v12+s16+$0x0], $0xffff;
	v5 =	vadd.f32 v28, v5;
	v6 =	vmul.f32 v6, v23;
	v27 =	vand.u32 $0xFFFFFF80, v26  }
0x291: {  	v13 =	vld.idx.msk [tilespmem:v13+s12+$0x0], $0xffff;
	v28 =	vand.u32 $0x7F, v26;
	v17 =	vadd.s32 v1, v22;
	v23 =	vadd.s32 $0x1F, v2  }
0x292: {  	v26 =	vand.u32 $0xFFFFFF80, v25;
	v5 =	vadd.f32 v6, v5;
	v38 =	vsub.f32 v14, v15  }
0x293: {  	v39 =	vld.idx.msk [tilespmem:v19+s14+$0x0], $0xffff;
	v14 =	vand.u32 $0x7F, v63;
	v15 =	vand.u32 $0x7F, v20;
	v19 =	vadd.s32 v1, v26  }
0x294: {  	v26 =	vadd.s32 $0x22, v3;
	v15 =	vor.u32 v15, v17;
	v6 =	vmul.f32 v31, v29  }
0x295: {  	v29 =	vadd.s32 v1, v27;
	v31 =	vand.u32 $0xFFFFFF80, v24;
	v34 =	vsub.f32 v11, v12  }
0x296: {  	v10 =	vld.idx.msk [tilespmem:v41+s12+$0x0], $0xffff;
	v41 =	vmul.f32 v38, v13;
	v11 =	vand.u32 $0x7F, v51;
	v12 =	vadd.s32 v1, v52  }
0x297: {  	v32 =	vld.idx.msk [tilespmem:v62+s16+$0x0], $0xffff;
	v13 =	vand.u32 $0x7F, v57;
	v62 =	vadd.s32 v1, v60;
	v24 =	vand.u32 $0xFFFFFF80, v23  }
0x298: {  	v27 =	vadd.s32 $0x1F, v3;
	v52 =	vadd.s32 $0x21, v2;
	v60 =	vadd.s32 $0x22, v2  }
0x299: {  	v30 =	vld.idx.msk [tilespmem:v18+s14+$0x0], $0xffff;
	v21 =	vor.u32 v28, v29;
	v18 =	vadd.s32 v1, v31;
	v54 =	vor.u32 v11, v12  }
0x29a: {  	v11 =	vadd.s32 v1, v55;
	v12 =	vadd.s32 v1, v58;
	v17 =	vadd.s32 v1, v24  }
0x29b: {  	v28 =	vand.u32 $0xFFFFFF80, v27;
	v29 =	vand.u32 $0x7F, v27;
	v55 =	vadd.s32 $0x21, v4  }
0x29c: {  	v8 =	vld.idx.msk [tilespmem:v8+s14+$0x0], $0xffff;
	v58 =	vadd.s32 $0x21, v3;
	v27 =	vand.u32 $0xFFFFFF80, v26;
	v5 =	vadd.f32 v6, v5  }
0x29d: {  	v9 =	vld.idx.msk [tilespmem:v9+s16+$0x0], $0xffff;
	v35 =	vor.u32 v33, v18;
	v37 =	vmul.f32 v34, v10;
	v10 =	vand.u32 $0x7F, v49  }
0x29e: {  	v11 =	vor.u32 v56, v11;
	v12 =	vor.u32 v13, v12;
	v13 =	vor.u32 v61, v62  }
0x29f: {  	v7 =	vld.idx.msk [tilespmem:v7+s12+$0x0], $0xffff;
	v18 =	vand.u32 $0x7F, v25;
	v33 =	vadd.s32 $0x20, v2;
	v56 =	vand.u32 $0xFFFFFF80, v55  }
0x2a0: {  	v57 =	vand.u32 $0x7F, v55;
	v59 =	vand.u32 $0xFFFFFF80, v58;
	v62 =	vadd.s32 $0x22, v4  }
0x2a1: {  	v61 =	vand.u32 $0xFFFFFF80, v60;
	v18 =	vor.u32 v18, v19;
	v24 =	vand.u32 $0xFFFFFF80, v62  }
0x2a2: {  	v36 =	vld.idx.msk [tilespmem:v16+s12+$0x0], $0xffff;
	v25 =	vand.u32 $0x7F, v62;
	v8 =	vsub.f32 v8, v9;
	v9 =	vadd.s32 v1, v45  }
0x2a3: {  	v6 =	vsub.f32 v30, v32;
	v30 =	vadd.s32 v1, v28;
	v32 =	vadd.s32 $0x20, v4  }
0x2a4: {  	v28 =	vadd.s32 $0x23, v2;
	v7 =	vmul.f32 v8, v7;
	v8 =	vadd.s32 v1, v47  }
0x2a5: {  	v40 =	vld.idx.msk [tilespmem:v21+s16+$0x0], $0xffff;
	v21 =	vand.u32 $0xFFFFFF80, v63;
	v31 =	vor.u32 v29, v30;
	v34 =	vand.u32 $0xFFFFFF80, v32  }
0x2a6: {  	v19 =	vand.u32 $0x7F, v32;
	v29 =	vand.u32 $0xFFFFFF80, v28;
	v30 =	vand.u32 $0x7F, v28  }
0x2a7: {  	v32 =	vadd.s32 $0x23, v4;
	v6 =	vmul.f32 v6, v36;
	v8 =	vor.u32 v48, v8  }
0x2a8: {  	v42 =	vld.idx.msk [tilespmem:v35+s12+$0x0], $0xffff;
	v16 =	vadd.s32 v1, v21;
	v35 =	vadd.s32 $0x20, v3;
	v21 =	vadd.s32 v1, v34  }
0x2a9: {  	v34 =	vand.u32 $0xFFFFFF80, v32;
	v5 =	vadd.f32 v7, v5;
	v7 =	vand.u32 $0x7F, v43  }
0x2aa: {  	v14 =	vor.u32 v14, v16;
	v16 =	vand.u32 $0x7F, v23;
	v36 =	vand.u32 $0xFFFFFF80, v35  }
0x2ab: {  	v11 =	vld.idx.msk [tilespmem:v11+s14+$0x0], $0xffff;
	v19 =	vor.u32 v19, v21;
	v23 =	vadd.s32 $0x27, v2;
	v7 =	vor.u32 v7, v9  }
0x2ac: {  	v12 =	vld.idx.msk [tilespmem:v12+s16+$0x0], $0xffff;
	v9 =	vadd.s32 v1, v50;
	v16 =	vor.u32 v16, v17;
	v38 =	vadd.s32 v1, v36  }
0x2ad: {  	v36 =	vadd.s32 $0x24, v2;
	v5 =	vadd.f32 v37, v5;
	v9 =	vor.u32 v10, v9  }
0x2ae: {  	v10 =	vld.idx.msk [tilespmem:v54+s12+$0x0], $0xffff;
	v37 =	vand.u32 $0x7F, v35;
	v54 =	vand.u32 $0xFFFFFF80, v52;
	v44 =	vsub.f32 v39, v40  }
0x2af: {  	v40 =	vand.u32 $0xFFFFFF80, v33;
	v21 =	vor.u32 v37, v38;
	v37 =	vand.u32 $0xFFFFFF80, v36  }
0x2b0: {  	v39 =	vld.idx.msk [tilespmem:v18+s14+$0x0], $0xffff;
	v38 =	vadd.s32 $0x24, v4;
	v5 =	vadd.f32 v41, v5;
	v18 =	vadd.s32 v1, v40  }
0x2b1: {  	v43 =	vsub.f32 v11, v12;
	v11 =	vand.u32 $0x7F, v60;
	v12 =	vadd.s32 v1, v61  }
0x2b2: {  	v41 =	vld.idx.msk [tilespmem:v31+s16+$0x0], $0xffff;
	v31 =	vadd.s32 v1, v29;
	v40 =	vadd.s32 $0x24, v3;
	v29 =	vadd.s32 $0x27, v3  }
0x2b3: {  	v63 =	vor.u32 v11, v12;
	v11 =	vadd.s32 v1, v24;
	v12 =	vadd.s32 v1, v27  }
0x2b4: {  	v15 =	vld.idx.msk [tilespmem:v15+s16+$0x0], $0xffff;
	v24 =	vand.u32 $0xFFFFFF80, v23;
	v5 =	vadd.f32 v6, v5;
	v6 =	vmul.f32 v44, v42  }
0x2b5: {  	v14 =	vld.idx.msk [tilespmem:v14+s14+$0x0], $0xffff;
	v42 =	vand.u32 $0x7F, v33;
	v11 =	vor.u32 v25, v11;
	v33 =	vadd.s32 $0x23, v3  }
0x2b6: {  	v45 =	vld.idx.msk [tilespmem:v16+s12+$0x0], $0xffff;
	v16 =	vadd.s32 v1, v34;
	v25 =	vadd.s32 $0x27, v4;
	v44 =	vor.u32 v42, v18  }
0x2b7: {  	v46 =	vmul.f32 v43, v10;
	v10 =	vand.u32 $0x7F, v58;
	v35 =	vand.u32 $0xFFFFFF80, v33  }
0x2b8: {  	v18 =	vand.u32 $0x7F, v38;
	v42 =	vand.u32 $0x7F, v40;
	v27 =	vand.u32 $0xFFFFFF80, v25  }
0x2b9: {  	v13 =	vld.idx.msk [tilespmem:v13+s12+$0x0], $0xffff;
	v28 =	vand.u32 $0x7F, v25;
	v5 =	vadd.f32 v6, v5;
	v17 =	vadd.s32 v1, v35  }
0x2ba: {  	v8 =	vld.idx.msk [tilespmem:v8+s14+$0x0], $0xffff;
	v35 =	vadd.s32 $0x28, v4;
	v6 =	vsub.f32 v39, v41;
	v39 =	vand.u32 $0xFFFFFF80, v38  }
0x2bb: {  	v48 =	vld.idx.msk [tilespmem:v19+s14+$0x0], $0xffff;
	v41 =	vand.u32 $0xFFFFFF80, v40;
	v47 =	vsub.f32 v14, v15;
	v14 =	vand.u32 $0x7F, v32  }
0x2bc: {  	v9 =	vld.idx.msk [tilespmem:v9+s16+$0x0], $0xffff;
	v15 =	vand.u32 $0x7F, v33;
	v19 =	vadd.s32 v1, v39;
	v43 =	vadd.s32 v1, v41  }
0x2bd: {  	v39 =	vadd.s32 $0x29, v2;
	v41 =	vadd.s32 $0x29, v4;
	v6 =	vmul.f32 v6, v45  }
0x2be: {  	v14 =	vor.u32 v14, v16;
	v15 =	vor.u32 v15, v17;
	v16 =	vand.u32 $0x7F, v36  }
0x2bf: {  	v49 =	vld.idx.msk [tilespmem:v21+s16+$0x0], $0xffff;
	v17 =	vadd.s32 v1, v37;
	v18 =	vor.u32 v18, v19;
	v45 =	vadd.s32 $0x25, v4  }
0x2c0: {  	v36 =	vadd.s32 $0x28, v3;
	v37 =	vand.u32 $0xFFFFFF80, v35;
	v40 =	vand.u32 $0xFFFFFF80, v39  }
0x2c1: {  	v7 =	vld.idx.msk [tilespmem:v7+s12+$0x0], $0xffff;
	v8 =	vsub.f32 v8, v9;
	v50 =	vmul.f32 v47, v13;
	v9 =	vadd.s32 v1, v54  }
0x2c2: {  	v51 =	vld.idx.msk [tilespmem:v44+s12+$0x0], $0xffff;
	v13 =	vand.u32 $0x7F, v26;
	v16 =	vor.u32 v16, v17;
	v44 =	vor.u32 v42, v43  }
0x2c3: {  	v47 =	vand.u32 $0xFFFFFF80, v45;
	v19 =	vand.u32 $0x7F, v45;
	v38 =	vand.u32 $0xFFFFFF80, v36  }
0x2c4: {  	v42 =	vand.u32 $0xFFFFFF80, v41;
	v43 =	vadd.s32 $0x29, v3;
	v53 =	vsub.f32 v48, v49  }
0x2c5: {  	v12 =	vor.u32 v13, v12;
	v13 =	vor.u32 v30, v31;
	v48 =	vadd.s32 $0x25, v3  }
0x2c6: {  	v21 =	vadd.s32 v1, v47;
	v30 =	vand.u32 $0xFFFFFF80, v29;
	v31 =	vadd.s32 $0x28, v2  }
0x2c7: {  	v45 =	vand.u32 $0x7F, v43;
	v7 =	vmul.f32 v8, v7;
	v8 =	vadd.s32 v1, v56  }
0x2c8: {  	v49 =	vand.u32 $0xFFFFFF80, v48;
	v19 =	vor.u32 v19, v21;
	v32 =	vand.u32 $0xFFFFFF80, v31;
	v14 =	vld.idx.msk [tilespmem:v14+s14+$0x0], $0xffff  }
0x2c9: {  	v33 =	vand.u32 $0x7F, v31;
	v5 =	vadd.f32 v7, v5;
	v7 =	vand.u32 $0x7F, v52;
	v15 =	vld.idx.msk [tilespmem:v15+s16+$0x0], $0xffff  }
0x2ca: {  	v11 =	vld.idx.msk [tilespmem:v11+s14+$0x0], $0xffff;
	v8 =	vor.u32 v57, v8;
	v34 =	vadd.s32 v1, v32;
	v7 =	vor.u32 v7, v9  }
0x2cb: {  	v9 =	vadd.s32 v1, v59;
	v54 =	vld.idx.msk [tilespmem:v44+s16+$0x0], $0xffff;
	v5 =	vadd.f32 v46, v5;
	v46 =	vadd.s32 $0x25, v2  }
0x2cc: {  	v44 =	vand.u32 $0xFFFFFF80, v43;
	v9 =	vor.u32 v10, v9;
	v12 =	vld.idx.msk [tilespmem:v12+s16+$0x0], $0xffff;
	v55 =	vand.u32 $0x7F, v46  }
0x2cd: {  	v13 =	vld.idx.msk [tilespmem:v13+s12+$0x0], $0xffff;
	v5 =	vadd.f32 v50, v5;
	v50 =	vand.u32 $0x7F, v48;
	v48 =	vadd.s32 $0x2A, v4  }
0x2ce: {  	v60 =	vsub.f32 v14, v15;
	v15 =	vadd.s32 $0x26, v2;
	v14 =	vand.u32 $0x7F, v35  }
0x2cf: {  	v5 =	vadd.f32 v6, v5;
	v6 =	vmul.f32 v53, v51;
	v51 =	vadd.s32 v1, v49  }
0x2d0: {  	v53 =	vand.u32 $0xFFFFFF80, v46;
	v17 =	vand.u32 $0xFFFFFF80, v15;
	v46 =	vadd.s32 v1, v44  }
0x2d1: {  	v52 =	vld.idx.msk [tilespmem:v18+s14+$0x0], $0xffff;
	v49 =	vadd.s32 $0x2A, v2;
	v44 =	vadd.s32 $0x2E, v2;
	v21 =	vor.u32 v50, v51  }
0x2d2: {  	v10 =	vld.idx.msk [tilespmem:v63+s12+$0x0], $0xffff;
	v18 =	vadd.s32 v1, v53;
	v56 =	vsub.f32 v11, v12;
	v63 =	vmul.f32 v60, v13  }
0x2d3: {  	v11 =	vand.u32 $0x7F, v23;
	v12 =	vadd.s32 v1, v24;
	v47 =	vor.u32 v45, v46  }
0x2d4: {  	v50 =	vand.u32 $0xFFFFFF80, v48;
	v51 =	vadd.s32 $0x2A, v3;
	v23 =	vadd.s32 $0x2B, v4  }
0x2d5: {  	v45 =	vand.u32 $0xFFFFFF80, v44;
	v46 =	vadd.s32 $0x2E, v4;
	v5 =	vadd.f32 v6, v5  }
0x2d6: {  	v57 =	vor.u32 v55, v18;
	v6 =	vsub.f32 v52, v54;
	v18 =	vadd.s32 $0x26, v4  }
0x2d7: {  	v58 =	vld.idx.msk [tilespmem:v16+s12+$0x0], $0xffff;
	v26 =	vor.u32 v11, v12;
	v11 =	vadd.s32 v1, v27;
	v12 =	vadd.s32 v1, v30  }
0x2d8: {  	v8 =	vld.idx.msk [tilespmem:v8+s14+$0x0], $0xffff;
	v52 =	vand.u32 $0xFFFFFF80, v51;
	v53 =	vand.u32 $0x7F, v51;
	v24 =	vand.u32 $0xFFFFFF80, v23  }
0x2d9: {  	v9 =	vld.idx.msk [tilespmem:v9+s16+$0x0], $0xffff;
	v25 =	vand.u32 $0x7F, v23;
	v30 =	vadd.s32 $0x2C, v4;
	v59 =	vmul.f32 v56, v10  }
0x2da: {  	v61 =	vld.idx.msk [tilespmem:v19+s14+$0x0], $0xffff;
	v19 =	vand.u32 $0xFFFFFF80, v18;
	v20 =	vand.u32 $0x7F, v18;
	v11 =	vor.u32 v28, v11  }
0x2db: {  	v7 =	vld.idx.msk [tilespmem:v7+s12+$0x0], $0xffff;
	v18 =	vand.u32 $0x7F, v41;
	v54 =	vadd.s32 v1, v52;
	v56 =	vand.u32 $0xFFFFFF80, v49  }
0x2dc: {  	v28 =	vadd.s32 $0x2C, v2;
	v32 =	vand.u32 $0xFFFFFF80, v30;
	v41 =	vadd.s32 $0x2D, v3  }
0x2dd: {  	v6 =	vmul.f32 v6, v58;
	v58 =	vand.u32 $0x7F, v49;
	v43 =	vand.u32 $0xFFFFFF80, v41  }
0x2de: {  	v8 =	vsub.f32 v8, v9;
	v62 =	vld.idx.msk [tilespmem:v21+s16+$0x0], $0xffff;
	v9 =	vadd.s32 v1, v17;
	v21 =	vadd.s32 $0x26, v3  }
0x2df: {  	v17 =	vadd.s32 v1, v38;
	v22 =	vand.u32 $0xFFFFFF80, v21;
	v10 =	vand.u32 $0x7F, v21  }
0x2e0: {  	v13 =	vld.idx.msk [tilespmem:v57+s12+$0x0], $0xffff;
	v21 =	vadd.s32 v1, v50;
	v7 =	vmul.f32 v8, v7;
	v8 =	vadd.s32 v1, v19  }
0x2e1: {  	v57 =	vld.idx.msk [tilespmem:v47+s16+$0x0], $0xffff;
	v47 =	vand.u32 $0xFFFFFF80, v46;
	v19 =	vadd.s32 v1, v42;
	v8 =	vor.u32 v20, v8  }
0x2e2: {  	v18 =	vor.u32 v18, v19;
	v19 =	vand.u32 $0x7F, v48;
	v20 =	vadd.s32 $0x2B, v2  }
0x2e3: {  	v48 =	vadd.s32 $0x2E, v3;
	v5 =	vadd.f32 v7, v5;
	v7 =	vand.u32 $0x7F, v15  }
0x2e4: {  	v15 =	vand.u32 $0x7F, v36;
	v19 =	vor.u32 v19, v21;
	v21 =	vor.u32 v53, v54  }
0x2e5: {  	v36 =	vadd.s32 $0x2D, v2;
	v49 =	vand.u32 $0xFFFFFF80, v48;
	v50 =	vand.u32 $0x7F, v48  }
0x2e6: {  	v53 =	vadd.s32 $0x2F, v4;
	v54 =	vadd.s32 $0x2F, v2;
	v16 =	vsub.f32 v61, v62  }
0x2e7: {  	v7 =	vor.u32 v7, v9;
	v9 =	vadd.s32 v1, v22;
	v15 =	vor.u32 v15, v17  }
0x2e8: {  	v17 =	vadd.s32 v1, v40;
	v22 =	vand.u32 $0xFFFFFF80, v20;
	v5 =	vadd.f32 v59, v5  }
0x2e9: {  	v38 =	vand.u32 $0x7F, v36;
	v40 =	vadd.s32 $0x2D, v4;
	v9 =	vor.u32 v10, v9  }
0x2ea: {  	v51 =	vadd.s32 v1, v49;
	v10 =	vld.idx.msk [tilespmem:v26+s12+$0x0], $0xffff;
	v26 =	vadd.s32 $0x2B, v3;
	v5 =	vadd.f32 v63, v5  }
0x2eb: {  	v42 =	vand.u32 $0xFFFFFF80, v40;
	v52 =	vor.u32 v50, v51;
	v50 =	vadd.s32 $0x32, v4  }
0x2ec: {  	v8 =	vld.idx.msk [tilespmem:v8+s14+$0x0], $0xffff;
	v5 =	vadd.f32 v6, v5;
	v6 =	vmul.f32 v16, v13;
	v13 =	vand.u32 $0x7F, v29  }
0x2ed: {  	v51 =	vadd.s32 $0x32, v3;
	v55 =	vld.idx.msk [tilespmem:v18+s14+$0x0], $0xffff;
	v16 =	vadd.s32 v1, v37;
	v12 =	vor.u32 v13, v12  }
0x2ee: {  	v27 =	vand.u32 $0xFFFFFF80, v26;
	v18 =	vadd.s32 v1, v56;
	v14 =	vor.u32 v14, v16;
	v9 =	vld.idx.msk [tilespmem:v9+s16+$0x0], $0xffff  }
0x2ef: {  	v11 =	vld.idx.msk [tilespmem:v11+s14+$0x0], $0xffff;
	v56 =	vadd.s32 $0x2F, v3;
	v60 =	vor.u32 v58, v18;
	v16 =	vand.u32 $0x7F, v39  }
0x2f0: {  	v58 =	vand.u32 $0x7F, v56;
	v7 =	vld.idx.msk [tilespmem:v7+s12+$0x0], $0xffff;
	v29 =	vand.u32 $0xFFFFFF80, v28;
	v16 =	vor.u32 v16, v17  }
0x2f1: {  	v15 =	vld.idx.msk [tilespmem:v15+s16+$0x0], $0xffff;
	v37 =	vand.u32 $0xFFFFFF80, v36;
	v36 =	vadd.s32 $0x30, v3;
	v13 =	vor.u32 v33, v34  }
0x2f2: {  	v33 =	vand.u32 $0x7F, v30;
	v34 =	vadd.s32 $0x2C, v3;
	v39 =	vadd.s32 v1, v37;
	v12 =	vld.idx.msk [tilespmem:v12+s16+$0x0], $0xffff  }
0x2f3: {  	v30 =	vadd.s32 $0x30, v2;
	v37 =	vand.u32 $0xFFFFFF80, v36;
	v14 =	vld.idx.msk [tilespmem:v14+s14+$0x0], $0xffff;
	v8 =	vsub.f32 v8, v9  }
0x2f4: {  	v5 =	vadd.f32 v6, v5;
	v17 =	vld.idx.msk [tilespmem:v21+s16+$0x0], $0xffff;
	v35 =	vand.u32 $0xFFFFFF80, v34;
	v6 =	vsub.f32 v55, v57  }
0x2f5: {  	v55 =	vand.u32 $0xFFFFFF80, v53;
	v57 =	vand.u32 $0xFFFFFF80, v56;
	v61 =	vld.idx.msk [tilespmem:v16+s12+$0x0], $0xffff;
	v7 =	vmul.f32 v8, v7  }
0x2f6: {  	v56 =	vadd.s32 $0x33, v4;
	v9 =	vadd.s32 v1, v22;
	v16 =	vld.idx.msk [tilespmem:v19+s14+$0x0], $0xffff;
	v8 =	vadd.s32 v1, v24  }
0x2f7: {  	v8 =	vor.u32 v25, v8;
	v5 =	vadd.f32 v7, v5;
	v7 =	vand.u32 $0x7F, v20  }
0x2f8: {  	v59 =	vsub.f32 v11, v12;
	v63 =	vsub.f32 v14, v15;
	v7 =	vor.u32 v7, v9  }
0x2f9: {  	v9 =	vadd.s32 v1, v27;
	v11 =	vand.u32 $0x7F, v28;
	v12 =	vadd.s32 v1, v29  }
0x2fa: {  	v13 =	vld.idx.msk [tilespmem:v13+s12+$0x0], $0xffff;
	v14 =	vand.u32 $0x7F, v40;
	v15 =	vand.u32 $0x7F, v41;
	v40 =	vadd.s32 $0x31, v4  }
0x2fb: {  	v6 =	vmul.f32 v6, v61;
	v21 =	vsub.f32 v16, v17;
	v31 =	vor.u32 v11, v12  }
0x2fc: {  	v11 =	vadd.s32 v1, v32;
	v12 =	vadd.s32 v1, v35;
	v16 =	vadd.s32 v1, v42  }
0x2fd: {  	v17 =	vadd.s32 v1, v43;
	v61 =	vand.u32 $0xFFFFFF80, v54;
	v32 =	vand.u32 $0xFFFFFF80, v30  }
0x2fe: {  	v42 =	vand.u32 $0xFFFFFF80, v40;
	v43 =	vand.u32 $0x7F, v40;
	v62 =	vmul.f32 v59, v10  }
0x2ff: {  	v18 =	vmul.f32 v63, v13;
	v10 =	vand.u32 $0x7F, v26;
	v11 =	vor.u32 v33, v11  }
0x300: {  	v13 =	vand.u32 $0x7F, v34;
	v14 =	vor.u32 v14, v16;
	v15 =	vor.u32 v15, v17  }
0x301: {  	v16 =	vand.u32 $0x7F, v44;
	v17 =	vadd.s32 v1, v45;
	v59 =	vadd.s32 v1, v57  }
0x302: {  	v63 =	vand.u32 $0x7F, v54;
	v33 =	vadd.s32 $0x30, v4;
	v44 =	vadd.s32 $0x31, v3  }
0x303: {  	v54 =	vadd.s32 $0x33, v2;
	v57 =	vand.u32 $0xFFFFFF80, v56;
	v9 =	vor.u32 v10, v9  }
0x304: {  	v19 =	vld.idx.msk [tilespmem:v60+s12+$0x0], $0xffff;
	v12 =	vor.u32 v13, v12;
	v13 =	vor.u32 v38, v39;
	v5 =	vadd.f32 v62, v5  }
0x305: {  	v8 =	vld.idx.msk [tilespmem:v8+s14+$0x0], $0xffff;
	v16 =	vor.u32 v16, v17;
	v34 =	vand.u32 $0xFFFFFF80, v33;
	v35 =	vand.u32 $0x7F, v33  }
0x306: {  	v38 =	vadd.s32 $0x31, v2;
	v45 =	vand.u32 $0xFFFFFF80, v44;
	v62 =	vld.idx.msk [tilespmem:v52+s16+$0x0], $0xffff;
	v5 =	vadd.f32 v18, v5  }
0x307: {  	v39 =	vand.u32 $0xFFFFFF80, v38;
	v18 =	vand.u32 $0x7F, v46;
	v46 =	vadd.s32 $0x32, v2;
	v11 =	vld.idx.msk [tilespmem:v11+s14+$0x0], $0xffff  }
0x308: {  	v52 =	vand.u32 $0xFFFFFF80, v50;
	v14 =	vld.idx.msk [tilespmem:v14+s14+$0x0], $0xffff;
	v48 =	vand.u32 $0x7F, v46;
	v5 =	vadd.f32 v6, v5  }
0x309: {  	v15 =	vld.idx.msk [tilespmem:v15+s16+$0x0], $0xffff;
	v6 =	vmul.f32 v21, v19;
	v19 =	vadd.s32 v1, v47;
	v21 =	vadd.s32 v1, v55  }
0x30a: {  	v23 =	vld.idx.msk [tilespmem:v16+s12+$0x0], $0xffff;
	v47 =	vand.u32 $0xFFFFFF80, v46;
	v16 =	vadd.s32 v1, v52;
	v55 =	vand.u32 $0xFFFFFF80, v54  }
0x30b: {  	v9 =	vld.idx.msk [tilespmem:v9+s16+$0x0], $0xffff;
	v46 =	vadd.s32 $0x35, v4;
	v18 =	vor.u32 v18, v19;
	v19 =	vand.u32 $0x7F, v53  }
0x30c: {  	v12 =	vld.idx.msk [tilespmem:v12+s16+$0x0], $0xffff;
	v49 =	vadd.s32 v1, v47;
	v53 =	vand.u32 $0xFFFFFF80, v51;
	v47 =	vand.u32 $0xFFFFFF80, v46  }
0x30d: {  	v19 =	vor.u32 v19, v21;
	v21 =	vor.u32 v58, v59;
	v5 =	vadd.f32 v6, v5  }
0x30e: {  	v17 =	vadd.s32 v1, v53;
	v58 =	vadd.s32 $0x33, v3;
	v53 =	vadd.s32 $0x36, v4  }
0x30f: {  	v13 =	vld.idx.msk [tilespmem:v13+s12+$0x0], $0xffff;
	v59 =	vand.u32 $0xFFFFFF80, v58;
	v25 =	vsub.f32 v14, v15;
	v14 =	vand.u32 $0x7F, v50  }
0x310: {  	v15 =	vand.u32 $0x7F, v51;
	v51 =	vadd.s32 $0x36, v2;
	v8 =	vsub.f32 v8, v9  }
0x311: {  	v20 =	vsub.f32 v11, v12;
	v9 =	vadd.s32 v1, v32;
	v11 =	vand.u32 $0x7F, v38  }
0x312: {  	v7 =	vld.idx.msk [tilespmem:v7+s12+$0x0], $0xffff;
	v12 =	vadd.s32 v1, v39;
	v14 =	vor.u32 v14, v16;
	v15 =	vor.u32 v15, v17  }
0x313: {  	v10 =	vld.idx.msk [tilespmem:v31+s12+$0x0], $0xffff;
	v16 =	vand.u32 $0x7F, v54;
	v17 =	vadd.s32 v1, v55;
	v52 =	vand.u32 $0xFFFFFF80, v51  }
0x314: {  	v55 =	vand.u32 $0xFFFFFF80, v53;
	v60 =	vld.idx.msk [tilespmem:v18+s14+$0x0], $0xffff;
	v18 =	vadd.s32 v1, v61;
	v28 =	vmul.f32 v25, v13  }
0x315: {  	v41 =	vor.u32 v11, v12;
	v11 =	vadd.s32 v1, v42;
	v13 =	vand.u32 $0x7F, v44  }
0x316: {  	v12 =	vadd.s32 v1, v45;
	v61 =	vadd.s32 v1, v59;
	v16 =	vor.u32 v16, v17  }
0x317: {  	v59 =	vadd.s32 $0x37, v2;
	v7 =	vmul.f32 v8, v7;
	v22 =	vor.u32 v63, v18  }
0x318: {  	v24 =	vmul.f32 v20, v10;
	v8 =	vadd.s32 v1, v34;
	v10 =	vand.u32 $0x7F, v36  }
0x319: {  	v11 =	vor.u32 v43, v11;
	v12 =	vor.u32 v13, v12;
	v13 =	vor.u32 v48, v49  }
0x31a: {  	v26 =	vld.idx.msk [tilespmem:v19+s14+$0x0], $0xffff;
	v18 =	vand.u32 $0x7F, v56;
	v19 =	vadd.s32 v1, v57;
	v63 =	vadd.s32 $0x34, v4  }
0x31b: {  	v43 =	vadd.s32 $0x35, v2;
	v48 =	vand.u32 $0x7F, v46;
	v49 =	vadd.s32 $0x35, v3  }
0x31c: {  	v56 =	vand.u32 $0x7F, v53;
	v57 =	vadd.s32 $0x36, v3;
	v20 =	vadd.s32 $0x37, v3  }
0x31d: {  	v8 =	vor.u32 v35, v8;
	v18 =	vor.u32 v18, v19;
	v25 =	vand.u32 $0xFFFFFF80, v63  }
0x31e: {  	v27 =	vld.idx.msk [tilespmem:v21+s16+$0x0], $0xffff;
	v19 =	vand.u32 $0x7F, v63;
	v45 =	vand.u32 $0xFFFFFF80, v43;
	v50 =	vand.u32 $0xFFFFFF80, v49  }
0x31f: {  	v63 =	vadd.s32 $0x37, v4;
	v5 =	vadd.f32 v7, v5;
	v7 =	vand.u32 $0x7F, v30  }
0x320: {  	v21 =	vadd.s32 v1, v25;
	v25 =	vadd.s32 $0x38, v4;
	v7 =	vor.u32 v7, v9  }
0x321: {  	v9 =	vadd.s32 v1, v37;
	v19 =	vor.u32 v19, v21;
	v5 =	vadd.f32 v24, v5  }
0x322: {  	v14 =	vld.idx.msk [tilespmem:v14+s14+$0x0], $0xffff;
	v6 =	vsub.f32 v60, v62;
	v9 =	vor.u32 v10, v9;
	v60 =	vand.u32 $0x7F, v58  }
0x323: {  	v15 =	vld.idx.msk [tilespmem:v15+s16+$0x0], $0xffff;
	v24 =	vadd.s32 $0x34, v2;
	v58 =	vand.u32 $0xFFFFFF80, v57;
	v31 =	vsub.f32 v26, v27  }
0x324: {  	v29 =	vld.idx.msk [tilespmem:v22+s12+$0x0], $0xffff;
	v62 =	vor.u32 v60, v61;
	v26 =	vadd.s32 $0x34, v3;
	v33 =	vand.u32 $0x7F, v24  }
0x325: {  	v11 =	vld.idx.msk [tilespmem:v11+s14+$0x0], $0xffff;
	v60 =	vand.u32 $0xFFFFFF80, v59;
	v61 =	vand.u32 $0x7F, v59;
	v22 =	vand.u32 $0xFFFFFF80, v20  }
0x326: {  	v12 =	vld.idx.msk [tilespmem:v12+s16+$0x0], $0xffff;
	v5 =	vadd.f32 v28, v5;
	v6 =	vmul.f32 v6, v23;
	v27 =	vand.u32 $0xFFFFFF80, v26  }
0x327: {  	v13 =	vld.idx.msk [tilespmem:v13+s12+$0x0], $0xffff;
	v28 =	vand.u32 $0x7F, v26;
	v17 =	vadd.s32 v1, v22;
	v23 =	vadd.s32 $0x38, v2  }
0x328: {  	v26 =	vand.u32 $0xFFFFFF80, v25;
	v5 =	vadd.f32 v6, v5;
	v38 =	vsub.f32 v14, v15  }
0x329: {  	v39 =	vld.idx.msk [tilespmem:v19+s14+$0x0], $0xffff;
	v14 =	vand.u32 $0x7F, v63;
	v15 =	vand.u32 $0x7F, v20;
	v19 =	vadd.s32 v1, v26  }
0x32a: {  	v26 =	vadd.s32 $0x3B, v3;
	v15 =	vor.u32 v15, v17;
	v6 =	vmul.f32 v31, v29  }
0x32b: {  	v29 =	vadd.s32 v1, v27;
	v31 =	vand.u32 $0xFFFFFF80, v24;
	v34 =	vsub.f32 v11, v12  }
0x32c: {  	v10 =	vld.idx.msk [tilespmem:v41+s12+$0x0], $0xffff;
	v41 =	vmul.f32 v38, v13;
	v11 =	vand.u32 $0x7F, v51;
	v12 =	vadd.s32 v1, v52  }
0x32d: {  	v32 =	vld.idx.msk [tilespmem:v62+s16+$0x0], $0xffff;
	v13 =	vand.u32 $0x7F, v57;
	v62 =	vadd.s32 v1, v60;
	v24 =	vand.u32 $0xFFFFFF80, v23  }
0x32e: {  	v27 =	vadd.s32 $0x38, v3;
	v52 =	vadd.s32 $0x3A, v2;
	v60 =	vadd.s32 $0x3B, v2  }
0x32f: {  	v30 =	vld.idx.msk [tilespmem:v18+s14+$0x0], $0xffff;
	v21 =	vor.u32 v28, v29;
	v18 =	vadd.s32 v1, v31;
	v54 =	vor.u32 v11, v12  }
0x330: {  	v11 =	vadd.s32 v1, v55;
	v12 =	vadd.s32 v1, v58;
	v17 =	vadd.s32 v1, v24  }
0x331: {  	v28 =	vand.u32 $0xFFFFFF80, v27;
	v29 =	vand.u32 $0x7F, v27;
	v55 =	vadd.s32 $0x3A, v4  }
0x332: {  	v8 =	vld.idx.msk [tilespmem:v8+s14+$0x0], $0xffff;
	v58 =	vadd.s32 $0x3A, v3;
	v27 =	vand.u32 $0xFFFFFF80, v26;
	v5 =	vadd.f32 v6, v5  }
0x333: {  	v9 =	vld.idx.msk [tilespmem:v9+s16+$0x0], $0xffff;
	v35 =	vor.u32 v33, v18;
	v37 =	vmul.f32 v34, v10;
	v10 =	vand.u32 $0x7F, v49  }
0x334: {  	v11 =	vor.u32 v56, v11;
	v12 =	vor.u32 v13, v12;
	v13 =	vor.u32 v61, v62  }
0x335: {  	v7 =	vld.idx.msk [tilespmem:v7+s12+$0x0], $0xffff;
	v18 =	vand.u32 $0x7F, v25;
	v33 =	vadd.s32 $0x39, v2;
	v56 =	vand.u32 $0xFFFFFF80, v55  }
0x336: {  	v57 =	vand.u32 $0x7F, v55;
	v59 =	vand.u32 $0xFFFFFF80, v58;
	v62 =	vadd.s32 $0x3B, v4  }
0x337: {  	v61 =	vand.u32 $0xFFFFFF80, v60;
	v18 =	vor.u32 v18, v19;
	v24 =	vand.u32 $0xFFFFFF80, v62  }
0x338: {  	v36 =	vld.idx.msk [tilespmem:v16+s12+$0x0], $0xffff;
	v25 =	vand.u32 $0x7F, v62;
	v8 =	vsub.f32 v8, v9;
	v9 =	vadd.s32 v1, v45  }
0x339: {  	v6 =	vsub.f32 v30, v32;
	v30 =	vadd.s32 v1, v28;
	v32 =	vadd.s32 $0x39, v4  }
0x33a: {  	v28 =	vadd.s32 $0x3C, v2;
	v7 =	vmul.f32 v8, v7;
	v8 =	vadd.s32 v1, v47  }
0x33b: {  	v40 =	vld.idx.msk [tilespmem:v21+s16+$0x0], $0xffff;
	v21 =	vand.u32 $0xFFFFFF80, v63;
	v31 =	vor.u32 v29, v30;
	v34 =	vand.u32 $0xFFFFFF80, v32  }
0x33c: {  	v19 =	vand.u32 $0x7F, v32;
	v29 =	vand.u32 $0xFFFFFF80, v28;
	v30 =	vadd.s32 $0x3C, v4  }
0x33d: {  	v6 =	vmul.f32 v6, v36;
	v8 =	vor.u32 v48, v8;
	v16 =	vadd.s32 v1, v21  }
0x33e: {  	v42 =	vld.idx.msk [tilespmem:v35+s12+$0x0], $0xffff;
	v35 =	vadd.s32 $0x39, v3;
	v21 =	vadd.s32 v1, v34;
	v32 =	vand.u32 $0xFFFFFF80, v30  }
0x33f: {  	v34 =	vadd.s32 $0x3C, v3;
	v5 =	vadd.f32 v7, v5;
	v7 =	vand.u32 $0x7F, v43  }
0x340: {  	v14 =	vor.u32 v14, v16;
	v16 =	vand.u32 $0x7F, v23;
	v36 =	vand.u32 $0xFFFFFF80, v35  }
0x341: {  	v11 =	vld.idx.msk [tilespmem:v11+s14+$0x0], $0xffff;
	v19 =	vor.u32 v19, v21;
	v7 =	vor.u32 v7, v9;
	v9 =	vadd.s32 v1, v50  }
0x342: {  	v12 =	vld.idx.msk [tilespmem:v12+s16+$0x0], $0xffff;
	v16 =	vor.u32 v16, v17;
	v38 =	vadd.s32 v1, v36;
	v36 =	vadd.s32 $0x3D, v2  }
0x343: {  	v5 =	vadd.f32 v37, v5;
	v9 =	vor.u32 v10, v9;
	v37 =	vand.u32 $0x7F, v35  }
0x344: {  	v10 =	vld.idx.msk [tilespmem:v54+s12+$0x0], $0xffff;
	v54 =	vand.u32 $0xFFFFFF80, v52;
	v35 =	vand.u32 $0xFFFFFF80, v34;
	v17 =	vand.u32 $0x7F, v36  }
0x345: {  	v44 =	vsub.f32 v39, v40;
	v40 =	vand.u32 $0xFFFFFF80, v33;
	v21 =	vor.u32 v37, v38  }
0x346: {  	v15 =	vld.idx.msk [tilespmem:v15+s16+$0x0], $0xffff;
	v37 =	vand.u32 $0xFFFFFF80, v36;
	v38 =	vadd.s32 $0x3D, v4;
	v5 =	vadd.f32 v41, v5  }
0x347: {  	v13 =	vld.idx.msk [tilespmem:v13+s12+$0x0], $0xffff;
	v43 =	vsub.f32 v11, v12;
	v11 =	vand.u32 $0x7F, v60;
	v12 =	vadd.s32 v1, v61  }
0x348: {  	v39 =	vld.idx.msk [tilespmem:v18+s14+$0x0], $0xffff;
	v18 =	vadd.s32 v1, v40;
	v40 =	vand.u32 $0xFFFFFF80, v38;
	v63 =	vor.u32 v11, v12  }
0x349: {  	v41 =	vld.idx.msk [tilespmem:v31+s16+$0x0], $0xffff;
	v11 =	vadd.s32 v1, v24;
	v12 =	vadd.s32 v1, v27;
	v5 =	vadd.f32 v6, v5  }
0x34a: {  	v14 =	vld.idx.msk [tilespmem:v14+s14+$0x0], $0xffff;
	v6 =	vmul.f32 v44, v42;
	v42 =	vand.u32 $0x7F, v33;
	v11 =	vor.u32 v25, v11  }
0x34b: {  	v45 =	vld.idx.msk [tilespmem:v16+s12+$0x0], $0xffff;
	v33 =	vand.u32 $0x7F, v30;
	v16 =	vand.u32 $0x7F, v34;
	v44 =	vor.u32 v42, v18  }
0x34c: {  	v8 =	vld.idx.msk [tilespmem:v8+s14+$0x0], $0xffff;
	v46 =	vmul.f32 v43, v10;
	v10 =	vand.u32 $0x7F, v58;
	v42 =	vadd.s32 $0x3D, v3  }
0x34d: {  	v9 =	vld.idx.msk [tilespmem:v9+s16+$0x0], $0xffff;
	v18 =	vadd.s32 v1, v37;
	v5 =	vadd.f32 v6, v5;
	v43 =	vand.u32 $0xFFFFFF80, v42  }
0x34e: {  	v48 =	vld.idx.msk [tilespmem:v19+s14+$0x0], $0xffff;
	v19 =	vand.u32 $0x7F, v42;
	v6 =	vsub.f32 v39, v41;
	v39 =	vor.u32 v17, v18  }
0x34f: {  	v7 =	vld.idx.msk [tilespmem:v7+s12+$0x0], $0xffff;
	v41 =	vand.u32 $0x7F, v38;
	v17 =	vadd.s32 v1, v40;
	v18 =	vadd.s32 v1, v43  }
0x350: {  	v47 =	vsub.f32 v14, v15;
	v14 =	vand.u32 $0x7F, v28;
	v15 =	vadd.s32 v1, v29  }
0x351: {  	v17 =	vor.u32 v41, v17;
	v18 =	vor.u32 v19, v18;
	v6 =	vmul.f32 v6, v45  }
0x352: {  	v31 =	vor.u32 v14, v15;
	v14 =	vadd.s32 v1, v32;
	v8 =	vsub.f32 v8, v9  }
0x353: {  	v49 =	vld.idx.msk [tilespmem:v21+s16+$0x0], $0xffff;
	v15 =	vadd.s32 v1, v35;
	v50 =	vmul.f32 v47, v13;
	v9 =	vadd.s32 v1, v54  }
0x354: {  	v13 =	vand.u32 $0x7F, v26;
	v14 =	vor.u32 v33, v14;
	v7 =	vmul.f32 v8, v7  }
0x355: {  	v51 =	vld.idx.msk [tilespmem:v44+s12+$0x0], $0xffff;
	v15 =	vor.u32 v16, v15;
	v44 =	vadd.s32 $0x3E, v2;
	v2 =	vadd.s32 $0x3F, v2  }
0x356: {  	v8 =	vadd.s32 v1, v56;
	v5 =	vadd.f32 v7, v5;
	v7 =	vand.u32 $0x7F, v52  }
0x357: {  	v11 =	vld.idx.msk [tilespmem:v11+s14+$0x0], $0xffff;
	v8 =	vor.u32 v57, v8;
	v7 =	vor.u32 v7, v9;
	v9 =	vadd.s32 v1, v59  }
0x358: {  	v53 =	vsub.f32 v48, v49;
	v45 =	vand.u32 $0xFFFFFF80, v44;
	v16 =	vld.idx.msk [tilespmem:v39+s12+$0x0], $0xffff;
	v9 =	vor.u32 v10, v9  }
0x359: {  	v12 =	vor.u32 v13, v12;
	v20 =	vand.u32 $0x7F, v44;
	v21 =	vadd.s32 v1, v45;
	v17 =	vld.idx.msk [tilespmem:v17+s14+$0x0], $0xffff  }
0x35a: {  	v47 =	vor.u32 v20, v21;
	v54 =	vld.idx.msk [tilespmem:v18+s16+$0x0], $0xffff;
	v5 =	vadd.f32 v46, v5;
	v46 =	vadd.s32 $0x3E, v4  }
0x35b: {  	v14 =	vld.idx.msk [tilespmem:v14+s14+$0x0], $0xffff;
	v4 =	vadd.s32 $0x3F, v4;
	v48 =	vand.u32 $0xFFFFFF80, v46;
	v49 =	vand.u32 $0x7F, v46  }
0x35c: {  	v52 =	vand.u32 $0xFFFFFF80, v4;
	v4 =	vand.u32 $0x7F, v4;
	v5 =	vadd.f32 v50, v5;
	v8 =	vld.idx.msk [tilespmem:v8+s14+$0x0], $0xffff  }
0x35d: {  	v20 =	vadd.s32 v1, v48;
	v50 =	vadd.s32 $0x3E, v3;
	v3 =	vadd.s32 $0x3F, v3;
	v9 =	vld.idx.msk [tilespmem:v9+s16+$0x0], $0xffff  }
0x35e: {  	v12 =	vld.idx.msk [tilespmem:v12+s16+$0x0], $0xffff;
	v5 =	vadd.f32 v6, v5;
	v6 =	vmul.f32 v53, v51;
	v51 =	vand.u32 $0xFFFFFF80, v50  }
0x35f: {  	v20 =	vor.u32 v49, v20;
	v22 =	vand.u32 $0x7F, v50;
	v7 =	vld.idx.msk [tilespmem:v7+s12+$0x0], $0xffff;
	v21 =	vadd.s32 v1, v51  }
0x360: {  	v15 =	vld.idx.msk [tilespmem:v15+s16+$0x0], $0xffff;
	v23 =	vadd.s32 v1, v52;
	v53 =	vand.u32 $0xFFFFFF80, v3;
	v21 =	vor.u32 v22, v21  }
0x361: {  	v10 =	vld.idx.msk [tilespmem:v63+s12+$0x0], $0xffff;
	v4 =	vor.u32 v4, v23;
	v3 =	vand.u32 $0x7F, v3;
	v22 =	vadd.s32 v1, v53  }
0x362: {  	v55 =	vand.u32 $0xFFFFFF80, v2;
	v13 =	vld.idx.msk [tilespmem:v31+s12+$0x0], $0xffff;
	v3 =	vor.u32 v3, v22;
	v8 =	vsub.f32 v8, v9  }
0x363: {  	v2 =	vand.u32 $0x7F, v2;
	v56 =	vld.idx.msk [tilespmem:v47+s12+$0x0], $0xffff;
	v57 =	vsub.f32 v11, v12;
	v1 =	vadd.s32 v1, v55  }
0x364: {  	v5 =	vadd.f32 v6, v5;
	v1 =	vor.u32 v2, v1;
	v2 =	vld.idx.msk [tilespmem:v20+s14+$0x0], $0xffff;
	v7 =	vmul.f32 v8, v7  }
0x365: {  	v58 =	vld.idx.msk [tilespmem:v21+s16+$0x0], $0xffff  }
0x366: {  	v60 =	vsub.f32 v14, v15;
	v59 =	vmul.f32 v57, v10;
	v4 =	vld.idx.msk [tilespmem:v4+s14+$0x0], $0xffff;
	v5 =	vadd.f32 v7, v5  }
0x367: {  	v3 =	vld.idx.msk [tilespmem:v3+s16+$0x0], $0xffff  }
0x368: {  	v62 =	vsub.f32 v17, v54;
	v61 =	vmul.f32 v60, v13;
	v5 =	vadd.f32 v59, v5  }
0x369: {  	v1 =	vld.idx.msk [tilespmem:v1+s12+$0x0], $0xffff  }
0x36a: {  	v63 =	vmul.f32 v62, v16;
	v2 =	vsub.f32 v2, v58;
	v5 =	vadd.f32 v61, v5;
	_ =	sdelay $0x1  }
0x36b: {  	v3 =	vsub.f32 v4, v3;
	v2 =	vmul.f32 v2, v56;
	v5 =	vadd.f32 v63, v5  }
0x36c: {  	p0 =	sne.s32 s1, $0x7C0  }
.Ltmp1:
0x36d: {  	v1 =	vmul.f32 v3, v1;
	v2 =	vadd.f32 v2, v5;
	(pc) =	sbr.rel @p0 .LBB2_4-.Ltmp1, $4  }
0x36e: {  	_ = 	snop  }
0x36f: {  	s13 =	sand.u32 $0x180, s31;
	v1 =	vadd.f32 v1, v2  }
0x370: {  	s0 =	sor.u32 s0, s13  }
0x371: {  	s1 =	sadd.s32 $0x40, s1;
	s31 =	sadd.s32 $0x10, s31;
	[tilespmem:s0+$0x18E00] =	vst v1  }
0x372: {  	s30 =	sadd.s32 $0x1, s30  }
0x373: {  	p0 =	sne.s32 s30, s8  }
.Ltmp2:
0x374: {  	_ = 	snop;
	(pc) =	sbr.rel @p0 .LBB2_1-.Ltmp2, $4  }
0x375: {  	[hbm4b:s7+s2] =	stream.linear.scatter [tilespmem:s29], [sflag:$0x2], $0x200, $0x38;
	[tilespmem:$0x19000] =	vst v63  }
0x376: {  	_ =	swait.ge [sflag:s9], $0x200  }
0x377: {  	[sflag:s9] =	ssyncset.done $0x0  }
0x378: {  	[sflag:s9] =	ssyncadd.s32 $0xFFFFFE00  }
0x379: {  	_ =	sfence.sel $0x180000  }
0x37a: {  	[bflag:$0x0] =	sbarrier.arrive $0xFFFF  }
0x37b: {  	_ =	strace $0x90000047  }
0x37c: {  	s0 =	stileid.u32;
	[bflag:$0x2] =	sbarrier.arrive $0xFFFF  }
0x37d: {  	p0 =	sne.s32 s0, $0x0;
	s0 =	rddreg [dreg:$0x1]  }
0x37e: {  	s0 =	sadd.s32 @!p0 $0x100000, s0  }
0x37f: {  	[sflag:s0] =	ssyncadd.tile.s32 @!p0 $0x1;
	_ =	shalt  }
.Lfunc_end2:
_tile_overlayer_lowered:
.L_overlay_start_2:
0x380: {  	(tag) =	ssettag $0x2  }
0x381: {  	s0 =	rddreg [dreg:$0x0];
	s2 =	stileid.u32  }
0x382: {  	s1 =	rddreg [dreg:$0x1];
	p0 =	sne.s32 s2, $0x0  }
0x383: {  	s3 =	rddreg [dreg:$0x2];
	[bflag:$0x3] =	sbarrier.arrive $0xFFFF;
	s2 =	simm.s32 @!p0 $0x1C02  }
0x384: {  	[timem:s3], [sflag:s2] =	dma.local @!p0 [hbm:s0], s1  }
0x385: {  	s0 =	simm.s32 @!p0 $0x2  }
0x386: {  	_ =	swait.ge @!p0 [sflag:s0], s1  }
0x387: {  	s1 =	ssub.s32 @!p0 $0x0, s1;
	[sflag:s0] =	ssyncset.done @!p0 $0x0  }
0x388: {  	[sflag:s0] =	ssyncadd.s32 @!p0 s1  }
0x389: {  	[bflag:$0x3] =	sbarrier.arrive $0xFFFF  }
0x38a: {  	_ =	shalt  }

</sc_bundles>
